<compile_context>
chip_gen: v7x
topology: tpu7x:2x2x1
jax: 0.10.2.dev20260603
libtpu: 0.0.44.dev20260713+nightly
codegen_flags: <defaults>
</compile_context>

<pallas_src>
import functools
import jax
import jax.numpy as jnp
import numpy as np
from jax import lax
from jax.experimental import pallas as pl
from jax.experimental.pallas import tpu as pltpu
from jax.experimental.pallas import tpu_sc as plsc

N = 10000
E = 320000
D1 = 128
DO = 2
DP = 16

NC = 2
NS = 16
NW = NC * NS
CH = 128

E1 = E + N + 1776
NCHUNK1 = E1 // (NW * CH)
PADROW = N + 16

ED = E + 3584
NCHUNK = ED // (NW * CH)

NACC = 10112
RPA = NACC // NS
RB = 8

_lo = 32 * (np.arange(D1 // 2) // 16) + np.arange(D1 // 2) % 16
PERM = np.concatenate([_lo, _lo + 16])

_mesh = plsc.VectorSubcoreMesh(core_axis_name="c", subcore_axis_name="s")
_f32 = jnp.float32
_i32 = jnp.int32


def _settle():
    plsc.subcore_barrier()
    pl.delay(2000)
    plsc.subcore_barrier()


def _zero_fill(ref, rows, width):
    z = jnp.zeros((16,), _f32)

    def body(r, carry):
        for cdx in range(width // 16):
            ref[r, pl.ds(cdx * 16, 16)] = z
        return carry

    lax.fori_loop(0, rows, body, 0)


@functools.partial(
    pl.kernel,
    out_type=jax.ShapeDtypeStruct((NC * NACC, DP), _f32),
    mesh=_mesh,
    scratch_types=[
        pltpu.VMEM((NCHUNK, CH), _i32),
        pltpu.VMEM((CH, D1), _f32),
        pltpu.VMEM((RB, D1), _f32),
        pltpu.VMEM((RB, DP), _f32),
        pltpu.VMEM_SHARED((NACC, D1), _f32),
    ],
)
def _sc_degree(dst_hbm, out_hbm, dstv, ones_v, zb, rbo, acc):
    c = lax.axis_index("c")
    s = lax.axis_index("s")
    wid = s * NC + c
    row0 = s * RPA

    one = jnp.ones((16,), _f32)

    def fill_ones(r, carry):
        for q in range(D1 // 16):
            ones_v[r, pl.ds(16 * q, 16)] = one
        return carry

    lax.fori_loop(0, CH, fill_ones, 0)
    _zero_fill(zb, RB, D1)

    def zero(k, carry):
        pltpu.sync_copy(
            zb, acc.at[pl.ds(pl.multiple_of(row0 + k * RB, 8), RB)])
        return carry

    lax.fori_loop(0, RPA // RB, zero, 0)
    pltpu.sync_copy(dst_hbm.at[wid], dstv)
    _settle()

    def body(j, carry):
        pltpu.sync_copy(ones_v, acc.at[dstv.at[j]], add=True)
        return carry

    lax.fori_loop(0, NCHUNK, body, 0)
    _settle()

    def readback(k, carry):
        roff = pl.multiple_of(row0 + k * RB, 8)
        ooff = pl.multiple_of(c * NACC + row0 + k * RB, 8)
        pltpu.sync_copy(acc.at[pl.ds(roff, RB)], zb)
        for r in range(RB):
            rbo[r, pl.ds(0, 16)] = zb[r, pl.ds(0, 16)]
        pltpu.sync_copy(rbo, out_hbm.at[pl.ds(ooff, RB)])
        return carry

    lax.fori_loop(0, RPA // RB, readback, 0)


@functools.partial(
    pl.kernel,
    out_type=jax.ShapeDtypeStruct((NC * N, D1 // 2), _i32),
    mesh=_mesh,
    scratch_types=[
        pltpu.VMEM((NCHUNK1, CH), _i32),
        pltpu.VMEM((NCHUNK1, CH), _i32),
        pltpu.VMEM((CH, D1), _f32),
        pltpu.VMEM((RB, D1), _f32),
        pltpu.VMEM((RB, D1), _f32),
        pltpu.VMEM((RB, D1 // 2), _i32),
        pltpu.SemaphoreType.DMA,
        pltpu.VMEM_SHARED((NACC, D1), _f32),
    ],
)
def _sc_agg1(src_hbm, dst_hbm, tab_hbm, out_hbm, srcv, dstv, buf, zb,
             rbf, rbb, sem, acc):
    c = lax.axis_index("c")
    s = lax.axis_index("s")
    wid = s * NC + c
    row0 = s * RPA

    _zero_fill(zb, RB, D1)

    def zero(k, carry):
        pltpu.sync_copy(
            zb, acc.at[pl.ds(pl.multiple_of(row0 + k * RB, 8), RB)])
        return carry

    lax.fori_loop(0, RPA // RB, zero, 0)
    pltpu.sync_copy(src_hbm.at[wid], srcv)
    pltpu.sync_copy(dst_hbm.at[wid], dstv)
    _settle()

    def body(j, carry):
        pltpu.async_copy(tab_hbm.at[srcv.at[j]], buf, sem).wait()
        pltpu.sync_copy(buf, acc.at[dstv.at[j]], add=True)
        return carry

    lax.fori_loop(0, NCHUNK1, body, 0)
    _settle()

    rnd = jnp.full((16,), 0x8000, _i32)
    hmask = jnp.full((16,), -65536, _i32)
    nrows = jnp.minimum(RPA, N - row0)

    def readback(k, carry):
        roff = pl.multiple_of(row0 + k * RB, 8)
        ooff = pl.multiple_of(c * N + row0 + k * RB, 8)
        pltpu.sync_copy(acc.at[pl.ds(roff, RB)], rbf)
        for r in range(RB):
            for q in range(D1 // 32):
                a = lax.bitcast_convert_type(rbf[r, pl.ds(32 * q, 16)], _i32)
                b = lax.bitcast_convert_type(
                    rbf[r, pl.ds(32 * q + 16, 16)], _i32)
                lo = lax.shift_right_logical(a + rnd, 16)
                hi = (b + rnd) & hmask
                rbb[r, pl.ds(16 * q, 16)] = lo | hi
        pltpu.sync_copy(rbb, out_hbm.at[pl.ds(ooff, RB)])
        return carry

    lax.fori_loop(0, nrows // RB, readback, 0)


def _tc_scale_body(x_ref, w_ref, degp_ref, g_ref, dinv_ref):
    deg = degp_ref[0:N, 0:1] + degp_ref[NACC:NACC + N, 0:1] + 1.0
    dinv = lax.rsqrt(deg)
    h = jnp.dot(x_ref[...], w_ref[...], preferred_element_type=_f32)
    g_ref[0:N] = h * dinv
    dinv_ref[...] = dinv


def _unpack2(v):
    lo = lax.bitcast_convert_type(lax.shift_left(v, 16), _f32)
    hi = lax.bitcast_convert_type(v & jnp.int32(-65536), _f32)
    return lo, hi


def _tc_mid_body(s1_ref, dinv_ref, b1p_ref, g2_ref):
    p0l, p0h = _unpack2(s1_ref[0:N])
    p1l, p1h = _unpack2(s1_ref[N:2 * N])
    agg = jnp.concatenate([p0l + p1l, p0h + p1h], axis=1)
    dinv = dinv_ref[...]
    out1 = jnp.maximum(agg * dinv + b1p_ref[...], 0.0)
    g2_ref[0:N] = out1 * dinv


def _tc_out_body(s2_ref, dinv_ref, w2pp_ref, b2_ref, o_ref):
    p0l, p0h = _unpack2(s2_ref[0:N])
    p1l, p1h = _unpack2(s2_ref[N:2 * N])
    agg = jnp.concatenate([p0l + p1l, p0h + p1h], axis=1)
    out = jnp.dot(agg * dinv_ref[...], w2pp_ref[...],
                  preferred_element_type=_f32)
    o_ref[...] = out + b2_ref[...]


@jax.jit
def kernel(x, edge_index, W1, b1, W2, b2):
    src_e = edge_index[0].astype(_i32)
    dst_e = edge_index[1].astype(_i32)
    dst = jnp.concatenate(
        [dst_e, jnp.full((ED - E,), PADROW, _i32)]
    ).reshape(NW, NCHUNK, CH)

    loop = jnp.arange(N, dtype=_i32)
    src1 = jnp.concatenate(
        [src_e, loop, jnp.zeros((E1 - E - N,), _i32)]
    ).reshape(NW, NCHUNK1, CH)
    dst1 = jnp.concatenate(
        [dst_e, loop, jnp.full((E1 - E - N,), PADROW, _i32)]
    ).reshape(NW, NCHUNK1, CH)

    degp = _sc_degree(dst)

    g1, dinv = pl.pallas_call(
        _tc_scale_body,
        out_shape=(
            jax.ShapeDtypeStruct((2 * N, D1), _f32),
            jax.ShapeDtypeStruct((N, 1), _f32),
        ),
    )(x, W1, degp)

    s1 = _sc_agg1(src1, dst1, g1)

    b1p = b1[jnp.asarray(PERM)].reshape(1, D1)
    W2p = jnp.zeros((D1, DP), _f32).at[:, :DO].set(W2)
    W2pp = W2p[jnp.asarray(PERM[PERM]), :]
    b2p = jnp.zeros((1, DP), _f32).at[0, :DO].set(b2)

    g2 = pl.pallas_call(
        _tc_mid_body,
        out_shape=jax.ShapeDtypeStruct((2 * N, D1), _f32),
    )(s1, dinv, b1p)

    s2 = _sc_agg1(src1, dst1, g2)

    outp = pl.pallas_call(
        _tc_out_body,
        out_shape=jax.ShapeDtypeStruct((N, DP), _f32),
    )(s2, dinv, W2pp, b2p)

    return outp[:, :DO]

# --- scband reference (transcript-rebuilt; emitter-appended) ---
"""Pipeline reference for scband-gcnnet-63608465654163 (READ-ONLY COPY).

The authoritative reference and input builder live on the scoring server;
editing this copy changes nothing except your own understanding.
"""

import jax, jax.numpy as jnp
import numpy as np

N_NODES = 10000
N_EDGES = 320000
D_IN = 128
D_HID = 128
D_OUT = 2


def gcn_conv(x, edge_index, W, b, num_nodes):
    src = edge_index[0]
    dst = edge_index[1]
    loop = jnp.arange(num_nodes, dtype=edge_index.dtype)
    src = jnp.concatenate([src, loop])
    dst = jnp.concatenate([dst, loop])
    h = x @ W
    ones = jnp.ones(src.shape[0], dtype=h.dtype)
    deg = jnp.zeros((num_nodes,), dtype=h.dtype).at[dst].add(ones)
    dinv = jnp.where(deg > 0, 1.0 / jnp.sqrt(deg), 0.0)
    norm = dinv[src] * dinv[dst]
    msg = h[src] * norm[:, None]
    out = jnp.zeros((num_nodes, h.shape[1]), dtype=h.dtype).at[dst].add(msg)
    return out + b


def setup_inputs(seed: int = 0) -> dict:
    key = jax.random.key(seed)
    k1, k2, k3, k4, k5, k6 = jax.random.split(key, 6)
    x = jax.random.normal(k1, (N_NODES, D_IN), dtype=jnp.float32)
    edge_index = jax.random.randint(k2, (2, N_EDGES), 0, N_NODES, dtype=jnp.int64)
    s1 = 1.0 / np.sqrt(D_IN)
    s2 = 1.0 / np.sqrt(D_HID)
    W1 = jax.random.uniform(k3, (D_IN, D_HID), minval=-s1, maxval=s1, dtype=jnp.float32)
    b1 = jax.random.uniform(k4, (D_HID,), minval=-s1, maxval=s1, dtype=jnp.float32)
    W2 = jax.random.uniform(k5, (D_HID, D_OUT), minval=-s2, maxval=s2, dtype=jnp.float32)
    b2 = jax.random.uniform(k6, (D_OUT,), minval=-s2, maxval=s2, dtype=jnp.float32)
    return {"x": x, "edge_index": edge_index, "W1": W1, "b1": b1, "W2": W2, "b2": b2}


def reference(x, edge_index, W1, b1, W2, b2):
    h = gcn_conv(x, edge_index, W1, b1, N_NODES)
    h = jax.nn.relu(h)
    # dropout is identity in eval mode
    out = gcn_conv(h, edge_index, W2, b2, N_NODES)
    return out

if __name__ == "__main__":
    import jax
    _d = setup_inputs()
    print(jax.jit(kernel)(*tuple(_d.values())))

</pallas_src>

<mosaic_0001>
#map = affine_map<(d0, d1) -> (0, 0, 0)>
#map1 = affine_map<(d0, d1) -> (0, 0)>
module attributes {stable_mosaic.version = 14 : i64} {
  func.func @_sc_agg1(%arg0: i32, %arg1: i32, %arg2: memref<32x81x128xi32, #tpu.memory_space<hbm>>, %arg3: memref<32x81x128xi32, #tpu.memory_space<hbm>>, %arg4: memref<20000x128xf32, #tpu.memory_space<hbm>>, %arg5: memref<20000x64xi32, #tpu.memory_space<hbm>>, %arg6: memref<81x128xi32, #tpu.memory_space<vmem>>, %arg7: memref<81x128xi32, #tpu.memory_space<vmem>>, %arg8: memref<128x128xf32, #tpu.memory_space<vmem>>, %arg9: memref<8x128xf32, #tpu.memory_space<vmem>>, %arg10: memref<8x128xf32, #tpu.memory_space<vmem>>, %arg11: memref<8x64xi32, #tpu.memory_space<vmem>>, %arg12: memref<!tpu.dma_semaphore, #tpu.memory_space<semaphore_mem>>, %arg13: memref<10112x128xf32, #tpu.memory_space<vmem_shared>>) attributes {dimension_semantics = [#tpu.dimension_semantics<core_parallel>, #tpu.dimension_semantics<subcore_parallel>], iteration_bounds = array<i64: 2, 16>, scalar_prefetch = 0 : i64, scratch_operands = 8 : i64, tpu.core_type = #tpu.core_type<sc_vector_subcore>, window_params = [{transform_indices = #map}, {transform_indices = #map}, {transform_indices = #map1}, {transform_indices = #map1}]} {
    %mul3A = arith.constant 2 : i32
    %mul3A_0 = arith.muli %arg1, %mul3A : i32
    %add3A = arith.addi %mul3A_0, %arg0 : i32
    %mul3A_1 = arith.constant 632 : i32
    %mul3A_2 = arith.muli %arg1, %mul3A_1 : i32
    %broadcast_in_dim3A = arith.constant 0.000000e+00 : f32
    %broadcast_in_dim3A_3 = vector.broadcast %broadcast_in_dim3A : f32 to vector<16xf32>
    %scan3A = arith.constant 0 : i32
    %scan3A_4 = arith.constant 0 : i32
    %scan3A_5 = arith.constant 8 : i32
    %scan3A_6 = arith.addi %scan3A_4, %scan3A_5 : i32
    %scan3A_7 = arith.constant 1 : i32
    scf.for %scan3A_57 = %scan3A_4 to %scan3A_6 step %scan3A_7  : i32 {
      %swap3A = arith.index_cast %scan3A_57 : i32 to index
      %swap3A_58 = arith.constant 0 : index
      %swap3A_59 = tpu.vector_load %arg9[%swap3A, %swap3A_58] {strides = array<i32>} : memref<8x128xf32, #tpu.memory_space<vmem>>, vector<1x16xf32>,
      %swap3A_60 = vector.shape_cast %swap3A_59 : vector<1x16xf32> to vector<16xf32>
      %swap3A_61 = vector.shape_cast %broadcast_in_dim3A_3 : vector<16xf32> to vector<1x16xf32>
      tpu.vector_store %arg9[%swap3A, %swap3A_58], %swap3A_61 {strides = array<i32>} : memref<8x128xf32, #tpu.memory_space<vmem>>, vector<1x16xf32>,
      %swap3A_62 = arith.index_cast %scan3A_57 : i32 to index
      %swap3A_63 = arith.constant 16 : index
      %swap3A_64 = tpu.vector_load %arg9[%swap3A_62, %swap3A_63] {strides = array<i32>} : memref<8x128xf32, #tpu.memory_space<vmem>>, vector<1x16xf32>,
      %swap3A_65 = vector.shape_cast %swap3A_64 : vector<1x16xf32> to vector<16xf32>
      %swap3A_66 = vector.shape_cast %broadcast_in_dim3A_3 : vector<16xf32> to vector<1x16xf32>
      tpu.vector_store %arg9[%swap3A_62, %swap3A_63], %swap3A_66 {strides = array<i32>} : memref<8x128xf32, #tpu.memory_space<vmem>>, vector<1x16xf32>,
      %swap3A_67 = arith.index_cast %scan3A_57 : i32 to index
      %swap3A_68 = arith.constant 32 : index
      %swap3A_69 = tpu.vector_load %arg9[%swap3A_67, %swap3A_68] {strides = array<i32>} : memref<8x128xf32, #tpu.memory_space<vmem>>, vector<1x16xf32>,
      %swap3A_70 = vector.shape_cast %swap3A_69 : vector<1x16xf32> to vector<16xf32>
      %swap3A_71 = vector.shape_cast %broadcast_in_dim3A_3 : vector<16xf32> to vector<1x16xf32>
      tpu.vector_store %arg9[%swap3A_67, %swap3A_68], %swap3A_71 {strides = array<i32>} : memref<8x128xf32, #tpu.memory_space<vmem>>, vector<1x16xf32>,
      %swap3A_72 = arith.index_cast %scan3A_57 : i32 to index
      %swap3A_73 = arith.constant 48 : index
      %swap3A_74 = tpu.vector_load %arg9[%swap3A_72, %swap3A_73] {strides = array<i32>} : memref<8x128xf32, #tpu.memory_space<vmem>>, vector<1x16xf32>,
      %swap3A_75 = vector.shape_cast %swap3A_74 : vector<1x16xf32> to vector<16xf32>
      %swap3A_76 = vector.shape_cast %broadcast_in_dim3A_3 : vector<16xf32> to vector<1x16xf32>
      tpu.vector_store %arg9[%swap3A_72, %swap3A_73], %swap3A_76 {strides = array<i32>} : memref<8x128xf32, #tpu.memory_space<vmem>>, vector<1x16xf32>,
      %swap3A_77 = arith.index_cast %scan3A_57 : i32 to index
      %swap3A_78 = arith.constant 64 : index
      %swap3A_79 = tpu.vector_load %arg9[%swap3A_77, %swap3A_78] {strides = array<i32>} : memref<8x128xf32, #tpu.memory_space<vmem>>, vector<1x16xf32>,
      %swap3A_80 = vector.shape_cast %swap3A_79 : vector<1x16xf32> to vector<16xf32>
      %swap3A_81 = vector.shape_cast %broadcast_in_dim3A_3 : vector<16xf32> to vector<1x16xf32>
      tpu.vector_store %arg9[%swap3A_77, %swap3A_78], %swap3A_81 {strides = array<i32>} : memref<8x128xf32, #tpu.memory_space<vmem>>, vector<1x16xf32>,
      %swap3A_82 = arith.index_cast %scan3A_57 : i32 to index
      %swap3A_83 = arith.constant 80 : index
      %swap3A_84 = tpu.vector_load %arg9[%swap3A_82, %swap3A_83] {strides = array<i32>} : memref<8x128xf32, #tpu.memory_space<vmem>>, vector<1x16xf32>,
      %swap3A_85 = vector.shape_cast %swap3A_84 : vector<1x16xf32> to vector<16xf32>
      %swap3A_86 = vector.shape_cast %broadcast_in_dim3A_3 : vector<16xf32> to vector<1x16xf32>
      tpu.vector_store %arg9[%swap3A_82, %swap3A_83], %swap3A_86 {strides = array<i32>} : memref<8x128xf32, #tpu.memory_space<vmem>>, vector<1x16xf32>,
      %swap3A_87 = arith.index_cast %scan3A_57 : i32 to index
      %swap3A_88 = arith.constant 96 : index
      %swap3A_89 = tpu.vector_load %arg9[%swap3A_87, %swap3A_88] {strides = array<i32>} : memref<8x128xf32, #tpu.memory_space<vmem>>, vector<1x16xf32>,
      %swap3A_90 = vector.shape_cast %swap3A_89 : vector<1x16xf32> to vector<16xf32>
      %swap3A_91 = vector.shape_cast %broadcast_in_dim3A_3 : vector<16xf32> to vector<1x16xf32>
      tpu.vector_store %arg9[%swap3A_87, %swap3A_88], %swap3A_91 {strides = array<i32>} : memref<8x128xf32, #tpu.memory_space<vmem>>, vector<1x16xf32>,
      %swap3A_92 = arith.index_cast %scan3A_57 : i32 to index
      %swap3A_93 = arith.constant 112 : index
      %swap3A_94 = tpu.vector_load %arg9[%swap3A_92, %swap3A_93] {strides = array<i32>} : memref<8x128xf32, #tpu.memory_space<vmem>>, vector<1x16xf32>,
      %swap3A_95 = vector.shape_cast %swap3A_94 : vector<1x16xf32> to vector<16xf32>
      %swap3A_96 = vector.shape_cast %broadcast_in_dim3A_3 : vector<16xf32> to vector<1x16xf32>
      tpu.vector_store %arg9[%swap3A_92, %swap3A_93], %swap3A_96 {strides = array<i32>} : memref<8x128xf32, #tpu.memory_space<vmem>>, vector<1x16xf32>,
    }
    %scan3A_8 = arith.constant 8 : i32
    %scan3A_9 = arith.constant 0 : i32
    %scan3A_10 = arith.constant 0 : i32
    %scan3A_11 = arith.constant 79 : i32
    %scan3A_12 = arith.addi %scan3A_10, %scan3A_11 : i32
    %scan3A_13 = arith.constant 1 : i32
    scf.for %scan3A_57 = %scan3A_10 to %scan3A_12 step %scan3A_13  : i32 {
      %mul3A_58 = arith.constant 8 : i32
      %mul3A_59 = arith.muli %scan3A_57, %mul3A_58 : i32
      %add3A_60 = arith.addi %mul3A_2, %mul3A_59 : i32
      %multiple_of3A = tpu.assume_multiple %add3A_60, 8 : i32
      "tpu.region"() ({
        %run_scoped3A = tpu.sem_alloc : memref<!tpu.dma_semaphore, #tpu.memory_space<semaphore_mem>>
        %dma_start3A = arith.constant 0 : i32
        %dma_start3A_61 = tpu.memref_slice %arg13[%multiple_of3A, %dma_start3A] : memref<10112x128xf32, #tpu.memory_space<vmem_shared>> -> memref<8x128xf32, #tpu.memory_space<vmem_shared>>
        %dma_start3A_62 = arith.constant 0 : i32
        %dma_start3A_63 = tpu.memref_slice %arg13[%multiple_of3A, %dma_start3A_62] : memref<10112x128xf32, #tpu.memory_space<vmem_shared>> -> memref<8x128xf32, #tpu.memory_space<vmem_shared>>
        tpu.enqueue_dma source(%arg9 : memref<8x128xf32, #tpu.memory_space<vmem>>) target(%dma_start3A_63 : memref<8x128xf32, #tpu.memory_space<vmem_shared>>) target_semaphore(%run_scoped3A : memref<!tpu.dma_semaphore, #tpu.memory_space<semaphore_mem>>)
        %dma_wait3A = arith.constant 0 : i32
        %dma_wait3A_64 = tpu.memref_slice %arg13[%multiple_of3A, %dma_wait3A] : memref<10112x128xf32, #tpu.memory_space<vmem_shared>> -> memref<8x128xf32, #tpu.memory_space<vmem_shared>>
        %dma_wait3A_65 = arith.constant 0 : i32
        %dma_wait3A_66 = tpu.memref_slice %arg13[%multiple_of3A, %dma_wait3A_65] : memref<10112x128xf32, #tpu.memory_space<vmem_shared>> -> memref<8x128xf32, #tpu.memory_space<vmem_shared>>
        tpu.wait_dma2 semaphore(%run_scoped3A : memref<!tpu.dma_semaphore, #tpu.memory_space<semaphore_mem>>) src(%arg9 : memref<8x128xf32, #tpu.memory_space<vmem>>) dst(%dma_wait3A_66 : memref<8x128xf32, #tpu.memory_space<vmem_shared>>)
        tpu.yield
      }) : () -> ()
    }
    %scan3A_14 = arith.constant 79 : i32
    "tpu.region"() ({
      %run_scoped3A = tpu.sem_alloc : memref<!tpu.dma_semaphore, #tpu.memory_space<semaphore_mem>>
      %dma_start3A = arith.constant 0 : i32
      %dma_start3A_57 = arith.constant 0 : i32
      %dma_start3A_58 = tpu.memref_slice %arg2[%add3A, %dma_start3A, %dma_start3A_57] : memref<32x81x128xi32, #tpu.memory_space<hbm>> -> memref<1x81x128xi32, #tpu.memory_space<hbm>>
      %dma_start3A_59 = tpu.memref_squeeze %dma_start3A_58 : memref<1x81x128xi32, #tpu.memory_space<hbm>> -> memref<81x128xi32, #tpu.memory_space<hbm>>
      %dma_start3A_60 = arith.constant 0 : i32
      %dma_start3A_61 = arith.constant 0 : i32
      %dma_start3A_62 = tpu.memref_slice %arg2[%add3A, %dma_start3A_60, %dma_start3A_61] : memref<32x81x128xi32, #tpu.memory_space<hbm>> -> memref<1x81x128xi32, #tpu.memory_space<hbm>>
      %dma_start3A_63 = tpu.memref_squeeze %dma_start3A_62 : memref<1x81x128xi32, #tpu.memory_space<hbm>> -> memref<81x128xi32, #tpu.memory_space<hbm>>
      tpu.enqueue_dma source(%dma_start3A_63 : memref<81x128xi32, #tpu.memory_space<hbm>>) target(%arg6 : memref<81x128xi32, #tpu.memory_space<vmem>>) target_semaphore(%run_scoped3A : memref<!tpu.dma_semaphore, #tpu.memory_space<semaphore_mem>>)
      %dma_wait3A = arith.constant 0 : i32
      %dma_wait3A_64 = arith.constant 0 : i32
      %dma_wait3A_65 = tpu.memref_slice %arg2[%add3A, %dma_wait3A, %dma_wait3A_64] : memref<32x81x128xi32, #tpu.memory_space<hbm>> -> memref<1x81x128xi32, #tpu.memory_space<hbm>>
      %dma_wait3A_66 = tpu.memref_squeeze %dma_wait3A_65 : memref<1x81x128xi32, #tpu.memory_space<hbm>> -> memref<81x128xi32, #tpu.memory_space<hbm>>
      %dma_wait3A_67 = arith.constant 0 : i32
      %dma_wait3A_68 = arith.constant 0 : i32
      %dma_wait3A_69 = tpu.memref_slice %arg2[%add3A, %dma_wait3A_67, %dma_wait3A_68] : memref<32x81x128xi32, #tpu.memory_space<hbm>> -> memref<1x81x128xi32, #tpu.memory_space<hbm>>
      %dma_wait3A_70 = tpu.memref_squeeze %dma_wait3A_69 : memref<1x81x128xi32, #tpu.memory_space<hbm>> -> memref<81x128xi32, #tpu.memory_space<hbm>>
      tpu.wait_dma2 semaphore(%run_scoped3A : memref<!tpu.dma_semaphore, #tpu.memory_space<semaphore_mem>>) src(%dma_wait3A_70 : memref<81x128xi32, #tpu.memory_space<hbm>>) dst(%arg6 : memref<81x128xi32, #tpu.memory_space<vmem>>)
      tpu.yield
    }) : () -> ()
    "tpu.region"() ({
      %run_scoped3A = tpu.sem_alloc : memref<!tpu.dma_semaphore, #tpu.memory_space<semaphore_mem>>
      %dma_start3A = arith.constant 0 : i32
      %dma_start3A_57 = arith.constant 0 : i32
      %dma_start3A_58 = tpu.memref_slice %arg3[%add3A, %dma_start3A, %dma_start3A_57] : memref<32x81x128xi32, #tpu.memory_space<hbm>> -> memref<1x81x128xi32, #tpu.memory_space<hbm>>
      %dma_start3A_59 = tpu.memref_squeeze %dma_start3A_58 : memref<1x81x128xi32, #tpu.memory_space<hbm>> -> memref<81x128xi32, #tpu.memory_space<hbm>>
      %dma_start3A_60 = arith.constant 0 : i32
      %dma_start3A_61 = arith.constant 0 : i32
      %dma_start3A_62 = tpu.memref_slice %arg3[%add3A, %dma_start3A_60, %dma_start3A_61] : memref<32x81x128xi32, #tpu.memory_space<hbm>> -> memref<1x81x128xi32, #tpu.memory_space<hbm>>
      %dma_start3A_63 = tpu.memref_squeeze %dma_start3A_62 : memref<1x81x128xi32, #tpu.memory_space<hbm>> -> memref<81x128xi32, #tpu.memory_space<hbm>>
      tpu.enqueue_dma source(%dma_start3A_63 : memref<81x128xi32, #tpu.memory_space<hbm>>) target(%arg7 : memref<81x128xi32, #tpu.memory_space<vmem>>) target_semaphore(%run_scoped3A : memref<!tpu.dma_semaphore, #tpu.memory_space<semaphore_mem>>)
      %dma_wait3A = arith.constant 0 : i32
      %dma_wait3A_64 = arith.constant 0 : i32
      %dma_wait3A_65 = tpu.memref_slice %arg3[%add3A, %dma_wait3A, %dma_wait3A_64] : memref<32x81x128xi32, #tpu.memory_space<hbm>> -> memref<1x81x128xi32, #tpu.memory_space<hbm>>
      %dma_wait3A_66 = tpu.memref_squeeze %dma_wait3A_65 : memref<1x81x128xi32, #tpu.memory_space<hbm>> -> memref<81x128xi32, #tpu.memory_space<hbm>>
      %dma_wait3A_67 = arith.constant 0 : i32
      %dma_wait3A_68 = arith.constant 0 : i32
      %dma_wait3A_69 = tpu.memref_slice %arg3[%add3A, %dma_wait3A_67, %dma_wait3A_68] : memref<32x81x128xi32, #tpu.memory_space<hbm>> -> memref<1x81x128xi32, #tpu.memory_space<hbm>>
      %dma_wait3A_70 = tpu.memref_squeeze %dma_wait3A_69 : memref<1x81x128xi32, #tpu.memory_space<hbm>> -> memref<81x128xi32, #tpu.memory_space<hbm>>
      tpu.wait_dma2 semaphore(%run_scoped3A : memref<!tpu.dma_semaphore, #tpu.memory_space<semaphore_mem>>) src(%dma_wait3A_70 : memref<81x128xi32, #tpu.memory_space<hbm>>) dst(%arg7 : memref<81x128xi32, #tpu.memory_space<vmem>>)
      tpu.yield
    }) : () -> ()
    %barrier3A = arith.constant 0 : index
    tpu.barrier barrier_id(%barrier3A)
    %delay3A = arith.constant 2000 : i32
    tpu.delay %delay3A
    %barrier3A_15 = arith.constant 0 : index
    tpu.barrier barrier_id(%barrier3A_15)
    %scan3A_16 = arith.constant 0 : i32
    %scan3A_17 = arith.constant 0 : i32
    %scan3A_18 = arith.constant 81 : i32
    %scan3A_19 = arith.addi %scan3A_17, %scan3A_18 : i32
    %scan3A_20 = arith.constant 1 : i32
    scf.for %scan3A_57 = %scan3A_17 to %scan3A_19 step %scan3A_20  : i32 {
      %dma_start3A = arith.constant 0 : i32
      %dma_start3A_58 = tpu.memref_slice %arg6[%scan3A_57, %dma_start3A] : memref<81x128xi32, #tpu.memory_space<vmem>> -> memref<1x128xi32, #tpu.memory_space<vmem>>
      %dma_start3A_59 = tpu.memref_squeeze %dma_start3A_58 : memref<1x128xi32, #tpu.memory_space<vmem>> -> memref<128xi32, #tpu.memory_space<vmem>>
      %dma_start3A_60 = arith.constant 0 : i32
      %dma_start3A_61 = arith.constant 0 : i32
      %dma_start3A_62 = tpu.memref_slice %arg4[%dma_start3A_60, %dma_start3A_61] : memref<20000x128xf32, #tpu.memory_space<hbm>> -> memref<20000x128xf32, #tpu.memory_space<hbm>>
      tpu.enqueue_indirect_dma source(%dma_start3A_62 : memref<20000x128xf32, #tpu.memory_space<hbm>>) target(%arg8 : memref<128x128xf32, #tpu.memory_space<vmem>>) offsets(%dma_start3A_59 : memref<128xi32, #tpu.memory_space<vmem>>) semaphore(%arg12 : memref<!tpu.dma_semaphore, #tpu.memory_space<semaphore_mem>>)
      %dma_wait3A = arith.constant 0 : i32
      %dma_wait3A_63 = tpu.memref_slice %arg6[%scan3A_57, %dma_wait3A] : memref<81x128xi32, #tpu.memory_space<vmem>> -> memref<1x128xi32, #tpu.memory_space<vmem>>
      %dma_wait3A_64 = tpu.memref_squeeze %dma_wait3A_63 : memref<1x128xi32, #tpu.memory_space<vmem>> -> memref<128xi32, #tpu.memory_space<vmem>>
      %dma_wait3A_65 = arith.constant 0 : i32
      %dma_wait3A_66 = arith.constant 0 : i32
      %dma_wait3A_67 = tpu.memref_slice %arg4[%dma_wait3A_65, %dma_wait3A_66] : memref<20000x128xf32, #tpu.memory_space<hbm>> -> memref<20000x128xf32, #tpu.memory_space<hbm>>
      tpu.wait_indirect_dma semaphore(%arg12 : memref<!tpu.dma_semaphore, #tpu.memory_space<semaphore_mem>>) src(%dma_wait3A_67 : memref<20000x128xf32, #tpu.memory_space<hbm>>) dst(%arg8 : memref<128x128xf32, #tpu.memory_space<vmem>>)
      "tpu.region"() ({
        %run_scoped3A = tpu.sem_alloc : memref<!tpu.dma_semaphore, #tpu.memory_space<semaphore_mem>>
        %dma_start3A_68 = arith.constant 0 : i32
        %dma_start3A_69 = tpu.memref_slice %arg7[%scan3A_57, %dma_start3A_68] : memref<81x128xi32, #tpu.memory_space<vmem>> -> memref<1x128xi32, #tpu.memory_space<vmem>>
        %dma_start3A_70 = tpu.memref_squeeze %dma_start3A_69 : memref<1x128xi32, #tpu.memory_space<vmem>> -> memref<128xi32, #tpu.memory_space<vmem>>
        %dma_start3A_71 = arith.constant 0 : i32
        %dma_start3A_72 = arith.constant 0 : i32
        %dma_start3A_73 = tpu.memref_slice %arg13[%dma_start3A_71, %dma_start3A_72] : memref<10112x128xf32, #tpu.memory_space<vmem_shared>> -> memref<10112x128xf32, #tpu.memory_space<vmem_shared>>
        tpu.enqueue_indirect_dma source(%arg8 : memref<128x128xf32, #tpu.memory_space<vmem>>) target(%dma_start3A_73 : memref<10112x128xf32, #tpu.memory_space<vmem_shared>>) offsets(%dma_start3A_70 : memref<128xi32, #tpu.memory_space<vmem>>) semaphore(%run_scoped3A : memref<!tpu.dma_semaphore, #tpu.memory_space<semaphore_mem>>) {add = true}
        %dma_wait3A_74 = arith.constant 0 : i32
        %dma_wait3A_75 = tpu.memref_slice %arg7[%scan3A_57, %dma_wait3A_74] : memref<81x128xi32, #tpu.memory_space<vmem>> -> memref<1x128xi32, #tpu.memory_space<vmem>>
        %dma_wait3A_76 = tpu.memref_squeeze %dma_wait3A_75 : memref<1x128xi32, #tpu.memory_space<vmem>> -> memref<128xi32, #tpu.memory_space<vmem>>
        %dma_wait3A_77 = arith.constant 0 : i32
        %dma_wait3A_78 = arith.constant 0 : i32
        %dma_wait3A_79 = tpu.memref_slice %arg13[%dma_wait3A_77, %dma_wait3A_78] : memref<10112x128xf32, #tpu.memory_space<vmem_shared>> -> memref<10112x128xf32, #tpu.memory_space<vmem_shared>>
        tpu.wait_indirect_dma semaphore(%run_scoped3A : memref<!tpu.dma_semaphore, #tpu.memory_space<semaphore_mem>>) src(%arg8 : memref<128x128xf32, #tpu.memory_space<vmem>>) dst(%dma_wait3A_79 : memref<10112x128xf32, #tpu.memory_space<vmem_shared>>)
        tpu.yield
      }) : () -> ()
    }
    %scan3A_21 = arith.constant 81 : i32
    %barrier3A_22 = arith.constant 0 : index
    tpu.barrier barrier_id(%barrier3A_22)
    %delay3A_23 = arith.constant 2000 : i32
    tpu.delay %delay3A_23
    %barrier3A_24 = arith.constant 0 : index
    tpu.barrier barrier_id(%barrier3A_24)
    %broadcast_in_dim3A_25 = arith.constant 32768 : i32
    %broadcast_in_dim3A_26 = vector.broadcast %broadcast_in_dim3A_25 : i32 to vector<16xi32>
    %broadcast_in_dim3A_27 = arith.constant -65536 : i32
    %broadcast_in_dim3A_28 = vector.broadcast %broadcast_in_dim3A_27 : i32 to vector<16xi32>
    %sub3A = arith.constant 10000 : i32
    %sub3A_29 = arith.subi %sub3A, %mul3A_2 : i32
    %min3A = arith.constant 632 : i32
    %min3A_30 = arith.minsi %min3A, %sub3A_29 : i32
    %jit3A = arith.constant 8 : i32
    %div3A = arith.divsi %min3A_30, %jit3A : i32
    %sign3A = arith.constant 0 : i32
    %sign3A_31 = arith.cmpi sgt, %min3A_30, %sign3A : i32
    %sign3A_32 = arith.extui %sign3A_31 : i1 to i32
    %sign3A_33 = arith.constant 0 : i32
    %sign3A_34 = arith.cmpi slt, %min3A_30, %sign3A_33 : i32
    %sign3A_35 = arith.extui %sign3A_34 : i1 to i32
    %sign3A_36 = arith.subi %sign3A_32, %sign3A_35 : i32
    %sign3A_37 = arith.constant 0 : i32
    %sign3A_38 = arith.cmpi sgt, %jit3A, %sign3A_37 : i32
    %sign3A_39 = arith.extui %sign3A_38 : i1 to i32
    %sign3A_40 = arith.constant 0 : i32
    %sign3A_41 = arith.cmpi slt, %jit3A, %sign3A_40 : i32
    %sign3A_42 = arith.extui %sign3A_41 : i1 to i32
    %sign3A_43 = arith.subi %sign3A_39, %sign3A_42 : i32
    %ne3A = arith.cmpi ne, %sign3A_36, %sign3A_43 : i32
    %rem3A = arith.remsi %min3A_30, %jit3A : i32
    %ne3A_44 = arith.constant 0 : i32
    %ne3A_45 = arith.cmpi ne, %rem3A, %ne3A_44 : i32
    %and3A = arith.andi %ne3A, %ne3A_45 : i1
    %sub3A_46 = arith.constant 1 : i32
    %sub3A_47 = arith.subi %div3A, %sub3A_46 : i32
    %select_n3A = arith.select %and3A, %sub3A_47, %div3A : i32
    %while3A = arith.constant 0 : i32
    %while3A_48 = arith.constant 0 : i32
    %while3A_49 = arith.subi %select_n3A, %while3A_48 : i32
    %while3A_50 = arith.addi %while3A_48, %while3A_49 : i32
    %while3A_51 = arith.constant 1 : i32
    %while3A_52 = arith.divsi %while3A_49, %while3A_51 : i32
    %while3A_53 = arith.muli %while3A_52, %while3A_51 : i32
    %while3A_54 = arith.addi %while3A_48, %while3A_53 : i32
    %while3A_55 = arith.constant 1 : i32
    scf.for %while3A_57 = %while3A_48 to %while3A_54 step %while3A_55  : i32 {
      %mul3A_58 = arith.constant 8 : i32
      %mul3A_59 = arith.muli %while3A_57, %mul3A_58 : i32
      %add3A_60 = arith.addi %mul3A_2, %mul3A_59 : i32
      %multiple_of3A = tpu.assume_multiple %add3A_60, 8 : i32
      %mul3A_61 = arith.constant 10000 : i32
      %mul3A_62 = arith.muli %arg0, %mul3A_61 : i32
      %add3A_63 = arith.addi %mul3A_62, %mul3A_2 : i32
      %mul3A_64 = arith.constant 8 : i32
      %mul3A_65 = arith.muli %while3A_57, %mul3A_64 : i32
      %add3A_66 = arith.addi %add3A_63, %mul3A_65 : i32
      %multiple_of3A_67 = tpu.assume_multiple %add3A_66, 8 : i32
      "tpu.region"() ({
        %run_scoped3A = tpu.sem_alloc : memref<!tpu.dma_semaphore, #tpu.memory_space<semaphore_mem>>
        %dma_start3A = arith.constant 0 : i32
        %dma_start3A_863 = tpu.memref_slice %arg13[%multiple_of3A, %dma_start3A] : memref<10112x128xf32, #tpu.memory_space<vmem_shared>> -> memref<8x128xf32, #tpu.memory_space<vmem_shared>>
        %dma_start3A_864 = arith.constant 0 : i32
        %dma_start3A_865 = tpu.memref_slice %arg13[%multiple_of3A, %dma_start3A_864] : memref<10112x128xf32, #tpu.memory_space<vmem_shared>> -> memref<8x128xf32, #tpu.memory_space<vmem_shared>>
        tpu.enqueue_dma source(%dma_start3A_865 : memref<8x128xf32, #tpu.memory_space<vmem_shared>>) target(%arg10 : memref<8x128xf32, #tpu.memory_space<vmem>>) target_semaphore(%run_scoped3A : memref<!tpu.dma_semaphore, #tpu.memory_space<semaphore_mem>>)
        %dma_wait3A = arith.constant 0 : i32
        %dma_wait3A_866 = tpu.memref_slice %arg13[%multiple_of3A, %dma_wait3A] : memref<10112x128xf32, #tpu.memory_space<vmem_shared>> -> memref<8x128xf32, #tpu.memory_space<vmem_shared>>
        %dma_wait3A_867 = arith.constant 0 : i32
        %dma_wait3A_868 = tpu.memref_slice %arg13[%multiple_of3A, %dma_wait3A_867] : memref<10112x128xf32, #tpu.memory_space<vmem_shared>> -> memref<8x128xf32, #tpu.memory_space<vmem_shared>>
        tpu.wait_dma2 semaphore(%run_scoped3A : memref<!tpu.dma_semaphore, #tpu.memory_space<semaphore_mem>>) src(%dma_wait3A_868 : memref<8x128xf32, #tpu.memory_space<vmem_shared>>) dst(%arg10 : memref<8x128xf32, #tpu.memory_space<vmem>>)
        tpu.yield
      }) : () -> ()
      %get3A = arith.constant 0 : i32
      %get3A_68 = arith.index_cast %get3A : i32 to index
      %get3A_69 = arith.constant 0 : index
      %get3A_70 = tpu.vector_load %arg10[%get3A_68, %get3A_69] {strides = array<i32>} : memref<8x128xf32, #tpu.memory_space<vmem>>, vector<1x16xf32>,
      %get3A_71 = vector.shape_cast %get3A_70 : vector<1x16xf32> to vector<16xf32>
      %bitcast_convert_type3A = tpu.bitcast %get3A_71 : vector<16xf32> -> vector<16xi32>
      %get3A_72 = arith.constant 0 : i32
      %get3A_73 = arith.index_cast %get3A_72 : i32 to index
      %get3A_74 = arith.constant 16 : index
      %get3A_75 = tpu.vector_load %arg10[%get3A_73, %get3A_74] {strides = array<i32>} : memref<8x128xf32, #tpu.memory_space<vmem>>, vector<1x16xf32>,
      %get3A_76 = vector.shape_cast %get3A_75 : vector<1x16xf32> to vector<16xf32>
      %bitcast_convert_type3A_77 = tpu.bitcast %get3A_76 : vector<16xf32> -> vector<16xi32>
      %add3A_78 = arith.addi %bitcast_convert_type3A, %broadcast_in_dim3A_26 : vector<16xi32>
      %shift_right_logical3A = arith.constant 16 : i32
      %shift_right_logical3A_79 = vector.broadcast %shift_right_logical3A : i32 to vector<16xi32>
      %shift_right_logical3A_80 = arith.shrui %add3A_78, %shift_right_logical3A_79 : vector<16xi32>
      %add3A_81 = arith.addi %bitcast_convert_type3A_77, %broadcast_in_dim3A_26 : vector<16xi32>
      %and3A_82 = arith.andi %add3A_81, %broadcast_in_dim3A_28 : vector<16xi32>
      %or3A = arith.ori %shift_right_logical3A_80, %and3A_82 : vector<16xi32>
      %swap3A = arith.constant 0 : i32
      %swap3A_83 = arith.index_cast %swap3A : i32 to index
      %swap3A_84 = arith.constant 0 : index
      %swap3A_85 = tpu.vector_load %arg11[%swap3A_83, %swap3A_84] {strides = array<i32>} : memref<8x64xi32, #tpu.memory_space<vmem>>, vector<1x16xi32>,
      %swap3A_86 = vector.shape_cast %swap3A_85 : vector<1x16xi32> to vector<16xi32>
      %swap3A_87 = vector.shape_cast %or3A : vector<16xi32> to vector<1x16xi32>
      tpu.vector_store %arg11[%swap3A_83, %swap3A_84], %swap3A_87 {strides = array<i32>} : memref<8x64xi32, #tpu.memory_space<vmem>>, vector<1x16xi32>,
      %get3A_88 = arith.constant 0 : i32
      %get3A_89 = arith.index_cast %get3A_88 : i32 to index
      %get3A_90 = arith.constant 32 : index
      %get3A_91 = tpu.vector_load %arg10[%get3A_89, %get3A_90] {strides = array<i32>} : memref<8x128xf32, #tpu.memory_space<vmem>>, vector<1x16xf32>,
      %get3A_92 = vector.shape_cast %get3A_91 : vector<1x16xf32> to vector<16xf32>
      %bitcast_convert_type3A_93 = tpu.bitcast %get3A_92 : vector<16xf32> -> vector<16xi32>
      %get3A_94 = arith.constant 0 : i32
      %get3A_95 = arith.index_cast %get3A_94 : i32 to index
      %get3A_96 = arith.constant 48 : index
      %get3A_97 = tpu.vector_load %arg10[%get3A_95, %get3A_96] {strides = array<i32>} : memref<8x128xf32, #tpu.memory_space<vmem>>, vector<1x16xf32>,
      %get3A_98 = vector.shape_cast %get3A_97 : vector<1x16xf32> to vector<16xf32>
      %bitcast_convert_type3A_99 = tpu.bitcast %get3A_98 : vector<16xf32> -> vector<16xi32>
      %add3A_100 = arith.addi %bitcast_convert_type3A_93, %broadcast_in_dim3A_26 : vector<16xi32>
      %shift_right_logical3A_101 = arith.constant 16 : i32
      %shift_right_logical3A_102 = vector.broadcast %shift_right_logical3A_101 : i32 to vector<16xi32>
      %shift_right_logical3A_103 = arith.shrui %add3A_100, %shift_right_logical3A_102 : vector<16xi32>
      %add3A_104 = arith.addi %bitcast_convert_type3A_99, %broadcast_in_dim3A_26 : vector<16xi32>
      %and3A_105 = arith.andi %add3A_104, %broadcast_in_dim3A_28 : vector<16xi32>
      %or3A_106 = arith.ori %shift_right_logical3A_103, %and3A_105 : vector<16xi32>
      %swap3A_107 = arith.constant 0 : i32
      %swap3A_108 = arith.index_cast %swap3A_107 : i32 to index
      %swap3A_109 = arith.constant 16 : index
      %swap3A_110 = tpu.vector_load %arg11[%swap3A_108, %swap3A_109] {strides = array<i32>} : memref<8x64xi32, #tpu.memory_space<vmem>>, vector<1x16xi32>,
      %swap3A_111 = vector.shape_cast %swap3A_110 : vector<1x16xi32> to vector<16xi32>
      %swap3A_112 = vector.shape_cast %or3A_106 : vector<16xi32> to vector<1x16xi32>
      tpu.vector_store %arg11[%swap3A_108, %swap3A_109], %swap3A_112 {strides = array<i32>} : memref<8x64xi32, #tpu.memory_space<vmem>>, vector<1x16xi32>,
      %get3A_113 = arith.constant 0 : i32
      %get3A_114 = arith.index_cast %get3A_113 : i32 to index
      %get3A_115 = arith.constant 64 : index
      %get3A_116 = tpu.vector_load %arg10[%get3A_114, %get3A_115] {strides = array<i32>} : memref<8x128xf32, #tpu.memory_space<vmem>>, vector<1x16xf32>,
      %get3A_117 = vector.shape_cast %get3A_116 : vector<1x16xf32> to vector<16xf32>
      %bitcast_convert_type3A_118 = tpu.bitcast %get3A_117 : vector<16xf32> -> vector<16xi32>
      %get3A_119 = arith.constant 0 : i32
      %get3A_120 = arith.index_cast %get3A_119 : i32 to index
      %get3A_121 = arith.constant 80 : index
      %get3A_122 = tpu.vector_load %arg10[%get3A_120, %get3A_121] {strides = array<i32>} : memref<8x128xf32, #tpu.memory_space<vmem>>, vector<1x16xf32>,
      %get3A_123 = vector.shape_cast %get3A_122 : vector<1x16xf32> to vector<16xf32>
      %bitcast_convert_type3A_124 = tpu.bitcast %get3A_123 : vector<16xf32> -> vector<16xi32>
      %add3A_125 = arith.addi %bitcast_convert_type3A_118, %broadcast_in_dim3A_26 : vector<16xi32>
      %shift_right_logical3A_126 = arith.constant 16 : i32
      %shift_right_logical3A_127 = vector.broadcast %shift_right_logical3A_126 : i32 to vector<16xi32>
      %shift_right_logical3A_128 = arith.shrui %add3A_125, %shift_right_logical3A_127 : vector<16xi32>
      %add3A_129 = arith.addi %bitcast_convert_type3A_124, %broadcast_in_dim3A_26 : vector<16xi32>
      %and3A_130 = arith.andi %add3A_129, %broadcast_in_dim3A_28 : vector<16xi32>
      %or3A_131 = arith.ori %shift_right_logical3A_128, %and3A_130 : vector<16xi32>
      %swap3A_132 = arith.constant 0 : i32
      %swap3A_133 = arith.index_cast %swap3A_132 : i32 to index
      %swap3A_134 = arith.constant 32 : index
      %swap3A_135 = tpu.vector_load %arg11[%swap3A_133, %swap3A_134] {strides = array<i32>} : memref<8x64xi32, #tpu.memory_space<vmem>>, vector<1x16xi32>,
      %swap3A_136 = vector.shape_cast %swap3A_135 : vector<1x16xi32> to vector<16xi32>
      %swap3A_137 = vector.shape_cast %or3A_131 : vector<16xi32> to vector<1x16xi32>
      tpu.vector_store %arg11[%swap3A_133, %swap3A_134], %swap3A_137 {strides = array<i32>} : memref<8x64xi32, #tpu.memory_space<vmem>>, vector<1x16xi32>,
      %get3A_138 = arith.constant 0 : i32
      %get3A_139 = arith.index_cast %get3A_138 : i32 to index
      %get3A_140 = arith.constant 96 : index
      %get3A_141 = tpu.vector_load %arg10[%get3A_139, %get3A_140] {strides = array<i32>} : memref<8x128xf32, #tpu.memory_space<vmem>>, vector<1x16xf32>,
      %get3A_142 = vector.shape_cast %get3A_141 : vector<1x16xf32> to vector<16xf32>
      %bitcast_convert_type3A_143 = tpu.bitcast %get3A_142 : vector<16xf32> -> vector<16xi32>
      %get3A_144 = arith.constant 0 : i32
      %get3A_145 = arith.index_cast %get3A_144 : i32 to index
      %get3A_146 = arith.constant 112 : index
      %get3A_147 = tpu.vector_load %arg10[%get3A_145, %get3A_146] {strides = array<i32>} : memref<8x128xf32, #tpu.memory_space<vmem>>, vector<1x16xf32>,
      %get3A_148 = vector.shape_cast %get3A_147 : vector<1x16xf32> to vector<16xf32>
      %bitcast_convert_type3A_149 = tpu.bitcast %get3A_148 : vector<16xf32> -> vector<16xi32>
      %add3A_150 = arith.addi %bitcast_convert_type3A_143, %broadcast_in_dim3A_26 : vector<16xi32>
      %shift_right_logical3A_151 = arith.constant 16 : i32
      %shift_right_logical3A_152 = vector.broadcast %shift_right_logical3A_151 : i32 to vector<16xi32>
      %shift_right_logical3A_153 = arith.shrui %add3A_150, %shift_right_logical3A_152 : vector<16xi32>
      %add3A_154 = arith.addi %bitcast_convert_type3A_149, %broadcast_in_dim3A_26 : vector<16xi32>
      %and3A_155 = arith.andi %add3A_154, %broadcast_in_dim3A_28 : vector<16xi32>
      %or3A_156 = arith.ori %shift_right_logical3A_153, %and3A_155 : vector<16xi32>
      %swap3A_157 = arith.constant 0 : i32
      %swap3A_158 = arith.index_cast %swap3A_157 : i32 to index
      %swap3A_159 = arith.constant 48 : index
      %swap3A_160 = tpu.vector_load %arg11[%swap3A_158, %swap3A_159] {strides = array<i32>} : memref<8x64xi32, #tpu.memory_space<vmem>>, vector<1x16xi32>,
      %swap3A_161 = vector.shape_cast %swap3A_160 : vector<1x16xi32> to vector<16xi32>
      %swap3A_162 = vector.shape_cast %or3A_156 : vector<16xi32> to vector<1x16xi32>
      tpu.vector_store %arg11[%swap3A_158, %swap3A_159], %swap3A_162 {strides = array<i32>} : memref<8x64xi32, #tpu.memory_space<vmem>>, vector<1x16xi32>,
      %get3A_163 = arith.constant 1 : i32
      %get3A_164 = arith.index_cast %get3A_163 : i32 to index
      %get3A_165 = arith.constant 0 : index
      %get3A_166 = tpu.vector_load %arg10[%get3A_164, %get3A_165] {strides = array<i32>} : memref<8x128xf32, #tpu.memory_space<vmem>>, vector<1x16xf32>,
      %get3A_167 = vector.shape_cast %get3A_166 : vector<1x16xf32> to vector<16xf32>
      %bitcast_convert_type3A_168 = tpu.bitcast %get3A_167 : vector<16xf32> -> vector<16xi32>
      %get3A_169 = arith.constant 1 : i32
      %get3A_170 = arith.index_cast %get3A_169 : i32 to index
      %get3A_171 = arith.constant 16 : index
      %get3A_172 = tpu.vector_load %arg10[%get3A_170, %get3A_171] {strides = array<i32>} : memref<8x128xf32, #tpu.memory_space<vmem>>, vector<1x16xf32>,
      %get3A_173 = vector.shape_cast %get3A_172 : vector<1x16xf32> to vector<16xf32>
      %bitcast_convert_type3A_174 = tpu.bitcast %get3A_173 : vector<16xf32> -> vector<16xi32>
      %add3A_175 = arith.addi %bitcast_convert_type3A_168, %broadcast_in_dim3A_26 : vector<16xi32>
      %shift_right_logical3A_176 = arith.constant 16 : i32
      %shift_right_logical3A_177 = vector.broadcast %shift_right_logical3A_176 : i32 to vector<16xi32>
      %shift_right_logical3A_178 = arith.shrui %add3A_175, %shift_right_logical3A_177 : vector<16xi32>
      %add3A_179 = arith.addi %bitcast_convert_type3A_174, %broadcast_in_dim3A_26 : vector<16xi32>
      %and3A_180 = arith.andi %add3A_179, %broadcast_in_dim3A_28 : vector<16xi32>
      %or3A_181 = arith.ori %shift_right_logical3A_178, %and3A_180 : vector<16xi32>
      %swap3A_182 = arith.constant 1 : i32
      %swap3A_183 = arith.index_cast %swap3A_182 : i32 to index
      %swap3A_184 = arith.constant 0 : index
      %swap3A_185 = tpu.vector_load %arg11[%swap3A_183, %swap3A_184] {strides = array<i32>} : memref<8x64xi32, #tpu.memory_space<vmem>>, vector<1x16xi32>,
      %swap3A_186 = vector.shape_cast %swap3A_185 : vector<1x16xi32> to vector<16xi32>
      %swap3A_187 = vector.shape_cast %or3A_181 : vector<16xi32> to vector<1x16xi32>
      tpu.vector_store %arg11[%swap3A_183, %swap3A_184], %swap3A_187 {strides = array<i32>} : memref<8x64xi32, #tpu.memory_space<vmem>>, vector<1x16xi32>,
      %get3A_188 = arith.constant 1 : i32
      %get3A_189 = arith.index_cast %get3A_188 : i32 to index
      %get3A_190 = arith.constant 32 : index
      %get3A_191 = tpu.vector_load %arg10[%get3A_189, %get3A_190] {strides = array<i32>} : memref<8x128xf32, #tpu.memory_space<vmem>>, vector<1x16xf32>,
      %get3A_192 = vector.shape_cast %get3A_191 : vector<1x16xf32> to vector<16xf32>
      %bitcast_convert_type3A_193 = tpu.bitcast %get3A_192 : vector<16xf32> -> vector<16xi32>
      %get3A_194 = arith.constant 1 : i32
      %get3A_195 = arith.index_cast %get3A_194 : i32 to index
      %get3A_196 = arith.constant 48 : index
      %get3A_197 = tpu.vector_load %arg10[%get3A_195, %get3A_196] {strides = array<i32>} : memref<8x128xf32, #tpu.memory_space<vmem>>, vector<1x16xf32>,
      %get3A_198 = vector.shape_cast %get3A_197 : vector<1x16xf32> to vector<16xf32>
      %bitcast_convert_type3A_199 = tpu.bitcast %get3A_198 : vector<16xf32> -> vector<16xi32>
      %add3A_200 = arith.addi %bitcast_convert_type3A_193, %broadcast_in_dim3A_26 : vector<16xi32>
      %shift_right_logical3A_201 = arith.constant 16 : i32
      %shift_right_logical3A_202 = vector.broadcast %shift_right_logical3A_201 : i32 to vector<16xi32>
      %shift_right_logical3A_203 = arith.shrui %add3A_200, %shift_right_logical3A_202 : vector<16xi32>
      %add3A_204 = arith.addi %bitcast_convert_type3A_199, %broadcast_in_dim3A_26 : vector<16xi32>
      %and3A_205 = arith.andi %add3A_204, %broadcast_in_dim3A_28 : vector<16xi32>
      %or3A_206 = arith.ori %shift_right_logical3A_203, %and3A_205 : vector<16xi32>
      %swap3A_207 = arith.constant 1 : i32
      %swap3A_208 = arith.index_cast %swap3A_207 : i32 to index
      %swap3A_209 = arith.constant 16 : index
      %swap3A_210 = tpu.vector_load %arg11[%swap3A_208, %swap3A_209] {strides = array<i32>} : memref<8x64xi32, #tpu.memory_space<vmem>>, vector<1x16xi32>,
      %swap3A_211 = vector.shape_cast %swap3A_210 : vector<1x16xi32> to vector<16xi32>
      %swap3A_212 = vector.shape_cast %or3A_206 : vector<16xi32> to vector<1x16xi32>
      tpu.vector_store %arg11[%swap3A_208, %swap3A_209], %swap3A_212 {strides = array<i32>} : memref<8x64xi32, #tpu.memory_space<vmem>>, vector<1x16xi32>,
      %get3A_213 = arith.constant 1 : i32
      %get3A_214 = arith.index_cast %get3A_213 : i32 to index
      %get3A_215 = arith.constant 64 : index
      %get3A_216 = tpu.vector_load %arg10[%get3A_214, %get3A_215] {strides = array<i32>} : memref<8x128xf32, #tpu.memory_space<vmem>>, vector<1x16xf32>,
      %get3A_217 = vector.shape_cast %get3A_216 : vector<1x16xf32> to vector<16xf32>
      %bitcast_convert_type3A_218 = tpu.bitcast %get3A_217 : vector<16xf32> -> vector<16xi32>
      %get3A_219 = arith.constant 1 : i32
      %get3A_220 = arith.index_cast %get3A_219 : i32 to index
      %get3A_221 = arith.constant 80 : index
      %get3A_222 = tpu.vector_load %arg10[%get3A_220, %get3A_221] {strides = array<i32>} : memref<8x128xf32, #tpu.memory_space<vmem>>, vector<1x16xf32>,
      %get3A_223 = vector.shape_cast %get3A_222 : vector<1x16xf32> to vector<16xf32>
      %bitcast_convert_type3A_224 = tpu.bitcast %get3A_223 : vector<16xf32> -> vector<16xi32>
      %add3A_225 = arith.addi %bitcast_convert_type3A_218, %broadcast_in_dim3A_26 : vector<16xi32>
      %shift_right_logical3A_226 = arith.constant 16 : i32
      %shift_right_logical3A_227 = vector.broadcast %shift_right_logical3A_226 : i32 to vector<16xi32>
      %shift_right_logical3A_228 = arith.shrui %add3A_225, %shift_right_logical3A_227 : vector<16xi32>
      %add3A_229 = arith.addi %bitcast_convert_type3A_224, %broadcast_in_dim3A_26 : vector<16xi32>
      %and3A_230 = arith.andi %add3A_229, %broadcast_in_dim3A_28 : vector<16xi32>
      %or3A_231 = arith.ori %shift_right_logical3A_228, %and3A_230 : vector<16xi32>
      %swap3A_232 = arith.constant 1 : i32
      %swap3A_233 = arith.index_cast %swap3A_232 : i32 to index
      %swap3A_234 = arith.constant 32 : index
      %swap3A_235 = tpu.vector_load %arg11[%swap3A_233, %swap3A_234] {strides = array<i32>} : memref<8x64xi32, #tpu.memory_space<vmem>>, vector<1x16xi32>,
      %swap3A_236 = vector.shape_cast %swap3A_235 : vector<1x16xi32> to vector<16xi32>
      %swap3A_237 = vector.shape_cast %or3A_231 : vector<16xi32> to vector<1x16xi32>
      tpu.vector_store %arg11[%swap3A_233, %swap3A_234], %swap3A_237 {strides = array<i32>} : memref<8x64xi32, #tpu.memory_space<vmem>>, vector<1x16xi32>,
      %get3A_238 = arith.constant 1 : i32
      %get3A_239 = arith.index_cast %get3A_238 : i32 to index
      %get3A_240 = arith.constant 96 : index
      %get3A_241 = tpu.vector_load %arg10[%get3A_239, %get3A_240] {strides = array<i32>} : memref<8x128xf32, #tpu.memory_space<vmem>>, vector<1x16xf32>,
      %get3A_242 = vector.shape_cast %get3A_241 : vector<1x16xf32> to vector<16xf32>
      %bitcast_convert_type3A_243 = tpu.bitcast %get3A_242 : vector<16xf32> -> vector<16xi32>
      %get3A_244 = arith.constant 1 : i32
      %get3A_245 = arith.index_cast %get3A_244 : i32 to index
      %get3A_246 = arith.constant 112 : index
      %get3A_247 = tpu.vector_load %arg10[%get3A_245, %get3A_246] {strides = array<i32>} : memref<8x128xf32, #tpu.memory_space<vmem>>, vector<1x16xf32>,
      %get3A_248 = vector.shape_cast %get3A_247 : vector<1x16xf32> to vector<16xf32>
      %bitcast_convert_type3A_249 = tpu.bitcast %get3A_248 : vector<16xf32> -> vector<16xi32>
      %add3A_250 = arith.addi %bitcast_convert_type3A_243, %broadcast_in_dim3A_26 : vector<16xi32>
      %shift_right_logical3A_251 = arith.constant 16 : i32
      %shift_right_logical3A_252 = vector.broadcast %shift_right_logical3A_251 : i32 to vector<16xi32>
      %shift_right_logical3A_253 = arith.shrui %add3A_250, %shift_right_logical3A_252 : vector<16xi32>
      %add3A_254 = arith.addi %bitcast_convert_type3A_249, %broadcast_in_dim3A_26 : vector<16xi32>
      %and3A_255 = arith.andi %add3A_254, %broadcast_in_dim3A_28 : vector<16xi32>
      %or3A_256 = arith.ori %shift_right_logical3A_253, %and3A_255 : vector<16xi32>
      %swap3A_257 = arith.constant 1 : i32
      %swap3A_258 = arith.index_cast %swap3A_257 : i32 to index
      %swap3A_259 = arith.constant 48 : index
      %swap3A_260 = tpu.vector_load %arg11[%swap3A_258, %swap3A_259] {strides = array<i32>} : memref<8x64xi32, #tpu.memory_space<vmem>>, vector<1x16xi32>,
      %swap3A_261 = vector.shape_cast %swap3A_260 : vector<1x16xi32> to vector<16xi32>
      %swap3A_262 = vector.shape_cast %or3A_256 : vector<16xi32> to vector<1x16xi32>
      tpu.vector_store %arg11[%swap3A_258, %swap3A_259], %swap3A_262 {strides = array<i32>} : memref<8x64xi32, #tpu.memory_space<vmem>>, vector<1x16xi32>,
      %get3A_263 = arith.constant 2 : i32
      %get3A_264 = arith.index_cast %get3A_263 : i32 to index
      %get3A_265 = arith.constant 0 : index
      %get3A_266 = tpu.vector_load %arg10[%get3A_264, %get3A_265] {strides = array<i32>} : memref<8x128xf32, #tpu.memory_space<vmem>>, vector<1x16xf32>,
      %get3A_267 = vector.shape_cast %get3A_266 : vector<1x16xf32> to vector<16xf32>
      %bitcast_convert_type3A_268 = tpu.bitcast %get3A_267 : vector<16xf32> -> vector<16xi32>
      %get3A_269 = arith.constant 2 : i32
      %get3A_270 = arith.index_cast %get3A_269 : i32 to index
      %get3A_271 = arith.constant 16 : index
      %get3A_272 = tpu.vector_load %arg10[%get3A_270, %get3A_271] {strides = array<i32>} : memref<8x128xf32, #tpu.memory_space<vmem>>, vector<1x16xf32>,
      %get3A_273 = vector.shape_cast %get3A_272 : vector<1x16xf32> to vector<16xf32>
      %bitcast_convert_type3A_274 = tpu.bitcast %get3A_273 : vector<16xf32> -> vector<16xi32>
      %add3A_275 = arith.addi %bitcast_convert_type3A_268, %broadcast_in_dim3A_26 : vector<16xi32>
      %shift_right_logical3A_276 = arith.constant 16 : i32
      %shift_right_logical3A_277 = vector.broadcast %shift_right_logical3A_276 : i32 to vector<16xi32>
      %shift_right_logical3A_278 = arith.shrui %add3A_275, %shift_right_logical3A_277 : vector<16xi32>
      %add3A_279 = arith.addi %bitcast_convert_type3A_274, %broadcast_in_dim3A_26 : vector<16xi32>
      %and3A_280 = arith.andi %add3A_279, %broadcast_in_dim3A_28 : vector<16xi32>
      %or3A_281 = arith.ori %shift_right_logical3A_278, %and3A_280 : vector<16xi32>
      %swap3A_282 = arith.constant 2 : i32
      %swap3A_283 = arith.index_cast %swap3A_282 : i32 to index
      %swap3A_284 = arith.constant 0 : index
      %swap3A_285 = tpu.vector_load %arg11[%swap3A_283, %swap3A_284] {strides = array<i32>} : memref<8x64xi32, #tpu.memory_space<vmem>>, vector<1x16xi32>,
      %swap3A_286 = vector.shape_cast %swap3A_285 : vector<1x16xi32> to vector<16xi32>
      %swap3A_287 = vector.shape_cast %or3A_281 : vector<16xi32> to vector<1x16xi32>
      tpu.vector_store %arg11[%swap3A_283, %swap3A_284], %swap3A_287 {strides = array<i32>} : memref<8x64xi32, #tpu.memory_space<vmem>>, vector<1x16xi32>,
      %get3A_288 = arith.constant 2 : i32
      %get3A_289 = arith.index_cast %get3A_288 : i32 to index
      %get3A_290 = arith.constant 32 : index
      %get3A_291 = tpu.vector_load %arg10[%get3A_289, %get3A_290] {strides = array<i32>} : memref<8x128xf32, #tpu.memory_space<vmem>>, vector<1x16xf32>,
      %get3A_292 = vector.shape_cast %get3A_291 : vector<1x16xf32> to vector<16xf32>
      %bitcast_convert_type3A_293 = tpu.bitcast %get3A_292 : vector<16xf32> -> vector<16xi32>
      %get3A_294 = arith.constant 2 : i32
      %get3A_295 = arith.index_cast %get3A_294 : i32 to index
      %get3A_296 = arith.constant 48 : index
      %get3A_297 = tpu.vector_load %arg10[%get3A_295, %get3A_296] {strides = array<i32>} : memref<8x128xf32, #tpu.memory_space<vmem>>, vector<1x16xf32>,
      %get3A_298 = vector.shape_cast %get3A_297 : vector<1x16xf32> to vector<16xf32>
      %bitcast_convert_type3A_299 = tpu.bitcast %get3A_298 : vector<16xf32> -> vector<16xi32>
      %add3A_300 = arith.addi %bitcast_convert_type3A_293, %broadcast_in_dim3A_26 : vector<16xi32>
      %shift_right_logical3A_301 = arith.constant 16 : i32
      %shift_right_logical3A_302 = vector.broadcast %shift_right_logical3A_301 : i32 to vector<16xi32>
      %shift_right_logical3A_303 = arith.shrui %add3A_300, %shift_right_logical3A_302 : vector<16xi32>
      %add3A_304 = arith.addi %bitcast_convert_type3A_299, %broadcast_in_dim3A_26 : vector<16xi32>
      %and3A_305 = arith.andi %add3A_304, %broadcast_in_dim3A_28 : vector<16xi32>
      %or3A_306 = arith.ori %shift_right_logical3A_303, %and3A_305 : vector<16xi32>
      %swap3A_307 = arith.constant 2 : i32
      %swap3A_308 = arith.index_cast %swap3A_307 : i32 to index
      %swap3A_309 = arith.constant 16 : index
      %swap3A_310 = tpu.vector_load %arg11[%swap3A_308, %swap3A_309] {strides = array<i32>} : memref<8x64xi32, #tpu.memory_space<vmem>>, vector<1x16xi32>,
      %swap3A_311 = vector.shape_cast %swap3A_310 : vector<1x16xi32> to vector<16xi32>
      %swap3A_312 = vector.shape_cast %or3A_306 : vector<16xi32> to vector<1x16xi32>
      tpu.vector_store %arg11[%swap3A_308, %swap3A_309], %swap3A_312 {strides = array<i32>} : memref<8x64xi32, #tpu.memory_space<vmem>>, vector<1x16xi32>,
      %get3A_313 = arith.constant 2 : i32
      %get3A_314 = arith.index_cast %get3A_313 : i32 to index
      %get3A_315 = arith.constant 64 : index
      %get3A_316 = tpu.vector_load %arg10[%get3A_314, %get3A_315] {strides = array<i32>} : memref<8x128xf32, #tpu.memory_space<vmem>>, vector<1x16xf32>,
      %get3A_317 = vector.shape_cast %get3A_316 : vector<1x16xf32> to vector<16xf32>
      %bitcast_convert_type3A_318 = tpu.bitcast %get3A_317 : vector<16xf32> -> vector<16xi32>
      %get3A_319 = arith.constant 2 : i32
      %get3A_320 = arith.index_cast %get3A_319 : i32 to index
      %get3A_321 = arith.constant 80 : index
      %get3A_322 = tpu.vector_load %arg10[%get3A_320, %get3A_321] {strides = array<i32>} : memref<8x128xf32, #tpu.memory_space<vmem>>, vector<1x16xf32>,
      %get3A_323 = vector.shape_cast %get3A_322 : vector<1x16xf32> to vector<16xf32>
      %bitcast_convert_type3A_324 = tpu.bitcast %get3A_323 : vector<16xf32> -> vector<16xi32>
      %add3A_325 = arith.addi %bitcast_convert_type3A_318, %broadcast_in_dim3A_26 : vector<16xi32>
      %shift_right_logical3A_326 = arith.constant 16 : i32
      %shift_right_logical3A_327 = vector.broadcast %shift_right_logical3A_326 : i32 to vector<16xi32>
      %shift_right_logical3A_328 = arith.shrui %add3A_325, %shift_right_logical3A_327 : vector<16xi32>
      %add3A_329 = arith.addi %bitcast_convert_type3A_324, %broadcast_in_dim3A_26 : vector<16xi32>
      %and3A_330 = arith.andi %add3A_329, %broadcast_in_dim3A_28 : vector<16xi32>
      %or3A_331 = arith.ori %shift_right_logical3A_328, %and3A_330 : vector<16xi32>
      %swap3A_332 = arith.constant 2 : i32
      %swap3A_333 = arith.index_cast %swap3A_332 : i32 to index
      %swap3A_334 = arith.constant 32 : index
      %swap3A_335 = tpu.vector_load %arg11[%swap3A_333, %swap3A_334] {strides = array<i32>} : memref<8x64xi32, #tpu.memory_space<vmem>>, vector<1x16xi32>,
      %swap3A_336 = vector.shape_cast %swap3A_335 : vector<1x16xi32> to vector<16xi32>
      %swap3A_337 = vector.shape_cast %or3A_331 : vector<16xi32> to vector<1x16xi32>
      tpu.vector_store %arg11[%swap3A_333, %swap3A_334], %swap3A_337 {strides = array<i32>} : memref<8x64xi32, #tpu.memory_space<vmem>>, vector<1x16xi32>,
      %get3A_338 = arith.constant 2 : i32
      %get3A_339 = arith.index_cast %get3A_338 : i32 to index
      %get3A_340 = arith.constant 96 : index
      %get3A_341 = tpu.vector_load %arg10[%get3A_339, %get3A_340] {strides = array<i32>} : memref<8x128xf32, #tpu.memory_space<vmem>>, vector<1x16xf32>,
      %get3A_342 = vector.shape_cast %get3A_341 : vector<1x16xf32> to vector<16xf32>
      %bitcast_convert_type3A_343 = tpu.bitcast %get3A_342 : vector<16xf32> -> vector<16xi32>
      %get3A_344 = arith.constant 2 : i32
      %get3A_345 = arith.index_cast %get3A_344 : i32 to index
      %get3A_346 = arith.constant 112 : index
      %get3A_347 = tpu.vector_load %arg10[%get3A_345, %get3A_346] {strides = array<i32>} : memref<8x128xf32, #tpu.memory_space<vmem>>, vector<1x16xf32>,
      %get3A_348 = vector.shape_cast %get3A_347 : vector<1x16xf32> to vector<16xf32>
      %bitcast_convert_type3A_349 = tpu.bitcast %get3A_348 : vector<16xf32> -> vector<16xi32>
      %add3A_350 = arith.addi %bitcast_convert_type3A_343, %broadcast_in_dim3A_26 : vector<16xi32>
      %shift_right_logical3A_351 = arith.constant 16 : i32
      %shift_right_logical3A_352 = vector.broadcast %shift_right_logical3A_351 : i32 to vector<16xi32>
      %shift_right_logical3A_353 = arith.shrui %add3A_350, %shift_right_logical3A_352 : vector<16xi32>
      %add3A_354 = arith.addi %bitcast_convert_type3A_349, %broadcast_in_dim3A_26 : vector<16xi32>
      %and3A_355 = arith.andi %add3A_354, %broadcast_in_dim3A_28 : vector<16xi32>
      %or3A_356 = arith.ori %shift_right_logical3A_353, %and3A_355 : vector<16xi32>
      %swap3A_357 = arith.constant 2 : i32
      %swap3A_358 = arith.index_cast %swap3A_357 : i32 to index
      %swap3A_359 = arith.constant 48 : index
      %swap3A_360 = tpu.vector_load %arg11[%swap3A_358, %swap3A_359] {strides = array<i32>} : memref<8x64xi32, #tpu.memory_space<vmem>>, vector<1x16xi32>,
      %swap3A_361 = vector.shape_cast %swap3A_360 : vector<1x16xi32> to vector<16xi32>
      %swap3A_362 = vector.shape_cast %or3A_356 : vector<16xi32> to vector<1x16xi32>
      tpu.vector_store %arg11[%swap3A_358, %swap3A_359], %swap3A_362 {strides = array<i32>} : memref<8x64xi32, #tpu.memory_space<vmem>>, vector<1x16xi32>,
      %get3A_363 = arith.constant 3 : i32
      %get3A_364 = arith.index_cast %get3A_363 : i32 to index
      %get3A_365 = arith.constant 0 : index
      %get3A_366 = tpu.vector_load %arg10[%get3A_364, %get3A_365] {strides = array<i32>} : memref<8x128xf32, #tpu.memory_space<vmem>>, vector<1x16xf32>,
      %get3A_367 = vector.shape_cast %get3A_366 : vector<1x16xf32> to vector<16xf32>
      %bitcast_convert_type3A_368 = tpu.bitcast %get3A_367 : vector<16xf32> -> vector<16xi32>
      %get3A_369 = arith.constant 3 : i32
      %get3A_370 = arith.index_cast %get3A_369 : i32 to index
      %get3A_371 = arith.constant 16 : index
      %get3A_372 = tpu.vector_load %arg10[%get3A_370, %get3A_371] {strides = array<i32>} : memref<8x128xf32, #tpu.memory_space<vmem>>, vector<1x16xf32>,
      %get3A_373 = vector.shape_cast %get3A_372 : vector<1x16xf32> to vector<16xf32>
      %bitcast_convert_type3A_374 = tpu.bitcast %get3A_373 : vector<16xf32> -> vector<16xi32>
      %add3A_375 = arith.addi %bitcast_convert_type3A_368, %broadcast_in_dim3A_26 : vector<16xi32>
      %shift_right_logical3A_376 = arith.constant 16 : i32
      %shift_right_logical3A_377 = vector.broadcast %shift_right_logical3A_376 : i32 to vector<16xi32>
      %shift_right_logical3A_378 = arith.shrui %add3A_375, %shift_right_logical3A_377 : vector<16xi32>
      %add3A_379 = arith.addi %bitcast_convert_type3A_374, %broadcast_in_dim3A_26 : vector<16xi32>
      %and3A_380 = arith.andi %add3A_379, %broadcast_in_dim3A_28 : vector<16xi32>
      %or3A_381 = arith.ori %shift_right_logical3A_378, %and3A_380 : vector<16xi32>
      %swap3A_382 = arith.constant 3 : i32
      %swap3A_383 = arith.index_cast %swap3A_382 : i32 to index
      %swap3A_384 = arith.constant 0 : index
      %swap3A_385 = tpu.vector_load %arg11[%swap3A_383, %swap3A_384] {strides = array<i32>} : memref<8x64xi32, #tpu.memory_space<vmem>>, vector<1x16xi32>,
      %swap3A_386 = vector.shape_cast %swap3A_385 : vector<1x16xi32> to vector<16xi32>
      %swap3A_387 = vector.shape_cast %or3A_381 : vector<16xi32> to vector<1x16xi32>
      tpu.vector_store %arg11[%swap3A_383, %swap3A_384], %swap3A_387 {strides = array<i32>} : memref<8x64xi32, #tpu.memory_space<vmem>>, vector<1x16xi32>,
      %get3A_388 = arith.constant 3 : i32
      %get3A_389 = arith.index_cast %get3A_388 : i32 to index
      %get3A_390 = arith.constant 32 : index
      %get3A_391 = tpu.vector_load %arg10[%get3A_389, %get3A_390] {strides = array<i32>} : memref<8x128xf32, #tpu.memory_space<vmem>>, vector<1x16xf32>,
      %get3A_392 = vector.shape_cast %get3A_391 : vector<1x16xf32> to vector<16xf32>
      %bitcast_convert_type3A_393 = tpu.bitcast %get3A_392 : vector<16xf32> -> vector<16xi32>
      %get3A_394 = arith.constant 3 : i32
      %get3A_395 = arith.index_cast %get3A_394 : i32 to index
      %get3A_396 = arith.constant 48 : index
      %get3A_397 = tpu.vector_load %arg10[%get3A_395, %get3A_396] {strides = array<i32>} : memref<8x128xf32, #tpu.memory_space<vmem>>, vector<1x16xf32>,
      %get3A_398 = vector.shape_cast %get3A_397 : vector<1x16xf32> to vector<16xf32>
      %bitcast_convert_type3A_399 = tpu.bitcast %get3A_398 : vector<16xf32> -> vector<16xi32>
      %add3A_400 = arith.addi %bitcast_convert_type3A_393, %broadcast_in_dim3A_26 : vector<16xi32>
      %shift_right_logical3A_401 = arith.constant 16 : i32
      %shift_right_logical3A_402 = vector.broadcast %shift_right_logical3A_401 : i32 to vector<16xi32>
      %shift_right_logical3A_403 = arith.shrui %add3A_400, %shift_right_logical3A_402 : vector<16xi32>
      %add3A_404 = arith.addi %bitcast_convert_type3A_399, %broadcast_in_dim3A_26 : vector<16xi32>
      %and3A_405 = arith.andi %add3A_404, %broadcast_in_dim3A_28 : vector<16xi32>
      %or3A_406 = arith.ori %shift_right_logical3A_403, %and3A_405 : vector<16xi32>
      %swap3A_407 = arith.constant 3 : i32
      %swap3A_408 = arith.index_cast %swap3A_407 : i32 to index
      %swap3A_409 = arith.constant 16 : index
      %swap3A_410 = tpu.vector_load %arg11[%swap3A_408, %swap3A_409] {strides = array<i32>} : memref<8x64xi32, #tpu.memory_space<vmem>>, vector<1x16xi32>,
      %swap3A_411 = vector.shape_cast %swap3A_410 : vector<1x16xi32> to vector<16xi32>
      %swap3A_412 = vector.shape_cast %or3A_406 : vector<16xi32> to vector<1x16xi32>
      tpu.vector_store %arg11[%swap3A_408, %swap3A_409], %swap3A_412 {strides = array<i32>} : memref<8x64xi32, #tpu.memory_space<vmem>>, vector<1x16xi32>,
      %get3A_413 = arith.constant 3 : i32
      %get3A_414 = arith.index_cast %get3A_413 : i32 to index
      %get3A_415 = arith.constant 64 : index
      %get3A_416 = tpu.vector_load %arg10[%get3A_414, %get3A_415] {strides = array<i32>} : memref<8x128xf32, #tpu.memory_space<vmem>>, vector<1x16xf32>,
      %get3A_417 = vector.shape_cast %get3A_416 : vector<1x16xf32> to vector<16xf32>
      %bitcast_convert_type3A_418 = tpu.bitcast %get3A_417 : vector<16xf32> -> vector<16xi32>
      %get3A_419 = arith.constant 3 : i32
      %get3A_420 = arith.index_cast %get3A_419 : i32 to index
      %get3A_421 = arith.constant 80 : index
      %get3A_422 = tpu.vector_load %arg10[%get3A_420, %get3A_421] {strides = array<i32>} : memref<8x128xf32, #tpu.memory_space<vmem>>, vector<1x16xf32>,
      %get3A_423 = vector.shape_cast %get3A_422 : vector<1x16xf32> to vector<16xf32>
      %bitcast_convert_type3A_424 = tpu.bitcast %get3A_423 : vector<16xf32> -> vector<16xi32>
      %add3A_425 = arith.addi %bitcast_convert_type3A_418, %broadcast_in_dim3A_26 : vector<16xi32>
      %shift_right_logical3A_426 = arith.constant 16 : i32
      %shift_right_logical3A_427 = vector.broadcast %shift_right_logical3A_426 : i32 to vector<16xi32>
      %shift_right_logical3A_428 = arith.shrui %add3A_425, %shift_right_logical3A_427 : vector<16xi32>
      %add3A_429 = arith.addi %bitcast_convert_type3A_424, %broadcast_in_dim3A_26 : vector<16xi32>
      %and3A_430 = arith.andi %add3A_429, %broadcast_in_dim3A_28 : vector<16xi32>
      %or3A_431 = arith.ori %shift_right_logical3A_428, %and3A_430 : vector<16xi32>
      %swap3A_432 = arith.constant 3 : i32
      %swap3A_433 = arith.index_cast %swap3A_432 : i32 to index
      %swap3A_434 = arith.constant 32 : index
      %swap3A_435 = tpu.vector_load %arg11[%swap3A_433, %swap3A_434] {strides = array<i32>} : memref<8x64xi32, #tpu.memory_space<vmem>>, vector<1x16xi32>,
      %swap3A_436 = vector.shape_cast %swap3A_435 : vector<1x16xi32> to vector<16xi32>
      %swap3A_437 = vector.shape_cast %or3A_431 : vector<16xi32> to vector<1x16xi32>
      tpu.vector_store %arg11[%swap3A_433, %swap3A_434], %swap3A_437 {strides = array<i32>} : memref<8x64xi32, #tpu.memory_space<vmem>>, vector<1x16xi32>,
      %get3A_438 = arith.constant 3 : i32
      %get3A_439 = arith.index_cast %get3A_438 : i32 to index
      %get3A_440 = arith.constant 96 : index
      %get3A_441 = tpu.vector_load %arg10[%get3A_439, %get3A_440] {strides = array<i32>} : memref<8x128xf32, #tpu.memory_space<vmem>>, vector<1x16xf32>,
      %get3A_442 = vector.shape_cast %get3A_441 : vector<1x16xf32> to vector<16xf32>
      %bitcast_convert_type3A_443 = tpu.bitcast %get3A_442 : vector<16xf32> -> vector<16xi32>
      %get3A_444 = arith.constant 3 : i32
      %get3A_445 = arith.index_cast %get3A_444 : i32 to index
      %get3A_446 = arith.constant 112 : index
      %get3A_447 = tpu.vector_load %arg10[%get3A_445, %get3A_446] {strides = array<i32>} : memref<8x128xf32, #tpu.memory_space<vmem>>, vector<1x16xf32>,
      %get3A_448 = vector.shape_cast %get3A_447 : vector<1x16xf32> to vector<16xf32>
      %bitcast_convert_type3A_449 = tpu.bitcast %get3A_448 : vector<16xf32> -> vector<16xi32>
      %add3A_450 = arith.addi %bitcast_convert_type3A_443, %broadcast_in_dim3A_26 : vector<16xi32>
      %shift_right_logical3A_451 = arith.constant 16 : i32
      %shift_right_logical3A_452 = vector.broadcast %shift_right_logical3A_451 : i32 to vector<16xi32>
      %shift_right_logical3A_453 = arith.shrui %add3A_450, %shift_right_logical3A_452 : vector<16xi32>
      %add3A_454 = arith.addi %bitcast_convert_type3A_449, %broadcast_in_dim3A_26 : vector<16xi32>
      %and3A_455 = arith.andi %add3A_454, %broadcast_in_dim3A_28 : vector<16xi32>
      %or3A_456 = arith.ori %shift_right_logical3A_453, %and3A_455 : vector<16xi32>
      %swap3A_457 = arith.constant 3 : i32
      %swap3A_458 = arith.index_cast %swap3A_457 : i32 to index
      %swap3A_459 = arith.constant 48 : index
      %swap3A_460 = tpu.vector_load %arg11[%swap3A_458, %swap3A_459] {strides = array<i32>} : memref<8x64xi32, #tpu.memory_space<vmem>>, vector<1x16xi32>,
      %swap3A_461 = vector.shape_cast %swap3A_460 : vector<1x16xi32> to vector<16xi32>
      %swap3A_462 = vector.shape_cast %or3A_456 : vector<16xi32> to vector<1x16xi32>
      tpu.vector_store %arg11[%swap3A_458, %swap3A_459], %swap3A_462 {strides = array<i32>} : memref<8x64xi32, #tpu.memory_space<vmem>>, vector<1x16xi32>,
      %get3A_463 = arith.constant 4 : i32
      %get3A_464 = arith.index_cast %get3A_463 : i32 to index
      %get3A_465 = arith.constant 0 : index
      %get3A_466 = tpu.vector_load %arg10[%get3A_464, %get3A_465] {strides = array<i32>} : memref<8x128xf32, #tpu.memory_space<vmem>>, vector<1x16xf32>,
      %get3A_467 = vector.shape_cast %get3A_466 : vector<1x16xf32> to vector<16xf32>
      %bitcast_convert_type3A_468 = tpu.bitcast %get3A_467 : vector<16xf32> -> vector<16xi32>
      %get3A_469 = arith.constant 4 : i32
      %get3A_470 = arith.index_cast %get3A_469 : i32 to index
      %get3A_471 = arith.constant 16 : index
      %get3A_472 = tpu.vector_load %arg10[%get3A_470, %get3A_471] {strides = array<i32>} : memref<8x128xf32, #tpu.memory_space<vmem>>, vector<1x16xf32>,
      %get3A_473 = vector.shape_cast %get3A_472 : vector<1x16xf32> to vector<16xf32>
      %bitcast_convert_type3A_474 = tpu.bitcast %get3A_473 : vector<16xf32> -> vector<16xi32>
      %add3A_475 = arith.addi %bitcast_convert_type3A_468, %broadcast_in_dim3A_26 : vector<16xi32>
      %shift_right_logical3A_476 = arith.constant 16 : i32
      %shift_right_logical3A_477 = vector.broadcast %shift_right_logical3A_476 : i32 to vector<16xi32>
      %shift_right_logical3A_478 = arith.shrui %add3A_475, %shift_right_logical3A_477 : vector<16xi32>
      %add3A_479 = arith.addi %bitcast_convert_type3A_474, %broadcast_in_dim3A_26 : vector<16xi32>
      %and3A_480 = arith.andi %add3A_479, %broadcast_in_dim3A_28 : vector<16xi32>
      %or3A_481 = arith.ori %shift_right_logical3A_478, %and3A_480 : vector<16xi32>
      %swap3A_482 = arith.constant 4 : i32
      %swap3A_483 = arith.index_cast %swap3A_482 : i32 to index
      %swap3A_484 = arith.constant 0 : index
      %swap3A_485 = tpu.vector_load %arg11[%swap3A_483, %swap3A_484] {strides = array<i32>} : memref<8x64xi32, #tpu.memory_space<vmem>>, vector<1x16xi32>,
      %swap3A_486 = vector.shape_cast %swap3A_485 : vector<1x16xi32> to vector<16xi32>
      %swap3A_487 = vector.shape_cast %or3A_481 : vector<16xi32> to vector<1x16xi32>
      tpu.vector_store %arg11[%swap3A_483, %swap3A_484], %swap3A_487 {strides = array<i32>} : memref<8x64xi32, #tpu.memory_space<vmem>>, vector<1x16xi32>,
      %get3A_488 = arith.constant 4 : i32
      %get3A_489 = arith.index_cast %get3A_488 : i32 to index
      %get3A_490 = arith.constant 32 : index
      %get3A_491 = tpu.vector_load %arg10[%get3A_489, %get3A_490] {strides = array<i32>} : memref<8x128xf32, #tpu.memory_space<vmem>>, vector<1x16xf32>,
      %get3A_492 = vector.shape_cast %get3A_491 : vector<1x16xf32> to vector<16xf32>
      %bitcast_convert_type3A_493 = tpu.bitcast %get3A_492 : vector<16xf32> -> vector<16xi32>
      %get3A_494 = arith.constant 4 : i32
      %get3A_495 = arith.index_cast %get3A_494 : i32 to index
      %get3A_496 = arith.constant 48 : index
      %get3A_497 = tpu.vector_load %arg10[%get3A_495, %get3A_496] {strides = array<i32>} : memref<8x128xf32, #tpu.memory_space<vmem>>, vector<1x16xf32>,
      %get3A_498 = vector.shape_cast %get3A_497 : vector<1x16xf32> to vector<16xf32>
      %bitcast_convert_type3A_499 = tpu.bitcast %get3A_498 : vector<16xf32> -> vector<16xi32>
      %add3A_500 = arith.addi %bitcast_convert_type3A_493, %broadcast_in_dim3A_26 : vector<16xi32>
      %shift_right_logical3A_501 = arith.constant 16 : i32
      %shift_right_logical3A_502 = vector.broadcast %shift_right_logical3A_501 : i32 to vector<16xi32>
      %shift_right_logical3A_503 = arith.shrui %add3A_500, %shift_right_logical3A_502 : vector<16xi32>
      %add3A_504 = arith.addi %bitcast_convert_type3A_499, %broadcast_in_dim3A_26 : vector<16xi32>
      %and3A_505 = arith.andi %add3A_504, %broadcast_in_dim3A_28 : vector<16xi32>
      %or3A_506 = arith.ori %shift_right_logical3A_503, %and3A_505 : vector<16xi32>
      %swap3A_507 = arith.constant 4 : i32
      %swap3A_508 = arith.index_cast %swap3A_507 : i32 to index
      %swap3A_509 = arith.constant 16 : index
      %swap3A_510 = tpu.vector_load %arg11[%swap3A_508, %swap3A_509] {strides = array<i32>} : memref<8x64xi32, #tpu.memory_space<vmem>>, vector<1x16xi32>,
      %swap3A_511 = vector.shape_cast %swap3A_510 : vector<1x16xi32> to vector<16xi32>
      %swap3A_512 = vector.shape_cast %or3A_506 : vector<16xi32> to vector<1x16xi32>
      tpu.vector_store %arg11[%swap3A_508, %swap3A_509], %swap3A_512 {strides = array<i32>} : memref<8x64xi32, #tpu.memory_space<vmem>>, vector<1x16xi32>,
      %get3A_513 = arith.constant 4 : i32
      %get3A_514 = arith.index_cast %get3A_513 : i32 to index
      %get3A_515 = arith.constant 64 : index
      %get3A_516 = tpu.vector_load %arg10[%get3A_514, %get3A_515] {strides = array<i32>} : memref<8x128xf32, #tpu.memory_space<vmem>>, vector<1x16xf32>,
      %get3A_517 = vector.shape_cast %get3A_516 : vector<1x16xf32> to vector<16xf32>
      %bitcast_convert_type3A_518 = tpu.bitcast %get3A_517 : vector<16xf32> -> vector<16xi32>
      %get3A_519 = arith.constant 4 : i32
      %get3A_520 = arith.index_cast %get3A_519 : i32 to index
      %get3A_521 = arith.constant 80 : index
      %get3A_522 = tpu.vector_load %arg10[%get3A_520, %get3A_521] {strides = array<i32>} : memref<8x128xf32, #tpu.memory_space<vmem>>, vector<1x16xf32>,
      %get3A_523 = vector.shape_cast %get3A_522 : vector<1x16xf32> to vector<16xf32>
      %bitcast_convert_type3A_524 = tpu.bitcast %get3A_523 : vector<16xf32> -> vector<16xi32>
      %add3A_525 = arith.addi %bitcast_convert_type3A_518, %broadcast_in_dim3A_26 : vector<16xi32>
      %shift_right_logical3A_526 = arith.constant 16 : i32
      %shift_right_logical3A_527 = vector.broadcast %shift_right_logical3A_526 : i32 to vector<16xi32>
      %shift_right_logical3A_528 = arith.shrui %add3A_525, %shift_right_logical3A_527 : vector<16xi32>
      %add3A_529 = arith.addi %bitcast_convert_type3A_524, %broadcast_in_dim3A_26 : vector<16xi32>
      %and3A_530 = arith.andi %add3A_529, %broadcast_in_dim3A_28 : vector<16xi32>
      %or3A_531 = arith.ori %shift_right_logical3A_528, %and3A_530 : vector<16xi32>
      %swap3A_532 = arith.constant 4 : i32
      %swap3A_533 = arith.index_cast %swap3A_532 : i32 to index
      %swap3A_534 = arith.constant 32 : index
      %swap3A_535 = tpu.vector_load %arg11[%swap3A_533, %swap3A_534] {strides = array<i32>} : memref<8x64xi32, #tpu.memory_space<vmem>>, vector<1x16xi32>,
      %swap3A_536 = vector.shape_cast %swap3A_535 : vector<1x16xi32> to vector<16xi32>
      %swap3A_537 = vector.shape_cast %or3A_531 : vector<16xi32> to vector<1x16xi32>
      tpu.vector_store %arg11[%swap3A_533, %swap3A_534], %swap3A_537 {strides = array<i32>} : memref<8x64xi32, #tpu.memory_space<vmem>>, vector<1x16xi32>,
      %get3A_538 = arith.constant 4 : i32
      %get3A_539 = arith.index_cast %get3A_538 : i32 to index
      %get3A_540 = arith.constant 96 : index
      %get3A_541 = tpu.vector_load %arg10[%get3A_539, %get3A_540] {strides = array<i32>} : memref<8x128xf32, #tpu.memory_space<vmem>>, vector<1x16xf32>,
      %get3A_542 = vector.shape_cast %get3A_541 : vector<1x16xf32> to vector<16xf32>
      %bitcast_convert_type3A_543 = tpu.bitcast %get3A_542 : vector<16xf32> -> vector<16xi32>
      %get3A_544 = arith.constant 4 : i32
      %get3A_545 = arith.index_cast %get3A_544 : i32 to index
      %get3A_546 = arith.constant 112 : index
      %get3A_547 = tpu.vector_load %arg10[%get3A_545, %get3A_546] {strides = array<i32>} : memref<8x128xf32, #tpu.memory_space<vmem>>, vector<1x16xf32>,
      %get3A_548 = vector.shape_cast %get3A_547 : vector<1x16xf32> to vector<16xf32>
      %bitcast_convert_type3A_549 = tpu.bitcast %get3A_548 : vector<16xf32> -> vector<16xi32>
      %add3A_550 = arith.addi %bitcast_convert_type3A_543, %broadcast_in_dim3A_26 : vector<16xi32>
      %shift_right_logical3A_551 = arith.constant 16 : i32
      %shift_right_logical3A_552 = vector.broadcast %shift_right_logical3A_551 : i32 to vector<16xi32>
      %shift_right_logical3A_553 = arith.shrui %add3A_550, %shift_right_logical3A_552 : vector<16xi32>
      %add3A_554 = arith.addi %bitcast_convert_type3A_549, %broadcast_in_dim3A_26 : vector<16xi32>
      %and3A_555 = arith.andi %add3A_554, %broadcast_in_dim3A_28 : vector<16xi32>
      %or3A_556 = arith.ori %shift_right_logical3A_553, %and3A_555 : vector<16xi32>
      %swap3A_557 = arith.constant 4 : i32
      %swap3A_558 = arith.index_cast %swap3A_557 : i32 to index
      %swap3A_559 = arith.constant 48 : index
      %swap3A_560 = tpu.vector_load %arg11[%swap3A_558, %swap3A_559] {strides = array<i32>} : memref<8x64xi32, #tpu.memory_space<vmem>>, vector<1x16xi32>,
      %swap3A_561 = vector.shape_cast %swap3A_560 : vector<1x16xi32> to vector<16xi32>
      %swap3A_562 = vector.shape_cast %or3A_556 : vector<16xi32> to vector<1x16xi32>
      tpu.vector_store %arg11[%swap3A_558, %swap3A_559], %swap3A_562 {strides = array<i32>} : memref<8x64xi32, #tpu.memory_space<vmem>>, vector<1x16xi32>,
      %get3A_563 = arith.constant 5 : i32
      %get3A_564 = arith.index_cast %get3A_563 : i32 to index
      %get3A_565 = arith.constant 0 : index
      %get3A_566 = tpu.vector_load %arg10[%get3A_564, %get3A_565] {strides = array<i32>} : memref<8x128xf32, #tpu.memory_space<vmem>>, vector<1x16xf32>,
      %get3A_567 = vector.shape_cast %get3A_566 : vector<1x16xf32> to vector<16xf32>
      %bitcast_convert_type3A_568 = tpu.bitcast %get3A_567 : vector<16xf32> -> vector<16xi32>
      %get3A_569 = arith.constant 5 : i32
      %get3A_570 = arith.index_cast %get3A_569 : i32 to index
      %get3A_571 = arith.constant 16 : index
      %get3A_572 = tpu.vector_load %arg10[%get3A_570, %get3A_571] {strides = array<i32>} : memref<8x128xf32, #tpu.memory_space<vmem>>, vector<1x16xf32>,
      %get3A_573 = vector.shape_cast %get3A_572 : vector<1x16xf32> to vector<16xf32>
      %bitcast_convert_type3A_574 = tpu.bitcast %get3A_573 : vector<16xf32> -> vector<16xi32>
      %add3A_575 = arith.addi %bitcast_convert_type3A_568, %broadcast_in_dim3A_26 : vector<16xi32>
      %shift_right_logical3A_576 = arith.constant 16 : i32
      %shift_right_logical3A_577 = vector.broadcast %shift_right_logical3A_576 : i32 to vector<16xi32>
      %shift_right_logical3A_578 = arith.shrui %add3A_575, %shift_right_logical3A_577 : vector<16xi32>
      %add3A_579 = arith.addi %bitcast_convert_type3A_574, %broadcast_in_dim3A_26 : vector<16xi32>
      %and3A_580 = arith.andi %add3A_579, %broadcast_in_dim3A_28 : vector<16xi32>
      %or3A_581 = arith.ori %shift_right_logical3A_578, %and3A_580 : vector<16xi32>
      %swap3A_582 = arith.constant 5 : i32
      %swap3A_583 = arith.index_cast %swap3A_582 : i32 to index
      %swap3A_584 = arith.constant 0 : index
      %swap3A_585 = tpu.vector_load %arg11[%swap3A_583, %swap3A_584] {strides = array<i32>} : memref<8x64xi32, #tpu.memory_space<vmem>>, vector<1x16xi32>,
      %swap3A_586 = vector.shape_cast %swap3A_585 : vector<1x16xi32> to vector<16xi32>
      %swap3A_587 = vector.shape_cast %or3A_581 : vector<16xi32> to vector<1x16xi32>
      tpu.vector_store %arg11[%swap3A_583, %swap3A_584], %swap3A_587 {strides = array<i32>} : memref<8x64xi32, #tpu.memory_space<vmem>>, vector<1x16xi32>,
      %get3A_588 = arith.constant 5 : i32
      %get3A_589 = arith.index_cast %get3A_588 : i32 to index
      %get3A_590 = arith.constant 32 : index
      %get3A_591 = tpu.vector_load %arg10[%get3A_589, %get3A_590] {strides = array<i32>} : memref<8x128xf32, #tpu.memory_space<vmem>>, vector<1x16xf32>,
      %get3A_592 = vector.shape_cast %get3A_591 : vector<1x16xf32> to vector<16xf32>
      %bitcast_convert_type3A_593 = tpu.bitcast %get3A_592 : vector<16xf32> -> vector<16xi32>
      %get3A_594 = arith.constant 5 : i32
      %get3A_595 = arith.index_cast %get3A_594 : i32 to index
      %get3A_596 = arith.constant 48 : index
      %get3A_597 = tpu.vector_load %arg10[%get3A_595, %get3A_596] {strides = array<i32>} : memref<8x128xf32, #tpu.memory_space<vmem>>, vector<1x16xf32>,
      %get3A_598 = vector.shape_cast %get3A_597 : vector<1x16xf32> to vector<16xf32>
      %bitcast_convert_type3A_599 = tpu.bitcast %get3A_598 : vector<16xf32> -> vector<16xi32>
      %add3A_600 = arith.addi %bitcast_convert_type3A_593, %broadcast_in_dim3A_26 : vector<16xi32>
      %shift_right_logical3A_601 = arith.constant 16 : i32
      %shift_right_logical3A_602 = vector.broadcast %shift_right_logical3A_601 : i32 to vector<16xi32>
      %shift_right_logical3A_603 = arith.shrui %add3A_600, %shift_right_logical3A_602 : vector<16xi32>
      %add3A_604 = arith.addi %bitcast_convert_type3A_599, %broadcast_in_dim3A_26 : vector<16xi32>
      %and3A_605 = arith.andi %add3A_604, %broadcast_in_dim3A_28 : vector<16xi32>
      %or3A_606 = arith.ori %shift_right_logical3A_603, %and3A_605 : vector<16xi32>
      %swap3A_607 = arith.constant 5 : i32
      %swap3A_608 = arith.index_cast %swap3A_607 : i32 to index
      %swap3A_609 = arith.constant 16 : index
      %swap3A_610 = tpu.vector_load %arg11[%swap3A_608, %swap3A_609] {strides = array<i32>} : memref<8x64xi32, #tpu.memory_space<vmem>>, vector<1x16xi32>,
      %swap3A_611 = vector.shape_cast %swap3A_610 : vector<1x16xi32> to vector<16xi32>
      %swap3A_612 = vector.shape_cast %or3A_606 : vector<16xi32> to vector<1x16xi32>
      tpu.vector_store %arg11[%swap3A_608, %swap3A_609], %swap3A_612 {strides = array<i32>} : memref<8x64xi32, #tpu.memory_space<vmem>>, vector<1x16xi32>,
      %get3A_613 = arith.constant 5 : i32
      %get3A_614 = arith.index_cast %get3A_613 : i32 to index
      %get3A_615 = arith.constant 64 : index
      %get3A_616 = tpu.vector_load %arg10[%get3A_614, %get3A_615] {strides = array<i32>} : memref<8x128xf32, #tpu.memory_space<vmem>>, vector<1x16xf32>,
      %get3A_617 = vector.shape_cast %get3A_616 : vector<1x16xf32> to vector<16xf32>
      %bitcast_convert_type3A_618 = tpu.bitcast %get3A_617 : vector<16xf32> -> vector<16xi32>
      %get3A_619 = arith.constant 5 : i32
      %get3A_620 = arith.index_cast %get3A_619 : i32 to index
      %get3A_621 = arith.constant 80 : index
      %get3A_622 = tpu.vector_load %arg10[%get3A_620, %get3A_621] {strides = array<i32>} : memref<8x128xf32, #tpu.memory_space<vmem>>, vector<1x16xf32>,
      %get3A_623 = vector.shape_cast %get3A_622 : vector<1x16xf32> to vector<16xf32>
      %bitcast_convert_type3A_624 = tpu.bitcast %get3A_623 : vector<16xf32> -> vector<16xi32>
      %add3A_625 = arith.addi %bitcast_convert_type3A_618, %broadcast_in_dim3A_26 : vector<16xi32>
      %shift_right_logical3A_626 = arith.constant 16 : i32
      %shift_right_logical3A_627 = vector.broadcast %shift_right_logical3A_626 : i32 to vector<16xi32>
      %shift_right_logical3A_628 = arith.shrui %add3A_625, %shift_right_logical3A_627 : vector<16xi32>
      %add3A_629 = arith.addi %bitcast_convert_type3A_624, %broadcast_in_dim3A_26 : vector<16xi32>
      %and3A_630 = arith.andi %add3A_629, %broadcast_in_dim3A_28 : vector<16xi32>
      %or3A_631 = arith.ori %shift_right_logical3A_628, %and3A_630 : vector<16xi32>
      %swap3A_632 = arith.constant 5 : i32
      %swap3A_633 = arith.index_cast %swap3A_632 : i32 to index
      %swap3A_634 = arith.constant 32 : index
      %swap3A_635 = tpu.vector_load %arg11[%swap3A_633, %swap3A_634] {strides = array<i32>} : memref<8x64xi32, #tpu.memory_space<vmem>>, vector<1x16xi32>,
      %swap3A_636 = vector.shape_cast %swap3A_635 : vector<1x16xi32> to vector<16xi32>
      %swap3A_637 = vector.shape_cast %or3A_631 : vector<16xi32> to vector<1x16xi32>
      tpu.vector_store %arg11[%swap3A_633, %swap3A_634], %swap3A_637 {strides = array<i32>} : memref<8x64xi32, #tpu.memory_space<vmem>>, vector<1x16xi32>,
      %get3A_638 = arith.constant 5 : i32
      %get3A_639 = arith.index_cast %get3A_638 : i32 to index
      %get3A_640 = arith.constant 96 : index
      %get3A_641 = tpu.vector_load %arg10[%get3A_639, %get3A_640] {strides = array<i32>} : memref<8x128xf32, #tpu.memory_space<vmem>>, vector<1x16xf32>,
      %get3A_642 = vector.shape_cast %get3A_641 : vector<1x16xf32> to vector<16xf32>
      %bitcast_convert_type3A_643 = tpu.bitcast %get3A_642 : vector<16xf32> -> vector<16xi32>
      %get3A_644 = arith.constant 5 : i32
      %get3A_645 = arith.index_cast %get3A_644 : i32 to index
      %get3A_646 = arith.constant 112 : index
      %get3A_647 = tpu.vector_load %arg10[%get3A_645, %get3A_646] {strides = array<i32>} : memref<8x128xf32, #tpu.memory_space<vmem>>, vector<1x16xf32>,
      %get3A_648 = vector.shape_cast %get3A_647 : vector<1x16xf32> to vector<16xf32>
      %bitcast_convert_type3A_649 = tpu.bitcast %get3A_648 : vector<16xf32> -> vector<16xi32>
      %add3A_650 = arith.addi %bitcast_convert_type3A_643, %broadcast_in_dim3A_26 : vector<16xi32>
      %shift_right_logical3A_651 = arith.constant 16 : i32
      %shift_right_logical3A_652 = vector.broadcast %shift_right_logical3A_651 : i32 to vector<16xi32>
      %shift_right_logical3A_653 = arith.shrui %add3A_650, %shift_right_logical3A_652 : vector<16xi32>
      %add3A_654 = arith.addi %bitcast_convert_type3A_649, %broadcast_in_dim3A_26 : vector<16xi32>
      %and3A_655 = arith.andi %add3A_654, %broadcast_in_dim3A_28 : vector<16xi32>
      %or3A_656 = arith.ori %shift_right_logical3A_653, %and3A_655 : vector<16xi32>
      %swap3A_657 = arith.constant 5 : i32
      %swap3A_658 = arith.index_cast %swap3A_657 : i32 to index
      %swap3A_659 = arith.constant 48 : index
      %swap3A_660 = tpu.vector_load %arg11[%swap3A_658, %swap3A_659] {strides = array<i32>} : memref<8x64xi32, #tpu.memory_space<vmem>>, vector<1x16xi32>,
      %swap3A_661 = vector.shape_cast %swap3A_660 : vector<1x16xi32> to vector<16xi32>
      %swap3A_662 = vector.shape_cast %or3A_656 : vector<16xi32> to vector<1x16xi32>
      tpu.vector_store %arg11[%swap3A_658, %swap3A_659], %swap3A_662 {strides = array<i32>} : memref<8x64xi32, #tpu.memory_space<vmem>>, vector<1x16xi32>,
      %get3A_663 = arith.constant 6 : i32
      %get3A_664 = arith.index_cast %get3A_663 : i32 to index
      %get3A_665 = arith.constant 0 : index
      %get3A_666 = tpu.vector_load %arg10[%get3A_664, %get3A_665] {strides = array<i32>} : memref<8x128xf32, #tpu.memory_space<vmem>>, vector<1x16xf32>,
      %get3A_667 = vector.shape_cast %get3A_666 : vector<1x16xf32> to vector<16xf32>
      %bitcast_convert_type3A_668 = tpu.bitcast %get3A_667 : vector<16xf32> -> vector<16xi32>
      %get3A_669 = arith.constant 6 : i32
      %get3A_670 = arith.index_cast %get3A_669 : i32 to index
      %get3A_671 = arith.constant 16 : index
      %get3A_672 = tpu.vector_load %arg10[%get3A_670, %get3A_671] {strides = array<i32>} : memref<8x128xf32, #tpu.memory_space<vmem>>, vector<1x16xf32>,
      %get3A_673 = vector.shape_cast %get3A_672 : vector<1x16xf32> to vector<16xf32>
      %bitcast_convert_type3A_674 = tpu.bitcast %get3A_673 : vector<16xf32> -> vector<16xi32>
      %add3A_675 = arith.addi %bitcast_convert_type3A_668, %broadcast_in_dim3A_26 : vector<16xi32>
      %shift_right_logical3A_676 = arith.constant 16 : i32
      %shift_right_logical3A_677 = vector.broadcast %shift_right_logical3A_676 : i32 to vector<16xi32>
      %shift_right_logical3A_678 = arith.shrui %add3A_675, %shift_right_logical3A_677 : vector<16xi32>
      %add3A_679 = arith.addi %bitcast_convert_type3A_674, %broadcast_in_dim3A_26 : vector<16xi32>
      %and3A_680 = arith.andi %add3A_679, %broadcast_in_dim3A_28 : vector<16xi32>
      %or3A_681 = arith.ori %shift_right_logical3A_678, %and3A_680 : vector<16xi32>
      %swap3A_682 = arith.constant 6 : i32
      %swap3A_683 = arith.index_cast %swap3A_682 : i32 to index
      %swap3A_684 = arith.constant 0 : index
      %swap3A_685 = tpu.vector_load %arg11[%swap3A_683, %swap3A_684] {strides = array<i32>} : memref<8x64xi32, #tpu.memory_space<vmem>>, vector<1x16xi32>,
      %swap3A_686 = vector.shape_cast %swap3A_685 : vector<1x16xi32> to vector<16xi32>
      %swap3A_687 = vector.shape_cast %or3A_681 : vector<16xi32> to vector<1x16xi32>
      tpu.vector_store %arg11[%swap3A_683, %swap3A_684], %swap3A_687 {strides = array<i32>} : memref<8x64xi32, #tpu.memory_space<vmem>>, vector<1x16xi32>,
      %get3A_688 = arith.constant 6 : i32
      %get3A_689 = arith.index_cast %get3A_688 : i32 to index
      %get3A_690 = arith.constant 32 : index
      %get3A_691 = tpu.vector_load %arg10[%get3A_689, %get3A_690] {strides = array<i32>} : memref<8x128xf32, #tpu.memory_space<vmem>>, vector<1x16xf32>,
      %get3A_692 = vector.shape_cast %get3A_691 : vector<1x16xf32> to vector<16xf32>
      %bitcast_convert_type3A_693 = tpu.bitcast %get3A_692 : vector<16xf32> -> vector<16xi32>
      %get3A_694 = arith.constant 6 : i32
      %get3A_695 = arith.index_cast %get3A_694 : i32 to index
      %get3A_696 = arith.constant 48 : index
      %get3A_697 = tpu.vector_load %arg10[%get3A_695, %get3A_696] {strides = array<i32>} : memref<8x128xf32, #tpu.memory_space<vmem>>, vector<1x16xf32>,
      %get3A_698 = vector.shape_cast %get3A_697 : vector<1x16xf32> to vector<16xf32>
      %bitcast_convert_type3A_699 = tpu.bitcast %get3A_698 : vector<16xf32> -> vector<16xi32>
      %add3A_700 = arith.addi %bitcast_convert_type3A_693, %broadcast_in_dim3A_26 : vector<16xi32>
      %shift_right_logical3A_701 = arith.constant 16 : i32
      %shift_right_logical3A_702 = vector.broadcast %shift_right_logical3A_701 : i32 to vector<16xi32>
      %shift_right_logical3A_703 = arith.shrui %add3A_700, %shift_right_logical3A_702 : vector<16xi32>
      %add3A_704 = arith.addi %bitcast_convert_type3A_699, %broadcast_in_dim3A_26 : vector<16xi32>
      %and3A_705 = arith.andi %add3A_704, %broadcast_in_dim3A_28 : vector<16xi32>
      %or3A_706 = arith.ori %shift_right_logical3A_703, %and3A_705 : vector<16xi32>
      %swap3A_707 = arith.constant 6 : i32
      %swap3A_708 = arith.index_cast %swap3A_707 : i32 to index
      %swap3A_709 = arith.constant 16 : index
      %swap3A_710 = tpu.vector_load %arg11[%swap3A_708, %swap3A_709] {strides = array<i32>} : memref<8x64xi32, #tpu.memory_space<vmem>>, vector<1x16xi32>,
      %swap3A_711 = vector.shape_cast %swap3A_710 : vector<1x16xi32> to vector<16xi32>
      %swap3A_712 = vector.shape_cast %or3A_706 : vector<16xi32> to vector<1x16xi32>
      tpu.vector_store %arg11[%swap3A_708, %swap3A_709], %swap3A_712 {strides = array<i32>} : memref<8x64xi32, #tpu.memory_space<vmem>>, vector<1x16xi32>,
      %get3A_713 = arith.constant 6 : i32
      %get3A_714 = arith.index_cast %get3A_713 : i32 to index
      %get3A_715 = arith.constant 64 : index
      %get3A_716 = tpu.vector_load %arg10[%get3A_714, %get3A_715] {strides = array<i32>} : memref<8x128xf32, #tpu.memory_space<vmem>>, vector<1x16xf32>,
      %get3A_717 = vector.shape_cast %get3A_716 : vector<1x16xf32> to vector<16xf32>
      %bitcast_convert_type3A_718 = tpu.bitcast %get3A_717 : vector<16xf32> -> vector<16xi32>
      %get3A_719 = arith.constant 6 : i32
      %get3A_720 = arith.index_cast %get3A_719 : i32 to index
      %get3A_721 = arith.constant 80 : index
      %get3A_722 = tpu.vector_load %arg10[%get3A_720, %get3A_721] {strides = array<i32>} : memref<8x128xf32, #tpu.memory_space<vmem>>, vector<1x16xf32>,
      %get3A_723 = vector.shape_cast %get3A_722 : vector<1x16xf32> to vector<16xf32>
      %bitcast_convert_type3A_724 = tpu.bitcast %get3A_723 : vector<16xf32> -> vector<16xi32>
      %add3A_725 = arith.addi %bitcast_convert_type3A_718, %broadcast_in_dim3A_26 : vector<16xi32>
      %shift_right_logical3A_726 = arith.constant 16 : i32
      %shift_right_logical3A_727 = vector.broadcast %shift_right_logical3A_726 : i32 to vector<16xi32>
      %shift_right_logical3A_728 = arith.shrui %add3A_725, %shift_right_logical3A_727 : vector<16xi32>
      %add3A_729 = arith.addi %bitcast_convert_type3A_724, %broadcast_in_dim3A_26 : vector<16xi32>
      %and3A_730 = arith.andi %add3A_729, %broadcast_in_dim3A_28 : vector<16xi32>
      %or3A_731 = arith.ori %shift_right_logical3A_728, %and3A_730 : vector<16xi32>
      %swap3A_732 = arith.constant 6 : i32
      %swap3A_733 = arith.index_cast %swap3A_732 : i32 to index
      %swap3A_734 = arith.constant 32 : index
      %swap3A_735 = tpu.vector_load %arg11[%swap3A_733, %swap3A_734] {strides = array<i32>} : memref<8x64xi32, #tpu.memory_space<vmem>>, vector<1x16xi32>,
      %swap3A_736 = vector.shape_cast %swap3A_735 : vector<1x16xi32> to vector<16xi32>
      %swap3A_737 = vector.shape_cast %or3A_731 : vector<16xi32> to vector<1x16xi32>
      tpu.vector_store %arg11[%swap3A_733, %swap3A_734], %swap3A_737 {strides = array<i32>} : memref<8x64xi32, #tpu.memory_space<vmem>>, vector<1x16xi32>,
      %get3A_738 = arith.constant 6 : i32
      %get3A_739 = arith.index_cast %get3A_738 : i32 to index
      %get3A_740 = arith.constant 96 : index
      %get3A_741 = tpu.vector_load %arg10[%get3A_739, %get3A_740] {strides = array<i32>} : memref<8x128xf32, #tpu.memory_space<vmem>>, vector<1x16xf32>,
      %get3A_742 = vector.shape_cast %get3A_741 : vector<1x16xf32> to vector<16xf32>
      %bitcast_convert_type3A_743 = tpu.bitcast %get3A_742 : vector<16xf32> -> vector<16xi32>
      %get3A_744 = arith.constant 6 : i32
      %get3A_745 = arith.index_cast %get3A_744 : i32 to index
      %get3A_746 = arith.constant 112 : index
      %get3A_747 = tpu.vector_load %arg10[%get3A_745, %get3A_746] {strides = array<i32>} : memref<8x128xf32, #tpu.memory_space<vmem>>, vector<1x16xf32>,
      %get3A_748 = vector.shape_cast %get3A_747 : vector<1x16xf32> to vector<16xf32>
      %bitcast_convert_type3A_749 = tpu.bitcast %get3A_748 : vector<16xf32> -> vector<16xi32>
      %add3A_750 = arith.addi %bitcast_convert_type3A_743, %broadcast_in_dim3A_26 : vector<16xi32>
      %shift_right_logical3A_751 = arith.constant 16 : i32
      %shift_right_logical3A_752 = vector.broadcast %shift_right_logical3A_751 : i32 to vector<16xi32>
      %shift_right_logical3A_753 = arith.shrui %add3A_750, %shift_right_logical3A_752 : vector<16xi32>
      %add3A_754 = arith.addi %bitcast_convert_type3A_749, %broadcast_in_dim3A_26 : vector<16xi32>
      %and3A_755 = arith.andi %add3A_754, %broadcast_in_dim3A_28 : vector<16xi32>
      %or3A_756 = arith.ori %shift_right_logical3A_753, %and3A_755 : vector<16xi32>
      %swap3A_757 = arith.constant 6 : i32
      %swap3A_758 = arith.index_cast %swap3A_757 : i32 to index
      %swap3A_759 = arith.constant 48 : index
      %swap3A_760 = tpu.vector_load %arg11[%swap3A_758, %swap3A_759] {strides = array<i32>} : memref<8x64xi32, #tpu.memory_space<vmem>>, vector<1x16xi32>,
      %swap3A_761 = vector.shape_cast %swap3A_760 : vector<1x16xi32> to vector<16xi32>
      %swap3A_762 = vector.shape_cast %or3A_756 : vector<16xi32> to vector<1x16xi32>
      tpu.vector_store %arg11[%swap3A_758, %swap3A_759], %swap3A_762 {strides = array<i32>} : memref<8x64xi32, #tpu.memory_space<vmem>>, vector<1x16xi32>,
      %get3A_763 = arith.constant 7 : i32
      %get3A_764 = arith.index_cast %get3A_763 : i32 to index
      %get3A_765 = arith.constant 0 : index
      %get3A_766 = tpu.vector_load %arg10[%get3A_764, %get3A_765] {strides = array<i32>} : memref<8x128xf32, #tpu.memory_space<vmem>>, vector<1x16xf32>,
      %get3A_767 = vector.shape_cast %get3A_766 : vector<1x16xf32> to vector<16xf32>
      %bitcast_convert_type3A_768 = tpu.bitcast %get3A_767 : vector<16xf32> -> vector<16xi32>
      %get3A_769 = arith.constant 7 : i32
      %get3A_770 = arith.index_cast %get3A_769 : i32 to index
      %get3A_771 = arith.constant 16 : index
      %get3A_772 = tpu.vector_load %arg10[%get3A_770, %get3A_771] {strides = array<i32>} : memref<8x128xf32, #tpu.memory_space<vmem>>, vector<1x16xf32>,
      %get3A_773 = vector.shape_cast %get3A_772 : vector<1x16xf32> to vector<16xf32>
      %bitcast_convert_type3A_774 = tpu.bitcast %get3A_773 : vector<16xf32> -> vector<16xi32>
      %add3A_775 = arith.addi %bitcast_convert_type3A_768, %broadcast_in_dim3A_26 : vector<16xi32>
      %shift_right_logical3A_776 = arith.constant 16 : i32
      %shift_right_logical3A_777 = vector.broadcast %shift_right_logical3A_776 : i32 to vector<16xi32>
      %shift_right_logical3A_778 = arith.shrui %add3A_775, %shift_right_logical3A_777 : vector<16xi32>
      %add3A_779 = arith.addi %bitcast_convert_type3A_774, %broadcast_in_dim3A_26 : vector<16xi32>
      %and3A_780 = arith.andi %add3A_779, %broadcast_in_dim3A_28 : vector<16xi32>
      %or3A_781 = arith.ori %shift_right_logical3A_778, %and3A_780 : vector<16xi32>
      %swap3A_782 = arith.constant 7 : i32
      %swap3A_783 = arith.index_cast %swap3A_782 : i32 to index
      %swap3A_784 = arith.constant 0 : index
      %swap3A_785 = tpu.vector_load %arg11[%swap3A_783, %swap3A_784] {strides = array<i32>} : memref<8x64xi32, #tpu.memory_space<vmem>>, vector<1x16xi32>,
      %swap3A_786 = vector.shape_cast %swap3A_785 : vector<1x16xi32> to vector<16xi32>
      %swap3A_787 = vector.shape_cast %or3A_781 : vector<16xi32> to vector<1x16xi32>
      tpu.vector_store %arg11[%swap3A_783, %swap3A_784], %swap3A_787 {strides = array<i32>} : memref<8x64xi32, #tpu.memory_space<vmem>>, vector<1x16xi32>,
      %get3A_788 = arith.constant 7 : i32
      %get3A_789 = arith.index_cast %get3A_788 : i32 to index
      %get3A_790 = arith.constant 32 : index
      %get3A_791 = tpu.vector_load %arg10[%get3A_789, %get3A_790] {strides = array<i32>} : memref<8x128xf32, #tpu.memory_space<vmem>>, vector<1x16xf32>,
      %get3A_792 = vector.shape_cast %get3A_791 : vector<1x16xf32> to vector<16xf32>
      %bitcast_convert_type3A_793 = tpu.bitcast %get3A_792 : vector<16xf32> -> vector<16xi32>
      %get3A_794 = arith.constant 7 : i32
      %get3A_795 = arith.index_cast %get3A_794 : i32 to index
      %get3A_796 = arith.constant 48 : index
      %get3A_797 = tpu.vector_load %arg10[%get3A_795, %get3A_796] {strides = array<i32>} : memref<8x128xf32, #tpu.memory_space<vmem>>, vector<1x16xf32>,
      %get3A_798 = vector.shape_cast %get3A_797 : vector<1x16xf32> to vector<16xf32>
      %bitcast_convert_type3A_799 = tpu.bitcast %get3A_798 : vector<16xf32> -> vector<16xi32>
      %add3A_800 = arith.addi %bitcast_convert_type3A_793, %broadcast_in_dim3A_26 : vector<16xi32>
      %shift_right_logical3A_801 = arith.constant 16 : i32
      %shift_right_logical3A_802 = vector.broadcast %shift_right_logical3A_801 : i32 to vector<16xi32>
      %shift_right_logical3A_803 = arith.shrui %add3A_800, %shift_right_logical3A_802 : vector<16xi32>
      %add3A_804 = arith.addi %bitcast_convert_type3A_799, %broadcast_in_dim3A_26 : vector<16xi32>
      %and3A_805 = arith.andi %add3A_804, %broadcast_in_dim3A_28 : vector<16xi32>
      %or3A_806 = arith.ori %shift_right_logical3A_803, %and3A_805 : vector<16xi32>
      %swap3A_807 = arith.constant 7 : i32
      %swap3A_808 = arith.index_cast %swap3A_807 : i32 to index
      %swap3A_809 = arith.constant 16 : index
      %swap3A_810 = tpu.vector_load %arg11[%swap3A_808, %swap3A_809] {strides = array<i32>} : memref<8x64xi32, #tpu.memory_space<vmem>>, vector<1x16xi32>,
      %swap3A_811 = vector.shape_cast %swap3A_810 : vector<1x16xi32> to vector<16xi32>
      %swap3A_812 = vector.shape_cast %or3A_806 : vector<16xi32> to vector<1x16xi32>
      tpu.vector_store %arg11[%swap3A_808, %swap3A_809], %swap3A_812 {strides = array<i32>} : memref<8x64xi32, #tpu.memory_space<vmem>>, vector<1x16xi32>,
      %get3A_813 = arith.constant 7 : i32
      %get3A_814 = arith.index_cast %get3A_813 : i32 to index
      %get3A_815 = arith.constant 64 : index
      %get3A_816 = tpu.vector_load %arg10[%get3A_814, %get3A_815] {strides = array<i32>} : memref<8x128xf32, #tpu.memory_space<vmem>>, vector<1x16xf32>,
      %get3A_817 = vector.shape_cast %get3A_816 : vector<1x16xf32> to vector<16xf32>
      %bitcast_convert_type3A_818 = tpu.bitcast %get3A_817 : vector<16xf32> -> vector<16xi32>
      %get3A_819 = arith.constant 7 : i32
      %get3A_820 = arith.index_cast %get3A_819 : i32 to index
      %get3A_821 = arith.constant 80 : index
      %get3A_822 = tpu.vector_load %arg10[%get3A_820, %get3A_821] {strides = array<i32>} : memref<8x128xf32, #tpu.memory_space<vmem>>, vector<1x16xf32>,
      %get3A_823 = vector.shape_cast %get3A_822 : vector<1x16xf32> to vector<16xf32>
      %bitcast_convert_type3A_824 = tpu.bitcast %get3A_823 : vector<16xf32> -> vector<16xi32>
      %add3A_825 = arith.addi %bitcast_convert_type3A_818, %broadcast_in_dim3A_26 : vector<16xi32>
      %shift_right_logical3A_826 = arith.constant 16 : i32
      %shift_right_logical3A_827 = vector.broadcast %shift_right_logical3A_826 : i32 to vector<16xi32>
      %shift_right_logical3A_828 = arith.shrui %add3A_825, %shift_right_logical3A_827 : vector<16xi32>
      %add3A_829 = arith.addi %bitcast_convert_type3A_824, %broadcast_in_dim3A_26 : vector<16xi32>
      %and3A_830 = arith.andi %add3A_829, %broadcast_in_dim3A_28 : vector<16xi32>
      %or3A_831 = arith.ori %shift_right_logical3A_828, %and3A_830 : vector<16xi32>
      %swap3A_832 = arith.constant 7 : i32
      %swap3A_833 = arith.index_cast %swap3A_832 : i32 to index
      %swap3A_834 = arith.constant 32 : index
      %swap3A_835 = tpu.vector_load %arg11[%swap3A_833, %swap3A_834] {strides = array<i32>} : memref<8x64xi32, #tpu.memory_space<vmem>>, vector<1x16xi32>,
      %swap3A_836 = vector.shape_cast %swap3A_835 : vector<1x16xi32> to vector<16xi32>
      %swap3A_837 = vector.shape_cast %or3A_831 : vector<16xi32> to vector<1x16xi32>
      tpu.vector_store %arg11[%swap3A_833, %swap3A_834], %swap3A_837 {strides = array<i32>} : memref<8x64xi32, #tpu.memory_space<vmem>>, vector<1x16xi32>,
      %get3A_838 = arith.constant 7 : i32
      %get3A_839 = arith.index_cast %get3A_838 : i32 to index
      %get3A_840 = arith.constant 96 : index
      %get3A_841 = tpu.vector_load %arg10[%get3A_839, %get3A_840] {strides = array<i32>} : memref<8x128xf32, #tpu.memory_space<vmem>>, vector<1x16xf32>,
      %get3A_842 = vector.shape_cast %get3A_841 : vector<1x16xf32> to vector<16xf32>
      %bitcast_convert_type3A_843 = tpu.bitcast %get3A_842 : vector<16xf32> -> vector<16xi32>
      %get3A_844 = arith.constant 7 : i32
      %get3A_845 = arith.index_cast %get3A_844 : i32 to index
      %get3A_846 = arith.constant 112 : index
      %get3A_847 = tpu.vector_load %arg10[%get3A_845, %get3A_846] {strides = array<i32>} : memref<8x128xf32, #tpu.memory_space<vmem>>, vector<1x16xf32>,
      %get3A_848 = vector.shape_cast %get3A_847 : vector<1x16xf32> to vector<16xf32>
      %bitcast_convert_type3A_849 = tpu.bitcast %get3A_848 : vector<16xf32> -> vector<16xi32>
      %add3A_850 = arith.addi %bitcast_convert_type3A_843, %broadcast_in_dim3A_26 : vector<16xi32>
      %shift_right_logical3A_851 = arith.constant 16 : i32
      %shift_right_logical3A_852 = vector.broadcast %shift_right_logical3A_851 : i32 to vector<16xi32>
      %shift_right_logical3A_853 = arith.shrui %add3A_850, %shift_right_logical3A_852 : vector<16xi32>
      %add3A_854 = arith.addi %bitcast_convert_type3A_849, %broadcast_in_dim3A_26 : vector<16xi32>
      %and3A_855 = arith.andi %add3A_854, %broadcast_in_dim3A_28 : vector<16xi32>
      %or3A_856 = arith.ori %shift_right_logical3A_853, %and3A_855 : vector<16xi32>
      %swap3A_857 = arith.constant 7 : i32
      %swap3A_858 = arith.index_cast %swap3A_857 : i32 to index
      %swap3A_859 = arith.constant 48 : index
      %swap3A_860 = tpu.vector_load %arg11[%swap3A_858, %swap3A_859] {strides = array<i32>} : memref<8x64xi32, #tpu.memory_space<vmem>>, vector<1x16xi32>,
      %swap3A_861 = vector.shape_cast %swap3A_860 : vector<1x16xi32> to vector<16xi32>
      %swap3A_862 = vector.shape_cast %or3A_856 : vector<16xi32> to vector<1x16xi32>
      tpu.vector_store %arg11[%swap3A_858, %swap3A_859], %swap3A_862 {strides = array<i32>} : memref<8x64xi32, #tpu.memory_space<vmem>>, vector<1x16xi32>,
      "tpu.region"() ({
        %run_scoped3A = tpu.sem_alloc : memref<!tpu.dma_semaphore, #tpu.memory_space<semaphore_mem>>
        %dma_start3A = arith.constant 0 : i32
        %dma_start3A_863 = tpu.memref_slice %arg5[%multiple_of3A_67, %dma_start3A] : memref<20000x64xi32, #tpu.memory_space<hbm>> -> memref<8x64xi32, #tpu.memory_space<hbm>>
        %dma_start3A_864 = arith.constant 0 : i32
        %dma_start3A_865 = tpu.memref_slice %arg5[%multiple_of3A_67, %dma_start3A_864] : memref<20000x64xi32, #tpu.memory_space<hbm>> -> memref<8x64xi32, #tpu.memory_space<hbm>>
        tpu.enqueue_dma source(%arg11 : memref<8x64xi32, #tpu.memory_space<vmem>>) target(%dma_start3A_865 : memref<8x64xi32, #tpu.memory_space<hbm>>) target_semaphore(%run_scoped3A : memref<!tpu.dma_semaphore, #tpu.memory_space<semaphore_mem>>)
        %dma_wait3A = arith.constant 0 : i32
        %dma_wait3A_866 = tpu.memref_slice %arg5[%multiple_of3A_67, %dma_wait3A] : memref<20000x64xi32, #tpu.memory_space<hbm>> -> memref<8x64xi32, #tpu.memory_space<hbm>>
        %dma_wait3A_867 = arith.constant 0 : i32
        %dma_wait3A_868 = tpu.memref_slice %arg5[%multiple_of3A_67, %dma_wait3A_867] : memref<20000x64xi32, #tpu.memory_space<hbm>> -> memref<8x64xi32, #tpu.memory_space<hbm>>
        tpu.wait_dma2 semaphore(%run_scoped3A : memref<!tpu.dma_semaphore, #tpu.memory_space<semaphore_mem>>) src(%arg11 : memref<8x64xi32, #tpu.memory_space<vmem>>) dst(%dma_wait3A_868 : memref<8x64xi32, #tpu.memory_space<hbm>>)
        tpu.yield
      }) : () -> ()
    }
    %while3A_56 = arith.constant 1 : i32
    scf.for %while3A_57 = %while3A_54 to %while3A_50 step %while3A_56  : i32 {
      %mul3A_58 = arith.constant 8 : i32
      %mul3A_59 = arith.muli %while3A_57, %mul3A_58 : i32
      %add3A_60 = arith.addi %mul3A_2, %mul3A_59 : i32
      %multiple_of3A = tpu.assume_multiple %add3A_60, 8 : i32
      %mul3A_61 = arith.constant 10000 : i32
      %mul3A_62 = arith.muli %arg0, %mul3A_61 : i32
      %add3A_63 = arith.addi %mul3A_62, %mul3A_2 : i32
      %mul3A_64 = arith.constant 8 : i32
      %mul3A_65 = arith.muli %while3A_57, %mul3A_64 : i32
      %add3A_66 = arith.addi %add3A_63, %mul3A_65 : i32
      %multiple_of3A_67 = tpu.assume_multiple %add3A_66, 8 : i32
      "tpu.region"() ({
        %run_scoped3A = tpu.sem_alloc : memref<!tpu.dma_semaphore, #tpu.memory_space<semaphore_mem>>
        %dma_start3A = arith.constant 0 : i32
        %dma_start3A_863 = tpu.memref_slice %arg13[%multiple_of3A, %dma_start3A] : memref<10112x128xf32, #tpu.memory_space<vmem_shared>> -> memref<8x128xf32, #tpu.memory_space<vmem_shared>>
        %dma_start3A_864 = arith.constant 0 : i32
        %dma_start3A_865 = tpu.memref_slice %arg13[%multiple_of3A, %dma_start3A_864] : memref<10112x128xf32, #tpu.memory_space<vmem_shared>> -> memref<8x128xf32, #tpu.memory_space<vmem_shared>>
        tpu.enqueue_dma source(%dma_start3A_865 : memref<8x128xf32, #tpu.memory_space<vmem_shared>>) target(%arg10 : memref<8x128xf32, #tpu.memory_space<vmem>>) target_semaphore(%run_scoped3A : memref<!tpu.dma_semaphore, #tpu.memory_space<semaphore_mem>>)
        %dma_wait3A = arith.constant 0 : i32
        %dma_wait3A_866 = tpu.memref_slice %arg13[%multiple_of3A, %dma_wait3A] : memref<10112x128xf32, #tpu.memory_space<vmem_shared>> -> memref<8x128xf32, #tpu.memory_space<vmem_shared>>
        %dma_wait3A_867 = arith.constant 0 : i32
        %dma_wait3A_868 = tpu.memref_slice %arg13[%multiple_of3A, %dma_wait3A_867] : memref<10112x128xf32, #tpu.memory_space<vmem_shared>> -> memref<8x128xf32, #tpu.memory_space<vmem_shared>>
        tpu.wait_dma2 semaphore(%run_scoped3A : memref<!tpu.dma_semaphore, #tpu.memory_space<semaphore_mem>>) src(%dma_wait3A_868 : memref<8x128xf32, #tpu.memory_space<vmem_shared>>) dst(%arg10 : memref<8x128xf32, #tpu.memory_space<vmem>>)
        tpu.yield
      }) : () -> ()
      %get3A = arith.constant 0 : i32
      %get3A_68 = arith.index_cast %get3A : i32 to index
      %get3A_69 = arith.constant 0 : index
      %get3A_70 = tpu.vector_load %arg10[%get3A_68, %get3A_69] {strides = array<i32>} : memref<8x128xf32, #tpu.memory_space<vmem>>, vector<1x16xf32>,
      %get3A_71 = vector.shape_cast %get3A_70 : vector<1x16xf32> to vector<16xf32>
      %bitcast_convert_type3A = tpu.bitcast %get3A_71 : vector<16xf32> -> vector<16xi32>
      %get3A_72 = arith.constant 0 : i32
      %get3A_73 = arith.index_cast %get3A_72 : i32 to index
      %get3A_74 = arith.constant 16 : index
      %get3A_75 = tpu.vector_load %arg10[%get3A_73, %get3A_74] {strides = array<i32>} : memref<8x128xf32, #tpu.memory_space<vmem>>, vector<1x16xf32>,
      %get3A_76 = vector.shape_cast %get3A_75 : vector<1x16xf32> to vector<16xf32>
      %bitcast_convert_type3A_77 = tpu.bitcast %get3A_76 : vector<16xf32> -> vector<16xi32>
      %add3A_78 = arith.addi %bitcast_convert_type3A, %broadcast_in_dim3A_26 : vector<16xi32>
      %shift_right_logical3A = arith.constant 16 : i32
      %shift_right_logical3A_79 = vector.broadcast %shift_right_logical3A : i32 to vector<16xi32>
      %shift_right_logical3A_80 = arith.shrui %add3A_78, %shift_right_logical3A_79 : vector<16xi32>
      %add3A_81 = arith.addi %bitcast_convert_type3A_77, %broadcast_in_dim3A_26 : vector<16xi32>
      %and3A_82 = arith.andi %add3A_81, %broadcast_in_dim3A_28 : vector<16xi32>
      %or3A = arith.ori %shift_right_logical3A_80, %and3A_82 : vector<16xi32>
      %swap3A = arith.constant 0 : i32
      %swap3A_83 = arith.index_cast %swap3A : i32 to index
      %swap3A_84 = arith.constant 0 : index
      %swap3A_85 = tpu.vector_load %arg11[%swap3A_83, %swap3A_84] {strides = array<i32>} : memref<8x64xi32, #tpu.memory_space<vmem>>, vector<1x16xi32>,
      %swap3A_86 = vector.shape_cast %swap3A_85 : vector<1x16xi32> to vector<16xi32>
      %swap3A_87 = vector.shape_cast %or3A : vector<16xi32> to vector<1x16xi32>
      tpu.vector_store %arg11[%swap3A_83, %swap3A_84], %swap3A_87 {strides = array<i32>} : memref<8x64xi32, #tpu.memory_space<vmem>>, vector<1x16xi32>,
      %get3A_88 = arith.constant 0 : i32
      %get3A_89 = arith.index_cast %get3A_88 : i32 to index
      %get3A_90 = arith.constant 32 : index
      %get3A_91 = tpu.vector_load %arg10[%get3A_89, %get3A_90] {strides = array<i32>} : memref<8x128xf32, #tpu.memory_space<vmem>>, vector<1x16xf32>,
      %get3A_92 = vector.shape_cast %get3A_91 : vector<1x16xf32> to vector<16xf32>
      %bitcast_convert_type3A_93 = tpu.bitcast %get3A_92 : vector<16xf32> -> vector<16xi32>
      %get3A_94 = arith.constant 0 : i32
      %get3A_95 = arith.index_cast %get3A_94 : i32 to index
      %get3A_96 = arith.constant 48 : index
      %get3A_97 = tpu.vector_load %arg10[%get3A_95, %get3A_96] {strides = array<i32>} : memref<8x128xf32, #tpu.memory_space<vmem>>, vector<1x16xf32>,
      %get3A_98 = vector.shape_cast %get3A_97 : vector<1x16xf32> to vector<16xf32>
      %bitcast_convert_type3A_99 = tpu.bitcast %get3A_98 : vector<16xf32> -> vector<16xi32>
      %add3A_100 = arith.addi %bitcast_convert_type3A_93, %broadcast_in_dim3A_26 : vector<16xi32>
      %shift_right_logical3A_101 = arith.constant 16 : i32
      %shift_right_logical3A_102 = vector.broadcast %shift_right_logical3A_101 : i32 to vector<16xi32>
      %shift_right_logical3A_103 = arith.shrui %add3A_100, %shift_right_logical3A_102 : vector<16xi32>
      %add3A_104 = arith.addi %bitcast_convert_type3A_99, %broadcast_in_dim3A_26 : vector<16xi32>
      %and3A_105 = arith.andi %add3A_104, %broadcast_in_dim3A_28 : vector<16xi32>
      %or3A_106 = arith.ori %shift_right_logical3A_103, %and3A_105 : vector<16xi32>
      %swap3A_107 = arith.constant 0 : i32
      %swap3A_108 = arith.index_cast %swap3A_107 : i32 to index
      %swap3A_109 = arith.constant 16 : index
      %swap3A_110 = tpu.vector_load %arg11[%swap3A_108, %swap3A_109] {strides = array<i32>} : memref<8x64xi32, #tpu.memory_space<vmem>>, vector<1x16xi32>,
      %swap3A_111 = vector.shape_cast %swap3A_110 : vector<1x16xi32> to vector<16xi32>
      %swap3A_112 = vector.shape_cast %or3A_106 : vector<16xi32> to vector<1x16xi32>
      tpu.vector_store %arg11[%swap3A_108, %swap3A_109], %swap3A_112 {strides = array<i32>} : memref<8x64xi32, #tpu.memory_space<vmem>>, vector<1x16xi32>,
      %get3A_113 = arith.constant 0 : i32
      %get3A_114 = arith.index_cast %get3A_113 : i32 to index
      %get3A_115 = arith.constant 64 : index
      %get3A_116 = tpu.vector_load %arg10[%get3A_114, %get3A_115] {strides = array<i32>} : memref<8x128xf32, #tpu.memory_space<vmem>>, vector<1x16xf32>,
      %get3A_117 = vector.shape_cast %get3A_116 : vector<1x16xf32> to vector<16xf32>
      %bitcast_convert_type3A_118 = tpu.bitcast %get3A_117 : vector<16xf32> -> vector<16xi32>
      %get3A_119 = arith.constant 0 : i32
      %get3A_120 = arith.index_cast %get3A_119 : i32 to index
      %get3A_121 = arith.constant 80 : index
      %get3A_122 = tpu.vector_load %arg10[%get3A_120, %get3A_121] {strides = array<i32>} : memref<8x128xf32, #tpu.memory_space<vmem>>, vector<1x16xf32>,
      %get3A_123 = vector.shape_cast %get3A_122 : vector<1x16xf32> to vector<16xf32>
      %bitcast_convert_type3A_124 = tpu.bitcast %get3A_123 : vector<16xf32> -> vector<16xi32>
      %add3A_125 = arith.addi %bitcast_convert_type3A_118, %broadcast_in_dim3A_26 : vector<16xi32>
      %shift_right_logical3A_126 = arith.constant 16 : i32
      %shift_right_logical3A_127 = vector.broadcast %shift_right_logical3A_126 : i32 to vector<16xi32>
      %shift_right_logical3A_128 = arith.shrui %add3A_125, %shift_right_logical3A_127 : vector<16xi32>
      %add3A_129 = arith.addi %bitcast_convert_type3A_124, %broadcast_in_dim3A_26 : vector<16xi32>
      %and3A_130 = arith.andi %add3A_129, %broadcast_in_dim3A_28 : vector<16xi32>
      %or3A_131 = arith.ori %shift_right_logical3A_128, %and3A_130 : vector<16xi32>
      %swap3A_132 = arith.constant 0 : i32
      %swap3A_133 = arith.index_cast %swap3A_132 : i32 to index
      %swap3A_134 = arith.constant 32 : index
      %swap3A_135 = tpu.vector_load %arg11[%swap3A_133, %swap3A_134] {strides = array<i32>} : memref<8x64xi32, #tpu.memory_space<vmem>>, vector<1x16xi32>,
      %swap3A_136 = vector.shape_cast %swap3A_135 : vector<1x16xi32> to vector<16xi32>
      %swap3A_137 = vector.shape_cast %or3A_131 : vector<16xi32> to vector<1x16xi32>
      tpu.vector_store %arg11[%swap3A_133, %swap3A_134], %swap3A_137 {strides = array<i32>} : memref<8x64xi32, #tpu.memory_space<vmem>>, vector<1x16xi32>,
      %get3A_138 = arith.constant 0 : i32
      %get3A_139 = arith.index_cast %get3A_138 : i32 to index
      %get3A_140 = arith.constant 96 : index
      %get3A_141 = tpu.vector_load %arg10[%get3A_139, %get3A_140] {strides = array<i32>} : memref<8x128xf32, #tpu.memory_space<vmem>>, vector<1x16xf32>,
      %get3A_142 = vector.shape_cast %get3A_141 : vector<1x16xf32> to vector<16xf32>
      %bitcast_convert_type3A_143 = tpu.bitcast %get3A_142 : vector<16xf32> -> vector<16xi32>
      %get3A_144 = arith.constant 0 : i32
      %get3A_145 = arith.index_cast %get3A_144 : i32 to index
      %get3A_146 = arith.constant 112 : index
      %get3A_147 = tpu.vector_load %arg10[%get3A_145, %get3A_146] {strides = array<i32>} : memref<8x128xf32, #tpu.memory_space<vmem>>, vector<1x16xf32>,
      %get3A_148 = vector.shape_cast %get3A_147 : vector<1x16xf32> to vector<16xf32>
      %bitcast_convert_type3A_149 = tpu.bitcast %get3A_148 : vector<16xf32> -> vector<16xi32>
      %add3A_150 = arith.addi %bitcast_convert_type3A_143, %broadcast_in_dim3A_26 : vector<16xi32>
      %shift_right_logical3A_151 = arith.constant 16 : i32
      %shift_right_logical3A_152 = vector.broadcast %shift_right_logical3A_151 : i32 to vector<16xi32>
      %shift_right_logical3A_153 = arith.shrui %add3A_150, %shift_right_logical3A_152 : vector<16xi32>
      %add3A_154 = arith.addi %bitcast_convert_type3A_149, %broadcast_in_dim3A_26 : vector<16xi32>
      %and3A_155 = arith.andi %add3A_154, %broadcast_in_dim3A_28 : vector<16xi32>
      %or3A_156 = arith.ori %shift_right_logical3A_153, %and3A_155 : vector<16xi32>
      %swap3A_157 = arith.constant 0 : i32
      %swap3A_158 = arith.index_cast %swap3A_157 : i32 to index
      %swap3A_159 = arith.constant 48 : index
      %swap3A_160 = tpu.vector_load %arg11[%swap3A_158, %swap3A_159] {strides = array<i32>} : memref<8x64xi32, #tpu.memory_space<vmem>>, vector<1x16xi32>,
      %swap3A_161 = vector.shape_cast %swap3A_160 : vector<1x16xi32> to vector<16xi32>
      %swap3A_162 = vector.shape_cast %or3A_156 : vector<16xi32> to vector<1x16xi32>
      tpu.vector_store %arg11[%swap3A_158, %swap3A_159], %swap3A_162 {strides = array<i32>} : memref<8x64xi32, #tpu.memory_space<vmem>>, vector<1x16xi32>,
      %get3A_163 = arith.constant 1 : i32
      %get3A_164 = arith.index_cast %get3A_163 : i32 to index
      %get3A_165 = arith.constant 0 : index
      %get3A_166 = tpu.vector_load %arg10[%get3A_164, %get3A_165] {strides = array<i32>} : memref<8x128xf32, #tpu.memory_space<vmem>>, vector<1x16xf32>,
      %get3A_167 = vector.shape_cast %get3A_166 : vector<1x16xf32> to vector<16xf32>
      %bitcast_convert_type3A_168 = tpu.bitcast %get3A_167 : vector<16xf32> -> vector<16xi32>
      %get3A_169 = arith.constant 1 : i32
      %get3A_170 = arith.index_cast %get3A_169 : i32 to index
      %get3A_171 = arith.constant 16 : index
      %get3A_172 = tpu.vector_load %arg10[%get3A_170, %get3A_171] {strides = array<i32>} : memref<8x128xf32, #tpu.memory_space<vmem>>, vector<1x16xf32>,
      %get3A_173 = vector.shape_cast %get3A_172 : vector<1x16xf32> to vector<16xf32>
      %bitcast_convert_type3A_174 = tpu.bitcast %get3A_173 : vector<16xf32> -> vector<16xi32>
      %add3A_175 = arith.addi %bitcast_convert_type3A_168, %broadcast_in_dim3A_26 : vector<16xi32>
      %shift_right_logical3A_176 = arith.constant 16 : i32
      %shift_right_logical3A_177 = vector.broadcast %shift_right_logical3A_176 : i32 to vector<16xi32>
      %shift_right_logical3A_178 = arith.shrui %add3A_175, %shift_right_logical3A_177 : vector<16xi32>
      %add3A_179 = arith.addi %bitcast_convert_type3A_174, %broadcast_in_dim3A_26 : vector<16xi32>
      %and3A_180 = arith.andi %add3A_179, %broadcast_in_dim3A_28 : vector<16xi32>
      %or3A_181 = arith.ori %shift_right_logical3A_178, %and3A_180 : vector<16xi32>
      %swap3A_182 = arith.constant 1 : i32
      %swap3A_183 = arith.index_cast %swap3A_182 : i32 to index
      %swap3A_184 = arith.constant 0 : index
      %swap3A_185 = tpu.vector_load %arg11[%swap3A_183, %swap3A_184] {strides = array<i32>} : memref<8x64xi32, #tpu.memory_space<vmem>>, vector<1x16xi32>,
      %swap3A_186 = vector.shape_cast %swap3A_185 : vector<1x16xi32> to vector<16xi32>
      %swap3A_187 = vector.shape_cast %or3A_181 : vector<16xi32> to vector<1x16xi32>
      tpu.vector_store %arg11[%swap3A_183, %swap3A_184], %swap3A_187 {strides = array<i32>} : memref<8x64xi32, #tpu.memory_space<vmem>>, vector<1x16xi32>,
      %get3A_188 = arith.constant 1 : i32
      %get3A_189 = arith.index_cast %get3A_188 : i32 to index
      %get3A_190 = arith.constant 32 : index
      %get3A_191 = tpu.vector_load %arg10[%get3A_189, %get3A_190] {strides = array<i32>} : memref<8x128xf32, #tpu.memory_space<vmem>>, vector<1x16xf32>,
      %get3A_192 = vector.shape_cast %get3A_191 : vector<1x16xf32> to vector<16xf32>
      %bitcast_convert_type3A_193 = tpu.bitcast %get3A_192 : vector<16xf32> -> vector<16xi32>
      %get3A_194 = arith.constant 1 : i32
      %get3A_195 = arith.index_cast %get3A_194 : i32 to index
      %get3A_196 = arith.constant 48 : index
      %get3A_197 = tpu.vector_load %arg10[%get3A_195, %get3A_196] {strides = array<i32>} : memref<8x128xf32, #tpu.memory_space<vmem>>, vector<1x16xf32>,
      %get3A_198 = vector.shape_cast %get3A_197 : vector<1x16xf32> to vector<16xf32>
      %bitcast_convert_type3A_199 = tpu.bitcast %get3A_198 : vector<16xf32> -> vector<16xi32>
      %add3A_200 = arith.addi %bitcast_convert_type3A_193, %broadcast_in_dim3A_26 : vector<16xi32>
      %shift_right_logical3A_201 = arith.constant 16 : i32
      %shift_right_logical3A_202 = vector.broadcast %shift_right_logical3A_201 : i32 to vector<16xi32>
      %shift_right_logical3A_203 = arith.shrui %add3A_200, %shift_right_logical3A_202 : vector<16xi32>
      %add3A_204 = arith.addi %bitcast_convert_type3A_199, %broadcast_in_dim3A_26 : vector<16xi32>
      %and3A_205 = arith.andi %add3A_204, %broadcast_in_dim3A_28 : vector<16xi32>
      %or3A_206 = arith.ori %shift_right_logical3A_203, %and3A_205 : vector<16xi32>
      %swap3A_207 = arith.constant 1 : i32
      %swap3A_208 = arith.index_cast %swap3A_207 : i32 to index
      %swap3A_209 = arith.constant 16 : index
      %swap3A_210 = tpu.vector_load %arg11[%swap3A_208, %swap3A_209] {strides = array<i32>} : memref<8x64xi32, #tpu.memory_space<vmem>>, vector<1x16xi32>,
      %swap3A_211 = vector.shape_cast %swap3A_210 : vector<1x16xi32> to vector<16xi32>
      %swap3A_212 = vector.shape_cast %or3A_206 : vector<16xi32> to vector<1x16xi32>
      tpu.vector_store %arg11[%swap3A_208, %swap3A_209], %swap3A_212 {strides = array<i32>} : memref<8x64xi32, #tpu.memory_space<vmem>>, vector<1x16xi32>,
      %get3A_213 = arith.constant 1 : i32
      %get3A_214 = arith.index_cast %get3A_213 : i32 to index
      %get3A_215 = arith.constant 64 : index
      %get3A_216 = tpu.vector_load %arg10[%get3A_214, %get3A_215] {strides = array<i32>} : memref<8x128xf32, #tpu.memory_space<vmem>>, vector<1x16xf32>,
      %get3A_217 = vector.shape_cast %get3A_216 : vector<1x16xf32> to vector<16xf32>
      %bitcast_convert_type3A_218 = tpu.bitcast %get3A_217 : vector<16xf32> -> vector<16xi32>
      %get3A_219 = arith.constant 1 : i32
      %get3A_220 = arith.index_cast %get3A_219 : i32 to index
      %get3A_221 = arith.constant 80 : index
      %get3A_222 = tpu.vector_load %arg10[%get3A_220, %get3A_221] {strides = array<i32>} : memref<8x128xf32, #tpu.memory_space<vmem>>, vector<1x16xf32>,
      %get3A_223 = vector.shape_cast %get3A_222 : vector<1x16xf32> to vector<16xf32>
      %bitcast_convert_type3A_224 = tpu.bitcast %get3A_223 : vector<16xf32> -> vector<16xi32>
      %add3A_225 = arith.addi %bitcast_convert_type3A_218, %broadcast_in_dim3A_26 : vector<16xi32>
      %shift_right_logical3A_226 = arith.constant 16 : i32
      %shift_right_logical3A_227 = vector.broadcast %shift_right_logical3A_226 : i32 to vector<16xi32>
      %shift_right_logical3A_228 = arith.shrui %add3A_225, %shift_right_logical3A_227 : vector<16xi32>
      %add3A_229 = arith.addi %bitcast_convert_type3A_224, %broadcast_in_dim3A_26 : vector<16xi32>
      %and3A_230 = arith.andi %add3A_229, %broadcast_in_dim3A_28 : vector<16xi32>
      %or3A_231 = arith.ori %shift_right_logical3A_228, %and3A_230 : vector<16xi32>
      %swap3A_232 = arith.constant 1 : i32
      %swap3A_233 = arith.index_cast %swap3A_232 : i32 to index
      %swap3A_234 = arith.constant 32 : index
      %swap3A_235 = tpu.vector_load %arg11[%swap3A_233, %swap3A_234] {strides = array<i32>} : memref<8x64xi32, #tpu.memory_space<vmem>>, vector<1x16xi32>,
      %swap3A_236 = vector.shape_cast %swap3A_235 : vector<1x16xi32> to vector<16xi32>
      %swap3A_237 = vector.shape_cast %or3A_231 : vector<16xi32> to vector<1x16xi32>
      tpu.vector_store %arg11[%swap3A_233, %swap3A_234], %swap3A_237 {strides = array<i32>} : memref<8x64xi32, #tpu.memory_space<vmem>>, vector<1x16xi32>,
      %get3A_238 = arith.constant 1 : i32
      %get3A_239 = arith.index_cast %get3A_238 : i32 to index
      %get3A_240 = arith.constant 96 : index
      %get3A_241 = tpu.vector_load %arg10[%get3A_239, %get3A_240] {strides = array<i32>} : memref<8x128xf32, #tpu.memory_space<vmem>>, vector<1x16xf32>,
      %get3A_242 = vector.shape_cast %get3A_241 : vector<1x16xf32> to vector<16xf32>
      %bitcast_convert_type3A_243 = tpu.bitcast %get3A_242 : vector<16xf32> -> vector<16xi32>
      %get3A_244 = arith.constant 1 : i32
      %get3A_245 = arith.index_cast %get3A_244 : i32 to index
      %get3A_246 = arith.constant 112 : index
      %get3A_247 = tpu.vector_load %arg10[%get3A_245, %get3A_246] {strides = array<i32>} : memref<8x128xf32, #tpu.memory_space<vmem>>, vector<1x16xf32>,
      %get3A_248 = vector.shape_cast %get3A_247 : vector<1x16xf32> to vector<16xf32>
      %bitcast_convert_type3A_249 = tpu.bitcast %get3A_248 : vector<16xf32> -> vector<16xi32>
      %add3A_250 = arith.addi %bitcast_convert_type3A_243, %broadcast_in_dim3A_26 : vector<16xi32>
      %shift_right_logical3A_251 = arith.constant 16 : i32
      %shift_right_logical3A_252 = vector.broadcast %shift_right_logical3A_251 : i32 to vector<16xi32>
      %shift_right_logical3A_253 = arith.shrui %add3A_250, %shift_right_logical3A_252 : vector<16xi32>
      %add3A_254 = arith.addi %bitcast_convert_type3A_249, %broadcast_in_dim3A_26 : vector<16xi32>
      %and3A_255 = arith.andi %add3A_254, %broadcast_in_dim3A_28 : vector<16xi32>
      %or3A_256 = arith.ori %shift_right_logical3A_253, %and3A_255 : vector<16xi32>
      %swap3A_257 = arith.constant 1 : i32
      %swap3A_258 = arith.index_cast %swap3A_257 : i32 to index
      %swap3A_259 = arith.constant 48 : index
      %swap3A_260 = tpu.vector_load %arg11[%swap3A_258, %swap3A_259] {strides = array<i32>} : memref<8x64xi32, #tpu.memory_space<vmem>>, vector<1x16xi32>,
      %swap3A_261 = vector.shape_cast %swap3A_260 : vector<1x16xi32> to vector<16xi32>
      %swap3A_262 = vector.shape_cast %or3A_256 : vector<16xi32> to vector<1x16xi32>
      tpu.vector_store %arg11[%swap3A_258, %swap3A_259], %swap3A_262 {strides = array<i32>} : memref<8x64xi32, #tpu.memory_space<vmem>>, vector<1x16xi32>,
      %get3A_263 = arith.constant 2 : i32
      %get3A_264 = arith.index_cast %get3A_263 : i32 to index
      %get3A_265 = arith.constant 0 : index
      %get3A_266 = tpu.vector_load %arg10[%get3A_264, %get3A_265] {strides = array<i32>} : memref<8x128xf32, #tpu.memory_space<vmem>>, vector<1x16xf32>,
      %get3A_267 = vector.shape_cast %get3A_266 : vector<1x16xf32> to vector<16xf32>
      %bitcast_convert_type3A_268 = tpu.bitcast %get3A_267 : vector<16xf32> -> vector<16xi32>
      %get3A_269 = arith.constant 2 : i32
      %get3A_270 = arith.index_cast %get3A_269 : i32 to index
      %get3A_271 = arith.constant 16 : index
      %get3A_272 = tpu.vector_load %arg10[%get3A_270, %get3A_271] {strides = array<i32>} : memref<8x128xf32, #tpu.memory_space<vmem>>, vector<1x16xf32>,
      %get3A_273 = vector.shape_cast %get3A_272 : vector<1x16xf32> to vector<16xf32>
      %bitcast_convert_type3A_274 = tpu.bitcast %get3A_273 : vector<16xf32> -> vector<16xi32>
      %add3A_275 = arith.addi %bitcast_convert_type3A_268, %broadcast_in_dim3A_26 : vector<16xi32>
      %shift_right_logical3A_276 = arith.constant 16 : i32
      %shift_right_logical3A_277 = vector.broadcast %shift_right_logical3A_276 : i32 to vector<16xi32>
      %shift_right_logical3A_278 = arith.shrui %add3A_275, %shift_right_logical3A_277 : vector<16xi32>
      %add3A_279 = arith.addi %bitcast_convert_type3A_274, %broadcast_in_dim3A_26 : vector<16xi32>
      %and3A_280 = arith.andi %add3A_279, %broadcast_in_dim3A_28 : vector<16xi32>
      %or3A_281 = arith.ori %shift_right_logical3A_278, %and3A_280 : vector<16xi32>
      %swap3A_282 = arith.constant 2 : i32
      %swap3A_283 = arith.index_cast %swap3A_282 : i32 to index
      %swap3A_284 = arith.constant 0 : index
      %swap3A_285 = tpu.vector_load %arg11[%swap3A_283, %swap3A_284] {strides = array<i32>} : memref<8x64xi32, #tpu.memory_space<vmem>>, vector<1x16xi32>,
      %swap3A_286 = vector.shape_cast %swap3A_285 : vector<1x16xi32> to vector<16xi32>
      %swap3A_287 = vector.shape_cast %or3A_281 : vector<16xi32> to vector<1x16xi32>
      tpu.vector_store %arg11[%swap3A_283, %swap3A_284], %swap3A_287 {strides = array<i32>} : memref<8x64xi32, #tpu.memory_space<vmem>>, vector<1x16xi32>,
      %get3A_288 = arith.constant 2 : i32
      %get3A_289 = arith.index_cast %get3A_288 : i32 to index
      %get3A_290 = arith.constant 32 : index
      %get3A_291 = tpu.vector_load %arg10[%get3A_289, %get3A_290] {strides = array<i32>} : memref<8x128xf32, #tpu.memory_space<vmem>>, vector<1x16xf32>,
      %get3A_292 = vector.shape_cast %get3A_291 : vector<1x16xf32> to vector<16xf32>
      %bitcast_convert_type3A_293 = tpu.bitcast %get3A_292 : vector<16xf32> -> vector<16xi32>
      %get3A_294 = arith.constant 2 : i32
      %get3A_295 = arith.index_cast %get3A_294 : i32 to index
      %get3A_296 = arith.constant 48 : index
      %get3A_297 = tpu.vector_load %arg10[%get3A_295, %get3A_296] {strides = array<i32>} : memref<8x128xf32, #tpu.memory_space<vmem>>, vector<1x16xf32>,
      %get3A_298 = vector.shape_cast %get3A_297 : vector<1x16xf32> to vector<16xf32>
      %bitcast_convert_type3A_299 = tpu.bitcast %get3A_298 : vector<16xf32> -> vector<16xi32>
      %add3A_300 = arith.addi %bitcast_convert_type3A_293, %broadcast_in_dim3A_26 : vector<16xi32>
      %shift_right_logical3A_301 = arith.constant 16 : i32
      %shift_right_logical3A_302 = vector.broadcast %shift_right_logical3A_301 : i32 to vector<16xi32>
      %shift_right_logical3A_303 = arith.shrui %add3A_300, %shift_right_logical3A_302 : vector<16xi32>
      %add3A_304 = arith.addi %bitcast_convert_type3A_299, %broadcast_in_dim3A_26 : vector<16xi32>
      %and3A_305 = arith.andi %add3A_304, %broadcast_in_dim3A_28 : vector<16xi32>
      %or3A_306 = arith.ori %shift_right_logical3A_303, %and3A_305 : vector<16xi32>
      %swap3A_307 = arith.constant 2 : i32
      %swap3A_308 = arith.index_cast %swap3A_307 : i32 to index
      %swap3A_309 = arith.constant 16 : index
      %swap3A_310 = tpu.vector_load %arg11[%swap3A_308, %swap3A_309] {strides = array<i32>} : memref<8x64xi32, #tpu.memory_space<vmem>>, vector<1x16xi32>,
      %swap3A_311 = vector.shape_cast %swap3A_310 : vector<1x16xi32> to vector<16xi32>
      %swap3A_312 = vector.shape_cast %or3A_306 : vector<16xi32> to vector<1x16xi32>
      tpu.vector_store %arg11[%swap3A_308, %swap3A_309], %swap3A_312 {strides = array<i32>} : memref<8x64xi32, #tpu.memory_space<vmem>>, vector<1x16xi32>,
      %get3A_313 = arith.constant 2 : i32
      %get3A_314 = arith.index_cast %get3A_313 : i32 to index
      %get3A_315 = arith.constant 64 : index
      %get3A_316 = tpu.vector_load %arg10[%get3A_314, %get3A_315] {strides = array<i32>} : memref<8x128xf32, #tpu.memory_space<vmem>>, vector<1x16xf32>,
      %get3A_317 = vector.shape_cast %get3A_316 : vector<1x16xf32> to vector<16xf32>
      %bitcast_convert_type3A_318 = tpu.bitcast %get3A_317 : vector<16xf32> -> vector<16xi32>
      %get3A_319 = arith.constant 2 : i32
      %get3A_320 = arith.index_cast %get3A_319 : i32 to index
      %get3A_321 = arith.constant 80 : index
      %get3A_322 = tpu.vector_load %arg10[%get3A_320, %get3A_321] {strides = array<i32>} : memref<8x128xf32, #tpu.memory_space<vmem>>, vector<1x16xf32>,
      %get3A_323 = vector.shape_cast %get3A_322 : vector<1x16xf32> to vector<16xf32>
      %bitcast_convert_type3A_324 = tpu.bitcast %get3A_323 : vector<16xf32> -> vector<16xi32>
      %add3A_325 = arith.addi %bitcast_convert_type3A_318, %broadcast_in_dim3A_26 : vector<16xi32>
      %shift_right_logical3A_326 = arith.constant 16 : i32
      %shift_right_logical3A_327 = vector.broadcast %shift_right_logical3A_326 : i32 to vector<16xi32>
      %shift_right_logical3A_328 = arith.shrui %add3A_325, %shift_right_logical3A_327 : vector<16xi32>
      %add3A_329 = arith.addi %bitcast_convert_type3A_324, %broadcast_in_dim3A_26 : vector<16xi32>
      %and3A_330 = arith.andi %add3A_329, %broadcast_in_dim3A_28 : vector<16xi32>
      %or3A_331 = arith.ori %shift_right_logical3A_328, %and3A_330 : vector<16xi32>
      %swap3A_332 = arith.constant 2 : i32
      %swap3A_333 = arith.index_cast %swap3A_332 : i32 to index
      %swap3A_334 = arith.constant 32 : index
      %swap3A_335 = tpu.vector_load %arg11[%swap3A_333, %swap3A_334] {strides = array<i32>} : memref<8x64xi32, #tpu.memory_space<vmem>>, vector<1x16xi32>,
      %swap3A_336 = vector.shape_cast %swap3A_335 : vector<1x16xi32> to vector<16xi32>
      %swap3A_337 = vector.shape_cast %or3A_331 : vector<16xi32> to vector<1x16xi32>
      tpu.vector_store %arg11[%swap3A_333, %swap3A_334], %swap3A_337 {strides = array<i32>} : memref<8x64xi32, #tpu.memory_space<vmem>>, vector<1x16xi32>,
      %get3A_338 = arith.constant 2 : i32
      %get3A_339 = arith.index_cast %get3A_338 : i32 to index
      %get3A_340 = arith.constant 96 : index
      %get3A_341 = tpu.vector_load %arg10[%get3A_339, %get3A_340] {strides = array<i32>} : memref<8x128xf32, #tpu.memory_space<vmem>>, vector<1x16xf32>,
      %get3A_342 = vector.shape_cast %get3A_341 : vector<1x16xf32> to vector<16xf32>
      %bitcast_convert_type3A_343 = tpu.bitcast %get3A_342 : vector<16xf32> -> vector<16xi32>
      %get3A_344 = arith.constant 2 : i32
      %get3A_345 = arith.index_cast %get3A_344 : i32 to index
      %get3A_346 = arith.constant 112 : index
      %get3A_347 = tpu.vector_load %arg10[%get3A_345, %get3A_346] {strides = array<i32>} : memref<8x128xf32, #tpu.memory_space<vmem>>, vector<1x16xf32>,
      %get3A_348 = vector.shape_cast %get3A_347 : vector<1x16xf32> to vector<16xf32>
      %bitcast_convert_type3A_349 = tpu.bitcast %get3A_348 : vector<16xf32> -> vector<16xi32>
      %add3A_350 = arith.addi %bitcast_convert_type3A_343, %broadcast_in_dim3A_26 : vector<16xi32>
      %shift_right_logical3A_351 = arith.constant 16 : i32
      %shift_right_logical3A_352 = vector.broadcast %shift_right_logical3A_351 : i32 to vector<16xi32>
      %shift_right_logical3A_353 = arith.shrui %add3A_350, %shift_right_logical3A_352 : vector<16xi32>
      %add3A_354 = arith.addi %bitcast_convert_type3A_349, %broadcast_in_dim3A_26 : vector<16xi32>
      %and3A_355 = arith.andi %add3A_354, %broadcast_in_dim3A_28 : vector<16xi32>
      %or3A_356 = arith.ori %shift_right_logical3A_353, %and3A_355 : vector<16xi32>
      %swap3A_357 = arith.constant 2 : i32
      %swap3A_358 = arith.index_cast %swap3A_357 : i32 to index
      %swap3A_359 = arith.constant 48 : index
      %swap3A_360 = tpu.vector_load %arg11[%swap3A_358, %swap3A_359] {strides = array<i32>} : memref<8x64xi32, #tpu.memory_space<vmem>>, vector<1x16xi32>,
      %swap3A_361 = vector.shape_cast %swap3A_360 : vector<1x16xi32> to vector<16xi32>
      %swap3A_362 = vector.shape_cast %or3A_356 : vector<16xi32> to vector<1x16xi32>
      tpu.vector_store %arg11[%swap3A_358, %swap3A_359], %swap3A_362 {strides = array<i32>} : memref<8x64xi32, #tpu.memory_space<vmem>>, vector<1x16xi32>,
      %get3A_363 = arith.constant 3 : i32
      %get3A_364 = arith.index_cast %get3A_363 : i32 to index
      %get3A_365 = arith.constant 0 : index
      %get3A_366 = tpu.vector_load %arg10[%get3A_364, %get3A_365] {strides = array<i32>} : memref<8x128xf32, #tpu.memory_space<vmem>>, vector<1x16xf32>,
      %get3A_367 = vector.shape_cast %get3A_366 : vector<1x16xf32> to vector<16xf32>
      %bitcast_convert_type3A_368 = tpu.bitcast %get3A_367 : vector<16xf32> -> vector<16xi32>
      %get3A_369 = arith.constant 3 : i32
      %get3A_370 = arith.index_cast %get3A_369 : i32 to index
      %get3A_371 = arith.constant 16 : index
      %get3A_372 = tpu.vector_load %arg10[%get3A_370, %get3A_371] {strides = array<i32>} : memref<8x128xf32, #tpu.memory_space<vmem>>, vector<1x16xf32>,
      %get3A_373 = vector.shape_cast %get3A_372 : vector<1x16xf32> to vector<16xf32>
      %bitcast_convert_type3A_374 = tpu.bitcast %get3A_373 : vector<16xf32> -> vector<16xi32>
      %add3A_375 = arith.addi %bitcast_convert_type3A_368, %broadcast_in_dim3A_26 : vector<16xi32>
      %shift_right_logical3A_376 = arith.constant 16 : i32
      %shift_right_logical3A_377 = vector.broadcast %shift_right_logical3A_376 : i32 to vector<16xi32>
      %shift_right_logical3A_378 = arith.shrui %add3A_375, %shift_right_logical3A_377 : vector<16xi32>
      %add3A_379 = arith.addi %bitcast_convert_type3A_374, %broadcast_in_dim3A_26 : vector<16xi32>
      %and3A_380 = arith.andi %add3A_379, %broadcast_in_dim3A_28 : vector<16xi32>
      %or3A_381 = arith.ori %shift_right_logical3A_378, %and3A_380 : vector<16xi32>
      %swap3A_382 = arith.constant 3 : i32
      %swap3A_383 = arith.index_cast %swap3A_382 : i32 to index
      %swap3A_384 = arith.constant 0 : index
      %swap3A_385 = tpu.vector_load %arg11[%swap3A_383, %swap3A_384] {strides = array<i32>} : memref<8x64xi32, #tpu.memory_space<vmem>>, vector<1x16xi32>,
      %swap3A_386 = vector.shape_cast %swap3A_385 : vector<1x16xi32> to vector<16xi32>
      %swap3A_387 = vector.shape_cast %or3A_381 : vector<16xi32> to vector<1x16xi32>
      tpu.vector_store %arg11[%swap3A_383, %swap3A_384], %swap3A_387 {strides = array<i32>} : memref<8x64xi32, #tpu.memory_space<vmem>>, vector<1x16xi32>,
      %get3A_388 = arith.constant 3 : i32
      %get3A_389 = arith.index_cast %get3A_388 : i32 to index
      %get3A_390 = arith.constant 32 : index
      %get3A_391 = tpu.vector_load %arg10[%get3A_389, %get3A_390] {strides = array<i32>} : memref<8x128xf32, #tpu.memory_space<vmem>>, vector<1x16xf32>,
      %get3A_392 = vector.shape_cast %get3A_391 : vector<1x16xf32> to vector<16xf32>
      %bitcast_convert_type3A_393 = tpu.bitcast %get3A_392 : vector<16xf32> -> vector<16xi32>
      %get3A_394 = arith.constant 3 : i32
      %get3A_395 = arith.index_cast %get3A_394 : i32 to index
      %get3A_396 = arith.constant 48 : index
      %get3A_397 = tpu.vector_load %arg10[%get3A_395, %get3A_396] {strides = array<i32>} : memref<8x128xf32, #tpu.memory_space<vmem>>, vector<1x16xf32>,
      %get3A_398 = vector.shape_cast %get3A_397 : vector<1x16xf32> to vector<16xf32>
      %bitcast_convert_type3A_399 = tpu.bitcast %get3A_398 : vector<16xf32> -> vector<16xi32>
      %add3A_400 = arith.addi %bitcast_convert_type3A_393, %broadcast_in_dim3A_26 : vector<16xi32>
      %shift_right_logical3A_401 = arith.constant 16 : i32
      %shift_right_logical3A_402 = vector.broadcast %shift_right_logical3A_401 : i32 to vector<16xi32>
      %shift_right_logical3A_403 = arith.shrui %add3A_400, %shift_right_logical3A_402 : vector<16xi32>
      %add3A_404 = arith.addi %bitcast_convert_type3A_399, %broadcast_in_dim3A_26 : vector<16xi32>
      %and3A_405 = arith.andi %add3A_404, %broadcast_in_dim3A_28 : vector<16xi32>
      %or3A_406 = arith.ori %shift_right_logical3A_403, %and3A_405 : vector<16xi32>
      %swap3A_407 = arith.constant 3 : i32
      %swap3A_408 = arith.index_cast %swap3A_407 : i32 to index
      %swap3A_409 = arith.constant 16 : index
      %swap3A_410 = tpu.vector_load %arg11[%swap3A_408, %swap3A_409] {strides = array<i32>} : memref<8x64xi32, #tpu.memory_space<vmem>>, vector<1x16xi32>,
      %swap3A_411 = vector.shape_cast %swap3A_410 : vector<1x16xi32> to vector<16xi32>
      %swap3A_412 = vector.shape_cast %or3A_406 : vector<16xi32> to vector<1x16xi32>
      tpu.vector_store %arg11[%swap3A_408, %swap3A_409], %swap3A_412 {strides = array<i32>} : memref<8x64xi32, #tpu.memory_space<vmem>>, vector<1x16xi32>,
      %get3A_413 = arith.constant 3 : i32
      %get3A_414 = arith.index_cast %get3A_413 : i32 to index
      %get3A_415 = arith.constant 64 : index
      %get3A_416 = tpu.vector_load %arg10[%get3A_414, %get3A_415] {strides = array<i32>} : memref<8x128xf32, #tpu.memory_space<vmem>>, vector<1x16xf32>,
      %get3A_417 = vector.shape_cast %get3A_416 : vector<1x16xf32> to vector<16xf32>
      %bitcast_convert_type3A_418 = tpu.bitcast %get3A_417 : vector<16xf32> -> vector<16xi32>
      %get3A_419 = arith.constant 3 : i32
      %get3A_420 = arith.index_cast %get3A_419 : i32 to index
      %get3A_421 = arith.constant 80 : index
      %get3A_422 = tpu.vector_load %arg10[%get3A_420, %get3A_421] {strides = array<i32>} : memref<8x128xf32, #tpu.memory_space<vmem>>, vector<1x16xf32>,
      %get3A_423 = vector.shape_cast %get3A_422 : vector<1x16xf32> to vector<16xf32>
      %bitcast_convert_type3A_424 = tpu.bitcast %get3A_423 : vector<16xf32> -> vector<16xi32>
      %add3A_425 = arith.addi %bitcast_convert_type3A_418, %broadcast_in_dim3A_26 : vector<16xi32>
      %shift_right_logical3A_426 = arith.constant 16 : i32
      %shift_right_logical3A_427 = vector.broadcast %shift_right_logical3A_426 : i32 to vector<16xi32>
      %shift_right_logical3A_428 = arith.shrui %add3A_425, %shift_right_logical3A_427 : vector<16xi32>
      %add3A_429 = arith.addi %bitcast_convert_type3A_424, %broadcast_in_dim3A_26 : vector<16xi32>
      %and3A_430 = arith.andi %add3A_429, %broadcast_in_dim3A_28 : vector<16xi32>
      %or3A_431 = arith.ori %shift_right_logical3A_428, %and3A_430 : vector<16xi32>
      %swap3A_432 = arith.constant 3 : i32
      %swap3A_433 = arith.index_cast %swap3A_432 : i32 to index
      %swap3A_434 = arith.constant 32 : index
      %swap3A_435 = tpu.vector_load %arg11[%swap3A_433, %swap3A_434] {strides = array<i32>} : memref<8x64xi32, #tpu.memory_space<vmem>>, vector<1x16xi32>,
      %swap3A_436 = vector.shape_cast %swap3A_435 : vector<1x16xi32> to vector<16xi32>
      %swap3A_437 = vector.shape_cast %or3A_431 : vector<16xi32> to vector<1x16xi32>
      tpu.vector_store %arg11[%swap3A_433, %swap3A_434], %swap3A_437 {strides = array<i32>} : memref<8x64xi32, #tpu.memory_space<vmem>>, vector<1x16xi32>,
      %get3A_438 = arith.constant 3 : i32
      %get3A_439 = arith.index_cast %get3A_438 : i32 to index
      %get3A_440 = arith.constant 96 : index
      %get3A_441 = tpu.vector_load %arg10[%get3A_439, %get3A_440] {strides = array<i32>} : memref<8x128xf32, #tpu.memory_space<vmem>>, vector<1x16xf32>,
      %get3A_442 = vector.shape_cast %get3A_441 : vector<1x16xf32> to vector<16xf32>
      %bitcast_convert_type3A_443 = tpu.bitcast %get3A_442 : vector<16xf32> -> vector<16xi32>
      %get3A_444 = arith.constant 3 : i32
      %get3A_445 = arith.index_cast %get3A_444 : i32 to index
      %get3A_446 = arith.constant 112 : index
      %get3A_447 = tpu.vector_load %arg10[%get3A_445, %get3A_446] {strides = array<i32>} : memref<8x128xf32, #tpu.memory_space<vmem>>, vector<1x16xf32>,
      %get3A_448 = vector.shape_cast %get3A_447 : vector<1x16xf32> to vector<16xf32>
      %bitcast_convert_type3A_449 = tpu.bitcast %get3A_448 : vector<16xf32> -> vector<16xi32>
      %add3A_450 = arith.addi %bitcast_convert_type3A_443, %broadcast_in_dim3A_26 : vector<16xi32>
      %shift_right_logical3A_451 = arith.constant 16 : i32
      %shift_right_logical3A_452 = vector.broadcast %shift_right_logical3A_451 : i32 to vector<16xi32>
      %shift_right_logical3A_453 = arith.shrui %add3A_450, %shift_right_logical3A_452 : vector<16xi32>
      %add3A_454 = arith.addi %bitcast_convert_type3A_449, %broadcast_in_dim3A_26 : vector<16xi32>
      %and3A_455 = arith.andi %add3A_454, %broadcast_in_dim3A_28 : vector<16xi32>
      %or3A_456 = arith.ori %shift_right_logical3A_453, %and3A_455 : vector<16xi32>
      %swap3A_457 = arith.constant 3 : i32
      %swap3A_458 = arith.index_cast %swap3A_457 : i32 to index
      %swap3A_459 = arith.constant 48 : index
      %swap3A_460 = tpu.vector_load %arg11[%swap3A_458, %swap3A_459] {strides = array<i32>} : memref<8x64xi32, #tpu.memory_space<vmem>>, vector<1x16xi32>,
      %swap3A_461 = vector.shape_cast %swap3A_460 : vector<1x16xi32> to vector<16xi32>
      %swap3A_462 = vector.shape_cast %or3A_456 : vector<16xi32> to vector<1x16xi32>
      tpu.vector_store %arg11[%swap3A_458, %swap3A_459], %swap3A_462 {strides = array<i32>} : memref<8x64xi32, #tpu.memory_space<vmem>>, vector<1x16xi32>,
      %get3A_463 = arith.constant 4 : i32
      %get3A_464 = arith.index_cast %get3A_463 : i32 to index
      %get3A_465 = arith.constant 0 : index
      %get3A_466 = tpu.vector_load %arg10[%get3A_464, %get3A_465] {strides = array<i32>} : memref<8x128xf32, #tpu.memory_space<vmem>>, vector<1x16xf32>,
      %get3A_467 = vector.shape_cast %get3A_466 : vector<1x16xf32> to vector<16xf32>
      %bitcast_convert_type3A_468 = tpu.bitcast %get3A_467 : vector<16xf32> -> vector<16xi32>
      %get3A_469 = arith.constant 4 : i32
      %get3A_470 = arith.index_cast %get3A_469 : i32 to index
      %get3A_471 = arith.constant 16 : index
      %get3A_472 = tpu.vector_load %arg10[%get3A_470, %get3A_471] {strides = array<i32>} : memref<8x128xf32, #tpu.memory_space<vmem>>, vector<1x16xf32>,
      %get3A_473 = vector.shape_cast %get3A_472 : vector<1x16xf32> to vector<16xf32>
      %bitcast_convert_type3A_474 = tpu.bitcast %get3A_473 : vector<16xf32> -> vector<16xi32>
      %add3A_475 = arith.addi %bitcast_convert_type3A_468, %broadcast_in_dim3A_26 : vector<16xi32>
      %shift_right_logical3A_476 = arith.constant 16 : i32
      %shift_right_logical3A_477 = vector.broadcast %shift_right_logical3A_476 : i32 to vector<16xi32>
      %shift_right_logical3A_478 = arith.shrui %add3A_475, %shift_right_logical3A_477 : vector<16xi32>
      %add3A_479 = arith.addi %bitcast_convert_type3A_474, %broadcast_in_dim3A_26 : vector<16xi32>
      %and3A_480 = arith.andi %add3A_479, %broadcast_in_dim3A_28 : vector<16xi32>
      %or3A_481 = arith.ori %shift_right_logical3A_478, %and3A_480 : vector<16xi32>
      %swap3A_482 = arith.constant 4 : i32
      %swap3A_483 = arith.index_cast %swap3A_482 : i32 to index
      %swap3A_484 = arith.constant 0 : index
      %swap3A_485 = tpu.vector_load %arg11[%swap3A_483, %swap3A_484] {strides = array<i32>} : memref<8x64xi32, #tpu.memory_space<vmem>>, vector<1x16xi32>,
      %swap3A_486 = vector.shape_cast %swap3A_485 : vector<1x16xi32> to vector<16xi32>
      %swap3A_487 = vector.shape_cast %or3A_481 : vector<16xi32> to vector<1x16xi32>
      tpu.vector_store %arg11[%swap3A_483, %swap3A_484], %swap3A_487 {strides = array<i32>} : memref<8x64xi32, #tpu.memory_space<vmem>>, vector<1x16xi32>,
      %get3A_488 = arith.constant 4 : i32
      %get3A_489 = arith.index_cast %get3A_488 : i32 to index
      %get3A_490 = arith.constant 32 : index
      %get3A_491 = tpu.vector_load %arg10[%get3A_489, %get3A_490] {strides = array<i32>} : memref<8x128xf32, #tpu.memory_space<vmem>>, vector<1x16xf32>,
      %get3A_492 = vector.shape_cast %get3A_491 : vector<1x16xf32> to vector<16xf32>
      %bitcast_convert_type3A_493 = tpu.bitcast %get3A_492 : vector<16xf32> -> vector<16xi32>
      %get3A_494 = arith.constant 4 : i32
      %get3A_495 = arith.index_cast %get3A_494 : i32 to index
      %get3A_496 = arith.constant 48 : index
      %get3A_497 = tpu.vector_load %arg10[%get3A_495, %get3A_496] {strides = array<i32>} : memref<8x128xf32, #tpu.memory_space<vmem>>, vector<1x16xf32>,
      %get3A_498 = vector.shape_cast %get3A_497 : vector<1x16xf32> to vector<16xf32>
      %bitcast_convert_type3A_499 = tpu.bitcast %get3A_498 : vector<16xf32> -> vector<16xi32>
      %add3A_500 = arith.addi %bitcast_convert_type3A_493, %broadcast_in_dim3A_26 : vector<16xi32>
      %shift_right_logical3A_501 = arith.constant 16 : i32
      %shift_right_logical3A_502 = vector.broadcast %shift_right_logical3A_501 : i32 to vector<16xi32>
      %shift_right_logical3A_503 = arith.shrui %add3A_500, %shift_right_logical3A_502 : vector<16xi32>
      %add3A_504 = arith.addi %bitcast_convert_type3A_499, %broadcast_in_dim3A_26 : vector<16xi32>
      %and3A_505 = arith.andi %add3A_504, %broadcast_in_dim3A_28 : vector<16xi32>
      %or3A_506 = arith.ori %shift_right_logical3A_503, %and3A_505 : vector<16xi32>
      %swap3A_507 = arith.constant 4 : i32
      %swap3A_508 = arith.index_cast %swap3A_507 : i32 to index
      %swap3A_509 = arith.constant 16 : index
      %swap3A_510 = tpu.vector_load %arg11[%swap3A_508, %swap3A_509] {strides = array<i32>} : memref<8x64xi32, #tpu.memory_space<vmem>>, vector<1x16xi32>,
      %swap3A_511 = vector.shape_cast %swap3A_510 : vector<1x16xi32> to vector<16xi32>
      %swap3A_512 = vector.shape_cast %or3A_506 : vector<16xi32> to vector<1x16xi32>
      tpu.vector_store %arg11[%swap3A_508, %swap3A_509], %swap3A_512 {strides = array<i32>} : memref<8x64xi32, #tpu.memory_space<vmem>>, vector<1x16xi32>,
      %get3A_513 = arith.constant 4 : i32
      %get3A_514 = arith.index_cast %get3A_513 : i32 to index
      %get3A_515 = arith.constant 64 : index
      %get3A_516 = tpu.vector_load %arg10[%get3A_514, %get3A_515] {strides = array<i32>} : memref<8x128xf32, #tpu.memory_space<vmem>>, vector<1x16xf32>,
      %get3A_517 = vector.shape_cast %get3A_516 : vector<1x16xf32> to vector<16xf32>
      %bitcast_convert_type3A_518 = tpu.bitcast %get3A_517 : vector<16xf32> -> vector<16xi32>
      %get3A_519 = arith.constant 4 : i32
      %get3A_520 = arith.index_cast %get3A_519 : i32 to index
      %get3A_521 = arith.constant 80 : index
      %get3A_522 = tpu.vector_load %arg10[%get3A_520, %get3A_521] {strides = array<i32>} : memref<8x128xf32, #tpu.memory_space<vmem>>, vector<1x16xf32>,
      %get3A_523 = vector.shape_cast %get3A_522 : vector<1x16xf32> to vector<16xf32>
      %bitcast_convert_type3A_524 = tpu.bitcast %get3A_523 : vector<16xf32> -> vector<16xi32>
      %add3A_525 = arith.addi %bitcast_convert_type3A_518, %broadcast_in_dim3A_26 : vector<16xi32>
      %shift_right_logical3A_526 = arith.constant 16 : i32
      %shift_right_logical3A_527 = vector.broadcast %shift_right_logical3A_526 : i32 to vector<16xi32>
      %shift_right_logical3A_528 = arith.shrui %add3A_525, %shift_right_logical3A_527 : vector<16xi32>
      %add3A_529 = arith.addi %bitcast_convert_type3A_524, %broadcast_in_dim3A_26 : vector<16xi32>
      %and3A_530 = arith.andi %add3A_529, %broadcast_in_dim3A_28 : vector<16xi32>
      %or3A_531 = arith.ori %shift_right_logical3A_528, %and3A_530 : vector<16xi32>
      %swap3A_532 = arith.constant 4 : i32
      %swap3A_533 = arith.index_cast %swap3A_532 : i32 to index
      %swap3A_534 = arith.constant 32 : index
      %swap3A_535 = tpu.vector_load %arg11[%swap3A_533, %swap3A_534] {strides = array<i32>} : memref<8x64xi32, #tpu.memory_space<vmem>>, vector<1x16xi32>,
      %swap3A_536 = vector.shape_cast %swap3A_535 : vector<1x16xi32> to vector<16xi32>
      %swap3A_537 = vector.shape_cast %or3A_531 : vector<16xi32> to vector<1x16xi32>
      tpu.vector_store %arg11[%swap3A_533, %swap3A_534], %swap3A_537 {strides = array<i32>} : memref<8x64xi32, #tpu.memory_space<vmem>>, vector<1x16xi32>,
      %get3A_538 = arith.constant 4 : i32
      %get3A_539 = arith.index_cast %get3A_538 : i32 to index
      %get3A_540 = arith.constant 96 : index
      %get3A_541 = tpu.vector_load %arg10[%get3A_539, %get3A_540] {strides = array<i32>} : memref<8x128xf32, #tpu.memory_space<vmem>>, vector<1x16xf32>,
      %get3A_542 = vector.shape_cast %get3A_541 : vector<1x16xf32> to vector<16xf32>
      %bitcast_convert_type3A_543 = tpu.bitcast %get3A_542 : vector<16xf32> -> vector<16xi32>
      %get3A_544 = arith.constant 4 : i32
      %get3A_545 = arith.index_cast %get3A_544 : i32 to index
      %get3A_546 = arith.constant 112 : index
      %get3A_547 = tpu.vector_load %arg10[%get3A_545, %get3A_546] {strides = array<i32>} : memref<8x128xf32, #tpu.memory_space<vmem>>, vector<1x16xf32>,
      %get3A_548 = vector.shape_cast %get3A_547 : vector<1x16xf32> to vector<16xf32>
      %bitcast_convert_type3A_549 = tpu.bitcast %get3A_548 : vector<16xf32> -> vector<16xi32>
      %add3A_550 = arith.addi %bitcast_convert_type3A_543, %broadcast_in_dim3A_26 : vector<16xi32>
      %shift_right_logical3A_551 = arith.constant 16 : i32
      %shift_right_logical3A_552 = vector.broadcast %shift_right_logical3A_551 : i32 to vector<16xi32>
      %shift_right_logical3A_553 = arith.shrui %add3A_550, %shift_right_logical3A_552 : vector<16xi32>
      %add3A_554 = arith.addi %bitcast_convert_type3A_549, %broadcast_in_dim3A_26 : vector<16xi32>
      %and3A_555 = arith.andi %add3A_554, %broadcast_in_dim3A_28 : vector<16xi32>
      %or3A_556 = arith.ori %shift_right_logical3A_553, %and3A_555 : vector<16xi32>
      %swap3A_557 = arith.constant 4 : i32
      %swap3A_558 = arith.index_cast %swap3A_557 : i32 to index
      %swap3A_559 = arith.constant 48 : index
      %swap3A_560 = tpu.vector_load %arg11[%swap3A_558, %swap3A_559] {strides = array<i32>} : memref<8x64xi32, #tpu.memory_space<vmem>>, vector<1x16xi32>,
      %swap3A_561 = vector.shape_cast %swap3A_560 : vector<1x16xi32> to vector<16xi32>
      %swap3A_562 = vector.shape_cast %or3A_556 : vector<16xi32> to vector<1x16xi32>
      tpu.vector_store %arg11[%swap3A_558, %swap3A_559], %swap3A_562 {strides = array<i32>} : memref<8x64xi32, #tpu.memory_space<vmem>>, vector<1x16xi32>,
      %get3A_563 = arith.constant 5 : i32
      %get3A_564 = arith.index_cast %get3A_563 : i32 to index
      %get3A_565 = arith.constant 0 : index
      %get3A_566 = tpu.vector_load %arg10[%get3A_564, %get3A_565] {strides = array<i32>} : memref<8x128xf32, #tpu.memory_space<vmem>>, vector<1x16xf32>,
      %get3A_567 = vector.shape_cast %get3A_566 : vector<1x16xf32> to vector<16xf32>
      %bitcast_convert_type3A_568 = tpu.bitcast %get3A_567 : vector<16xf32> -> vector<16xi32>
      %get3A_569 = arith.constant 5 : i32
      %get3A_570 = arith.index_cast %get3A_569 : i32 to index
      %get3A_571 = arith.constant 16 : index
      %get3A_572 = tpu.vector_load %arg10[%get3A_570, %get3A_571] {strides = array<i32>} : memref<8x128xf32, #tpu.memory_space<vmem>>, vector<1x16xf32>,
      %get3A_573 = vector.shape_cast %get3A_572 : vector<1x16xf32> to vector<16xf32>
      %bitcast_convert_type3A_574 = tpu.bitcast %get3A_573 : vector<16xf32> -> vector<16xi32>
      %add3A_575 = arith.addi %bitcast_convert_type3A_568, %broadcast_in_dim3A_26 : vector<16xi32>
      %shift_right_logical3A_576 = arith.constant 16 : i32
      %shift_right_logical3A_577 = vector.broadcast %shift_right_logical3A_576 : i32 to vector<16xi32>
      %shift_right_logical3A_578 = arith.shrui %add3A_575, %shift_right_logical3A_577 : vector<16xi32>
      %add3A_579 = arith.addi %bitcast_convert_type3A_574, %broadcast_in_dim3A_26 : vector<16xi32>
      %and3A_580 = arith.andi %add3A_579, %broadcast_in_dim3A_28 : vector<16xi32>
      %or3A_581 = arith.ori %shift_right_logical3A_578, %and3A_580 : vector<16xi32>
      %swap3A_582 = arith.constant 5 : i32
      %swap3A_583 = arith.index_cast %swap3A_582 : i32 to index
      %swap3A_584 = arith.constant 0 : index
      %swap3A_585 = tpu.vector_load %arg11[%swap3A_583, %swap3A_584] {strides = array<i32>} : memref<8x64xi32, #tpu.memory_space<vmem>>, vector<1x16xi32>,
      %swap3A_586 = vector.shape_cast %swap3A_585 : vector<1x16xi32> to vector<16xi32>
      %swap3A_587 = vector.shape_cast %or3A_581 : vector<16xi32> to vector<1x16xi32>
      tpu.vector_store %arg11[%swap3A_583, %swap3A_584], %swap3A_587 {strides = array<i32>} : memref<8x64xi32, #tpu.memory_space<vmem>>, vector<1x16xi32>,
      %get3A_588 = arith.constant 5 : i32
      %get3A_589 = arith.index_cast %get3A_588 : i32 to index
      %get3A_590 = arith.constant 32 : index
      %get3A_591 = tpu.vector_load %arg10[%get3A_589, %get3A_590] {strides = array<i32>} : memref<8x128xf32, #tpu.memory_space<vmem>>, vector<1x16xf32>,
      %get3A_592 = vector.shape_cast %get3A_591 : vector<1x16xf32> to vector<16xf32>
      %bitcast_convert_type3A_593 = tpu.bitcast %get3A_592 : vector<16xf32> -> vector<16xi32>
      %get3A_594 = arith.constant 5 : i32
      %get3A_595 = arith.index_cast %get3A_594 : i32 to index
      %get3A_596 = arith.constant 48 : index
      %get3A_597 = tpu.vector_load %arg10[%get3A_595, %get3A_596] {strides = array<i32>} : memref<8x128xf32, #tpu.memory_space<vmem>>, vector<1x16xf32>,
      %get3A_598 = vector.shape_cast %get3A_597 : vector<1x16xf32> to vector<16xf32>
      %bitcast_convert_type3A_599 = tpu.bitcast %get3A_598 : vector<16xf32> -> vector<16xi32>
      %add3A_600 = arith.addi %bitcast_convert_type3A_593, %broadcast_in_dim3A_26 : vector<16xi32>
      %shift_right_logical3A_601 = arith.constant 16 : i32
      %shift_right_logical3A_602 = vector.broadcast %shift_right_logical3A_601 : i32 to vector<16xi32>
      %shift_right_logical3A_603 = arith.shrui %add3A_600, %shift_right_logical3A_602 : vector<16xi32>
      %add3A_604 = arith.addi %bitcast_convert_type3A_599, %broadcast_in_dim3A_26 : vector<16xi32>
      %and3A_605 = arith.andi %add3A_604, %broadcast_in_dim3A_28 : vector<16xi32>
      %or3A_606 = arith.ori %shift_right_logical3A_603, %and3A_605 : vector<16xi32>
      %swap3A_607 = arith.constant 5 : i32
      %swap3A_608 = arith.index_cast %swap3A_607 : i32 to index
      %swap3A_609 = arith.constant 16 : index
      %swap3A_610 = tpu.vector_load %arg11[%swap3A_608, %swap3A_609] {strides = array<i32>} : memref<8x64xi32, #tpu.memory_space<vmem>>, vector<1x16xi32>,
      %swap3A_611 = vector.shape_cast %swap3A_610 : vector<1x16xi32> to vector<16xi32>
      %swap3A_612 = vector.shape_cast %or3A_606 : vector<16xi32> to vector<1x16xi32>
      tpu.vector_store %arg11[%swap3A_608, %swap3A_609], %swap3A_612 {strides = array<i32>} : memref<8x64xi32, #tpu.memory_space<vmem>>, vector<1x16xi32>,
      %get3A_613 = arith.constant 5 : i32
      %get3A_614 = arith.index_cast %get3A_613 : i32 to index
      %get3A_615 = arith.constant 64 : index
      %get3A_616 = tpu.vector_load %arg10[%get3A_614, %get3A_615] {strides = array<i32>} : memref<8x128xf32, #tpu.memory_space<vmem>>, vector<1x16xf32>,
      %get3A_617 = vector.shape_cast %get3A_616 : vector<1x16xf32> to vector<16xf32>
      %bitcast_convert_type3A_618 = tpu.bitcast %get3A_617 : vector<16xf32> -> vector<16xi32>
      %get3A_619 = arith.constant 5 : i32
      %get3A_620 = arith.index_cast %get3A_619 : i32 to index
      %get3A_621 = arith.constant 80 : index
      %get3A_622 = tpu.vector_load %arg10[%get3A_620, %get3A_621] {strides = array<i32>} : memref<8x128xf32, #tpu.memory_space<vmem>>, vector<1x16xf32>,
      %get3A_623 = vector.shape_cast %get3A_622 : vector<1x16xf32> to vector<16xf32>
      %bitcast_convert_type3A_624 = tpu.bitcast %get3A_623 : vector<16xf32> -> vector<16xi32>
      %add3A_625 = arith.addi %bitcast_convert_type3A_618, %broadcast_in_dim3A_26 : vector<16xi32>
      %shift_right_logical3A_626 = arith.constant 16 : i32
      %shift_right_logical3A_627 = vector.broadcast %shift_right_logical3A_626 : i32 to vector<16xi32>
      %shift_right_logical3A_628 = arith.shrui %add3A_625, %shift_right_logical3A_627 : vector<16xi32>
      %add3A_629 = arith.addi %bitcast_convert_type3A_624, %broadcast_in_dim3A_26 : vector<16xi32>
      %and3A_630 = arith.andi %add3A_629, %broadcast_in_dim3A_28 : vector<16xi32>
      %or3A_631 = arith.ori %shift_right_logical3A_628, %and3A_630 : vector<16xi32>
      %swap3A_632 = arith.constant 5 : i32
      %swap3A_633 = arith.index_cast %swap3A_632 : i32 to index
      %swap3A_634 = arith.constant 32 : index
      %swap3A_635 = tpu.vector_load %arg11[%swap3A_633, %swap3A_634] {strides = array<i32>} : memref<8x64xi32, #tpu.memory_space<vmem>>, vector<1x16xi32>,
      %swap3A_636 = vector.shape_cast %swap3A_635 : vector<1x16xi32> to vector<16xi32>
      %swap3A_637 = vector.shape_cast %or3A_631 : vector<16xi32> to vector<1x16xi32>
      tpu.vector_store %arg11[%swap3A_633, %swap3A_634], %swap3A_637 {strides = array<i32>} : memref<8x64xi32, #tpu.memory_space<vmem>>, vector<1x16xi32>,
      %get3A_638 = arith.constant 5 : i32
      %get3A_639 = arith.index_cast %get3A_638 : i32 to index
      %get3A_640 = arith.constant 96 : index
      %get3A_641 = tpu.vector_load %arg10[%get3A_639, %get3A_640] {strides = array<i32>} : memref<8x128xf32, #tpu.memory_space<vmem>>, vector<1x16xf32>,
      %get3A_642 = vector.shape_cast %get3A_641 : vector<1x16xf32> to vector<16xf32>
      %bitcast_convert_type3A_643 = tpu.bitcast %get3A_642 : vector<16xf32> -> vector<16xi32>
      %get3A_644 = arith.constant 5 : i32
      %get3A_645 = arith.index_cast %get3A_644 : i32 to index
      %get3A_646 = arith.constant 112 : index
      %get3A_647 = tpu.vector_load %arg10[%get3A_645, %get3A_646] {strides = array<i32>} : memref<8x128xf32, #tpu.memory_space<vmem>>, vector<1x16xf32>,
      %get3A_648 = vector.shape_cast %get3A_647 : vector<1x16xf32> to vector<16xf32>
      %bitcast_convert_type3A_649 = tpu.bitcast %get3A_648 : vector<16xf32> -> vector<16xi32>
      %add3A_650 = arith.addi %bitcast_convert_type3A_643, %broadcast_in_dim3A_26 : vector<16xi32>
      %shift_right_logical3A_651 = arith.constant 16 : i32
      %shift_right_logical3A_652 = vector.broadcast %shift_right_logical3A_651 : i32 to vector<16xi32>
      %shift_right_logical3A_653 = arith.shrui %add3A_650, %shift_right_logical3A_652 : vector<16xi32>
      %add3A_654 = arith.addi %bitcast_convert_type3A_649, %broadcast_in_dim3A_26 : vector<16xi32>
      %and3A_655 = arith.andi %add3A_654, %broadcast_in_dim3A_28 : vector<16xi32>
      %or3A_656 = arith.ori %shift_right_logical3A_653, %and3A_655 : vector<16xi32>
      %swap3A_657 = arith.constant 5 : i32
      %swap3A_658 = arith.index_cast %swap3A_657 : i32 to index
      %swap3A_659 = arith.constant 48 : index
      %swap3A_660 = tpu.vector_load %arg11[%swap3A_658, %swap3A_659] {strides = array<i32>} : memref<8x64xi32, #tpu.memory_space<vmem>>, vector<1x16xi32>,
      %swap3A_661 = vector.shape_cast %swap3A_660 : vector<1x16xi32> to vector<16xi32>
      %swap3A_662 = vector.shape_cast %or3A_656 : vector<16xi32> to vector<1x16xi32>
      tpu.vector_store %arg11[%swap3A_658, %swap3A_659], %swap3A_662 {strides = array<i32>} : memref<8x64xi32, #tpu.memory_space<vmem>>, vector<1x16xi32>,
      %get3A_663 = arith.constant 6 : i32
      %get3A_664 = arith.index_cast %get3A_663 : i32 to index
      %get3A_665 = arith.constant 0 : index
      %get3A_666 = tpu.vector_load %arg10[%get3A_664, %get3A_665] {strides = array<i32>} : memref<8x128xf32, #tpu.memory_space<vmem>>, vector<1x16xf32>,
      %get3A_667 = vector.shape_cast %get3A_666 : vector<1x16xf32> to vector<16xf32>
      %bitcast_convert_type3A_668 = tpu.bitcast %get3A_667 : vector<16xf32> -> vector<16xi32>
      %get3A_669 = arith.constant 6 : i32
      %get3A_670 = arith.index_cast %get3A_669 : i32 to index
      %get3A_671 = arith.constant 16 : index
      %get3A_672 = tpu.vector_load %arg10[%get3A_670, %get3A_671] {strides = array<i32>} : memref<8x128xf32, #tpu.memory_space<vmem>>, vector<1x16xf32>,
      %get3A_673 = vector.shape_cast %get3A_672 : vector<1x16xf32> to vector<16xf32>
      %bitcast_convert_type3A_674 = tpu.bitcast %get3A_673 : vector<16xf32> -> vector<16xi32>
      %add3A_675 = arith.addi %bitcast_convert_type3A_668, %broadcast_in_dim3A_26 : vector<16xi32>
      %shift_right_logical3A_676 = arith.constant 16 : i32
      %shift_right_logical3A_677 = vector.broadcast %shift_right_logical3A_676 : i32 to vector<16xi32>
      %shift_right_logical3A_678 = arith.shrui %add3A_675, %shift_right_logical3A_677 : vector<16xi32>
      %add3A_679 = arith.addi %bitcast_convert_type3A_674, %broadcast_in_dim3A_26 : vector<16xi32>
      %and3A_680 = arith.andi %add3A_679, %broadcast_in_dim3A_28 : vector<16xi32>
      %or3A_681 = arith.ori %shift_right_logical3A_678, %and3A_680 : vector<16xi32>
      %swap3A_682 = arith.constant 6 : i32
      %swap3A_683 = arith.index_cast %swap3A_682 : i32 to index
      %swap3A_684 = arith.constant 0 : index
      %swap3A_685 = tpu.vector_load %arg11[%swap3A_683, %swap3A_684] {strides = array<i32>} : memref<8x64xi32, #tpu.memory_space<vmem>>, vector<1x16xi32>,
      %swap3A_686 = vector.shape_cast %swap3A_685 : vector<1x16xi32> to vector<16xi32>
      %swap3A_687 = vector.shape_cast %or3A_681 : vector<16xi32> to vector<1x16xi32>
      tpu.vector_store %arg11[%swap3A_683, %swap3A_684], %swap3A_687 {strides = array<i32>} : memref<8x64xi32, #tpu.memory_space<vmem>>, vector<1x16xi32>,
      %get3A_688 = arith.constant 6 : i32
      %get3A_689 = arith.index_cast %get3A_688 : i32 to index
      %get3A_690 = arith.constant 32 : index
      %get3A_691 = tpu.vector_load %arg10[%get3A_689, %get3A_690] {strides = array<i32>} : memref<8x128xf32, #tpu.memory_space<vmem>>, vector<1x16xf32>,
      %get3A_692 = vector.shape_cast %get3A_691 : vector<1x16xf32> to vector<16xf32>
      %bitcast_convert_type3A_693 = tpu.bitcast %get3A_692 : vector<16xf32> -> vector<16xi32>
      %get3A_694 = arith.constant 6 : i32
      %get3A_695 = arith.index_cast %get3A_694 : i32 to index
      %get3A_696 = arith.constant 48 : index
      %get3A_697 = tpu.vector_load %arg10[%get3A_695, %get3A_696] {strides = array<i32>} : memref<8x128xf32, #tpu.memory_space<vmem>>, vector<1x16xf32>,
      %get3A_698 = vector.shape_cast %get3A_697 : vector<1x16xf32> to vector<16xf32>
      %bitcast_convert_type3A_699 = tpu.bitcast %get3A_698 : vector<16xf32> -> vector<16xi32>
      %add3A_700 = arith.addi %bitcast_convert_type3A_693, %broadcast_in_dim3A_26 : vector<16xi32>
      %shift_right_logical3A_701 = arith.constant 16 : i32
      %shift_right_logical3A_702 = vector.broadcast %shift_right_logical3A_701 : i32 to vector<16xi32>
      %shift_right_logical3A_703 = arith.shrui %add3A_700, %shift_right_logical3A_702 : vector<16xi32>
      %add3A_704 = arith.addi %bitcast_convert_type3A_699, %broadcast_in_dim3A_26 : vector<16xi32>
      %and3A_705 = arith.andi %add3A_704, %broadcast_in_dim3A_28 : vector<16xi32>
      %or3A_706 = arith.ori %shift_right_logical3A_703, %and3A_705 : vector<16xi32>
      %swap3A_707 = arith.constant 6 : i32
      %swap3A_708 = arith.index_cast %swap3A_707 : i32 to index
      %swap3A_709 = arith.constant 16 : index
      %swap3A_710 = tpu.vector_load %arg11[%swap3A_708, %swap3A_709] {strides = array<i32>} : memref<8x64xi32, #tpu.memory_space<vmem>>, vector<1x16xi32>,
      %swap3A_711 = vector.shape_cast %swap3A_710 : vector<1x16xi32> to vector<16xi32>
      %swap3A_712 = vector.shape_cast %or3A_706 : vector<16xi32> to vector<1x16xi32>
      tpu.vector_store %arg11[%swap3A_708, %swap3A_709], %swap3A_712 {strides = array<i32>} : memref<8x64xi32, #tpu.memory_space<vmem>>, vector<1x16xi32>,
      %get3A_713 = arith.constant 6 : i32
      %get3A_714 = arith.index_cast %get3A_713 : i32 to index
      %get3A_715 = arith.constant 64 : index
      %get3A_716 = tpu.vector_load %arg10[%get3A_714, %get3A_715] {strides = array<i32>} : memref<8x128xf32, #tpu.memory_space<vmem>>, vector<1x16xf32>,
      %get3A_717 = vector.shape_cast %get3A_716 : vector<1x16xf32> to vector<16xf32>
      %bitcast_convert_type3A_718 = tpu.bitcast %get3A_717 : vector<16xf32> -> vector<16xi32>
      %get3A_719 = arith.constant 6 : i32
      %get3A_720 = arith.index_cast %get3A_719 : i32 to index
      %get3A_721 = arith.constant 80 : index
      %get3A_722 = tpu.vector_load %arg10[%get3A_720, %get3A_721] {strides = array<i32>} : memref<8x128xf32, #tpu.memory_space<vmem>>, vector<1x16xf32>,
      %get3A_723 = vector.shape_cast %get3A_722 : vector<1x16xf32> to vector<16xf32>
      %bitcast_convert_type3A_724 = tpu.bitcast %get3A_723 : vector<16xf32> -> vector<16xi32>
      %add3A_725 = arith.addi %bitcast_convert_type3A_718, %broadcast_in_dim3A_26 : vector<16xi32>
      %shift_right_logical3A_726 = arith.constant 16 : i32
      %shift_right_logical3A_727 = vector.broadcast %shift_right_logical3A_726 : i32 to vector<16xi32>
      %shift_right_logical3A_728 = arith.shrui %add3A_725, %shift_right_logical3A_727 : vector<16xi32>
      %add3A_729 = arith.addi %bitcast_convert_type3A_724, %broadcast_in_dim3A_26 : vector<16xi32>
      %and3A_730 = arith.andi %add3A_729, %broadcast_in_dim3A_28 : vector<16xi32>
      %or3A_731 = arith.ori %shift_right_logical3A_728, %and3A_730 : vector<16xi32>
      %swap3A_732 = arith.constant 6 : i32
      %swap3A_733 = arith.index_cast %swap3A_732 : i32 to index
      %swap3A_734 = arith.constant 32 : index
      %swap3A_735 = tpu.vector_load %arg11[%swap3A_733, %swap3A_734] {strides = array<i32>} : memref<8x64xi32, #tpu.memory_space<vmem>>, vector<1x16xi32>,
      %swap3A_736 = vector.shape_cast %swap3A_735 : vector<1x16xi32> to vector<16xi32>
      %swap3A_737 = vector.shape_cast %or3A_731 : vector<16xi32> to vector<1x16xi32>
      tpu.vector_store %arg11[%swap3A_733, %swap3A_734], %swap3A_737 {strides = array<i32>} : memref<8x64xi32, #tpu.memory_space<vmem>>, vector<1x16xi32>,
      %get3A_738 = arith.constant 6 : i32
      %get3A_739 = arith.index_cast %get3A_738 : i32 to index
      %get3A_740 = arith.constant 96 : index
      %get3A_741 = tpu.vector_load %arg10[%get3A_739, %get3A_740] {strides = array<i32>} : memref<8x128xf32, #tpu.memory_space<vmem>>, vector<1x16xf32>,
      %get3A_742 = vector.shape_cast %get3A_741 : vector<1x16xf32> to vector<16xf32>
      %bitcast_convert_type3A_743 = tpu.bitcast %get3A_742 : vector<16xf32> -> vector<16xi32>
      %get3A_744 = arith.constant 6 : i32
      %get3A_745 = arith.index_cast %get3A_744 : i32 to index
      %get3A_746 = arith.constant 112 : index
      %get3A_747 = tpu.vector_load %arg10[%get3A_745, %get3A_746] {strides = array<i32>} : memref<8x128xf32, #tpu.memory_space<vmem>>, vector<1x16xf32>,
      %get3A_748 = vector.shape_cast %get3A_747 : vector<1x16xf32> to vector<16xf32>
      %bitcast_convert_type3A_749 = tpu.bitcast %get3A_748 : vector<16xf32> -> vector<16xi32>
      %add3A_750 = arith.addi %bitcast_convert_type3A_743, %broadcast_in_dim3A_26 : vector<16xi32>
      %shift_right_logical3A_751 = arith.constant 16 : i32
      %shift_right_logical3A_752 = vector.broadcast %shift_right_logical3A_751 : i32 to vector<16xi32>
      %shift_right_logical3A_753 = arith.shrui %add3A_750, %shift_right_logical3A_752 : vector<16xi32>
      %add3A_754 = arith.addi %bitcast_convert_type3A_749, %broadcast_in_dim3A_26 : vector<16xi32>
      %and3A_755 = arith.andi %add3A_754, %broadcast_in_dim3A_28 : vector<16xi32>
      %or3A_756 = arith.ori %shift_right_logical3A_753, %and3A_755 : vector<16xi32>
      %swap3A_757 = arith.constant 6 : i32
      %swap3A_758 = arith.index_cast %swap3A_757 : i32 to index
      %swap3A_759 = arith.constant 48 : index
      %swap3A_760 = tpu.vector_load %arg11[%swap3A_758, %swap3A_759] {strides = array<i32>} : memref<8x64xi32, #tpu.memory_space<vmem>>, vector<1x16xi32>,
      %swap3A_761 = vector.shape_cast %swap3A_760 : vector<1x16xi32> to vector<16xi32>
      %swap3A_762 = vector.shape_cast %or3A_756 : vector<16xi32> to vector<1x16xi32>
      tpu.vector_store %arg11[%swap3A_758, %swap3A_759], %swap3A_762 {strides = array<i32>} : memref<8x64xi32, #tpu.memory_space<vmem>>, vector<1x16xi32>,
      %get3A_763 = arith.constant 7 : i32
      %get3A_764 = arith.index_cast %get3A_763 : i32 to index
      %get3A_765 = arith.constant 0 : index
      %get3A_766 = tpu.vector_load %arg10[%get3A_764, %get3A_765] {strides = array<i32>} : memref<8x128xf32, #tpu.memory_space<vmem>>, vector<1x16xf32>,
      %get3A_767 = vector.shape_cast %get3A_766 : vector<1x16xf32> to vector<16xf32>
      %bitcast_convert_type3A_768 = tpu.bitcast %get3A_767 : vector<16xf32> -> vector<16xi32>
      %get3A_769 = arith.constant 7 : i32
      %get3A_770 = arith.index_cast %get3A_769 : i32 to index
      %get3A_771 = arith.constant 16 : index
      %get3A_772 = tpu.vector_load %arg10[%get3A_770, %get3A_771] {strides = array<i32>} : memref<8x128xf32, #tpu.memory_space<vmem>>, vector<1x16xf32>,
      %get3A_773 = vector.shape_cast %get3A_772 : vector<1x16xf32> to vector<16xf32>
      %bitcast_convert_type3A_774 = tpu.bitcast %get3A_773 : vector<16xf32> -> vector<16xi32>
      %add3A_775 = arith.addi %bitcast_convert_type3A_768, %broadcast_in_dim3A_26 : vector<16xi32>
      %shift_right_logical3A_776 = arith.constant 16 : i32
      %shift_right_logical3A_777 = vector.broadcast %shift_right_logical3A_776 : i32 to vector<16xi32>
      %shift_right_logical3A_778 = arith.shrui %add3A_775, %shift_right_logical3A_777 : vector<16xi32>
      %add3A_779 = arith.addi %bitcast_convert_type3A_774, %broadcast_in_dim3A_26 : vector<16xi32>
      %and3A_780 = arith.andi %add3A_779, %broadcast_in_dim3A_28 : vector<16xi32>
      %or3A_781 = arith.ori %shift_right_logical3A_778, %and3A_780 : vector<16xi32>
      %swap3A_782 = arith.constant 7 : i32
      %swap3A_783 = arith.index_cast %swap3A_782 : i32 to index
      %swap3A_784 = arith.constant 0 : index
      %swap3A_785 = tpu.vector_load %arg11[%swap3A_783, %swap3A_784] {strides = array<i32>} : memref<8x64xi32, #tpu.memory_space<vmem>>, vector<1x16xi32>,
      %swap3A_786 = vector.shape_cast %swap3A_785 : vector<1x16xi32> to vector<16xi32>
      %swap3A_787 = vector.shape_cast %or3A_781 : vector<16xi32> to vector<1x16xi32>
      tpu.vector_store %arg11[%swap3A_783, %swap3A_784], %swap3A_787 {strides = array<i32>} : memref<8x64xi32, #tpu.memory_space<vmem>>, vector<1x16xi32>,
      %get3A_788 = arith.constant 7 : i32
      %get3A_789 = arith.index_cast %get3A_788 : i32 to index
      %get3A_790 = arith.constant 32 : index
      %get3A_791 = tpu.vector_load %arg10[%get3A_789, %get3A_790] {strides = array<i32>} : memref<8x128xf32, #tpu.memory_space<vmem>>, vector<1x16xf32>,
      %get3A_792 = vector.shape_cast %get3A_791 : vector<1x16xf32> to vector<16xf32>
      %bitcast_convert_type3A_793 = tpu.bitcast %get3A_792 : vector<16xf32> -> vector<16xi32>
      %get3A_794 = arith.constant 7 : i32
      %get3A_795 = arith.index_cast %get3A_794 : i32 to index
      %get3A_796 = arith.constant 48 : index
      %get3A_797 = tpu.vector_load %arg10[%get3A_795, %get3A_796] {strides = array<i32>} : memref<8x128xf32, #tpu.memory_space<vmem>>, vector<1x16xf32>,
      %get3A_798 = vector.shape_cast %get3A_797 : vector<1x16xf32> to vector<16xf32>
      %bitcast_convert_type3A_799 = tpu.bitcast %get3A_798 : vector<16xf32> -> vector<16xi32>
      %add3A_800 = arith.addi %bitcast_convert_type3A_793, %broadcast_in_dim3A_26 : vector<16xi32>
      %shift_right_logical3A_801 = arith.constant 16 : i32
      %shift_right_logical3A_802 = vector.broadcast %shift_right_logical3A_801 : i32 to vector<16xi32>
      %shift_right_logical3A_803 = arith.shrui %add3A_800, %shift_right_logical3A_802 : vector<16xi32>
      %add3A_804 = arith.addi %bitcast_convert_type3A_799, %broadcast_in_dim3A_26 : vector<16xi32>
      %and3A_805 = arith.andi %add3A_804, %broadcast_in_dim3A_28 : vector<16xi32>
      %or3A_806 = arith.ori %shift_right_logical3A_803, %and3A_805 : vector<16xi32>
      %swap3A_807 = arith.constant 7 : i32
      %swap3A_808 = arith.index_cast %swap3A_807 : i32 to index
      %swap3A_809 = arith.constant 16 : index
      %swap3A_810 = tpu.vector_load %arg11[%swap3A_808, %swap3A_809] {strides = array<i32>} : memref<8x64xi32, #tpu.memory_space<vmem>>, vector<1x16xi32>,
      %swap3A_811 = vector.shape_cast %swap3A_810 : vector<1x16xi32> to vector<16xi32>
      %swap3A_812 = vector.shape_cast %or3A_806 : vector<16xi32> to vector<1x16xi32>
      tpu.vector_store %arg11[%swap3A_808, %swap3A_809], %swap3A_812 {strides = array<i32>} : memref<8x64xi32, #tpu.memory_space<vmem>>, vector<1x16xi32>,
      %get3A_813 = arith.constant 7 : i32
      %get3A_814 = arith.index_cast %get3A_813 : i32 to index
      %get3A_815 = arith.constant 64 : index
      %get3A_816 = tpu.vector_load %arg10[%get3A_814, %get3A_815] {strides = array<i32>} : memref<8x128xf32, #tpu.memory_space<vmem>>, vector<1x16xf32>,
      %get3A_817 = vector.shape_cast %get3A_816 : vector<1x16xf32> to vector<16xf32>
      %bitcast_convert_type3A_818 = tpu.bitcast %get3A_817 : vector<16xf32> -> vector<16xi32>
      %get3A_819 = arith.constant 7 : i32
      %get3A_820 = arith.index_cast %get3A_819 : i32 to index
      %get3A_821 = arith.constant 80 : index
      %get3A_822 = tpu.vector_load %arg10[%get3A_820, %get3A_821] {strides = array<i32>} : memref<8x128xf32, #tpu.memory_space<vmem>>, vector<1x16xf32>,
      %get3A_823 = vector.shape_cast %get3A_822 : vector<1x16xf32> to vector<16xf32>
      %bitcast_convert_type3A_824 = tpu.bitcast %get3A_823 : vector<16xf32> -> vector<16xi32>
      %add3A_825 = arith.addi %bitcast_convert_type3A_818, %broadcast_in_dim3A_26 : vector<16xi32>
      %shift_right_logical3A_826 = arith.constant 16 : i32
      %shift_right_logical3A_827 = vector.broadcast %shift_right_logical3A_826 : i32 to vector<16xi32>
      %shift_right_logical3A_828 = arith.shrui %add3A_825, %shift_right_logical3A_827 : vector<16xi32>
      %add3A_829 = arith.addi %bitcast_convert_type3A_824, %broadcast_in_dim3A_26 : vector<16xi32>
      %and3A_830 = arith.andi %add3A_829, %broadcast_in_dim3A_28 : vector<16xi32>
      %or3A_831 = arith.ori %shift_right_logical3A_828, %and3A_830 : vector<16xi32>
      %swap3A_832 = arith.constant 7 : i32
      %swap3A_833 = arith.index_cast %swap3A_832 : i32 to index
      %swap3A_834 = arith.constant 32 : index
      %swap3A_835 = tpu.vector_load %arg11[%swap3A_833, %swap3A_834] {strides = array<i32>} : memref<8x64xi32, #tpu.memory_space<vmem>>, vector<1x16xi32>,
      %swap3A_836 = vector.shape_cast %swap3A_835 : vector<1x16xi32> to vector<16xi32>
      %swap3A_837 = vector.shape_cast %or3A_831 : vector<16xi32> to vector<1x16xi32>
      tpu.vector_store %arg11[%swap3A_833, %swap3A_834], %swap3A_837 {strides = array<i32>} : memref<8x64xi32, #tpu.memory_space<vmem>>, vector<1x16xi32>,
      %get3A_838 = arith.constant 7 : i32
      %get3A_839 = arith.index_cast %get3A_838 : i32 to index
      %get3A_840 = arith.constant 96 : index
      %get3A_841 = tpu.vector_load %arg10[%get3A_839, %get3A_840] {strides = array<i32>} : memref<8x128xf32, #tpu.memory_space<vmem>>, vector<1x16xf32>,
      %get3A_842 = vector.shape_cast %get3A_841 : vector<1x16xf32> to vector<16xf32>
      %bitcast_convert_type3A_843 = tpu.bitcast %get3A_842 : vector<16xf32> -> vector<16xi32>
      %get3A_844 = arith.constant 7 : i32
      %get3A_845 = arith.index_cast %get3A_844 : i32 to index
      %get3A_846 = arith.constant 112 : index
      %get3A_847 = tpu.vector_load %arg10[%get3A_845, %get3A_846] {strides = array<i32>} : memref<8x128xf32, #tpu.memory_space<vmem>>, vector<1x16xf32>,
      %get3A_848 = vector.shape_cast %get3A_847 : vector<1x16xf32> to vector<16xf32>
      %bitcast_convert_type3A_849 = tpu.bitcast %get3A_848 : vector<16xf32> -> vector<16xi32>
      %add3A_850 = arith.addi %bitcast_convert_type3A_843, %broadcast_in_dim3A_26 : vector<16xi32>
      %shift_right_logical3A_851 = arith.constant 16 : i32
      %shift_right_logical3A_852 = vector.broadcast %shift_right_logical3A_851 : i32 to vector<16xi32>
      %shift_right_logical3A_853 = arith.shrui %add3A_850, %shift_right_logical3A_852 : vector<16xi32>
      %add3A_854 = arith.addi %bitcast_convert_type3A_849, %broadcast_in_dim3A_26 : vector<16xi32>
      %and3A_855 = arith.andi %add3A_854, %broadcast_in_dim3A_28 : vector<16xi32>
      %or3A_856 = arith.ori %shift_right_logical3A_853, %and3A_855 : vector<16xi32>
      %swap3A_857 = arith.constant 7 : i32
      %swap3A_858 = arith.index_cast %swap3A_857 : i32 to index
      %swap3A_859 = arith.constant 48 : index
      %swap3A_860 = tpu.vector_load %arg11[%swap3A_858, %swap3A_859] {strides = array<i32>} : memref<8x64xi32, #tpu.memory_space<vmem>>, vector<1x16xi32>,
      %swap3A_861 = vector.shape_cast %swap3A_860 : vector<1x16xi32> to vector<16xi32>
      %swap3A_862 = vector.shape_cast %or3A_856 : vector<16xi32> to vector<1x16xi32>
      tpu.vector_store %arg11[%swap3A_858, %swap3A_859], %swap3A_862 {strides = array<i32>} : memref<8x64xi32, #tpu.memory_space<vmem>>, vector<1x16xi32>,
      "tpu.region"() ({
        %run_scoped3A = tpu.sem_alloc : memref<!tpu.dma_semaphore, #tpu.memory_space<semaphore_mem>>
        %dma_start3A = arith.constant 0 : i32
        %dma_start3A_863 = tpu.memref_slice %arg5[%multiple_of3A_67, %dma_start3A] : memref<20000x64xi32, #tpu.memory_space<hbm>> -> memref<8x64xi32, #tpu.memory_space<hbm>>
        %dma_start3A_864 = arith.constant 0 : i32
        %dma_start3A_865 = tpu.memref_slice %arg5[%multiple_of3A_67, %dma_start3A_864] : memref<20000x64xi32, #tpu.memory_space<hbm>> -> memref<8x64xi32, #tpu.memory_space<hbm>>
        tpu.enqueue_dma source(%arg11 : memref<8x64xi32, #tpu.memory_space<vmem>>) target(%dma_start3A_865 : memref<8x64xi32, #tpu.memory_space<hbm>>) target_semaphore(%run_scoped3A : memref<!tpu.dma_semaphore, #tpu.memory_space<semaphore_mem>>)
        %dma_wait3A = arith.constant 0 : i32
        %dma_wait3A_866 = tpu.memref_slice %arg5[%multiple_of3A_67, %dma_wait3A] : memref<20000x64xi32, #tpu.memory_space<hbm>> -> memref<8x64xi32, #tpu.memory_space<hbm>>
        %dma_wait3A_867 = arith.constant 0 : i32
        %dma_wait3A_868 = tpu.memref_slice %arg5[%multiple_of3A_67, %dma_wait3A_867] : memref<20000x64xi32, #tpu.memory_space<hbm>> -> memref<8x64xi32, #tpu.memory_space<hbm>>
        tpu.wait_dma2 semaphore(%run_scoped3A : memref<!tpu.dma_semaphore, #tpu.memory_space<semaphore_mem>>) src(%arg11 : memref<8x64xi32, #tpu.memory_space<vmem>>) dst(%dma_wait3A_868 : memref<8x64xi32, #tpu.memory_space<hbm>>)
        tpu.yield
      }) : () -> ()
    }
    return
  }
}

#map = affine_map<(d0, d1) -> (0, 0, 0)>
#map1 = affine_map<(d0, d1) -> (0, 0)>
module attributes {stable_mosaic.version = 14 : i64} {
  func.func @_sc_degree(%arg0: i32, %arg1: i32, %arg2: memref<32x79x128xi32, #tpu.memory_space<hbm>>, %arg3: memref<20224x16xf32, #tpu.memory_space<hbm>>, %arg4: memref<79x128xi32, #tpu.memory_space<vmem>>, %arg5: memref<128x128xf32, #tpu.memory_space<vmem>>, %arg6: memref<8x128xf32, #tpu.memory_space<vmem>>, %arg7: memref<8x16xf32, #tpu.memory_space<vmem>>, %arg8: memref<10112x128xf32, #tpu.memory_space<vmem_shared>>) attributes {dimension_semantics = [#tpu.dimension_semantics<core_parallel>, #tpu.dimension_semantics<subcore_parallel>], iteration_bounds = array<i64: 2, 16>, scalar_prefetch = 0 : i64, scratch_operands = 5 : i64, tpu.core_type = #tpu.core_type<sc_vector_subcore>, window_params = [{transform_indices = #map}, {transform_indices = #map1}]} {
    %mul3A = arith.constant 2 : i32
    %mul3A_0 = arith.muli %arg1, %mul3A : i32
    %add3A = arith.addi %mul3A_0, %arg0 : i32
    %mul3A_1 = arith.constant 632 : i32
    %mul3A_2 = arith.muli %arg1, %mul3A_1 : i32
    %broadcast_in_dim3A = arith.constant 1.000000e+00 : f32
    %broadcast_in_dim3A_3 = vector.broadcast %broadcast_in_dim3A : f32 to vector<16xf32>
    %scan3A = arith.constant 0 : i32
    %scan3A_4 = arith.constant 0 : i32
    %scan3A_5 = arith.constant 128 : i32
    %scan3A_6 = arith.addi %scan3A_4, %scan3A_5 : i32
    %scan3A_7 = arith.constant 1 : i32
    scf.for %scan3A_39 = %scan3A_4 to %scan3A_6 step %scan3A_7  : i32 {
      %swap3A = arith.index_cast %scan3A_39 : i32 to index
      %swap3A_40 = arith.constant 0 : index
      %swap3A_41 = tpu.vector_load %arg5[%swap3A, %swap3A_40] {strides = array<i32>} : memref<128x128xf32, #tpu.memory_space<vmem>>, vector<1x16xf32>,
      %swap3A_42 = vector.shape_cast %swap3A_41 : vector<1x16xf32> to vector<16xf32>
      %swap3A_43 = vector.shape_cast %broadcast_in_dim3A_3 : vector<16xf32> to vector<1x16xf32>
      tpu.vector_store %arg5[%swap3A, %swap3A_40], %swap3A_43 {strides = array<i32>} : memref<128x128xf32, #tpu.memory_space<vmem>>, vector<1x16xf32>,
      %swap3A_44 = arith.index_cast %scan3A_39 : i32 to index
      %swap3A_45 = arith.constant 16 : index
      %swap3A_46 = tpu.vector_load %arg5[%swap3A_44, %swap3A_45] {strides = array<i32>} : memref<128x128xf32, #tpu.memory_space<vmem>>, vector<1x16xf32>,
      %swap3A_47 = vector.shape_cast %swap3A_46 : vector<1x16xf32> to vector<16xf32>
      %swap3A_48 = vector.shape_cast %broadcast_in_dim3A_3 : vector<16xf32> to vector<1x16xf32>
      tpu.vector_store %arg5[%swap3A_44, %swap3A_45], %swap3A_48 {strides = array<i32>} : memref<128x128xf32, #tpu.memory_space<vmem>>, vector<1x16xf32>,
      %swap3A_49 = arith.index_cast %scan3A_39 : i32 to index
      %swap3A_50 = arith.constant 32 : index
      %swap3A_51 = tpu.vector_load %arg5[%swap3A_49, %swap3A_50] {strides = array<i32>} : memref<128x128xf32, #tpu.memory_space<vmem>>, vector<1x16xf32>,
      %swap3A_52 = vector.shape_cast %swap3A_51 : vector<1x16xf32> to vector<16xf32>
      %swap3A_53 = vector.shape_cast %broadcast_in_dim3A_3 : vector<16xf32> to vector<1x16xf32>
      tpu.vector_store %arg5[%swap3A_49, %swap3A_50], %swap3A_53 {strides = array<i32>} : memref<128x128xf32, #tpu.memory_space<vmem>>, vector<1x16xf32>,
      %swap3A_54 = arith.index_cast %scan3A_39 : i32 to index
      %swap3A_55 = arith.constant 48 : index
      %swap3A_56 = tpu.vector_load %arg5[%swap3A_54, %swap3A_55] {strides = array<i32>} : memref<128x128xf32, #tpu.memory_space<vmem>>, vector<1x16xf32>,
      %swap3A_57 = vector.shape_cast %swap3A_56 : vector<1x16xf32> to vector<16xf32>
      %swap3A_58 = vector.shape_cast %broadcast_in_dim3A_3 : vector<16xf32> to vector<1x16xf32>
      tpu.vector_store %arg5[%swap3A_54, %swap3A_55], %swap3A_58 {strides = array<i32>} : memref<128x128xf32, #tpu.memory_space<vmem>>, vector<1x16xf32>,
      %swap3A_59 = arith.index_cast %scan3A_39 : i32 to index
      %swap3A_60 = arith.constant 64 : index
      %swap3A_61 = tpu.vector_load %arg5[%swap3A_59, %swap3A_60] {strides = array<i32>} : memref<128x128xf32, #tpu.memory_space<vmem>>, vector<1x16xf32>,
      %swap3A_62 = vector.shape_cast %swap3A_61 : vector<1x16xf32> to vector<16xf32>
      %swap3A_63 = vector.shape_cast %broadcast_in_dim3A_3 : vector<16xf32> to vector<1x16xf32>
      tpu.vector_store %arg5[%swap3A_59, %swap3A_60], %swap3A_63 {strides = array<i32>} : memref<128x128xf32, #tpu.memory_space<vmem>>, vector<1x16xf32>,
      %swap3A_64 = arith.index_cast %scan3A_39 : i32 to index
      %swap3A_65 = arith.constant 80 : index
      %swap3A_66 = tpu.vector_load %arg5[%swap3A_64, %swap3A_65] {strides = array<i32>} : memref<128x128xf32, #tpu.memory_space<vmem>>, vector<1x16xf32>,
      %swap3A_67 = vector.shape_cast %swap3A_66 : vector<1x16xf32> to vector<16xf32>
      %swap3A_68 = vector.shape_cast %broadcast_in_dim3A_3 : vector<16xf32> to vector<1x16xf32>
      tpu.vector_store %arg5[%swap3A_64, %swap3A_65], %swap3A_68 {strides = array<i32>} : memref<128x128xf32, #tpu.memory_space<vmem>>, vector<1x16xf32>,
      %swap3A_69 = arith.index_cast %scan3A_39 : i32 to index
      %swap3A_70 = arith.constant 96 : index
      %swap3A_71 = tpu.vector_load %arg5[%swap3A_69, %swap3A_70] {strides = array<i32>} : memref<128x128xf32, #tpu.memory_space<vmem>>, vector<1x16xf32>,
      %swap3A_72 = vector.shape_cast %swap3A_71 : vector<1x16xf32> to vector<16xf32>
      %swap3A_73 = vector.shape_cast %broadcast_in_dim3A_3 : vector<16xf32> to vector<1x16xf32>
      tpu.vector_store %arg5[%swap3A_69, %swap3A_70], %swap3A_73 {strides = array<i32>} : memref<128x128xf32, #tpu.memory_space<vmem>>, vector<1x16xf32>,
      %swap3A_74 = arith.index_cast %scan3A_39 : i32 to index
      %swap3A_75 = arith.constant 112 : index
      %swap3A_76 = tpu.vector_load %arg5[%swap3A_74, %swap3A_75] {strides = array<i32>} : memref<128x128xf32, #tpu.memory_space<vmem>>, vector<1x16xf32>,
      %swap3A_77 = vector.shape_cast %swap3A_76 : vector<1x16xf32> to vector<16xf32>
      %swap3A_78 = vector.shape_cast %broadcast_in_dim3A_3 : vector<16xf32> to vector<1x16xf32>
      tpu.vector_store %arg5[%swap3A_74, %swap3A_75], %swap3A_78 {strides = array<i32>} : memref<128x128xf32, #tpu.memory_space<vmem>>, vector<1x16xf32>,
    }
    %scan3A_8 = arith.constant 128 : i32
    %broadcast_in_dim3A_9 = arith.constant 0.000000e+00 : f32
    %broadcast_in_dim3A_10 = vector.broadcast %broadcast_in_dim3A_9 : f32 to vector<16xf32>
    %scan3A_11 = arith.constant 0 : i32
    %scan3A_12 = arith.constant 0 : i32
    %scan3A_13 = arith.constant 8 : i32
    %scan3A_14 = arith.addi %scan3A_12, %scan3A_13 : i32
    %scan3A_15 = arith.constant 1 : i32
    scf.for %scan3A_39 = %scan3A_12 to %scan3A_14 step %scan3A_15  : i32 {
      %swap3A = arith.index_cast %scan3A_39 : i32 to index
      %swap3A_40 = arith.constant 0 : index
      %swap3A_41 = tpu.vector_load %arg6[%swap3A, %swap3A_40] {strides = array<i32>} : memref<8x128xf32, #tpu.memory_space<vmem>>, vector<1x16xf32>,
      %swap3A_42 = vector.shape_cast %swap3A_41 : vector<1x16xf32> to vector<16xf32>
      %swap3A_43 = vector.shape_cast %broadcast_in_dim3A_10 : vector<16xf32> to vector<1x16xf32>
      tpu.vector_store %arg6[%swap3A, %swap3A_40], %swap3A_43 {strides = array<i32>} : memref<8x128xf32, #tpu.memory_space<vmem>>, vector<1x16xf32>,
      %swap3A_44 = arith.index_cast %scan3A_39 : i32 to index
      %swap3A_45 = arith.constant 16 : index
      %swap3A_46 = tpu.vector_load %arg6[%swap3A_44, %swap3A_45] {strides = array<i32>} : memref<8x128xf32, #tpu.memory_space<vmem>>, vector<1x16xf32>,
      %swap3A_47 = vector.shape_cast %swap3A_46 : vector<1x16xf32> to vector<16xf32>
      %swap3A_48 = vector.shape_cast %broadcast_in_dim3A_10 : vector<16xf32> to vector<1x16xf32>
      tpu.vector_store %arg6[%swap3A_44, %swap3A_45], %swap3A_48 {strides = array<i32>} : memref<8x128xf32, #tpu.memory_space<vmem>>, vector<1x16xf32>,
      %swap3A_49 = arith.index_cast %scan3A_39 : i32 to index
      %swap3A_50 = arith.constant 32 : index
      %swap3A_51 = tpu.vector_load %arg6[%swap3A_49, %swap3A_50] {strides = array<i32>} : memref<8x128xf32, #tpu.memory_space<vmem>>, vector<1x16xf32>,
      %swap3A_52 = vector.shape_cast %swap3A_51 : vector<1x16xf32> to vector<16xf32>
      %swap3A_53 = vector.shape_cast %broadcast_in_dim3A_10 : vector<16xf32> to vector<1x16xf32>
      tpu.vector_store %arg6[%swap3A_49, %swap3A_50], %swap3A_53 {strides = array<i32>} : memref<8x128xf32, #tpu.memory_space<vmem>>, vector<1x16xf32>,
      %swap3A_54 = arith.index_cast %scan3A_39 : i32 to index
      %swap3A_55 = arith.constant 48 : index
      %swap3A_56 = tpu.vector_load %arg6[%swap3A_54, %swap3A_55] {strides = array<i32>} : memref<8x128xf32, #tpu.memory_space<vmem>>, vector<1x16xf32>,
      %swap3A_57 = vector.shape_cast %swap3A_56 : vector<1x16xf32> to vector<16xf32>
      %swap3A_58 = vector.shape_cast %broadcast_in_dim3A_10 : vector<16xf32> to vector<1x16xf32>
      tpu.vector_store %arg6[%swap3A_54, %swap3A_55], %swap3A_58 {strides = array<i32>} : memref<8x128xf32, #tpu.memory_space<vmem>>, vector<1x16xf32>,
      %swap3A_59 = arith.index_cast %scan3A_39 : i32 to index
      %swap3A_60 = arith.constant 64 : index
      %swap3A_61 = tpu.vector_load %arg6[%swap3A_59, %swap3A_60] {strides = array<i32>} : memref<8x128xf32, #tpu.memory_space<vmem>>, vector<1x16xf32>,
      %swap3A_62 = vector.shape_cast %swap3A_61 : vector<1x16xf32> to vector<16xf32>
      %swap3A_63 = vector.shape_cast %broadcast_in_dim3A_10 : vector<16xf32> to vector<1x16xf32>
      tpu.vector_store %arg6[%swap3A_59, %swap3A_60], %swap3A_63 {strides = array<i32>} : memref<8x128xf32, #tpu.memory_space<vmem>>, vector<1x16xf32>,
      %swap3A_64 = arith.index_cast %scan3A_39 : i32 to index
      %swap3A_65 = arith.constant 80 : index
      %swap3A_66 = tpu.vector_load %arg6[%swap3A_64, %swap3A_65] {strides = array<i32>} : memref<8x128xf32, #tpu.memory_space<vmem>>, vector<1x16xf32>,
      %swap3A_67 = vector.shape_cast %swap3A_66 : vector<1x16xf32> to vector<16xf32>
      %swap3A_68 = vector.shape_cast %broadcast_in_dim3A_10 : vector<16xf32> to vector<1x16xf32>
      tpu.vector_store %arg6[%swap3A_64, %swap3A_65], %swap3A_68 {strides = array<i32>} : memref<8x128xf32, #tpu.memory_space<vmem>>, vector<1x16xf32>,
      %swap3A_69 = arith.index_cast %scan3A_39 : i32 to index
      %swap3A_70 = arith.constant 96 : index
      %swap3A_71 = tpu.vector_load %arg6[%swap3A_69, %swap3A_70] {strides = array<i32>} : memref<8x128xf32, #tpu.memory_space<vmem>>, vector<1x16xf32>,
      %swap3A_72 = vector.shape_cast %swap3A_71 : vector<1x16xf32> to vector<16xf32>
      %swap3A_73 = vector.shape_cast %broadcast_in_dim3A_10 : vector<16xf32> to vector<1x16xf32>
      tpu.vector_store %arg6[%swap3A_69, %swap3A_70], %swap3A_73 {strides = array<i32>} : memref<8x128xf32, #tpu.memory_space<vmem>>, vector<1x16xf32>,
      %swap3A_74 = arith.index_cast %scan3A_39 : i32 to index
      %swap3A_75 = arith.constant 112 : index
      %swap3A_76 = tpu.vector_load %arg6[%swap3A_74, %swap3A_75] {strides = array<i32>} : memref<8x128xf32, #tpu.memory_space<vmem>>, vector<1x16xf32>,
      %swap3A_77 = vector.shape_cast %swap3A_76 : vector<1x16xf32> to vector<16xf32>
      %swap3A_78 = vector.shape_cast %broadcast_in_dim3A_10 : vector<16xf32> to vector<1x16xf32>
      tpu.vector_store %arg6[%swap3A_74, %swap3A_75], %swap3A_78 {strides = array<i32>} : memref<8x128xf32, #tpu.memory_space<vmem>>, vector<1x16xf32>,
    }
    %scan3A_16 = arith.constant 8 : i32
    %scan3A_17 = arith.constant 0 : i32
    %scan3A_18 = arith.constant 0 : i32
    %scan3A_19 = arith.constant 79 : i32
    %scan3A_20 = arith.addi %scan3A_18, %scan3A_19 : i32
    %scan3A_21 = arith.constant 1 : i32
    scf.for %scan3A_39 = %scan3A_18 to %scan3A_20 step %scan3A_21  : i32 {
      %mul3A_40 = arith.constant 8 : i32
      %mul3A_41 = arith.muli %scan3A_39, %mul3A_40 : i32
      %add3A_42 = arith.addi %mul3A_2, %mul3A_41 : i32
      %multiple_of3A = tpu.assume_multiple %add3A_42, 8 : i32
      "tpu.region"() ({
        %run_scoped3A = tpu.sem_alloc : memref<!tpu.dma_semaphore, #tpu.memory_space<semaphore_mem>>
        %dma_start3A = arith.constant 0 : i32
        %dma_start3A_43 = tpu.memref_slice %arg8[%multiple_of3A, %dma_start3A] : memref<10112x128xf32, #tpu.memory_space<vmem_shared>> -> memref<8x128xf32, #tpu.memory_space<vmem_shared>>
        %dma_start3A_44 = arith.constant 0 : i32
        %dma_start3A_45 = tpu.memref_slice %arg8[%multiple_of3A, %dma_start3A_44] : memref<10112x128xf32, #tpu.memory_space<vmem_shared>> -> memref<8x128xf32, #tpu.memory_space<vmem_shared>>
        tpu.enqueue_dma source(%arg6 : memref<8x128xf32, #tpu.memory_space<vmem>>) target(%dma_start3A_45 : memref<8x128xf32, #tpu.memory_space<vmem_shared>>) target_semaphore(%run_scoped3A : memref<!tpu.dma_semaphore, #tpu.memory_space<semaphore_mem>>)
        %dma_wait3A = arith.constant 0 : i32
        %dma_wait3A_46 = tpu.memref_slice %arg8[%multiple_of3A, %dma_wait3A] : memref<10112x128xf32, #tpu.memory_space<vmem_shared>> -> memref<8x128xf32, #tpu.memory_space<vmem_shared>>
        %dma_wait3A_47 = arith.constant 0 : i32
        %dma_wait3A_48 = tpu.memref_slice %arg8[%multiple_of3A, %dma_wait3A_47] : memref<10112x128xf32, #tpu.memory_space<vmem_shared>> -> memref<8x128xf32, #tpu.memory_space<vmem_shared>>
        tpu.wait_dma2 semaphore(%run_scoped3A : memref<!tpu.dma_semaphore, #tpu.memory_space<semaphore_mem>>) src(%arg6 : memref<8x128xf32, #tpu.memory_space<vmem>>) dst(%dma_wait3A_48 : memref<8x128xf32, #tpu.memory_space<vmem_shared>>)
        tpu.yield
      }) : () -> ()
    }
    %scan3A_22 = arith.constant 79 : i32
    "tpu.region"() ({
      %run_scoped3A = tpu.sem_alloc : memref<!tpu.dma_semaphore, #tpu.memory_space<semaphore_mem>>
      %dma_start3A = arith.constant 0 : i32
      %dma_start3A_39 = arith.constant 0 : i32
      %dma_start3A_40 = tpu.memref_slice %arg2[%add3A, %dma_start3A, %dma_start3A_39] : memref<32x79x128xi32, #tpu.memory_space<hbm>> -> memref<1x79x128xi32, #tpu.memory_space<hbm>>
      %dma_start3A_41 = tpu.memref_squeeze %dma_start3A_40 : memref<1x79x128xi32, #tpu.memory_space<hbm>> -> memref<79x128xi32, #tpu.memory_space<hbm>>
      %dma_start3A_42 = arith.constant 0 : i32
      %dma_start3A_43 = arith.constant 0 : i32
      %dma_start3A_44 = tpu.memref_slice %arg2[%add3A, %dma_start3A_42, %dma_start3A_43] : memref<32x79x128xi32, #tpu.memory_space<hbm>> -> memref<1x79x128xi32, #tpu.memory_space<hbm>>
      %dma_start3A_45 = tpu.memref_squeeze %dma_start3A_44 : memref<1x79x128xi32, #tpu.memory_space<hbm>> -> memref<79x128xi32, #tpu.memory_space<hbm>>
      tpu.enqueue_dma source(%dma_start3A_45 : memref<79x128xi32, #tpu.memory_space<hbm>>) target(%arg4 : memref<79x128xi32, #tpu.memory_space<vmem>>) target_semaphore(%run_scoped3A : memref<!tpu.dma_semaphore, #tpu.memory_space<semaphore_mem>>)
      %dma_wait3A = arith.constant 0 : i32
      %dma_wait3A_46 = arith.constant 0 : i32
      %dma_wait3A_47 = tpu.memref_slice %arg2[%add3A, %dma_wait3A, %dma_wait3A_46] : memref<32x79x128xi32, #tpu.memory_space<hbm>> -> memref<1x79x128xi32, #tpu.memory_space<hbm>>
      %dma_wait3A_48 = tpu.memref_squeeze %dma_wait3A_47 : memref<1x79x128xi32, #tpu.memory_space<hbm>> -> memref<79x128xi32, #tpu.memory_space<hbm>>
      %dma_wait3A_49 = arith.constant 0 : i32
      %dma_wait3A_50 = arith.constant 0 : i32
      %dma_wait3A_51 = tpu.memref_slice %arg2[%add3A, %dma_wait3A_49, %dma_wait3A_50] : memref<32x79x128xi32, #tpu.memory_space<hbm>> -> memref<1x79x128xi32, #tpu.memory_space<hbm>>
      %dma_wait3A_52 = tpu.memref_squeeze %dma_wait3A_51 : memref<1x79x128xi32, #tpu.memory_space<hbm>> -> memref<79x128xi32, #tpu.memory_space<hbm>>
      tpu.wait_dma2 semaphore(%run_scoped3A : memref<!tpu.dma_semaphore, #tpu.memory_space<semaphore_mem>>) src(%dma_wait3A_52 : memref<79x128xi32, #tpu.memory_space<hbm>>) dst(%arg4 : memref<79x128xi32, #tpu.memory_space<vmem>>)
      tpu.yield
    }) : () -> ()
    %barrier3A = arith.constant 0 : index
    tpu.barrier barrier_id(%barrier3A)
    %delay3A = arith.constant 2000 : i32
    tpu.delay %delay3A
    %barrier3A_23 = arith.constant 0 : index
    tpu.barrier barrier_id(%barrier3A_23)
    %scan3A_24 = arith.constant 0 : i32
    %scan3A_25 = arith.constant 0 : i32
    %scan3A_26 = arith.constant 79 : i32
    %scan3A_27 = arith.addi %scan3A_25, %scan3A_26 : i32
    %scan3A_28 = arith.constant 1 : i32
    scf.for %scan3A_39 = %scan3A_25 to %scan3A_27 step %scan3A_28  : i32 {
      "tpu.region"() ({
        %run_scoped3A = tpu.sem_alloc : memref<!tpu.dma_semaphore, #tpu.memory_space<semaphore_mem>>
        %dma_start3A = arith.constant 0 : i32
        %dma_start3A_40 = tpu.memref_slice %arg4[%scan3A_39, %dma_start3A] : memref<79x128xi32, #tpu.memory_space<vmem>> -> memref<1x128xi32, #tpu.memory_space<vmem>>
        %dma_start3A_41 = tpu.memref_squeeze %dma_start3A_40 : memref<1x128xi32, #tpu.memory_space<vmem>> -> memref<128xi32, #tpu.memory_space<vmem>>
        %dma_start3A_42 = arith.constant 0 : i32
        %dma_start3A_43 = arith.constant 0 : i32
        %dma_start3A_44 = tpu.memref_slice %arg8[%dma_start3A_42, %dma_start3A_43] : memref<10112x128xf32, #tpu.memory_space<vmem_shared>> -> memref<10112x128xf32, #tpu.memory_space<vmem_shared>>
        tpu.enqueue_indirect_dma source(%arg5 : memref<128x128xf32, #tpu.memory_space<vmem>>) target(%dma_start3A_44 : memref<10112x128xf32, #tpu.memory_space<vmem_shared>>) offsets(%dma_start3A_41 : memref<128xi32, #tpu.memory_space<vmem>>) semaphore(%run_scoped3A : memref<!tpu.dma_semaphore, #tpu.memory_space<semaphore_mem>>) {add = true}
        %dma_wait3A = arith.constant 0 : i32
        %dma_wait3A_45 = tpu.memref_slice %arg4[%scan3A_39, %dma_wait3A] : memref<79x128xi32, #tpu.memory_space<vmem>> -> memref<1x128xi32, #tpu.memory_space<vmem>>
        %dma_wait3A_46 = tpu.memref_squeeze %dma_wait3A_45 : memref<1x128xi32, #tpu.memory_space<vmem>> -> memref<128xi32, #tpu.memory_space<vmem>>
        %dma_wait3A_47 = arith.constant 0 : i32
        %dma_wait3A_48 = arith.constant 0 : i32
        %dma_wait3A_49 = tpu.memref_slice %arg8[%dma_wait3A_47, %dma_wait3A_48] : memref<10112x128xf32, #tpu.memory_space<vmem_shared>> -> memref<10112x128xf32, #tpu.memory_space<vmem_shared>>
        tpu.wait_indirect_dma semaphore(%run_scoped3A : memref<!tpu.dma_semaphore, #tpu.memory_space<semaphore_mem>>) src(%arg5 : memref<128x128xf32, #tpu.memory_space<vmem>>) dst(%dma_wait3A_49 : memref<10112x128xf32, #tpu.memory_space<vmem_shared>>)
        tpu.yield
      }) : () -> ()
    }
    %scan3A_29 = arith.constant 79 : i32
    %barrier3A_30 = arith.constant 0 : index
    tpu.barrier barrier_id(%barrier3A_30)
    %delay3A_31 = arith.constant 2000 : i32
    tpu.delay %delay3A_31
    %barrier3A_32 = arith.constant 0 : index
    tpu.barrier barrier_id(%barrier3A_32)
    %scan3A_33 = arith.constant 0 : i32
    %scan3A_34 = arith.constant 0 : i32
    %scan3A_35 = arith.constant 79 : i32
    %scan3A_36 = arith.addi %scan3A_34, %scan3A_35 : i32
    %scan3A_37 = arith.constant 1 : i32
    scf.for %scan3A_39 = %scan3A_34 to %scan3A_36 step %scan3A_37  : i32 {
      %mul3A_40 = arith.constant 8 : i32
      %mul3A_41 = arith.muli %scan3A_39, %mul3A_40 : i32
      %add3A_42 = arith.addi %mul3A_2, %mul3A_41 : i32
      %multiple_of3A = tpu.assume_multiple %add3A_42, 8 : i32
      %mul3A_43 = arith.constant 10112 : i32
      %mul3A_44 = arith.muli %arg0, %mul3A_43 : i32
      %add3A_45 = arith.addi %mul3A_44, %mul3A_2 : i32
      %mul3A_46 = arith.constant 8 : i32
      %mul3A_47 = arith.muli %scan3A_39, %mul3A_46 : i32
      %add3A_48 = arith.addi %add3A_45, %mul3A_47 : i32
      %multiple_of3A_49 = tpu.assume_multiple %add3A_48, 8 : i32
      "tpu.region"() ({
        %run_scoped3A = tpu.sem_alloc : memref<!tpu.dma_semaphore, #tpu.memory_space<semaphore_mem>>
        %dma_start3A = arith.constant 0 : i32
        %dma_start3A_136 = tpu.memref_slice %arg8[%multiple_of3A, %dma_start3A] : memref<10112x128xf32, #tpu.memory_space<vmem_shared>> -> memref<8x128xf32, #tpu.memory_space<vmem_shared>>
        %dma_start3A_137 = arith.constant 0 : i32
        %dma_start3A_138 = tpu.memref_slice %arg8[%multiple_of3A, %dma_start3A_137] : memref<10112x128xf32, #tpu.memory_space<vmem_shared>> -> memref<8x128xf32, #tpu.memory_space<vmem_shared>>
        tpu.enqueue_dma source(%dma_start3A_138 : memref<8x128xf32, #tpu.memory_space<vmem_shared>>) target(%arg6 : memref<8x128xf32, #tpu.memory_space<vmem>>) target_semaphore(%run_scoped3A : memref<!tpu.dma_semaphore, #tpu.memory_space<semaphore_mem>>)
        %dma_wait3A = arith.constant 0 : i32
        %dma_wait3A_139 = tpu.memref_slice %arg8[%multiple_of3A, %dma_wait3A] : memref<10112x128xf32, #tpu.memory_space<vmem_shared>> -> memref<8x128xf32, #tpu.memory_space<vmem_shared>>
        %dma_wait3A_140 = arith.constant 0 : i32
        %dma_wait3A_141 = tpu.memref_slice %arg8[%multiple_of3A, %dma_wait3A_140] : memref<10112x128xf32, #tpu.memory_space<vmem_shared>> -> memref<8x128xf32, #tpu.memory_space<vmem_shared>>
        tpu.wait_dma2 semaphore(%run_scoped3A : memref<!tpu.dma_semaphore, #tpu.memory_space<semaphore_mem>>) src(%dma_wait3A_141 : memref<8x128xf32, #tpu.memory_space<vmem_shared>>) dst(%arg6 : memref<8x128xf32, #tpu.memory_space<vmem>>)
        tpu.yield
      }) : () -> ()
      %get3A = arith.constant 0 : i32
      %get3A_50 = arith.index_cast %get3A : i32 to index
      %get3A_51 = arith.constant 0 : index
      %get3A_52 = tpu.vector_load %arg6[%get3A_50, %get3A_51] {strides = array<i32>} : memref<8x128xf32, #tpu.memory_space<vmem>>, vector<1x16xf32>,
      %get3A_53 = vector.shape_cast %get3A_52 : vector<1x16xf32> to vector<16xf32>
      %swap3A = arith.constant 0 : i32
      %swap3A_54 = arith.index_cast %swap3A : i32 to index
      %swap3A_55 = arith.constant 0 : index
      %swap3A_56 = tpu.vector_load %arg7[%swap3A_54, %swap3A_55] {strides = array<i32>} : memref<8x16xf32, #tpu.memory_space<vmem>>, vector<1x16xf32>,
      %swap3A_57 = vector.shape_cast %swap3A_56 : vector<1x16xf32> to vector<16xf32>
      %swap3A_58 = vector.shape_cast %get3A_53 : vector<16xf32> to vector<1x16xf32>
      tpu.vector_store %arg7[%swap3A_54, %swap3A_55], %swap3A_58 {strides = array<i32>} : memref<8x16xf32, #tpu.memory_space<vmem>>, vector<1x16xf32>,
      %get3A_59 = arith.constant 1 : i32
      %get3A_60 = arith.index_cast %get3A_59 : i32 to index
      %get3A_61 = arith.constant 0 : index
      %get3A_62 = tpu.vector_load %arg6[%get3A_60, %get3A_61] {strides = array<i32>} : memref<8x128xf32, #tpu.memory_space<vmem>>, vector<1x16xf32>,
      %get3A_63 = vector.shape_cast %get3A_62 : vector<1x16xf32> to vector<16xf32>
      %swap3A_64 = arith.constant 1 : i32
      %swap3A_65 = arith.index_cast %swap3A_64 : i32 to index
      %swap3A_66 = arith.constant 0 : index
      %swap3A_67 = tpu.vector_load %arg7[%swap3A_65, %swap3A_66] {strides = array<i32>} : memref<8x16xf32, #tpu.memory_space<vmem>>, vector<1x16xf32>,
      %swap3A_68 = vector.shape_cast %swap3A_67 : vector<1x16xf32> to vector<16xf32>
      %swap3A_69 = vector.shape_cast %get3A_63 : vector<16xf32> to vector<1x16xf32>
      tpu.vector_store %arg7[%swap3A_65, %swap3A_66], %swap3A_69 {strides = array<i32>} : memref<8x16xf32, #tpu.memory_space<vmem>>, vector<1x16xf32>,
      %get3A_70 = arith.constant 2 : i32
      %get3A_71 = arith.index_cast %get3A_70 : i32 to index
      %get3A_72 = arith.constant 0 : index
      %get3A_73 = tpu.vector_load %arg6[%get3A_71, %get3A_72] {strides = array<i32>} : memref<8x128xf32, #tpu.memory_space<vmem>>, vector<1x16xf32>,
      %get3A_74 = vector.shape_cast %get3A_73 : vector<1x16xf32> to vector<16xf32>
      %swap3A_75 = arith.constant 2 : i32
      %swap3A_76 = arith.index_cast %swap3A_75 : i32 to index
      %swap3A_77 = arith.constant 0 : index
      %swap3A_78 = tpu.vector_load %arg7[%swap3A_76, %swap3A_77] {strides = array<i32>} : memref<8x16xf32, #tpu.memory_space<vmem>>, vector<1x16xf32>,
      %swap3A_79 = vector.shape_cast %swap3A_78 : vector<1x16xf32> to vector<16xf32>
      %swap3A_80 = vector.shape_cast %get3A_74 : vector<16xf32> to vector<1x16xf32>
      tpu.vector_store %arg7[%swap3A_76, %swap3A_77], %swap3A_80 {strides = array<i32>} : memref<8x16xf32, #tpu.memory_space<vmem>>, vector<1x16xf32>,
      %get3A_81 = arith.constant 3 : i32
      %get3A_82 = arith.index_cast %get3A_81 : i32 to index
      %get3A_83 = arith.constant 0 : index
      %get3A_84 = tpu.vector_load %arg6[%get3A_82, %get3A_83] {strides = array<i32>} : memref<8x128xf32, #tpu.memory_space<vmem>>, vector<1x16xf32>,
      %get3A_85 = vector.shape_cast %get3A_84 : vector<1x16xf32> to vector<16xf32>
      %swap3A_86 = arith.constant 3 : i32
      %swap3A_87 = arith.index_cast %swap3A_86 : i32 to index
      %swap3A_88 = arith.constant 0 : index
      %swap3A_89 = tpu.vector_load %arg7[%swap3A_87, %swap3A_88] {strides = array<i32>} : memref<8x16xf32, #tpu.memory_space<vmem>>, vector<1x16xf32>,
      %swap3A_90 = vector.shape_cast %swap3A_89 : vector<1x16xf32> to vector<16xf32>
      %swap3A_91 = vector.shape_cast %get3A_85 : vector<16xf32> to vector<1x16xf32>
      tpu.vector_store %arg7[%swap3A_87, %swap3A_88], %swap3A_91 {strides = array<i32>} : memref<8x16xf32, #tpu.memory_space<vmem>>, vector<1x16xf32>,
      %get3A_92 = arith.constant 4 : i32
      %get3A_93 = arith.index_cast %get3A_92 : i32 to index
      %get3A_94 = arith.constant 0 : index
      %get3A_95 = tpu.vector_load %arg6[%get3A_93, %get3A_94] {strides = array<i32>} : memref<8x128xf32, #tpu.memory_space<vmem>>, vector<1x16xf32>,
      %get3A_96 = vector.shape_cast %get3A_95 : vector<1x16xf32> to vector<16xf32>
      %swap3A_97 = arith.constant 4 : i32
      %swap3A_98 = arith.index_cast %swap3A_97 : i32 to index
      %swap3A_99 = arith.constant 0 : index
      %swap3A_100 = tpu.vector_load %arg7[%swap3A_98, %swap3A_99] {strides = array<i32>} : memref<8x16xf32, #tpu.memory_space<vmem>>, vector<1x16xf32>,
      %swap3A_101 = vector.shape_cast %swap3A_100 : vector<1x16xf32> to vector<16xf32>
      %swap3A_102 = vector.shape_cast %get3A_96 : vector<16xf32> to vector<1x16xf32>
      tpu.vector_store %arg7[%swap3A_98, %swap3A_99], %swap3A_102 {strides = array<i32>} : memref<8x16xf32, #tpu.memory_space<vmem>>, vector<1x16xf32>,
      %get3A_103 = arith.constant 5 : i32
      %get3A_104 = arith.index_cast %get3A_103 : i32 to index
      %get3A_105 = arith.constant 0 : index
      %get3A_106 = tpu.vector_load %arg6[%get3A_104, %get3A_105] {strides = array<i32>} : memref<8x128xf32, #tpu.memory_space<vmem>>, vector<1x16xf32>,
      %get3A_107 = vector.shape_cast %get3A_106 : vector<1x16xf32> to vector<16xf32>
      %swap3A_108 = arith.constant 5 : i32
      %swap3A_109 = arith.index_cast %swap3A_108 : i32 to index
      %swap3A_110 = arith.constant 0 : index
      %swap3A_111 = tpu.vector_load %arg7[%swap3A_109, %swap3A_110] {strides = array<i32>} : memref<8x16xf32, #tpu.memory_space<vmem>>, vector<1x16xf32>,
      %swap3A_112 = vector.shape_cast %swap3A_111 : vector<1x16xf32> to vector<16xf32>
      %swap3A_113 = vector.shape_cast %get3A_107 : vector<16xf32> to vector<1x16xf32>
      tpu.vector_store %arg7[%swap3A_109, %swap3A_110], %swap3A_113 {strides = array<i32>} : memref<8x16xf32, #tpu.memory_space<vmem>>, vector<1x16xf32>,
      %get3A_114 = arith.constant 6 : i32
      %get3A_115 = arith.index_cast %get3A_114 : i32 to index
      %get3A_116 = arith.constant 0 : index
      %get3A_117 = tpu.vector_load %arg6[%get3A_115, %get3A_116] {strides = array<i32>} : memref<8x128xf32, #tpu.memory_space<vmem>>, vector<1x16xf32>,
      %get3A_118 = vector.shape_cast %get3A_117 : vector<1x16xf32> to vector<16xf32>
      %swap3A_119 = arith.constant 6 : i32
      %swap3A_120 = arith.index_cast %swap3A_119 : i32 to index
      %swap3A_121 = arith.constant 0 : index
      %swap3A_122 = tpu.vector_load %arg7[%swap3A_120, %swap3A_121] {strides = array<i32>} : memref<8x16xf32, #tpu.memory_space<vmem>>, vector<1x16xf32>,
      %swap3A_123 = vector.shape_cast %swap3A_122 : vector<1x16xf32> to vector<16xf32>
      %swap3A_124 = vector.shape_cast %get3A_118 : vector<16xf32> to vector<1x16xf32>
      tpu.vector_store %arg7[%swap3A_120, %swap3A_121], %swap3A_124 {strides = array<i32>} : memref<8x16xf32, #tpu.memory_space<vmem>>, vector<1x16xf32>,
      %get3A_125 = arith.constant 7 : i32
      %get3A_126 = arith.index_cast %get3A_125 : i32 to index
      %get3A_127 = arith.constant 0 : index
      %get3A_128 = tpu.vector_load %arg6[%get3A_126, %get3A_127] {strides = array<i32>} : memref<8x128xf32, #tpu.memory_space<vmem>>, vector<1x16xf32>,
      %get3A_129 = vector.shape_cast %get3A_128 : vector<1x16xf32> to vector<16xf32>
      %swap3A_130 = arith.constant 7 : i32
      %swap3A_131 = arith.index_cast %swap3A_130 : i32 to index
      %swap3A_132 = arith.constant 0 : index
      %swap3A_133 = tpu.vector_load %arg7[%swap3A_131, %swap3A_132] {strides = array<i32>} : memref<8x16xf32, #tpu.memory_space<vmem>>, vector<1x16xf32>,
      %swap3A_134 = vector.shape_cast %swap3A_133 : vector<1x16xf32> to vector<16xf32>
      %swap3A_135 = vector.shape_cast %get3A_129 : vector<16xf32> to vector<1x16xf32>
      tpu.vector_store %arg7[%swap3A_131, %swap3A_132], %swap3A_135 {strides = array<i32>} : memref<8x16xf32, #tpu.memory_space<vmem>>, vector<1x16xf32>,
      "tpu.region"() ({
        %run_scoped3A = tpu.sem_alloc : memref<!tpu.dma_semaphore, #tpu.memory_space<semaphore_mem>>
        %dma_start3A = arith.constant 0 : i32
        %dma_start3A_136 = tpu.memref_slice %arg3[%multiple_of3A_49, %dma_start3A] : memref<20224x16xf32, #tpu.memory_space<hbm>> -> memref<8x16xf32, #tpu.memory_space<hbm>>
        %dma_start3A_137 = arith.constant 0 : i32
        %dma_start3A_138 = tpu.memref_slice %arg3[%multiple_of3A_49, %dma_start3A_137] : memref<20224x16xf32, #tpu.memory_space<hbm>> -> memref<8x16xf32, #tpu.memory_space<hbm>>
        tpu.enqueue_dma source(%arg7 : memref<8x16xf32, #tpu.memory_space<vmem>>) target(%dma_start3A_138 : memref<8x16xf32, #tpu.memory_space<hbm>>) target_semaphore(%run_scoped3A : memref<!tpu.dma_semaphore, #tpu.memory_space<semaphore_mem>>)
        %dma_wait3A = arith.constant 0 : i32
        %dma_wait3A_139 = tpu.memref_slice %arg3[%multiple_of3A_49, %dma_wait3A] : memref<20224x16xf32, #tpu.memory_space<hbm>> -> memref<8x16xf32, #tpu.memory_space<hbm>>
        %dma_wait3A_140 = arith.constant 0 : i32
        %dma_wait3A_141 = tpu.memref_slice %arg3[%multiple_of3A_49, %dma_wait3A_140] : memref<20224x16xf32, #tpu.memory_space<hbm>> -> memref<8x16xf32, #tpu.memory_space<hbm>>
        tpu.wait_dma2 semaphore(%run_scoped3A : memref<!tpu.dma_semaphore, #tpu.memory_space<semaphore_mem>>) src(%arg7 : memref<8x16xf32, #tpu.memory_space<vmem>>) dst(%dma_wait3A_141 : memref<8x16xf32, #tpu.memory_space<hbm>>)
        tpu.yield
      }) : () -> ()
    }
    %scan3A_38 = arith.constant 79 : i32
    return
  }
}

#map = affine_map<(d0, d1) -> (0, 0, 0)>
#map1 = affine_map<(d0, d1) -> (0, 0)>
module attributes {stable_mosaic.version = 14 : i64} {
  func.func @_sc_agg1(%arg0: i32, %arg1: i32, %arg2: memref<32x81x128xi32, #tpu.memory_space<hbm>>, %arg3: memref<32x81x128xi32, #tpu.memory_space<hbm>>, %arg4: memref<20000x128xf32, #tpu.memory_space<hbm>>, %arg5: memref<20000x64xi32, #tpu.memory_space<hbm>>, %arg6: memref<81x128xi32, #tpu.memory_space<vmem>>, %arg7: memref<81x128xi32, #tpu.memory_space<vmem>>, %arg8: memref<128x128xf32, #tpu.memory_space<vmem>>, %arg9: memref<8x128xf32, #tpu.memory_space<vmem>>, %arg10: memref<8x128xf32, #tpu.memory_space<vmem>>, %arg11: memref<8x64xi32, #tpu.memory_space<vmem>>, %arg12: memref<!tpu.dma_semaphore, #tpu.memory_space<semaphore_mem>>, %arg13: memref<10112x128xf32, #tpu.memory_space<vmem_shared>>) attributes {dimension_semantics = [#tpu.dimension_semantics<core_parallel>, #tpu.dimension_semantics<subcore_parallel>], iteration_bounds = array<i64: 2, 16>, scalar_prefetch = 0 : i64, scratch_operands = 8 : i64, tpu.core_type = #tpu.core_type<sc_vector_subcore>, window_params = [{transform_indices = #map}, {transform_indices = #map}, {transform_indices = #map1}, {transform_indices = #map1}]} {
    %mul3A = arith.constant 2 : i32
    %mul3A_0 = arith.muli %arg1, %mul3A : i32
    %add3A = arith.addi %mul3A_0, %arg0 : i32
    %mul3A_1 = arith.constant 632 : i32
    %mul3A_2 = arith.muli %arg1, %mul3A_1 : i32
    %broadcast_in_dim3A = arith.constant 0.000000e+00 : f32
    %broadcast_in_dim3A_3 = vector.broadcast %broadcast_in_dim3A : f32 to vector<16xf32>
    %scan3A = arith.constant 0 : i32
    %scan3A_4 = arith.constant 0 : i32
    %scan3A_5 = arith.constant 8 : i32
    %scan3A_6 = arith.addi %scan3A_4, %scan3A_5 : i32
    %scan3A_7 = arith.constant 1 : i32
    scf.for %scan3A_57 = %scan3A_4 to %scan3A_6 step %scan3A_7  : i32 {
      %swap3A = arith.index_cast %scan3A_57 : i32 to index
      %swap3A_58 = arith.constant 0 : index
      %swap3A_59 = tpu.vector_load %arg9[%swap3A, %swap3A_58] {strides = array<i32>} : memref<8x128xf32, #tpu.memory_space<vmem>>, vector<1x16xf32>,
      %swap3A_60 = vector.shape_cast %swap3A_59 : vector<1x16xf32> to vector<16xf32>
      %swap3A_61 = vector.shape_cast %broadcast_in_dim3A_3 : vector<16xf32> to vector<1x16xf32>
      tpu.vector_store %arg9[%swap3A, %swap3A_58], %swap3A_61 {strides = array<i32>} : memref<8x128xf32, #tpu.memory_space<vmem>>, vector<1x16xf32>,
      %swap3A_62 = arith.index_cast %scan3A_57 : i32 to index
      %swap3A_63 = arith.constant 16 : index
      %swap3A_64 = tpu.vector_load %arg9[%swap3A_62, %swap3A_63] {strides = array<i32>} : memref<8x128xf32, #tpu.memory_space<vmem>>, vector<1x16xf32>,
      %swap3A_65 = vector.shape_cast %swap3A_64 : vector<1x16xf32> to vector<16xf32>
      %swap3A_66 = vector.shape_cast %broadcast_in_dim3A_3 : vector<16xf32> to vector<1x16xf32>
      tpu.vector_store %arg9[%swap3A_62, %swap3A_63], %swap3A_66 {strides = array<i32>} : memref<8x128xf32, #tpu.memory_space<vmem>>, vector<1x16xf32>,
      %swap3A_67 = arith.index_cast %scan3A_57 : i32 to index
      %swap3A_68 = arith.constant 32 : index
      %swap3A_69 = tpu.vector_load %arg9[%swap3A_67, %swap3A_68] {strides = array<i32>} : memref<8x128xf32, #tpu.memory_space<vmem>>, vector<1x16xf32>,
      %swap3A_70 = vector.shape_cast %swap3A_69 : vector<1x16xf32> to vector<16xf32>
      %swap3A_71 = vector.shape_cast %broadcast_in_dim3A_3 : vector<16xf32> to vector<1x16xf32>
      tpu.vector_store %arg9[%swap3A_67, %swap3A_68], %swap3A_71 {strides = array<i32>} : memref<8x128xf32, #tpu.memory_space<vmem>>, vector<1x16xf32>,
      %swap3A_72 = arith.index_cast %scan3A_57 : i32 to index
      %swap3A_73 = arith.constant 48 : index
      %swap3A_74 = tpu.vector_load %arg9[%swap3A_72, %swap3A_73] {strides = array<i32>} : memref<8x128xf32, #tpu.memory_space<vmem>>, vector<1x16xf32>,
      %swap3A_75 = vector.shape_cast %swap3A_74 : vector<1x16xf32> to vector<16xf32>
      %swap3A_76 = vector.shape_cast %broadcast_in_dim3A_3 : vector<16xf32> to vector<1x16xf32>
      tpu.vector_store %arg9[%swap3A_72, %swap3A_73], %swap3A_76 {strides = array<i32>} : memref<8x128xf32, #tpu.memory_space<vmem>>, vector<1x16xf32>,
      %swap3A_77 = arith.index_cast %scan3A_57 : i32 to index
      %swap3A_78 = arith.constant 64 : index
      %swap3A_79 = tpu.vector_load %arg9[%swap3A_77, %swap3A_78] {strides = array<i32>} : memref<8x128xf32, #tpu.memory_space<vmem>>, vector<1x16xf32>,
      %swap3A_80 = vector.shape_cast %swap3A_79 : vector<1x16xf32> to vector<16xf32>
      %swap3A_81 = vector.shape_cast %broadcast_in_dim3A_3 : vector<16xf32> to vector<1x16xf32>
      tpu.vector_store %arg9[%swap3A_77, %swap3A_78], %swap3A_81 {strides = array<i32>} : memref<8x128xf32, #tpu.memory_space<vmem>>, vector<1x16xf32>,
      %swap3A_82 = arith.index_cast %scan3A_57 : i32 to index
      %swap3A_83 = arith.constant 80 : index
      %swap3A_84 = tpu.vector_load %arg9[%swap3A_82, %swap3A_83] {strides = array<i32>} : memref<8x128xf32, #tpu.memory_space<vmem>>, vector<1x16xf32>,
      %swap3A_85 = vector.shape_cast %swap3A_84 : vector<1x16xf32> to vector<16xf32>
      %swap3A_86 = vector.shape_cast %broadcast_in_dim3A_3 : vector<16xf32> to vector<1x16xf32>
      tpu.vector_store %arg9[%swap3A_82, %swap3A_83], %swap3A_86 {strides = array<i32>} : memref<8x128xf32, #tpu.memory_space<vmem>>, vector<1x16xf32>,
      %swap3A_87 = arith.index_cast %scan3A_57 : i32 to index
      %swap3A_88 = arith.constant 96 : index
      %swap3A_89 = tpu.vector_load %arg9[%swap3A_87, %swap3A_88] {strides = array<i32>} : memref<8x128xf32, #tpu.memory_space<vmem>>, vector<1x16xf32>,
      %swap3A_90 = vector.shape_cast %swap3A_89 : vector<1x16xf32> to vector<16xf32>
      %swap3A_91 = vector.shape_cast %broadcast_in_dim3A_3 : vector<16xf32> to vector<1x16xf32>
      tpu.vector_store %arg9[%swap3A_87, %swap3A_88], %swap3A_91 {strides = array<i32>} : memref<8x128xf32, #tpu.memory_space<vmem>>, vector<1x16xf32>,
      %swap3A_92 = arith.index_cast %scan3A_57 : i32 to index
      %swap3A_93 = arith.constant 112 : index
      %swap3A_94 = tpu.vector_load %arg9[%swap3A_92, %swap3A_93] {strides = array<i32>} : memref<8x128xf32, #tpu.memory_space<vmem>>, vector<1x16xf32>,
      %swap3A_95 = vector.shape_cast %swap3A_94 : vector<1x16xf32> to vector<16xf32>
      %swap3A_96 = vector.shape_cast %broadcast_in_dim3A_3 : vector<16xf32> to vector<1x16xf32>
      tpu.vector_store %arg9[%swap3A_92, %swap3A_93], %swap3A_96 {strides = array<i32>} : memref<8x128xf32, #tpu.memory_space<vmem>>, vector<1x16xf32>,
    }
    %scan3A_8 = arith.constant 8 : i32
    %scan3A_9 = arith.constant 0 : i32
    %scan3A_10 = arith.constant 0 : i32
    %scan3A_11 = arith.constant 79 : i32
    %scan3A_12 = arith.addi %scan3A_10, %scan3A_11 : i32
    %scan3A_13 = arith.constant 1 : i32
    scf.for %scan3A_57 = %scan3A_10 to %scan3A_12 step %scan3A_13  : i32 {
      %mul3A_58 = arith.constant 8 : i32
      %mul3A_59 = arith.muli %scan3A_57, %mul3A_58 : i32
      %add3A_60 = arith.addi %mul3A_2, %mul3A_59 : i32
      %multiple_of3A = tpu.assume_multiple %add3A_60, 8 : i32
      "tpu.region"() ({
        %run_scoped3A = tpu.sem_alloc : memref<!tpu.dma_semaphore, #tpu.memory_space<semaphore_mem>>
        %dma_start3A = arith.constant 0 : i32
        %dma_start3A_61 = tpu.memref_slice %arg13[%multiple_of3A, %dma_start3A] : memref<10112x128xf32, #tpu.memory_space<vmem_shared>> -> memref<8x128xf32, #tpu.memory_space<vmem_shared>>
        %dma_start3A_62 = arith.constant 0 : i32
        %dma_start3A_63 = tpu.memref_slice %arg13[%multiple_of3A, %dma_start3A_62] : memref<10112x128xf32, #tpu.memory_space<vmem_shared>> -> memref<8x128xf32, #tpu.memory_space<vmem_shared>>
        tpu.enqueue_dma source(%arg9 : memref<8x128xf32, #tpu.memory_space<vmem>>) target(%dma_start3A_63 : memref<8x128xf32, #tpu.memory_space<vmem_shared>>) target_semaphore(%run_scoped3A : memref<!tpu.dma_semaphore, #tpu.memory_space<semaphore_mem>>)
        %dma_wait3A = arith.constant 0 : i32
        %dma_wait3A_64 = tpu.memref_slice %arg13[%multiple_of3A, %dma_wait3A] : memref<10112x128xf32, #tpu.memory_space<vmem_shared>> -> memref<8x128xf32, #tpu.memory_space<vmem_shared>>
        %dma_wait3A_65 = arith.constant 0 : i32
        %dma_wait3A_66 = tpu.memref_slice %arg13[%multiple_of3A, %dma_wait3A_65] : memref<10112x128xf32, #tpu.memory_space<vmem_shared>> -> memref<8x128xf32, #tpu.memory_space<vmem_shared>>
        tpu.wait_dma2 semaphore(%run_scoped3A : memref<!tpu.dma_semaphore, #tpu.memory_space<semaphore_mem>>) src(%arg9 : memref<8x128xf32, #tpu.memory_space<vmem>>) dst(%dma_wait3A_66 : memref<8x128xf32, #tpu.memory_space<vmem_shared>>)
        tpu.yield
      }) : () -> ()
    }
    %scan3A_14 = arith.constant 79 : i32
    "tpu.region"() ({
      %run_scoped3A = tpu.sem_alloc : memref<!tpu.dma_semaphore, #tpu.memory_space<semaphore_mem>>
      %dma_start3A = arith.constant 0 : i32
      %dma_start3A_57 = arith.constant 0 : i32
      %dma_start3A_58 = tpu.memref_slice %arg2[%add3A, %dma_start3A, %dma_start3A_57] : memref<32x81x128xi32, #tpu.memory_space<hbm>> -> memref<1x81x128xi32, #tpu.memory_space<hbm>>
      %dma_start3A_59 = tpu.memref_squeeze %dma_start3A_58 : memref<1x81x128xi32, #tpu.memory_space<hbm>> -> memref<81x128xi32, #tpu.memory_space<hbm>>
      %dma_start3A_60 = arith.constant 0 : i32
      %dma_start3A_61 = arith.constant 0 : i32
      %dma_start3A_62 = tpu.memref_slice %arg2[%add3A, %dma_start3A_60, %dma_start3A_61] : memref<32x81x128xi32, #tpu.memory_space<hbm>> -> memref<1x81x128xi32, #tpu.memory_space<hbm>>
      %dma_start3A_63 = tpu.memref_squeeze %dma_start3A_62 : memref<1x81x128xi32, #tpu.memory_space<hbm>> -> memref<81x128xi32, #tpu.memory_space<hbm>>
      tpu.enqueue_dma source(%dma_start3A_63 : memref<81x128xi32, #tpu.memory_space<hbm>>) target(%arg6 : memref<81x128xi32, #tpu.memory_space<vmem>>) target_semaphore(%run_scoped3A : memref<!tpu.dma_semaphore, #tpu.memory_space<semaphore_mem>>)
      %dma_wait3A = arith.constant 0 : i32
      %dma_wait3A_64 = arith.constant 0 : i32
      %dma_wait3A_65 = tpu.memref_slice %arg2[%add3A, %dma_wait3A, %dma_wait3A_64] : memref<32x81x128xi32, #tpu.memory_space<hbm>> -> memref<1x81x128xi32, #tpu.memory_space<hbm>>
      %dma_wait3A_66 = tpu.memref_squeeze %dma_wait3A_65 : memref<1x81x128xi32, #tpu.memory_space<hbm>> -> memref<81x128xi32, #tpu.memory_space<hbm>>
      %dma_wait3A_67 = arith.constant 0 : i32
      %dma_wait3A_68 = arith.constant 0 : i32
      %dma_wait3A_69 = tpu.memref_slice %arg2[%add3A, %dma_wait3A_67, %dma_wait3A_68] : memref<32x81x128xi32, #tpu.memory_space<hbm>> -> memref<1x81x128xi32, #tpu.memory_space<hbm>>
      %dma_wait3A_70 = tpu.memref_squeeze %dma_wait3A_69 : memref<1x81x128xi32, #tpu.memory_space<hbm>> -> memref<81x128xi32, #tpu.memory_space<hbm>>
      tpu.wait_dma2 semaphore(%run_scoped3A : memref<!tpu.dma_semaphore, #tpu.memory_space<semaphore_mem>>) src(%dma_wait3A_70 : memref<81x128xi32, #tpu.memory_space<hbm>>) dst(%arg6 : memref<81x128xi32, #tpu.memory_space<vmem>>)
      tpu.yield
    }) : () -> ()
    "tpu.region"() ({
      %run_scoped3A = tpu.sem_alloc : memref<!tpu.dma_semaphore, #tpu.memory_space<semaphore_mem>>
      %dma_start3A = arith.constant 0 : i32
      %dma_start3A_57 = arith.constant 0 : i32
      %dma_start3A_58 = tpu.memref_slice %arg3[%add3A, %dma_start3A, %dma_start3A_57] : memref<32x81x128xi32, #tpu.memory_space<hbm>> -> memref<1x81x128xi32, #tpu.memory_space<hbm>>
      %dma_start3A_59 = tpu.memref_squeeze %dma_start3A_58 : memref<1x81x128xi32, #tpu.memory_space<hbm>> -> memref<81x128xi32, #tpu.memory_space<hbm>>
      %dma_start3A_60 = arith.constant 0 : i32
      %dma_start3A_61 = arith.constant 0 : i32
      %dma_start3A_62 = tpu.memref_slice %arg3[%add3A, %dma_start3A_60, %dma_start3A_61] : memref<32x81x128xi32, #tpu.memory_space<hbm>> -> memref<1x81x128xi32, #tpu.memory_space<hbm>>
      %dma_start3A_63 = tpu.memref_squeeze %dma_start3A_62 : memref<1x81x128xi32, #tpu.memory_space<hbm>> -> memref<81x128xi32, #tpu.memory_space<hbm>>
      tpu.enqueue_dma source(%dma_start3A_63 : memref<81x128xi32, #tpu.memory_space<hbm>>) target(%arg7 : memref<81x128xi32, #tpu.memory_space<vmem>>) target_semaphore(%run_scoped3A : memref<!tpu.dma_semaphore, #tpu.memory_space<semaphore_mem>>)
      %dma_wait3A = arith.constant 0 : i32
      %dma_wait3A_64 = arith.constant 0 : i32
      %dma_wait3A_65 = tpu.memref_slice %arg3[%add3A, %dma_wait3A, %dma_wait3A_64] : memref<32x81x128xi32, #tpu.memory_space<hbm>> -> memref<1x81x128xi32, #tpu.memory_space<hbm>>
      %dma_wait3A_66 = tpu.memref_squeeze %dma_wait3A_65 : memref<1x81x128xi32, #tpu.memory_space<hbm>> -> memref<81x128xi32, #tpu.memory_space<hbm>>
      %dma_wait3A_67 = arith.constant 0 : i32
      %dma_wait3A_68 = arith.constant 0 : i32
      %dma_wait3A_69 = tpu.memref_slice %arg3[%add3A, %dma_wait3A_67, %dma_wait3A_68] : memref<32x81x128xi32, #tpu.memory_space<hbm>> -> memref<1x81x128xi32, #tpu.memory_space<hbm>>
      %dma_wait3A_70 = tpu.memref_squeeze %dma_wait3A_69 : memref<1x81x128xi32, #tpu.memory_space<hbm>> -> memref<81x128xi32, #tpu.memory_space<hbm>>
      tpu.wait_dma2 semaphore(%run_scoped3A : memref<!tpu.dma_semaphore, #tpu.memory_space<semaphore_mem>>) src(%dma_wait3A_70 : memref<81x128xi32, #tpu.memory_space<hbm>>) dst(%arg7 : memref<81x128xi32, #tpu.memory_space<vmem>>)
      tpu.yield
    }) : () -> ()
    %barrier3A = arith.constant 0 : index
    tpu.barrier barrier_id(%barrier3A)
    %delay3A = arith.constant 2000 : i32
    tpu.delay %delay3A
    %barrier3A_15 = arith.constant 0 : index
    tpu.barrier barrier_id(%barrier3A_15)
    %scan3A_16 = arith.constant 0 : i32
    %scan3A_17 = arith.constant 0 : i32
    %scan3A_18 = arith.constant 81 : i32
    %scan3A_19 = arith.addi %scan3A_17, %scan3A_18 : i32
    %scan3A_20 = arith.constant 1 : i32
    scf.for %scan3A_57 = %scan3A_17 to %scan3A_19 step %scan3A_20  : i32 {
      %dma_start3A = arith.constant 0 : i32
      %dma_start3A_58 = tpu.memref_slice %arg6[%scan3A_57, %dma_start3A] : memref<81x128xi32, #tpu.memory_space<vmem>> -> memref<1x128xi32, #tpu.memory_space<vmem>>
      %dma_start3A_59 = tpu.memref_squeeze %dma_start3A_58 : memref<1x128xi32, #tpu.memory_space<vmem>> -> memref<128xi32, #tpu.memory_space<vmem>>
      %dma_start3A_60 = arith.constant 0 : i32
      %dma_start3A_61 = arith.constant 0 : i32
      %dma_start3A_62 = tpu.memref_slice %arg4[%dma_start3A_60, %dma_start3A_61] : memref<20000x128xf32, #tpu.memory_space<hbm>> -> memref<20000x128xf32, #tpu.memory_space<hbm>>
      tpu.enqueue_indirect_dma source(%dma_start3A_62 : memref<20000x128xf32, #tpu.memory_space<hbm>>) target(%arg8 : memref<128x128xf32, #tpu.memory_space<vmem>>) offsets(%dma_start3A_59 : memref<128xi32, #tpu.memory_space<vmem>>) semaphore(%arg12 : memref<!tpu.dma_semaphore, #tpu.memory_space<semaphore_mem>>)
      %dma_wait3A = arith.constant 0 : i32
      %dma_wait3A_63 = tpu.memref_slice %arg6[%scan3A_57, %dma_wait3A] : memref<81x128xi32, #tpu.memory_space<vmem>> -> memref<1x128xi32, #tpu.memory_space<vmem>>
      %dma_wait3A_64 = tpu.memref_squeeze %dma_wait3A_63 : memref<1x128xi32, #tpu.memory_space<vmem>> -> memref<128xi32, #tpu.memory_space<vmem>>
      %dma_wait3A_65 = arith.constant 0 : i32
      %dma_wait3A_66 = arith.constant 0 : i32
      %dma_wait3A_67 = tpu.memref_slice %arg4[%dma_wait3A_65, %dma_wait3A_66] : memref<20000x128xf32, #tpu.memory_space<hbm>> -> memref<20000x128xf32, #tpu.memory_space<hbm>>
      tpu.wait_indirect_dma semaphore(%arg12 : memref<!tpu.dma_semaphore, #tpu.memory_space<semaphore_mem>>) src(%dma_wait3A_67 : memref<20000x128xf32, #tpu.memory_space<hbm>>) dst(%arg8 : memref<128x128xf32, #tpu.memory_space<vmem>>)
      "tpu.region"() ({
        %run_scoped3A = tpu.sem_alloc : memref<!tpu.dma_semaphore, #tpu.memory_space<semaphore_mem>>
        %dma_start3A_68 = arith.constant 0 : i32
        %dma_start3A_69 = tpu.memref_slice %arg7[%scan3A_57, %dma_start3A_68] : memref<81x128xi32, #tpu.memory_space<vmem>> -> memref<1x128xi32, #tpu.memory_space<vmem>>
        %dma_start3A_70 = tpu.memref_squeeze %dma_start3A_69 : memref<1x128xi32, #tpu.memory_space<vmem>> -> memref<128xi32, #tpu.memory_space<vmem>>
        %dma_start3A_71 = arith.constant 0 : i32
        %dma_start3A_72 = arith.constant 0 : i32
        %dma_start3A_73 = tpu.memref_slice %arg13[%dma_start3A_71, %dma_start3A_72] : memref<10112x128xf32, #tpu.memory_space<vmem_shared>> -> memref<10112x128xf32, #tpu.memory_space<vmem_shared>>
        tpu.enqueue_indirect_dma source(%arg8 : memref<128x128xf32, #tpu.memory_space<vmem>>) target(%dma_start3A_73 : memref<10112x128xf32, #tpu.memory_space<vmem_shared>>) offsets(%dma_start3A_70 : memref<128xi32, #tpu.memory_space<vmem>>) semaphore(%run_scoped3A : memref<!tpu.dma_semaphore, #tpu.memory_space<semaphore_mem>>) {add = true}
        %dma_wait3A_74 = arith.constant 0 : i32
        %dma_wait3A_75 = tpu.memref_slice %arg7[%scan3A_57, %dma_wait3A_74] : memref<81x128xi32, #tpu.memory_space<vmem>> -> memref<1x128xi32, #tpu.memory_space<vmem>>
        %dma_wait3A_76 = tpu.memref_squeeze %dma_wait3A_75 : memref<1x128xi32, #tpu.memory_space<vmem>> -> memref<128xi32, #tpu.memory_space<vmem>>
        %dma_wait3A_77 = arith.constant 0 : i32
        %dma_wait3A_78 = arith.constant 0 : i32
        %dma_wait3A_79 = tpu.memref_slice %arg13[%dma_wait3A_77, %dma_wait3A_78] : memref<10112x128xf32, #tpu.memory_space<vmem_shared>> -> memref<10112x128xf32, #tpu.memory_space<vmem_shared>>
        tpu.wait_indirect_dma semaphore(%run_scoped3A : memref<!tpu.dma_semaphore, #tpu.memory_space<semaphore_mem>>) src(%arg8 : memref<128x128xf32, #tpu.memory_space<vmem>>) dst(%dma_wait3A_79 : memref<10112x128xf32, #tpu.memory_space<vmem_shared>>)
        tpu.yield
      }) : () -> ()
    }
    %scan3A_21 = arith.constant 81 : i32
    %barrier3A_22 = arith.constant 0 : index
    tpu.barrier barrier_id(%barrier3A_22)
    %delay3A_23 = arith.constant 2000 : i32
    tpu.delay %delay3A_23
    %barrier3A_24 = arith.constant 0 : index
    tpu.barrier barrier_id(%barrier3A_24)
    %broadcast_in_dim3A_25 = arith.constant 32768 : i32
    %broadcast_in_dim3A_26 = vector.broadcast %broadcast_in_dim3A_25 : i32 to vector<16xi32>
    %broadcast_in_dim3A_27 = arith.constant -65536 : i32
    %broadcast_in_dim3A_28 = vector.broadcast %broadcast_in_dim3A_27 : i32 to vector<16xi32>
    %sub3A = arith.constant 10000 : i32
    %sub3A_29 = arith.subi %sub3A, %mul3A_2 : i32
    %min3A = arith.constant 632 : i32
    %min3A_30 = arith.minsi %min3A, %sub3A_29 : i32
    %jit3A = arith.constant 8 : i32
    %div3A = arith.divsi %min3A_30, %jit3A : i32
    %sign3A = arith.constant 0 : i32
    %sign3A_31 = arith.cmpi sgt, %min3A_30, %sign3A : i32
    %sign3A_32 = arith.extui %sign3A_31 : i1 to i32
    %sign3A_33 = arith.constant 0 : i32
    %sign3A_34 = arith.cmpi slt, %min3A_30, %sign3A_33 : i32
    %sign3A_35 = arith.extui %sign3A_34 : i1 to i32
    %sign3A_36 = arith.subi %sign3A_32, %sign3A_35 : i32
    %sign3A_37 = arith.constant 0 : i32
    %sign3A_38 = arith.cmpi sgt, %jit3A, %sign3A_37 : i32
    %sign3A_39 = arith.extui %sign3A_38 : i1 to i32
    %sign3A_40 = arith.constant 0 : i32
    %sign3A_41 = arith.cmpi slt, %jit3A, %sign3A_40 : i32
    %sign3A_42 = arith.extui %sign3A_41 : i1 to i32
    %sign3A_43 = arith.subi %sign3A_39, %sign3A_42 : i32
    %ne3A = arith.cmpi ne, %sign3A_36, %sign3A_43 : i32
    %rem3A = arith.remsi %min3A_30, %jit3A : i32
    %ne3A_44 = arith.constant 0 : i32
    %ne3A_45 = arith.cmpi ne, %rem3A, %ne3A_44 : i32
    %and3A = arith.andi %ne3A, %ne3A_45 : i1
    %sub3A_46 = arith.constant 1 : i32
    %sub3A_47 = arith.subi %div3A, %sub3A_46 : i32
    %select_n3A = arith.select %and3A, %sub3A_47, %div3A : i32
    %while3A = arith.constant 0 : i32
    %while3A_48 = arith.constant 0 : i32
    %while3A_49 = arith.subi %select_n3A, %while3A_48 : i32
    %while3A_50 = arith.addi %while3A_48, %while3A_49 : i32
    %while3A_51 = arith.constant 1 : i32
    %while3A_52 = arith.divsi %while3A_49, %while3A_51 : i32
    %while3A_53 = arith.muli %while3A_52, %while3A_51 : i32
    %while3A_54 = arith.addi %while3A_48, %while3A_53 : i32
    %while3A_55 = arith.constant 1 : i32
    scf.for %while3A_57 = %while3A_48 to %while3A_54 step %while3A_55  : i32 {
      %mul3A_58 = arith.constant 8 : i32
      %mul3A_59 = arith.muli %while3A_57, %mul3A_58 : i32
      %add3A_60 = arith.addi %mul3A_2, %mul3A_59 : i32
      %multiple_of3A = tpu.assume_multiple %add3A_60, 8 : i32
      %mul3A_61 = arith.constant 10000 : i32
      %mul3A_62 = arith.muli %arg0, %mul3A_61 : i32
      %add3A_63 = arith.addi %mul3A_62, %mul3A_2 : i32
      %mul3A_64 = arith.constant 8 : i32
      %mul3A_65 = arith.muli %while3A_57, %mul3A_64 : i32
      %add3A_66 = arith.addi %add3A_63, %mul3A_65 : i32
      %multiple_of3A_67 = tpu.assume_multiple %add3A_66, 8 : i32
      "tpu.region"() ({
        %run_scoped3A = tpu.sem_alloc : memref<!tpu.dma_semaphore, #tpu.memory_space<semaphore_mem>>
        %dma_start3A = arith.constant 0 : i32
        %dma_start3A_863 = tpu.memref_slice %arg13[%multiple_of3A, %dma_start3A] : memref<10112x128xf32, #tpu.memory_space<vmem_shared>> -> memref<8x128xf32, #tpu.memory_space<vmem_shared>>
        %dma_start3A_864 = arith.constant 0 : i32
        %dma_start3A_865 = tpu.memref_slice %arg13[%multiple_of3A, %dma_start3A_864] : memref<10112x128xf32, #tpu.memory_space<vmem_shared>> -> memref<8x128xf32, #tpu.memory_space<vmem_shared>>
        tpu.enqueue_dma source(%dma_start3A_865 : memref<8x128xf32, #tpu.memory_space<vmem_shared>>) target(%arg10 : memref<8x128xf32, #tpu.memory_space<vmem>>) target_semaphore(%run_scoped3A : memref<!tpu.dma_semaphore, #tpu.memory_space<semaphore_mem>>)
        %dma_wait3A = arith.constant 0 : i32
        %dma_wait3A_866 = tpu.memref_slice %arg13[%multiple_of3A, %dma_wait3A] : memref<10112x128xf32, #tpu.memory_space<vmem_shared>> -> memref<8x128xf32, #tpu.memory_space<vmem_shared>>
        %dma_wait3A_867 = arith.constant 0 : i32
        %dma_wait3A_868 = tpu.memref_slice %arg13[%multiple_of3A, %dma_wait3A_867] : memref<10112x128xf32, #tpu.memory_space<vmem_shared>> -> memref<8x128xf32, #tpu.memory_space<vmem_shared>>
        tpu.wait_dma2 semaphore(%run_scoped3A : memref<!tpu.dma_semaphore, #tpu.memory_space<semaphore_mem>>) src(%dma_wait3A_868 : memref<8x128xf32, #tpu.memory_space<vmem_shared>>) dst(%arg10 : memref<8x128xf32, #tpu.memory_space<vmem>>)
        tpu.yield
      }) : () -> ()
      %get3A = arith.constant 0 : i32
      %get3A_68 = arith.index_cast %get3A : i32 to index
      %get3A_69 = arith.constant 0 : index
      %get3A_70 = tpu.vector_load %arg10[%get3A_68, %get3A_69] {strides = array<i32>} : memref<8x128xf32, #tpu.memory_space<vmem>>, vector<1x16xf32>,
      %get3A_71 = vector.shape_cast %get3A_70 : vector<1x16xf32> to vector<16xf32>
      %bitcast_convert_type3A = tpu.bitcast %get3A_71 : vector<16xf32> -> vector<16xi32>
      %get3A_72 = arith.constant 0 : i32
      %get3A_73 = arith.index_cast %get3A_72 : i32 to index
      %get3A_74 = arith.constant 16 : index
      %get3A_75 = tpu.vector_load %arg10[%get3A_73, %get3A_74] {strides = array<i32>} : memref<8x128xf32, #tpu.memory_space<vmem>>, vector<1x16xf32>,
      %get3A_76 = vector.shape_cast %get3A_75 : vector<1x16xf32> to vector<16xf32>
      %bitcast_convert_type3A_77 = tpu.bitcast %get3A_76 : vector<16xf32> -> vector<16xi32>
      %add3A_78 = arith.addi %bitcast_convert_type3A, %broadcast_in_dim3A_26 : vector<16xi32>
      %shift_right_logical3A = arith.constant 16 : i32
      %shift_right_logical3A_79 = vector.broadcast %shift_right_logical3A : i32 to vector<16xi32>
      %shift_right_logical3A_80 = arith.shrui %add3A_78, %shift_right_logical3A_79 : vector<16xi32>
      %add3A_81 = arith.addi %bitcast_convert_type3A_77, %broadcast_in_dim3A_26 : vector<16xi32>
      %and3A_82 = arith.andi %add3A_81, %broadcast_in_dim3A_28 : vector<16xi32>
      %or3A = arith.ori %shift_right_logical3A_80, %and3A_82 : vector<16xi32>
      %swap3A = arith.constant 0 : i32
      %swap3A_83 = arith.index_cast %swap3A : i32 to index
      %swap3A_84 = arith.constant 0 : index
      %swap3A_85 = tpu.vector_load %arg11[%swap3A_83, %swap3A_84] {strides = array<i32>} : memref<8x64xi32, #tpu.memory_space<vmem>>, vector<1x16xi32>,
      %swap3A_86 = vector.shape_cast %swap3A_85 : vector<1x16xi32> to vector<16xi32>
      %swap3A_87 = vector.shape_cast %or3A : vector<16xi32> to vector<1x16xi32>
      tpu.vector_store %arg11[%swap3A_83, %swap3A_84], %swap3A_87 {strides = array<i32>} : memref<8x64xi32, #tpu.memory_space<vmem>>, vector<1x16xi32>,
      %get3A_88 = arith.constant 0 : i32
      %get3A_89 = arith.index_cast %get3A_88 : i32 to index
      %get3A_90 = arith.constant 32 : index
      %get3A_91 = tpu.vector_load %arg10[%get3A_89, %get3A_90] {strides = array<i32>} : memref<8x128xf32, #tpu.memory_space<vmem>>, vector<1x16xf32>,
      %get3A_92 = vector.shape_cast %get3A_91 : vector<1x16xf32> to vector<16xf32>
      %bitcast_convert_type3A_93 = tpu.bitcast %get3A_92 : vector<16xf32> -> vector<16xi32>
      %get3A_94 = arith.constant 0 : i32
      %get3A_95 = arith.index_cast %get3A_94 : i32 to index
      %get3A_96 = arith.constant 48 : index
      %get3A_97 = tpu.vector_load %arg10[%get3A_95, %get3A_96] {strides = array<i32>} : memref<8x128xf32, #tpu.memory_space<vmem>>, vector<1x16xf32>,
      %get3A_98 = vector.shape_cast %get3A_97 : vector<1x16xf32> to vector<16xf32>
      %bitcast_convert_type3A_99 = tpu.bitcast %get3A_98 : vector<16xf32> -> vector<16xi32>
      %add3A_100 = arith.addi %bitcast_convert_type3A_93, %broadcast_in_dim3A_26 : vector<16xi32>
      %shift_right_logical3A_101 = arith.constant 16 : i32
      %shift_right_logical3A_102 = vector.broadcast %shift_right_logical3A_101 : i32 to vector<16xi32>
      %shift_right_logical3A_103 = arith.shrui %add3A_100, %shift_right_logical3A_102 : vector<16xi32>
      %add3A_104 = arith.addi %bitcast_convert_type3A_99, %broadcast_in_dim3A_26 : vector<16xi32>
      %and3A_105 = arith.andi %add3A_104, %broadcast_in_dim3A_28 : vector<16xi32>
      %or3A_106 = arith.ori %shift_right_logical3A_103, %and3A_105 : vector<16xi32>
      %swap3A_107 = arith.constant 0 : i32
      %swap3A_108 = arith.index_cast %swap3A_107 : i32 to index
      %swap3A_109 = arith.constant 16 : index
      %swap3A_110 = tpu.vector_load %arg11[%swap3A_108, %swap3A_109] {strides = array<i32>} : memref<8x64xi32, #tpu.memory_space<vmem>>, vector<1x16xi32>,
      %swap3A_111 = vector.shape_cast %swap3A_110 : vector<1x16xi32> to vector<16xi32>
      %swap3A_112 = vector.shape_cast %or3A_106 : vector<16xi32> to vector<1x16xi32>
      tpu.vector_store %arg11[%swap3A_108, %swap3A_109], %swap3A_112 {strides = array<i32>} : memref<8x64xi32, #tpu.memory_space<vmem>>, vector<1x16xi32>,
      %get3A_113 = arith.constant 0 : i32
      %get3A_114 = arith.index_cast %get3A_113 : i32 to index
      %get3A_115 = arith.constant 64 : index
      %get3A_116 = tpu.vector_load %arg10[%get3A_114, %get3A_115] {strides = array<i32>} : memref<8x128xf32, #tpu.memory_space<vmem>>, vector<1x16xf32>,
      %get3A_117 = vector.shape_cast %get3A_116 : vector<1x16xf32> to vector<16xf32>
      %bitcast_convert_type3A_118 = tpu.bitcast %get3A_117 : vector<16xf32> -> vector<16xi32>
      %get3A_119 = arith.constant 0 : i32
      %get3A_120 = arith.index_cast %get3A_119 : i32 to index
      %get3A_121 = arith.constant 80 : index
      %get3A_122 = tpu.vector_load %arg10[%get3A_120, %get3A_121] {strides = array<i32>} : memref<8x128xf32, #tpu.memory_space<vmem>>, vector<1x16xf32>,
      %get3A_123 = vector.shape_cast %get3A_122 : vector<1x16xf32> to vector<16xf32>
      %bitcast_convert_type3A_124 = tpu.bitcast %get3A_123 : vector<16xf32> -> vector<16xi32>
      %add3A_125 = arith.addi %bitcast_convert_type3A_118, %broadcast_in_dim3A_26 : vector<16xi32>
      %shift_right_logical3A_126 = arith.constant 16 : i32
      %shift_right_logical3A_127 = vector.broadcast %shift_right_logical3A_126 : i32 to vector<16xi32>
      %shift_right_logical3A_128 = arith.shrui %add3A_125, %shift_right_logical3A_127 : vector<16xi32>
      %add3A_129 = arith.addi %bitcast_convert_type3A_124, %broadcast_in_dim3A_26 : vector<16xi32>
      %and3A_130 = arith.andi %add3A_129, %broadcast_in_dim3A_28 : vector<16xi32>
      %or3A_131 = arith.ori %shift_right_logical3A_128, %and3A_130 : vector<16xi32>
      %swap3A_132 = arith.constant 0 : i32
      %swap3A_133 = arith.index_cast %swap3A_132 : i32 to index
      %swap3A_134 = arith.constant 32 : index
      %swap3A_135 = tpu.vector_load %arg11[%swap3A_133, %swap3A_134] {strides = array<i32>} : memref<8x64xi32, #tpu.memory_space<vmem>>, vector<1x16xi32>,
      %swap3A_136 = vector.shape_cast %swap3A_135 : vector<1x16xi32> to vector<16xi32>
      %swap3A_137 = vector.shape_cast %or3A_131 : vector<16xi32> to vector<1x16xi32>
      tpu.vector_store %arg11[%swap3A_133, %swap3A_134], %swap3A_137 {strides = array<i32>} : memref<8x64xi32, #tpu.memory_space<vmem>>, vector<1x16xi32>,
      %get3A_138 = arith.constant 0 : i32
      %get3A_139 = arith.index_cast %get3A_138 : i32 to index
      %get3A_140 = arith.constant 96 : index
      %get3A_141 = tpu.vector_load %arg10[%get3A_139, %get3A_140] {strides = array<i32>} : memref<8x128xf32, #tpu.memory_space<vmem>>, vector<1x16xf32>,
      %get3A_142 = vector.shape_cast %get3A_141 : vector<1x16xf32> to vector<16xf32>
      %bitcast_convert_type3A_143 = tpu.bitcast %get3A_142 : vector<16xf32> -> vector<16xi32>
      %get3A_144 = arith.constant 0 : i32
      %get3A_145 = arith.index_cast %get3A_144 : i32 to index
      %get3A_146 = arith.constant 112 : index
      %get3A_147 = tpu.vector_load %arg10[%get3A_145, %get3A_146] {strides = array<i32>} : memref<8x128xf32, #tpu.memory_space<vmem>>, vector<1x16xf32>,
      %get3A_148 = vector.shape_cast %get3A_147 : vector<1x16xf32> to vector<16xf32>
      %bitcast_convert_type3A_149 = tpu.bitcast %get3A_148 : vector<16xf32> -> vector<16xi32>
      %add3A_150 = arith.addi %bitcast_convert_type3A_143, %broadcast_in_dim3A_26 : vector<16xi32>
      %shift_right_logical3A_151 = arith.constant 16 : i32
      %shift_right_logical3A_152 = vector.broadcast %shift_right_logical3A_151 : i32 to vector<16xi32>
      %shift_right_logical3A_153 = arith.shrui %add3A_150, %shift_right_logical3A_152 : vector<16xi32>
      %add3A_154 = arith.addi %bitcast_convert_type3A_149, %broadcast_in_dim3A_26 : vector<16xi32>
      %and3A_155 = arith.andi %add3A_154, %broadcast_in_dim3A_28 : vector<16xi32>
      %or3A_156 = arith.ori %shift_right_logical3A_153, %and3A_155 : vector<16xi32>
      %swap3A_157 = arith.constant 0 : i32
      %swap3A_158 = arith.index_cast %swap3A_157 : i32 to index
      %swap3A_159 = arith.constant 48 : index
      %swap3A_160 = tpu.vector_load %arg11[%swap3A_158, %swap3A_159] {strides = array<i32>} : memref<8x64xi32, #tpu.memory_space<vmem>>, vector<1x16xi32>,
      %swap3A_161 = vector.shape_cast %swap3A_160 : vector<1x16xi32> to vector<16xi32>
      %swap3A_162 = vector.shape_cast %or3A_156 : vector<16xi32> to vector<1x16xi32>
      tpu.vector_store %arg11[%swap3A_158, %swap3A_159], %swap3A_162 {strides = array<i32>} : memref<8x64xi32, #tpu.memory_space<vmem>>, vector<1x16xi32>,
      %get3A_163 = arith.constant 1 : i32
      %get3A_164 = arith.index_cast %get3A_163 : i32 to index
      %get3A_165 = arith.constant 0 : index
      %get3A_166 = tpu.vector_load %arg10[%get3A_164, %get3A_165] {strides = array<i32>} : memref<8x128xf32, #tpu.memory_space<vmem>>, vector<1x16xf32>,
      %get3A_167 = vector.shape_cast %get3A_166 : vector<1x16xf32> to vector<16xf32>
      %bitcast_convert_type3A_168 = tpu.bitcast %get3A_167 : vector<16xf32> -> vector<16xi32>
      %get3A_169 = arith.constant 1 : i32
      %get3A_170 = arith.index_cast %get3A_169 : i32 to index
      %get3A_171 = arith.constant 16 : index
      %get3A_172 = tpu.vector_load %arg10[%get3A_170, %get3A_171] {strides = array<i32>} : memref<8x128xf32, #tpu.memory_space<vmem>>, vector<1x16xf32>,
      %get3A_173 = vector.shape_cast %get3A_172 : vector<1x16xf32> to vector<16xf32>
      %bitcast_convert_type3A_174 = tpu.bitcast %get3A_173 : vector<16xf32> -> vector<16xi32>
      %add3A_175 = arith.addi %bitcast_convert_type3A_168, %broadcast_in_dim3A_26 : vector<16xi32>
      %shift_right_logical3A_176 = arith.constant 16 : i32
      %shift_right_logical3A_177 = vector.broadcast %shift_right_logical3A_176 : i32 to vector<16xi32>
      %shift_right_logical3A_178 = arith.shrui %add3A_175, %shift_right_logical3A_177 : vector<16xi32>
      %add3A_179 = arith.addi %bitcast_convert_type3A_174, %broadcast_in_dim3A_26 : vector<16xi32>
      %and3A_180 = arith.andi %add3A_179, %broadcast_in_dim3A_28 : vector<16xi32>
      %or3A_181 = arith.ori %shift_right_logical3A_178, %and3A_180 : vector<16xi32>
      %swap3A_182 = arith.constant 1 : i32
      %swap3A_183 = arith.index_cast %swap3A_182 : i32 to index
      %swap3A_184 = arith.constant 0 : index
      %swap3A_185 = tpu.vector_load %arg11[%swap3A_183, %swap3A_184] {strides = array<i32>} : memref<8x64xi32, #tpu.memory_space<vmem>>, vector<1x16xi32>,
      %swap3A_186 = vector.shape_cast %swap3A_185 : vector<1x16xi32> to vector<16xi32>
      %swap3A_187 = vector.shape_cast %or3A_181 : vector<16xi32> to vector<1x16xi32>
      tpu.vector_store %arg11[%swap3A_183, %swap3A_184], %swap3A_187 {strides = array<i32>} : memref<8x64xi32, #tpu.memory_space<vmem>>, vector<1x16xi32>,
      %get3A_188 = arith.constant 1 : i32
      %get3A_189 = arith.index_cast %get3A_188 : i32 to index
      %get3A_190 = arith.constant 32 : index
      %get3A_191 = tpu.vector_load %arg10[%get3A_189, %get3A_190] {strides = array<i32>} : memref<8x128xf32, #tpu.memory_space<vmem>>, vector<1x16xf32>,
      %get3A_192 = vector.shape_cast %get3A_191 : vector<1x16xf32> to vector<16xf32>
      %bitcast_convert_type3A_193 = tpu.bitcast %get3A_192 : vector<16xf32> -> vector<16xi32>
      %get3A_194 = arith.constant 1 : i32
      %get3A_195 = arith.index_cast %get3A_194 : i32 to index
      %get3A_196 = arith.constant 48 : index
      %get3A_197 = tpu.vector_load %arg10[%get3A_195, %get3A_196] {strides = array<i32>} : memref<8x128xf32, #tpu.memory_space<vmem>>, vector<1x16xf32>,
      %get3A_198 = vector.shape_cast %get3A_197 : vector<1x16xf32> to vector<16xf32>
      %bitcast_convert_type3A_199 = tpu.bitcast %get3A_198 : vector<16xf32> -> vector<16xi32>
      %add3A_200 = arith.addi %bitcast_convert_type3A_193, %broadcast_in_dim3A_26 : vector<16xi32>
      %shift_right_logical3A_201 = arith.constant 16 : i32
      %shift_right_logical3A_202 = vector.broadcast %shift_right_logical3A_201 : i32 to vector<16xi32>
      %shift_right_logical3A_203 = arith.shrui %add3A_200, %shift_right_logical3A_202 : vector<16xi32>
      %add3A_204 = arith.addi %bitcast_convert_type3A_199, %broadcast_in_dim3A_26 : vector<16xi32>
      %and3A_205 = arith.andi %add3A_204, %broadcast_in_dim3A_28 : vector<16xi32>
      %or3A_206 = arith.ori %shift_right_logical3A_203, %and3A_205 : vector<16xi32>
      %swap3A_207 = arith.constant 1 : i32
      %swap3A_208 = arith.index_cast %swap3A_207 : i32 to index
      %swap3A_209 = arith.constant 16 : index
      %swap3A_210 = tpu.vector_load %arg11[%swap3A_208, %swap3A_209] {strides = array<i32>} : memref<8x64xi32, #tpu.memory_space<vmem>>, vector<1x16xi32>,
      %swap3A_211 = vector.shape_cast %swap3A_210 : vector<1x16xi32> to vector<16xi32>
      %swap3A_212 = vector.shape_cast %or3A_206 : vector<16xi32> to vector<1x16xi32>
      tpu.vector_store %arg11[%swap3A_208, %swap3A_209], %swap3A_212 {strides = array<i32>} : memref<8x64xi32, #tpu.memory_space<vmem>>, vector<1x16xi32>,
      %get3A_213 = arith.constant 1 : i32
      %get3A_214 = arith.index_cast %get3A_213 : i32 to index
      %get3A_215 = arith.constant 64 : index
      %get3A_216 = tpu.vector_load %arg10[%get3A_214, %get3A_215] {strides = array<i32>} : memref<8x128xf32, #tpu.memory_space<vmem>>, vector<1x16xf32>,
      %get3A_217 = vector.shape_cast %get3A_216 : vector<1x16xf32> to vector<16xf32>
      %bitcast_convert_type3A_218 = tpu.bitcast %get3A_217 : vector<16xf32> -> vector<16xi32>
      %get3A_219 = arith.constant 1 : i32
      %get3A_220 = arith.index_cast %get3A_219 : i32 to index
      %get3A_221 = arith.constant 80 : index
      %get3A_222 = tpu.vector_load %arg10[%get3A_220, %get3A_221] {strides = array<i32>} : memref<8x128xf32, #tpu.memory_space<vmem>>, vector<1x16xf32>,
      %get3A_223 = vector.shape_cast %get3A_222 : vector<1x16xf32> to vector<16xf32>
      %bitcast_convert_type3A_224 = tpu.bitcast %get3A_223 : vector<16xf32> -> vector<16xi32>
      %add3A_225 = arith.addi %bitcast_convert_type3A_218, %broadcast_in_dim3A_26 : vector<16xi32>
      %shift_right_logical3A_226 = arith.constant 16 : i32
      %shift_right_logical3A_227 = vector.broadcast %shift_right_logical3A_226 : i32 to vector<16xi32>
      %shift_right_logical3A_228 = arith.shrui %add3A_225, %shift_right_logical3A_227 : vector<16xi32>
      %add3A_229 = arith.addi %bitcast_convert_type3A_224, %broadcast_in_dim3A_26 : vector<16xi32>
      %and3A_230 = arith.andi %add3A_229, %broadcast_in_dim3A_28 : vector<16xi32>
      %or3A_231 = arith.ori %shift_right_logical3A_228, %and3A_230 : vector<16xi32>
      %swap3A_232 = arith.constant 1 : i32
      %swap3A_233 = arith.index_cast %swap3A_232 : i32 to index
      %swap3A_234 = arith.constant 32 : index
      %swap3A_235 = tpu.vector_load %arg11[%swap3A_233, %swap3A_234] {strides = array<i32>} : memref<8x64xi32, #tpu.memory_space<vmem>>, vector<1x16xi32>,
      %swap3A_236 = vector.shape_cast %swap3A_235 : vector<1x16xi32> to vector<16xi32>
      %swap3A_237 = vector.shape_cast %or3A_231 : vector<16xi32> to vector<1x16xi32>
      tpu.vector_store %arg11[%swap3A_233, %swap3A_234], %swap3A_237 {strides = array<i32>} : memref<8x64xi32, #tpu.memory_space<vmem>>, vector<1x16xi32>,
      %get3A_238 = arith.constant 1 : i32
      %get3A_239 = arith.index_cast %get3A_238 : i32 to index
      %get3A_240 = arith.constant 96 : index
      %get3A_241 = tpu.vector_load %arg10[%get3A_239, %get3A_240] {strides = array<i32>} : memref<8x128xf32, #tpu.memory_space<vmem>>, vector<1x16xf32>,
      %get3A_242 = vector.shape_cast %get3A_241 : vector<1x16xf32> to vector<16xf32>
      %bitcast_convert_type3A_243 = tpu.bitcast %get3A_242 : vector<16xf32> -> vector<16xi32>
      %get3A_244 = arith.constant 1 : i32
      %get3A_245 = arith.index_cast %get3A_244 : i32 to index
      %get3A_246 = arith.constant 112 : index
      %get3A_247 = tpu.vector_load %arg10[%get3A_245, %get3A_246] {strides = array<i32>} : memref<8x128xf32, #tpu.memory_space<vmem>>, vector<1x16xf32>,
      %get3A_248 = vector.shape_cast %get3A_247 : vector<1x16xf32> to vector<16xf32>
      %bitcast_convert_type3A_249 = tpu.bitcast %get3A_248 : vector<16xf32> -> vector<16xi32>
      %add3A_250 = arith.addi %bitcast_convert_type3A_243, %broadcast_in_dim3A_26 : vector<16xi32>
      %shift_right_logical3A_251 = arith.constant 16 : i32
      %shift_right_logical3A_252 = vector.broadcast %shift_right_logical3A_251 : i32 to vector<16xi32>
      %shift_right_logical3A_253 = arith.shrui %add3A_250, %shift_right_logical3A_252 : vector<16xi32>
      %add3A_254 = arith.addi %bitcast_convert_type3A_249, %broadcast_in_dim3A_26 : vector<16xi32>
      %and3A_255 = arith.andi %add3A_254, %broadcast_in_dim3A_28 : vector<16xi32>
      %or3A_256 = arith.ori %shift_right_logical3A_253, %and3A_255 : vector<16xi32>
      %swap3A_257 = arith.constant 1 : i32
      %swap3A_258 = arith.index_cast %swap3A_257 : i32 to index
      %swap3A_259 = arith.constant 48 : index
      %swap3A_260 = tpu.vector_load %arg11[%swap3A_258, %swap3A_259] {strides = array<i32>} : memref<8x64xi32, #tpu.memory_space<vmem>>, vector<1x16xi32>,
      %swap3A_261 = vector.shape_cast %swap3A_260 : vector<1x16xi32> to vector<16xi32>
      %swap3A_262 = vector.shape_cast %or3A_256 : vector<16xi32> to vector<1x16xi32>
      tpu.vector_store %arg11[%swap3A_258, %swap3A_259], %swap3A_262 {strides = array<i32>} : memref<8x64xi32, #tpu.memory_space<vmem>>, vector<1x16xi32>,
      %get3A_263 = arith.constant 2 : i32
      %get3A_264 = arith.index_cast %get3A_263 : i32 to index
      %get3A_265 = arith.constant 0 : index
      %get3A_266 = tpu.vector_load %arg10[%get3A_264, %get3A_265] {strides = array<i32>} : memref<8x128xf32, #tpu.memory_space<vmem>>, vector<1x16xf32>,
      %get3A_267 = vector.shape_cast %get3A_266 : vector<1x16xf32> to vector<16xf32>
      %bitcast_convert_type3A_268 = tpu.bitcast %get3A_267 : vector<16xf32> -> vector<16xi32>
      %get3A_269 = arith.constant 2 : i32
      %get3A_270 = arith.index_cast %get3A_269 : i32 to index
      %get3A_271 = arith.constant 16 : index
      %get3A_272 = tpu.vector_load %arg10[%get3A_270, %get3A_271] {strides = array<i32>} : memref<8x128xf32, #tpu.memory_space<vmem>>, vector<1x16xf32>,
      %get3A_273 = vector.shape_cast %get3A_272 : vector<1x16xf32> to vector<16xf32>
      %bitcast_convert_type3A_274 = tpu.bitcast %get3A_273 : vector<16xf32> -> vector<16xi32>
      %add3A_275 = arith.addi %bitcast_convert_type3A_268, %broadcast_in_dim3A_26 : vector<16xi32>
      %shift_right_logical3A_276 = arith.constant 16 : i32
      %shift_right_logical3A_277 = vector.broadcast %shift_right_logical3A_276 : i32 to vector<16xi32>
      %shift_right_logical3A_278 = arith.shrui %add3A_275, %shift_right_logical3A_277 : vector<16xi32>
      %add3A_279 = arith.addi %bitcast_convert_type3A_274, %broadcast_in_dim3A_26 : vector<16xi32>
      %and3A_280 = arith.andi %add3A_279, %broadcast_in_dim3A_28 : vector<16xi32>
      %or3A_281 = arith.ori %shift_right_logical3A_278, %and3A_280 : vector<16xi32>
      %swap3A_282 = arith.constant 2 : i32
      %swap3A_283 = arith.index_cast %swap3A_282 : i32 to index
      %swap3A_284 = arith.constant 0 : index
      %swap3A_285 = tpu.vector_load %arg11[%swap3A_283, %swap3A_284] {strides = array<i32>} : memref<8x64xi32, #tpu.memory_space<vmem>>, vector<1x16xi32>,
      %swap3A_286 = vector.shape_cast %swap3A_285 : vector<1x16xi32> to vector<16xi32>
      %swap3A_287 = vector.shape_cast %or3A_281 : vector<16xi32> to vector<1x16xi32>
      tpu.vector_store %arg11[%swap3A_283, %swap3A_284], %swap3A_287 {strides = array<i32>} : memref<8x64xi32, #tpu.memory_space<vmem>>, vector<1x16xi32>,
      %get3A_288 = arith.constant 2 : i32
      %get3A_289 = arith.index_cast %get3A_288 : i32 to index
      %get3A_290 = arith.constant 32 : index
      %get3A_291 = tpu.vector_load %arg10[%get3A_289, %get3A_290] {strides = array<i32>} : memref<8x128xf32, #tpu.memory_space<vmem>>, vector<1x16xf32>,
      %get3A_292 = vector.shape_cast %get3A_291 : vector<1x16xf32> to vector<16xf32>
      %bitcast_convert_type3A_293 = tpu.bitcast %get3A_292 : vector<16xf32> -> vector<16xi32>
      %get3A_294 = arith.constant 2 : i32
      %get3A_295 = arith.index_cast %get3A_294 : i32 to index
      %get3A_296 = arith.constant 48 : index
      %get3A_297 = tpu.vector_load %arg10[%get3A_295, %get3A_296] {strides = array<i32>} : memref<8x128xf32, #tpu.memory_space<vmem>>, vector<1x16xf32>,
      %get3A_298 = vector.shape_cast %get3A_297 : vector<1x16xf32> to vector<16xf32>
      %bitcast_convert_type3A_299 = tpu.bitcast %get3A_298 : vector<16xf32> -> vector<16xi32>
      %add3A_300 = arith.addi %bitcast_convert_type3A_293, %broadcast_in_dim3A_26 : vector<16xi32>
      %shift_right_logical3A_301 = arith.constant 16 : i32
      %shift_right_logical3A_302 = vector.broadcast %shift_right_logical3A_301 : i32 to vector<16xi32>
      %shift_right_logical3A_303 = arith.shrui %add3A_300, %shift_right_logical3A_302 : vector<16xi32>
      %add3A_304 = arith.addi %bitcast_convert_type3A_299, %broadcast_in_dim3A_26 : vector<16xi32>
      %and3A_305 = arith.andi %add3A_304, %broadcast_in_dim3A_28 : vector<16xi32>
      %or3A_306 = arith.ori %shift_right_logical3A_303, %and3A_305 : vector<16xi32>
      %swap3A_307 = arith.constant 2 : i32
      %swap3A_308 = arith.index_cast %swap3A_307 : i32 to index
      %swap3A_309 = arith.constant 16 : index
      %swap3A_310 = tpu.vector_load %arg11[%swap3A_308, %swap3A_309] {strides = array<i32>} : memref<8x64xi32, #tpu.memory_space<vmem>>, vector<1x16xi32>,
      %swap3A_311 = vector.shape_cast %swap3A_310 : vector<1x16xi32> to vector<16xi32>
      %swap3A_312 = vector.shape_cast %or3A_306 : vector<16xi32> to vector<1x16xi32>
      tpu.vector_store %arg11[%swap3A_308, %swap3A_309], %swap3A_312 {strides = array<i32>} : memref<8x64xi32, #tpu.memory_space<vmem>>, vector<1x16xi32>,
      %get3A_313 = arith.constant 2 : i32
      %get3A_314 = arith.index_cast %get3A_313 : i32 to index
      %get3A_315 = arith.constant 64 : index
      %get3A_316 = tpu.vector_load %arg10[%get3A_314, %get3A_315] {strides = array<i32>} : memref<8x128xf32, #tpu.memory_space<vmem>>, vector<1x16xf32>,
      %get3A_317 = vector.shape_cast %get3A_316 : vector<1x16xf32> to vector<16xf32>
      %bitcast_convert_type3A_318 = tpu.bitcast %get3A_317 : vector<16xf32> -> vector<16xi32>
      %get3A_319 = arith.constant 2 : i32
      %get3A_320 = arith.index_cast %get3A_319 : i32 to index
      %get3A_321 = arith.constant 80 : index
      %get3A_322 = tpu.vector_load %arg10[%get3A_320, %get3A_321] {strides = array<i32>} : memref<8x128xf32, #tpu.memory_space<vmem>>, vector<1x16xf32>,
      %get3A_323 = vector.shape_cast %get3A_322 : vector<1x16xf32> to vector<16xf32>
      %bitcast_convert_type3A_324 = tpu.bitcast %get3A_323 : vector<16xf32> -> vector<16xi32>
      %add3A_325 = arith.addi %bitcast_convert_type3A_318, %broadcast_in_dim3A_26 : vector<16xi32>
      %shift_right_logical3A_326 = arith.constant 16 : i32
      %shift_right_logical3A_327 = vector.broadcast %shift_right_logical3A_326 : i32 to vector<16xi32>
      %shift_right_logical3A_328 = arith.shrui %add3A_325, %shift_right_logical3A_327 : vector<16xi32>
      %add3A_329 = arith.addi %bitcast_convert_type3A_324, %broadcast_in_dim3A_26 : vector<16xi32>
      %and3A_330 = arith.andi %add3A_329, %broadcast_in_dim3A_28 : vector<16xi32>
      %or3A_331 = arith.ori %shift_right_logical3A_328, %and3A_330 : vector<16xi32>
      %swap3A_332 = arith.constant 2 : i32
      %swap3A_333 = arith.index_cast %swap3A_332 : i32 to index
      %swap3A_334 = arith.constant 32 : index
      %swap3A_335 = tpu.vector_load %arg11[%swap3A_333, %swap3A_334] {strides = array<i32>} : memref<8x64xi32, #tpu.memory_space<vmem>>, vector<1x16xi32>,
      %swap3A_336 = vector.shape_cast %swap3A_335 : vector<1x16xi32> to vector<16xi32>
      %swap3A_337 = vector.shape_cast %or3A_331 : vector<16xi32> to vector<1x16xi32>
      tpu.vector_store %arg11[%swap3A_333, %swap3A_334], %swap3A_337 {strides = array<i32>} : memref<8x64xi32, #tpu.memory_space<vmem>>, vector<1x16xi32>,
      %get3A_338 = arith.constant 2 : i32
      %get3A_339 = arith.index_cast %get3A_338 : i32 to index
      %get3A_340 = arith.constant 96 : index
      %get3A_341 = tpu.vector_load %arg10[%get3A_339, %get3A_340] {strides = array<i32>} : memref<8x128xf32, #tpu.memory_space<vmem>>, vector<1x16xf32>,
      %get3A_342 = vector.shape_cast %get3A_341 : vector<1x16xf32> to vector<16xf32>
      %bitcast_convert_type3A_343 = tpu.bitcast %get3A_342 : vector<16xf32> -> vector<16xi32>
      %get3A_344 = arith.constant 2 : i32
      %get3A_345 = arith.index_cast %get3A_344 : i32 to index
      %get3A_346 = arith.constant 112 : index
      %get3A_347 = tpu.vector_load %arg10[%get3A_345, %get3A_346] {strides = array<i32>} : memref<8x128xf32, #tpu.memory_space<vmem>>, vector<1x16xf32>,
      %get3A_348 = vector.shape_cast %get3A_347 : vector<1x16xf32> to vector<16xf32>
      %bitcast_convert_type3A_349 = tpu.bitcast %get3A_348 : vector<16xf32> -> vector<16xi32>
      %add3A_350 = arith.addi %bitcast_convert_type3A_343, %broadcast_in_dim3A_26 : vector<16xi32>
      %shift_right_logical3A_351 = arith.constant 16 : i32
      %shift_right_logical3A_352 = vector.broadcast %shift_right_logical3A_351 : i32 to vector<16xi32>
      %shift_right_logical3A_353 = arith.shrui %add3A_350, %shift_right_logical3A_352 : vector<16xi32>
      %add3A_354 = arith.addi %bitcast_convert_type3A_349, %broadcast_in_dim3A_26 : vector<16xi32>
      %and3A_355 = arith.andi %add3A_354, %broadcast_in_dim3A_28 : vector<16xi32>
      %or3A_356 = arith.ori %shift_right_logical3A_353, %and3A_355 : vector<16xi32>
      %swap3A_357 = arith.constant 2 : i32
      %swap3A_358 = arith.index_cast %swap3A_357 : i32 to index
      %swap3A_359 = arith.constant 48 : index
      %swap3A_360 = tpu.vector_load %arg11[%swap3A_358, %swap3A_359] {strides = array<i32>} : memref<8x64xi32, #tpu.memory_space<vmem>>, vector<1x16xi32>,
      %swap3A_361 = vector.shape_cast %swap3A_360 : vector<1x16xi32> to vector<16xi32>
      %swap3A_362 = vector.shape_cast %or3A_356 : vector<16xi32> to vector<1x16xi32>
      tpu.vector_store %arg11[%swap3A_358, %swap3A_359], %swap3A_362 {strides = array<i32>} : memref<8x64xi32, #tpu.memory_space<vmem>>, vector<1x16xi32>,
      %get3A_363 = arith.constant 3 : i32
      %get3A_364 = arith.index_cast %get3A_363 : i32 to index
      %get3A_365 = arith.constant 0 : index
      %get3A_366 = tpu.vector_load %arg10[%get3A_364, %get3A_365] {strides = array<i32>} : memref<8x128xf32, #tpu.memory_space<vmem>>, vector<1x16xf32>,
      %get3A_367 = vector.shape_cast %get3A_366 : vector<1x16xf32> to vector<16xf32>
      %bitcast_convert_type3A_368 = tpu.bitcast %get3A_367 : vector<16xf32> -> vector<16xi32>
      %get3A_369 = arith.constant 3 : i32
      %get3A_370 = arith.index_cast %get3A_369 : i32 to index
      %get3A_371 = arith.constant 16 : index
      %get3A_372 = tpu.vector_load %arg10[%get3A_370, %get3A_371] {strides = array<i32>} : memref<8x128xf32, #tpu.memory_space<vmem>>, vector<1x16xf32>,
      %get3A_373 = vector.shape_cast %get3A_372 : vector<1x16xf32> to vector<16xf32>
      %bitcast_convert_type3A_374 = tpu.bitcast %get3A_373 : vector<16xf32> -> vector<16xi32>
      %add3A_375 = arith.addi %bitcast_convert_type3A_368, %broadcast_in_dim3A_26 : vector<16xi32>
      %shift_right_logical3A_376 = arith.constant 16 : i32
      %shift_right_logical3A_377 = vector.broadcast %shift_right_logical3A_376 : i32 to vector<16xi32>
      %shift_right_logical3A_378 = arith.shrui %add3A_375, %shift_right_logical3A_377 : vector<16xi32>
      %add3A_379 = arith.addi %bitcast_convert_type3A_374, %broadcast_in_dim3A_26 : vector<16xi32>
      %and3A_380 = arith.andi %add3A_379, %broadcast_in_dim3A_28 : vector<16xi32>
      %or3A_381 = arith.ori %shift_right_logical3A_378, %and3A_380 : vector<16xi32>
      %swap3A_382 = arith.constant 3 : i32
      %swap3A_383 = arith.index_cast %swap3A_382 : i32 to index
      %swap3A_384 = arith.constant 0 : index
      %swap3A_385 = tpu.vector_load %arg11[%swap3A_383, %swap3A_384] {strides = array<i32>} : memref<8x64xi32, #tpu.memory_space<vmem>>, vector<1x16xi32>,
      %swap3A_386 = vector.shape_cast %swap3A_385 : vector<1x16xi32> to vector<16xi32>
      %swap3A_387 = vector.shape_cast %or3A_381 : vector<16xi32> to vector<1x16xi32>
      tpu.vector_store %arg11[%swap3A_383, %swap3A_384], %swap3A_387 {strides = array<i32>} : memref<8x64xi32, #tpu.memory_space<vmem>>, vector<1x16xi32>,
      %get3A_388 = arith.constant 3 : i32
      %get3A_389 = arith.index_cast %get3A_388 : i32 to index
      %get3A_390 = arith.constant 32 : index
      %get3A_391 = tpu.vector_load %arg10[%get3A_389, %get3A_390] {strides = array<i32>} : memref<8x128xf32, #tpu.memory_space<vmem>>, vector<1x16xf32>,
      %get3A_392 = vector.shape_cast %get3A_391 : vector<1x16xf32> to vector<16xf32>
      %bitcast_convert_type3A_393 = tpu.bitcast %get3A_392 : vector<16xf32> -> vector<16xi32>
      %get3A_394 = arith.constant 3 : i32
      %get3A_395 = arith.index_cast %get3A_394 : i32 to index
      %get3A_396 = arith.constant 48 : index
      %get3A_397 = tpu.vector_load %arg10[%get3A_395, %get3A_396] {strides = array<i32>} : memref<8x128xf32, #tpu.memory_space<vmem>>, vector<1x16xf32>,
      %get3A_398 = vector.shape_cast %get3A_397 : vector<1x16xf32> to vector<16xf32>
      %bitcast_convert_type3A_399 = tpu.bitcast %get3A_398 : vector<16xf32> -> vector<16xi32>
      %add3A_400 = arith.addi %bitcast_convert_type3A_393, %broadcast_in_dim3A_26 : vector<16xi32>
      %shift_right_logical3A_401 = arith.constant 16 : i32
      %shift_right_logical3A_402 = vector.broadcast %shift_right_logical3A_401 : i32 to vector<16xi32>
      %shift_right_logical3A_403 = arith.shrui %add3A_400, %shift_right_logical3A_402 : vector<16xi32>
      %add3A_404 = arith.addi %bitcast_convert_type3A_399, %broadcast_in_dim3A_26 : vector<16xi32>
      %and3A_405 = arith.andi %add3A_404, %broadcast_in_dim3A_28 : vector<16xi32>
      %or3A_406 = arith.ori %shift_right_logical3A_403, %and3A_405 : vector<16xi32>
      %swap3A_407 = arith.constant 3 : i32
      %swap3A_408 = arith.index_cast %swap3A_407 : i32 to index
      %swap3A_409 = arith.constant 16 : index
      %swap3A_410 = tpu.vector_load %arg11[%swap3A_408, %swap3A_409] {strides = array<i32>} : memref<8x64xi32, #tpu.memory_space<vmem>>, vector<1x16xi32>,
      %swap3A_411 = vector.shape_cast %swap3A_410 : vector<1x16xi32> to vector<16xi32>
      %swap3A_412 = vector.shape_cast %or3A_406 : vector<16xi32> to vector<1x16xi32>
      tpu.vector_store %arg11[%swap3A_408, %swap3A_409], %swap3A_412 {strides = array<i32>} : memref<8x64xi32, #tpu.memory_space<vmem>>, vector<1x16xi32>,
      %get3A_413 = arith.constant 3 : i32
      %get3A_414 = arith.index_cast %get3A_413 : i32 to index
      %get3A_415 = arith.constant 64 : index
      %get3A_416 = tpu.vector_load %arg10[%get3A_414, %get3A_415] {strides = array<i32>} : memref<8x128xf32, #tpu.memory_space<vmem>>, vector<1x16xf32>,
      %get3A_417 = vector.shape_cast %get3A_416 : vector<1x16xf32> to vector<16xf32>
      %bitcast_convert_type3A_418 = tpu.bitcast %get3A_417 : vector<16xf32> -> vector<16xi32>
      %get3A_419 = arith.constant 3 : i32
      %get3A_420 = arith.index_cast %get3A_419 : i32 to index
      %get3A_421 = arith.constant 80 : index
      %get3A_422 = tpu.vector_load %arg10[%get3A_420, %get3A_421] {strides = array<i32>} : memref<8x128xf32, #tpu.memory_space<vmem>>, vector<1x16xf32>,
      %get3A_423 = vector.shape_cast %get3A_422 : vector<1x16xf32> to vector<16xf32>
      %bitcast_convert_type3A_424 = tpu.bitcast %get3A_423 : vector<16xf32> -> vector<16xi32>
      %add3A_425 = arith.addi %bitcast_convert_type3A_418, %broadcast_in_dim3A_26 : vector<16xi32>
      %shift_right_logical3A_426 = arith.constant 16 : i32
      %shift_right_logical3A_427 = vector.broadcast %shift_right_logical3A_426 : i32 to vector<16xi32>
      %shift_right_logical3A_428 = arith.shrui %add3A_425, %shift_right_logical3A_427 : vector<16xi32>
      %add3A_429 = arith.addi %bitcast_convert_type3A_424, %broadcast_in_dim3A_26 : vector<16xi32>
      %and3A_430 = arith.andi %add3A_429, %broadcast_in_dim3A_28 : vector<16xi32>
      %or3A_431 = arith.ori %shift_right_logical3A_428, %and3A_430 : vector<16xi32>
      %swap3A_432 = arith.constant 3 : i32
      %swap3A_433 = arith.index_cast %swap3A_432 : i32 to index
      %swap3A_434 = arith.constant 32 : index
      %swap3A_435 = tpu.vector_load %arg11[%swap3A_433, %swap3A_434] {strides = array<i32>} : memref<8x64xi32, #tpu.memory_space<vmem>>, vector<1x16xi32>,
      %swap3A_436 = vector.shape_cast %swap3A_435 : vector<1x16xi32> to vector<16xi32>
      %swap3A_437 = vector.shape_cast %or3A_431 : vector<16xi32> to vector<1x16xi32>
      tpu.vector_store %arg11[%swap3A_433, %swap3A_434], %swap3A_437 {strides = array<i32>} : memref<8x64xi32, #tpu.memory_space<vmem>>, vector<1x16xi32>,
      %get3A_438 = arith.constant 3 : i32
      %get3A_439 = arith.index_cast %get3A_438 : i32 to index
      %get3A_440 = arith.constant 96 : index
      %get3A_441 = tpu.vector_load %arg10[%get3A_439, %get3A_440] {strides = array<i32>} : memref<8x128xf32, #tpu.memory_space<vmem>>, vector<1x16xf32>,
      %get3A_442 = vector.shape_cast %get3A_441 : vector<1x16xf32> to vector<16xf32>
      %bitcast_convert_type3A_443 = tpu.bitcast %get3A_442 : vector<16xf32> -> vector<16xi32>
      %get3A_444 = arith.constant 3 : i32
      %get3A_445 = arith.index_cast %get3A_444 : i32 to index
      %get3A_446 = arith.constant 112 : index
      %get3A_447 = tpu.vector_load %arg10[%get3A_445, %get3A_446] {strides = array<i32>} : memref<8x128xf32, #tpu.memory_space<vmem>>, vector<1x16xf32>,
      %get3A_448 = vector.shape_cast %get3A_447 : vector<1x16xf32> to vector<16xf32>
      %bitcast_convert_type3A_449 = tpu.bitcast %get3A_448 : vector<16xf32> -> vector<16xi32>
      %add3A_450 = arith.addi %bitcast_convert_type3A_443, %broadcast_in_dim3A_26 : vector<16xi32>
      %shift_right_logical3A_451 = arith.constant 16 : i32
      %shift_right_logical3A_452 = vector.broadcast %shift_right_logical3A_451 : i32 to vector<16xi32>
      %shift_right_logical3A_453 = arith.shrui %add3A_450, %shift_right_logical3A_452 : vector<16xi32>
      %add3A_454 = arith.addi %bitcast_convert_type3A_449, %broadcast_in_dim3A_26 : vector<16xi32>
      %and3A_455 = arith.andi %add3A_454, %broadcast_in_dim3A_28 : vector<16xi32>
      %or3A_456 = arith.ori %shift_right_logical3A_453, %and3A_455 : vector<16xi32>
      %swap3A_457 = arith.constant 3 : i32
      %swap3A_458 = arith.index_cast %swap3A_457 : i32 to index
      %swap3A_459 = arith.constant 48 : index
      %swap3A_460 = tpu.vector_load %arg11[%swap3A_458, %swap3A_459] {strides = array<i32>} : memref<8x64xi32, #tpu.memory_space<vmem>>, vector<1x16xi32>,
      %swap3A_461 = vector.shape_cast %swap3A_460 : vector<1x16xi32> to vector<16xi32>
      %swap3A_462 = vector.shape_cast %or3A_456 : vector<16xi32> to vector<1x16xi32>
      tpu.vector_store %arg11[%swap3A_458, %swap3A_459], %swap3A_462 {strides = array<i32>} : memref<8x64xi32, #tpu.memory_space<vmem>>, vector<1x16xi32>,
      %get3A_463 = arith.constant 4 : i32
      %get3A_464 = arith.index_cast %get3A_463 : i32 to index
      %get3A_465 = arith.constant 0 : index
      %get3A_466 = tpu.vector_load %arg10[%get3A_464, %get3A_465] {strides = array<i32>} : memref<8x128xf32, #tpu.memory_space<vmem>>, vector<1x16xf32>,
      %get3A_467 = vector.shape_cast %get3A_466 : vector<1x16xf32> to vector<16xf32>
      %bitcast_convert_type3A_468 = tpu.bitcast %get3A_467 : vector<16xf32> -> vector<16xi32>
      %get3A_469 = arith.constant 4 : i32
      %get3A_470 = arith.index_cast %get3A_469 : i32 to index
      %get3A_471 = arith.constant 16 : index
      %get3A_472 = tpu.vector_load %arg10[%get3A_470, %get3A_471] {strides = array<i32>} : memref<8x128xf32, #tpu.memory_space<vmem>>, vector<1x16xf32>,
      %get3A_473 = vector.shape_cast %get3A_472 : vector<1x16xf32> to vector<16xf32>
      %bitcast_convert_type3A_474 = tpu.bitcast %get3A_473 : vector<16xf32> -> vector<16xi32>
      %add3A_475 = arith.addi %bitcast_convert_type3A_468, %broadcast_in_dim3A_26 : vector<16xi32>
      %shift_right_logical3A_476 = arith.constant 16 : i32
      %shift_right_logical3A_477 = vector.broadcast %shift_right_logical3A_476 : i32 to vector<16xi32>
      %shift_right_logical3A_478 = arith.shrui %add3A_475, %shift_right_logical3A_477 : vector<16xi32>
      %add3A_479 = arith.addi %bitcast_convert_type3A_474, %broadcast_in_dim3A_26 : vector<16xi32>
      %and3A_480 = arith.andi %add3A_479, %broadcast_in_dim3A_28 : vector<16xi32>
      %or3A_481 = arith.ori %shift_right_logical3A_478, %and3A_480 : vector<16xi32>
      %swap3A_482 = arith.constant 4 : i32
      %swap3A_483 = arith.index_cast %swap3A_482 : i32 to index
      %swap3A_484 = arith.constant 0 : index
      %swap3A_485 = tpu.vector_load %arg11[%swap3A_483, %swap3A_484] {strides = array<i32>} : memref<8x64xi32, #tpu.memory_space<vmem>>, vector<1x16xi32>,
      %swap3A_486 = vector.shape_cast %swap3A_485 : vector<1x16xi32> to vector<16xi32>
      %swap3A_487 = vector.shape_cast %or3A_481 : vector<16xi32> to vector<1x16xi32>
      tpu.vector_store %arg11[%swap3A_483, %swap3A_484], %swap3A_487 {strides = array<i32>} : memref<8x64xi32, #tpu.memory_space<vmem>>, vector<1x16xi32>,
      %get3A_488 = arith.constant 4 : i32
      %get3A_489 = arith.index_cast %get3A_488 : i32 to index
      %get3A_490 = arith.constant 32 : index
      %get3A_491 = tpu.vector_load %arg10[%get3A_489, %get3A_490] {strides = array<i32>} : memref<8x128xf32, #tpu.memory_space<vmem>>, vector<1x16xf32>,
      %get3A_492 = vector.shape_cast %get3A_491 : vector<1x16xf32> to vector<16xf32>
      %bitcast_convert_type3A_493 = tpu.bitcast %get3A_492 : vector<16xf32> -> vector<16xi32>
      %get3A_494 = arith.constant 4 : i32
      %get3A_495 = arith.index_cast %get3A_494 : i32 to index
      %get3A_496 = arith.constant 48 : index
      %get3A_497 = tpu.vector_load %arg10[%get3A_495, %get3A_496] {strides = array<i32>} : memref<8x128xf32, #tpu.memory_space<vmem>>, vector<1x16xf32>,
      %get3A_498 = vector.shape_cast %get3A_497 : vector<1x16xf32> to vector<16xf32>
      %bitcast_convert_type3A_499 = tpu.bitcast %get3A_498 : vector<16xf32> -> vector<16xi32>
      %add3A_500 = arith.addi %bitcast_convert_type3A_493, %broadcast_in_dim3A_26 : vector<16xi32>
      %shift_right_logical3A_501 = arith.constant 16 : i32
      %shift_right_logical3A_502 = vector.broadcast %shift_right_logical3A_501 : i32 to vector<16xi32>
      %shift_right_logical3A_503 = arith.shrui %add3A_500, %shift_right_logical3A_502 : vector<16xi32>
      %add3A_504 = arith.addi %bitcast_convert_type3A_499, %broadcast_in_dim3A_26 : vector<16xi32>
      %and3A_505 = arith.andi %add3A_504, %broadcast_in_dim3A_28 : vector<16xi32>
      %or3A_506 = arith.ori %shift_right_logical3A_503, %and3A_505 : vector<16xi32>
      %swap3A_507 = arith.constant 4 : i32
      %swap3A_508 = arith.index_cast %swap3A_507 : i32 to index
      %swap3A_509 = arith.constant 16 : index
      %swap3A_510 = tpu.vector_load %arg11[%swap3A_508, %swap3A_509] {strides = array<i32>} : memref<8x64xi32, #tpu.memory_space<vmem>>, vector<1x16xi32>,
      %swap3A_511 = vector.shape_cast %swap3A_510 : vector<1x16xi32> to vector<16xi32>
      %swap3A_512 = vector.shape_cast %or3A_506 : vector<16xi32> to vector<1x16xi32>
      tpu.vector_store %arg11[%swap3A_508, %swap3A_509], %swap3A_512 {strides = array<i32>} : memref<8x64xi32, #tpu.memory_space<vmem>>, vector<1x16xi32>,
      %get3A_513 = arith.constant 4 : i32
      %get3A_514 = arith.index_cast %get3A_513 : i32 to index
      %get3A_515 = arith.constant 64 : index
      %get3A_516 = tpu.vector_load %arg10[%get3A_514, %get3A_515] {strides = array<i32>} : memref<8x128xf32, #tpu.memory_space<vmem>>, vector<1x16xf32>,
      %get3A_517 = vector.shape_cast %get3A_516 : vector<1x16xf32> to vector<16xf32>
      %bitcast_convert_type3A_518 = tpu.bitcast %get3A_517 : vector<16xf32> -> vector<16xi32>
      %get3A_519 = arith.constant 4 : i32
      %get3A_520 = arith.index_cast %get3A_519 : i32 to index
      %get3A_521 = arith.constant 80 : index
      %get3A_522 = tpu.vector_load %arg10[%get3A_520, %get3A_521] {strides = array<i32>} : memref<8x128xf32, #tpu.memory_space<vmem>>, vector<1x16xf32>,
      %get3A_523 = vector.shape_cast %get3A_522 : vector<1x16xf32> to vector<16xf32>
      %bitcast_convert_type3A_524 = tpu.bitcast %get3A_523 : vector<16xf32> -> vector<16xi32>
      %add3A_525 = arith.addi %bitcast_convert_type3A_518, %broadcast_in_dim3A_26 : vector<16xi32>
      %shift_right_logical3A_526 = arith.constant 16 : i32
      %shift_right_logical3A_527 = vector.broadcast %shift_right_logical3A_526 : i32 to vector<16xi32>
      %shift_right_logical3A_528 = arith.shrui %add3A_525, %shift_right_logical3A_527 : vector<16xi32>
      %add3A_529 = arith.addi %bitcast_convert_type3A_524, %broadcast_in_dim3A_26 : vector<16xi32>
      %and3A_530 = arith.andi %add3A_529, %broadcast_in_dim3A_28 : vector<16xi32>
      %or3A_531 = arith.ori %shift_right_logical3A_528, %and3A_530 : vector<16xi32>
      %swap3A_532 = arith.constant 4 : i32
      %swap3A_533 = arith.index_cast %swap3A_532 : i32 to index
      %swap3A_534 = arith.constant 32 : index
      %swap3A_535 = tpu.vector_load %arg11[%swap3A_533, %swap3A_534] {strides = array<i32>} : memref<8x64xi32, #tpu.memory_space<vmem>>, vector<1x16xi32>,
      %swap3A_536 = vector.shape_cast %swap3A_535 : vector<1x16xi32> to vector<16xi32>
      %swap3A_537 = vector.shape_cast %or3A_531 : vector<16xi32> to vector<1x16xi32>
      tpu.vector_store %arg11[%swap3A_533, %swap3A_534], %swap3A_537 {strides = array<i32>} : memref<8x64xi32, #tpu.memory_space<vmem>>, vector<1x16xi32>,
      %get3A_538 = arith.constant 4 : i32
      %get3A_539 = arith.index_cast %get3A_538 : i32 to index
      %get3A_540 = arith.constant 96 : index
      %get3A_541 = tpu.vector_load %arg10[%get3A_539, %get3A_540] {strides = array<i32>} : memref<8x128xf32, #tpu.memory_space<vmem>>, vector<1x16xf32>,
      %get3A_542 = vector.shape_cast %get3A_541 : vector<1x16xf32> to vector<16xf32>
      %bitcast_convert_type3A_543 = tpu.bitcast %get3A_542 : vector<16xf32> -> vector<16xi32>
      %get3A_544 = arith.constant 4 : i32
      %get3A_545 = arith.index_cast %get3A_544 : i32 to index
      %get3A_546 = arith.constant 112 : index
      %get3A_547 = tpu.vector_load %arg10[%get3A_545, %get3A_546] {strides = array<i32>} : memref<8x128xf32, #tpu.memory_space<vmem>>, vector<1x16xf32>,
      %get3A_548 = vector.shape_cast %get3A_547 : vector<1x16xf32> to vector<16xf32>
      %bitcast_convert_type3A_549 = tpu.bitcast %get3A_548 : vector<16xf32> -> vector<16xi32>
      %add3A_550 = arith.addi %bitcast_convert_type3A_543, %broadcast_in_dim3A_26 : vector<16xi32>
      %shift_right_logical3A_551 = arith.constant 16 : i32
      %shift_right_logical3A_552 = vector.broadcast %shift_right_logical3A_551 : i32 to vector<16xi32>
      %shift_right_logical3A_553 = arith.shrui %add3A_550, %shift_right_logical3A_552 : vector<16xi32>
      %add3A_554 = arith.addi %bitcast_convert_type3A_549, %broadcast_in_dim3A_26 : vector<16xi32>
      %and3A_555 = arith.andi %add3A_554, %broadcast_in_dim3A_28 : vector<16xi32>
      %or3A_556 = arith.ori %shift_right_logical3A_553, %and3A_555 : vector<16xi32>
      %swap3A_557 = arith.constant 4 : i32
      %swap3A_558 = arith.index_cast %swap3A_557 : i32 to index
      %swap3A_559 = arith.constant 48 : index
      %swap3A_560 = tpu.vector_load %arg11[%swap3A_558, %swap3A_559] {strides = array<i32>} : memref<8x64xi32, #tpu.memory_space<vmem>>, vector<1x16xi32>,
      %swap3A_561 = vector.shape_cast %swap3A_560 : vector<1x16xi32> to vector<16xi32>
      %swap3A_562 = vector.shape_cast %or3A_556 : vector<16xi32> to vector<1x16xi32>
      tpu.vector_store %arg11[%swap3A_558, %swap3A_559], %swap3A_562 {strides = array<i32>} : memref<8x64xi32, #tpu.memory_space<vmem>>, vector<1x16xi32>,
      %get3A_563 = arith.constant 5 : i32
      %get3A_564 = arith.index_cast %get3A_563 : i32 to index
      %get3A_565 = arith.constant 0 : index
      %get3A_566 = tpu.vector_load %arg10[%get3A_564, %get3A_565] {strides = array<i32>} : memref<8x128xf32, #tpu.memory_space<vmem>>, vector<1x16xf32>,
      %get3A_567 = vector.shape_cast %get3A_566 : vector<1x16xf32> to vector<16xf32>
      %bitcast_convert_type3A_568 = tpu.bitcast %get3A_567 : vector<16xf32> -> vector<16xi32>
      %get3A_569 = arith.constant 5 : i32
      %get3A_570 = arith.index_cast %get3A_569 : i32 to index
      %get3A_571 = arith.constant 16 : index
      %get3A_572 = tpu.vector_load %arg10[%get3A_570, %get3A_571] {strides = array<i32>} : memref<8x128xf32, #tpu.memory_space<vmem>>, vector<1x16xf32>,
      %get3A_573 = vector.shape_cast %get3A_572 : vector<1x16xf32> to vector<16xf32>
      %bitcast_convert_type3A_574 = tpu.bitcast %get3A_573 : vector<16xf32> -> vector<16xi32>
      %add3A_575 = arith.addi %bitcast_convert_type3A_568, %broadcast_in_dim3A_26 : vector<16xi32>
      %shift_right_logical3A_576 = arith.constant 16 : i32
      %shift_right_logical3A_577 = vector.broadcast %shift_right_logical3A_576 : i32 to vector<16xi32>
      %shift_right_logical3A_578 = arith.shrui %add3A_575, %shift_right_logical3A_577 : vector<16xi32>
      %add3A_579 = arith.addi %bitcast_convert_type3A_574, %broadcast_in_dim3A_26 : vector<16xi32>
      %and3A_580 = arith.andi %add3A_579, %broadcast_in_dim3A_28 : vector<16xi32>
      %or3A_581 = arith.ori %shift_right_logical3A_578, %and3A_580 : vector<16xi32>
      %swap3A_582 = arith.constant 5 : i32
      %swap3A_583 = arith.index_cast %swap3A_582 : i32 to index
      %swap3A_584 = arith.constant 0 : index
      %swap3A_585 = tpu.vector_load %arg11[%swap3A_583, %swap3A_584] {strides = array<i32>} : memref<8x64xi32, #tpu.memory_space<vmem>>, vector<1x16xi32>,
      %swap3A_586 = vector.shape_cast %swap3A_585 : vector<1x16xi32> to vector<16xi32>
      %swap3A_587 = vector.shape_cast %or3A_581 : vector<16xi32> to vector<1x16xi32>
      tpu.vector_store %arg11[%swap3A_583, %swap3A_584], %swap3A_587 {strides = array<i32>} : memref<8x64xi32, #tpu.memory_space<vmem>>, vector<1x16xi32>,
      %get3A_588 = arith.constant 5 : i32
      %get3A_589 = arith.index_cast %get3A_588 : i32 to index
      %get3A_590 = arith.constant 32 : index
      %get3A_591 = tpu.vector_load %arg10[%get3A_589, %get3A_590] {strides = array<i32>} : memref<8x128xf32, #tpu.memory_space<vmem>>, vector<1x16xf32>,
      %get3A_592 = vector.shape_cast %get3A_591 : vector<1x16xf32> to vector<16xf32>
      %bitcast_convert_type3A_593 = tpu.bitcast %get3A_592 : vector<16xf32> -> vector<16xi32>
      %get3A_594 = arith.constant 5 : i32
      %get3A_595 = arith.index_cast %get3A_594 : i32 to index
      %get3A_596 = arith.constant 48 : index
      %get3A_597 = tpu.vector_load %arg10[%get3A_595, %get3A_596] {strides = array<i32>} : memref<8x128xf32, #tpu.memory_space<vmem>>, vector<1x16xf32>,
      %get3A_598 = vector.shape_cast %get3A_597 : vector<1x16xf32> to vector<16xf32>
      %bitcast_convert_type3A_599 = tpu.bitcast %get3A_598 : vector<16xf32> -> vector<16xi32>
      %add3A_600 = arith.addi %bitcast_convert_type3A_593, %broadcast_in_dim3A_26 : vector<16xi32>
      %shift_right_logical3A_601 = arith.constant 16 : i32
      %shift_right_logical3A_602 = vector.broadcast %shift_right_logical3A_601 : i32 to vector<16xi32>
      %shift_right_logical3A_603 = arith.shrui %add3A_600, %shift_right_logical3A_602 : vector<16xi32>
      %add3A_604 = arith.addi %bitcast_convert_type3A_599, %broadcast_in_dim3A_26 : vector<16xi32>
      %and3A_605 = arith.andi %add3A_604, %broadcast_in_dim3A_28 : vector<16xi32>
      %or3A_606 = arith.ori %shift_right_logical3A_603, %and3A_605 : vector<16xi32>
      %swap3A_607 = arith.constant 5 : i32
      %swap3A_608 = arith.index_cast %swap3A_607 : i32 to index
      %swap3A_609 = arith.constant 16 : index
      %swap3A_610 = tpu.vector_load %arg11[%swap3A_608, %swap3A_609] {strides = array<i32>} : memref<8x64xi32, #tpu.memory_space<vmem>>, vector<1x16xi32>,
      %swap3A_611 = vector.shape_cast %swap3A_610 : vector<1x16xi32> to vector<16xi32>
      %swap3A_612 = vector.shape_cast %or3A_606 : vector<16xi32> to vector<1x16xi32>
      tpu.vector_store %arg11[%swap3A_608, %swap3A_609], %swap3A_612 {strides = array<i32>} : memref<8x64xi32, #tpu.memory_space<vmem>>, vector<1x16xi32>,
      %get3A_613 = arith.constant 5 : i32
      %get3A_614 = arith.index_cast %get3A_613 : i32 to index
      %get3A_615 = arith.constant 64 : index
      %get3A_616 = tpu.vector_load %arg10[%get3A_614, %get3A_615] {strides = array<i32>} : memref<8x128xf32, #tpu.memory_space<vmem>>, vector<1x16xf32>,
      %get3A_617 = vector.shape_cast %get3A_616 : vector<1x16xf32> to vector<16xf32>
      %bitcast_convert_type3A_618 = tpu.bitcast %get3A_617 : vector<16xf32> -> vector<16xi32>
      %get3A_619 = arith.constant 5 : i32
      %get3A_620 = arith.index_cast %get3A_619 : i32 to index
      %get3A_621 = arith.constant 80 : index
      %get3A_622 = tpu.vector_load %arg10[%get3A_620, %get3A_621] {strides = array<i32>} : memref<8x128xf32, #tpu.memory_space<vmem>>, vector<1x16xf32>,
      %get3A_623 = vector.shape_cast %get3A_622 : vector<1x16xf32> to vector<16xf32>
      %bitcast_convert_type3A_624 = tpu.bitcast %get3A_623 : vector<16xf32> -> vector<16xi32>
      %add3A_625 = arith.addi %bitcast_convert_type3A_618, %broadcast_in_dim3A_26 : vector<16xi32>
      %shift_right_logical3A_626 = arith.constant 16 : i32
      %shift_right_logical3A_627 = vector.broadcast %shift_right_logical3A_626 : i32 to vector<16xi32>
      %shift_right_logical3A_628 = arith.shrui %add3A_625, %shift_right_logical3A_627 : vector<16xi32>
      %add3A_629 = arith.addi %bitcast_convert_type3A_624, %broadcast_in_dim3A_26 : vector<16xi32>
      %and3A_630 = arith.andi %add3A_629, %broadcast_in_dim3A_28 : vector<16xi32>
      %or3A_631 = arith.ori %shift_right_logical3A_628, %and3A_630 : vector<16xi32>
      %swap3A_632 = arith.constant 5 : i32
      %swap3A_633 = arith.index_cast %swap3A_632 : i32 to index
      %swap3A_634 = arith.constant 32 : index
      %swap3A_635 = tpu.vector_load %arg11[%swap3A_633, %swap3A_634] {strides = array<i32>} : memref<8x64xi32, #tpu.memory_space<vmem>>, vector<1x16xi32>,
      %swap3A_636 = vector.shape_cast %swap3A_635 : vector<1x16xi32> to vector<16xi32>
      %swap3A_637 = vector.shape_cast %or3A_631 : vector<16xi32> to vector<1x16xi32>
      tpu.vector_store %arg11[%swap3A_633, %swap3A_634], %swap3A_637 {strides = array<i32>} : memref<8x64xi32, #tpu.memory_space<vmem>>, vector<1x16xi32>,
      %get3A_638 = arith.constant 5 : i32
      %get3A_639 = arith.index_cast %get3A_638 : i32 to index
      %get3A_640 = arith.constant 96 : index
      %get3A_641 = tpu.vector_load %arg10[%get3A_639, %get3A_640] {strides = array<i32>} : memref<8x128xf32, #tpu.memory_space<vmem>>, vector<1x16xf32>,
      %get3A_642 = vector.shape_cast %get3A_641 : vector<1x16xf32> to vector<16xf32>
      %bitcast_convert_type3A_643 = tpu.bitcast %get3A_642 : vector<16xf32> -> vector<16xi32>
      %get3A_644 = arith.constant 5 : i32
      %get3A_645 = arith.index_cast %get3A_644 : i32 to index
      %get3A_646 = arith.constant 112 : index
      %get3A_647 = tpu.vector_load %arg10[%get3A_645, %get3A_646] {strides = array<i32>} : memref<8x128xf32, #tpu.memory_space<vmem>>, vector<1x16xf32>,
      %get3A_648 = vector.shape_cast %get3A_647 : vector<1x16xf32> to vector<16xf32>
      %bitcast_convert_type3A_649 = tpu.bitcast %get3A_648 : vector<16xf32> -> vector<16xi32>
      %add3A_650 = arith.addi %bitcast_convert_type3A_643, %broadcast_in_dim3A_26 : vector<16xi32>
      %shift_right_logical3A_651 = arith.constant 16 : i32
      %shift_right_logical3A_652 = vector.broadcast %shift_right_logical3A_651 : i32 to vector<16xi32>
      %shift_right_logical3A_653 = arith.shrui %add3A_650, %shift_right_logical3A_652 : vector<16xi32>
      %add3A_654 = arith.addi %bitcast_convert_type3A_649, %broadcast_in_dim3A_26 : vector<16xi32>
      %and3A_655 = arith.andi %add3A_654, %broadcast_in_dim3A_28 : vector<16xi32>
      %or3A_656 = arith.ori %shift_right_logical3A_653, %and3A_655 : vector<16xi32>
      %swap3A_657 = arith.constant 5 : i32
      %swap3A_658 = arith.index_cast %swap3A_657 : i32 to index
      %swap3A_659 = arith.constant 48 : index
      %swap3A_660 = tpu.vector_load %arg11[%swap3A_658, %swap3A_659] {strides = array<i32>} : memref<8x64xi32, #tpu.memory_space<vmem>>, vector<1x16xi32>,
      %swap3A_661 = vector.shape_cast %swap3A_660 : vector<1x16xi32> to vector<16xi32>
      %swap3A_662 = vector.shape_cast %or3A_656 : vector<16xi32> to vector<1x16xi32>
      tpu.vector_store %arg11[%swap3A_658, %swap3A_659], %swap3A_662 {strides = array<i32>} : memref<8x64xi32, #tpu.memory_space<vmem>>, vector<1x16xi32>,
      %get3A_663 = arith.constant 6 : i32
      %get3A_664 = arith.index_cast %get3A_663 : i32 to index
      %get3A_665 = arith.constant 0 : index
      %get3A_666 = tpu.vector_load %arg10[%get3A_664, %get3A_665] {strides = array<i32>} : memref<8x128xf32, #tpu.memory_space<vmem>>, vector<1x16xf32>,
      %get3A_667 = vector.shape_cast %get3A_666 : vector<1x16xf32> to vector<16xf32>
      %bitcast_convert_type3A_668 = tpu.bitcast %get3A_667 : vector<16xf32> -> vector<16xi32>
      %get3A_669 = arith.constant 6 : i32
      %get3A_670 = arith.index_cast %get3A_669 : i32 to index
      %get3A_671 = arith.constant 16 : index
      %get3A_672 = tpu.vector_load %arg10[%get3A_670, %get3A_671] {strides = array<i32>} : memref<8x128xf32, #tpu.memory_space<vmem>>, vector<1x16xf32>,
      %get3A_673 = vector.shape_cast %get3A_672 : vector<1x16xf32> to vector<16xf32>
      %bitcast_convert_type3A_674 = tpu.bitcast %get3A_673 : vector<16xf32> -> vector<16xi32>
      %add3A_675 = arith.addi %bitcast_convert_type3A_668, %broadcast_in_dim3A_26 : vector<16xi32>
      %shift_right_logical3A_676 = arith.constant 16 : i32
      %shift_right_logical3A_677 = vector.broadcast %shift_right_logical3A_676 : i32 to vector<16xi32>
      %shift_right_logical3A_678 = arith.shrui %add3A_675, %shift_right_logical3A_677 : vector<16xi32>
      %add3A_679 = arith.addi %bitcast_convert_type3A_674, %broadcast_in_dim3A_26 : vector<16xi32>
      %and3A_680 = arith.andi %add3A_679, %broadcast_in_dim3A_28 : vector<16xi32>
      %or3A_681 = arith.ori %shift_right_logical3A_678, %and3A_680 : vector<16xi32>
      %swap3A_682 = arith.constant 6 : i32
      %swap3A_683 = arith.index_cast %swap3A_682 : i32 to index
      %swap3A_684 = arith.constant 0 : index
      %swap3A_685 = tpu.vector_load %arg11[%swap3A_683, %swap3A_684] {strides = array<i32>} : memref<8x64xi32, #tpu.memory_space<vmem>>, vector<1x16xi32>,
      %swap3A_686 = vector.shape_cast %swap3A_685 : vector<1x16xi32> to vector<16xi32>
      %swap3A_687 = vector.shape_cast %or3A_681 : vector<16xi32> to vector<1x16xi32>
      tpu.vector_store %arg11[%swap3A_683, %swap3A_684], %swap3A_687 {strides = array<i32>} : memref<8x64xi32, #tpu.memory_space<vmem>>, vector<1x16xi32>,
      %get3A_688 = arith.constant 6 : i32
      %get3A_689 = arith.index_cast %get3A_688 : i32 to index
      %get3A_690 = arith.constant 32 : index
      %get3A_691 = tpu.vector_load %arg10[%get3A_689, %get3A_690] {strides = array<i32>} : memref<8x128xf32, #tpu.memory_space<vmem>>, vector<1x16xf32>,
      %get3A_692 = vector.shape_cast %get3A_691 : vector<1x16xf32> to vector<16xf32>
      %bitcast_convert_type3A_693 = tpu.bitcast %get3A_692 : vector<16xf32> -> vector<16xi32>
      %get3A_694 = arith.constant 6 : i32
      %get3A_695 = arith.index_cast %get3A_694 : i32 to index
      %get3A_696 = arith.constant 48 : index
      %get3A_697 = tpu.vector_load %arg10[%get3A_695, %get3A_696] {strides = array<i32>} : memref<8x128xf32, #tpu.memory_space<vmem>>, vector<1x16xf32>,
      %get3A_698 = vector.shape_cast %get3A_697 : vector<1x16xf32> to vector<16xf32>
      %bitcast_convert_type3A_699 = tpu.bitcast %get3A_698 : vector<16xf32> -> vector<16xi32>
      %add3A_700 = arith.addi %bitcast_convert_type3A_693, %broadcast_in_dim3A_26 : vector<16xi32>
      %shift_right_logical3A_701 = arith.constant 16 : i32
      %shift_right_logical3A_702 = vector.broadcast %shift_right_logical3A_701 : i32 to vector<16xi32>
      %shift_right_logical3A_703 = arith.shrui %add3A_700, %shift_right_logical3A_702 : vector<16xi32>
      %add3A_704 = arith.addi %bitcast_convert_type3A_699, %broadcast_in_dim3A_26 : vector<16xi32>
      %and3A_705 = arith.andi %add3A_704, %broadcast_in_dim3A_28 : vector<16xi32>
      %or3A_706 = arith.ori %shift_right_logical3A_703, %and3A_705 : vector<16xi32>
      %swap3A_707 = arith.constant 6 : i32
      %swap3A_708 = arith.index_cast %swap3A_707 : i32 to index
      %swap3A_709 = arith.constant 16 : index
      %swap3A_710 = tpu.vector_load %arg11[%swap3A_708, %swap3A_709] {strides = array<i32>} : memref<8x64xi32, #tpu.memory_space<vmem>>, vector<1x16xi32>,
      %swap3A_711 = vector.shape_cast %swap3A_710 : vector<1x16xi32> to vector<16xi32>
      %swap3A_712 = vector.shape_cast %or3A_706 : vector<16xi32> to vector<1x16xi32>
      tpu.vector_store %arg11[%swap3A_708, %swap3A_709], %swap3A_712 {strides = array<i32>} : memref<8x64xi32, #tpu.memory_space<vmem>>, vector<1x16xi32>,
      %get3A_713 = arith.constant 6 : i32
      %get3A_714 = arith.index_cast %get3A_713 : i32 to index
      %get3A_715 = arith.constant 64 : index
      %get3A_716 = tpu.vector_load %arg10[%get3A_714, %get3A_715] {strides = array<i32>} : memref<8x128xf32, #tpu.memory_space<vmem>>, vector<1x16xf32>,
      %get3A_717 = vector.shape_cast %get3A_716 : vector<1x16xf32> to vector<16xf32>
      %bitcast_convert_type3A_718 = tpu.bitcast %get3A_717 : vector<16xf32> -> vector<16xi32>
      %get3A_719 = arith.constant 6 : i32
      %get3A_720 = arith.index_cast %get3A_719 : i32 to index
      %get3A_721 = arith.constant 80 : index
      %get3A_722 = tpu.vector_load %arg10[%get3A_720, %get3A_721] {strides = array<i32>} : memref<8x128xf32, #tpu.memory_space<vmem>>, vector<1x16xf32>,
      %get3A_723 = vector.shape_cast %get3A_722 : vector<1x16xf32> to vector<16xf32>
      %bitcast_convert_type3A_724 = tpu.bitcast %get3A_723 : vector<16xf32> -> vector<16xi32>
      %add3A_725 = arith.addi %bitcast_convert_type3A_718, %broadcast_in_dim3A_26 : vector<16xi32>
      %shift_right_logical3A_726 = arith.constant 16 : i32
      %shift_right_logical3A_727 = vector.broadcast %shift_right_logical3A_726 : i32 to vector<16xi32>
      %shift_right_logical3A_728 = arith.shrui %add3A_725, %shift_right_logical3A_727 : vector<16xi32>
      %add3A_729 = arith.addi %bitcast_convert_type3A_724, %broadcast_in_dim3A_26 : vector<16xi32>
      %and3A_730 = arith.andi %add3A_729, %broadcast_in_dim3A_28 : vector<16xi32>
      %or3A_731 = arith.ori %shift_right_logical3A_728, %and3A_730 : vector<16xi32>
      %swap3A_732 = arith.constant 6 : i32
      %swap3A_733 = arith.index_cast %swap3A_732 : i32 to index
      %swap3A_734 = arith.constant 32 : index
      %swap3A_735 = tpu.vector_load %arg11[%swap3A_733, %swap3A_734] {strides = array<i32>} : memref<8x64xi32, #tpu.memory_space<vmem>>, vector<1x16xi32>,
      %swap3A_736 = vector.shape_cast %swap3A_735 : vector<1x16xi32> to vector<16xi32>
      %swap3A_737 = vector.shape_cast %or3A_731 : vector<16xi32> to vector<1x16xi32>
      tpu.vector_store %arg11[%swap3A_733, %swap3A_734], %swap3A_737 {strides = array<i32>} : memref<8x64xi32, #tpu.memory_space<vmem>>, vector<1x16xi32>,
      %get3A_738 = arith.constant 6 : i32
      %get3A_739 = arith.index_cast %get3A_738 : i32 to index
      %get3A_740 = arith.constant 96 : index
      %get3A_741 = tpu.vector_load %arg10[%get3A_739, %get3A_740] {strides = array<i32>} : memref<8x128xf32, #tpu.memory_space<vmem>>, vector<1x16xf32>,
      %get3A_742 = vector.shape_cast %get3A_741 : vector<1x16xf32> to vector<16xf32>
      %bitcast_convert_type3A_743 = tpu.bitcast %get3A_742 : vector<16xf32> -> vector<16xi32>
      %get3A_744 = arith.constant 6 : i32
      %get3A_745 = arith.index_cast %get3A_744 : i32 to index
      %get3A_746 = arith.constant 112 : index
      %get3A_747 = tpu.vector_load %arg10[%get3A_745, %get3A_746] {strides = array<i32>} : memref<8x128xf32, #tpu.memory_space<vmem>>, vector<1x16xf32>,
      %get3A_748 = vector.shape_cast %get3A_747 : vector<1x16xf32> to vector<16xf32>
      %bitcast_convert_type3A_749 = tpu.bitcast %get3A_748 : vector<16xf32> -> vector<16xi32>
      %add3A_750 = arith.addi %bitcast_convert_type3A_743, %broadcast_in_dim3A_26 : vector<16xi32>
      %shift_right_logical3A_751 = arith.constant 16 : i32
      %shift_right_logical3A_752 = vector.broadcast %shift_right_logical3A_751 : i32 to vector<16xi32>
      %shift_right_logical3A_753 = arith.shrui %add3A_750, %shift_right_logical3A_752 : vector<16xi32>
      %add3A_754 = arith.addi %bitcast_convert_type3A_749, %broadcast_in_dim3A_26 : vector<16xi32>
      %and3A_755 = arith.andi %add3A_754, %broadcast_in_dim3A_28 : vector<16xi32>
      %or3A_756 = arith.ori %shift_right_logical3A_753, %and3A_755 : vector<16xi32>
      %swap3A_757 = arith.constant 6 : i32
      %swap3A_758 = arith.index_cast %swap3A_757 : i32 to index
      %swap3A_759 = arith.constant 48 : index
      %swap3A_760 = tpu.vector_load %arg11[%swap3A_758, %swap3A_759] {strides = array<i32>} : memref<8x64xi32, #tpu.memory_space<vmem>>, vector<1x16xi32>,
      %swap3A_761 = vector.shape_cast %swap3A_760 : vector<1x16xi32> to vector<16xi32>
      %swap3A_762 = vector.shape_cast %or3A_756 : vector<16xi32> to vector<1x16xi32>
      tpu.vector_store %arg11[%swap3A_758, %swap3A_759], %swap3A_762 {strides = array<i32>} : memref<8x64xi32, #tpu.memory_space<vmem>>, vector<1x16xi32>,
      %get3A_763 = arith.constant 7 : i32
      %get3A_764 = arith.index_cast %get3A_763 : i32 to index
      %get3A_765 = arith.constant 0 : index
      %get3A_766 = tpu.vector_load %arg10[%get3A_764, %get3A_765] {strides = array<i32>} : memref<8x128xf32, #tpu.memory_space<vmem>>, vector<1x16xf32>,
      %get3A_767 = vector.shape_cast %get3A_766 : vector<1x16xf32> to vector<16xf32>
      %bitcast_convert_type3A_768 = tpu.bitcast %get3A_767 : vector<16xf32> -> vector<16xi32>
      %get3A_769 = arith.constant 7 : i32
      %get3A_770 = arith.index_cast %get3A_769 : i32 to index
      %get3A_771 = arith.constant 16 : index
      %get3A_772 = tpu.vector_load %arg10[%get3A_770, %get3A_771] {strides = array<i32>} : memref<8x128xf32, #tpu.memory_space<vmem>>, vector<1x16xf32>,
      %get3A_773 = vector.shape_cast %get3A_772 : vector<1x16xf32> to vector<16xf32>
      %bitcast_convert_type3A_774 = tpu.bitcast %get3A_773 : vector<16xf32> -> vector<16xi32>
      %add3A_775 = arith.addi %bitcast_convert_type3A_768, %broadcast_in_dim3A_26 : vector<16xi32>
      %shift_right_logical3A_776 = arith.constant 16 : i32
      %shift_right_logical3A_777 = vector.broadcast %shift_right_logical3A_776 : i32 to vector<16xi32>
      %shift_right_logical3A_778 = arith.shrui %add3A_775, %shift_right_logical3A_777 : vector<16xi32>
      %add3A_779 = arith.addi %bitcast_convert_type3A_774, %broadcast_in_dim3A_26 : vector<16xi32>
      %and3A_780 = arith.andi %add3A_779, %broadcast_in_dim3A_28 : vector<16xi32>
      %or3A_781 = arith.ori %shift_right_logical3A_778, %and3A_780 : vector<16xi32>
      %swap3A_782 = arith.constant 7 : i32
      %swap3A_783 = arith.index_cast %swap3A_782 : i32 to index
      %swap3A_784 = arith.constant 0 : index
      %swap3A_785 = tpu.vector_load %arg11[%swap3A_783, %swap3A_784] {strides = array<i32>} : memref<8x64xi32, #tpu.memory_space<vmem>>, vector<1x16xi32>,
      %swap3A_786 = vector.shape_cast %swap3A_785 : vector<1x16xi32> to vector<16xi32>
      %swap3A_787 = vector.shape_cast %or3A_781 : vector<16xi32> to vector<1x16xi32>
      tpu.vector_store %arg11[%swap3A_783, %swap3A_784], %swap3A_787 {strides = array<i32>} : memref<8x64xi32, #tpu.memory_space<vmem>>, vector<1x16xi32>,
      %get3A_788 = arith.constant 7 : i32
      %get3A_789 = arith.index_cast %get3A_788 : i32 to index
      %get3A_790 = arith.constant 32 : index
      %get3A_791 = tpu.vector_load %arg10[%get3A_789, %get3A_790] {strides = array<i32>} : memref<8x128xf32, #tpu.memory_space<vmem>>, vector<1x16xf32>,
      %get3A_792 = vector.shape_cast %get3A_791 : vector<1x16xf32> to vector<16xf32>
      %bitcast_convert_type3A_793 = tpu.bitcast %get3A_792 : vector<16xf32> -> vector<16xi32>
      %get3A_794 = arith.constant 7 : i32
      %get3A_795 = arith.index_cast %get3A_794 : i32 to index
      %get3A_796 = arith.constant 48 : index
      %get3A_797 = tpu.vector_load %arg10[%get3A_795, %get3A_796] {strides = array<i32>} : memref<8x128xf32, #tpu.memory_space<vmem>>, vector<1x16xf32>,
      %get3A_798 = vector.shape_cast %get3A_797 : vector<1x16xf32> to vector<16xf32>
      %bitcast_convert_type3A_799 = tpu.bitcast %get3A_798 : vector<16xf32> -> vector<16xi32>
      %add3A_800 = arith.addi %bitcast_convert_type3A_793, %broadcast_in_dim3A_26 : vector<16xi32>
      %shift_right_logical3A_801 = arith.constant 16 : i32
      %shift_right_logical3A_802 = vector.broadcast %shift_right_logical3A_801 : i32 to vector<16xi32>
      %shift_right_logical3A_803 = arith.shrui %add3A_800, %shift_right_logical3A_802 : vector<16xi32>
      %add3A_804 = arith.addi %bitcast_convert_type3A_799, %broadcast_in_dim3A_26 : vector<16xi32>
      %and3A_805 = arith.andi %add3A_804, %broadcast_in_dim3A_28 : vector<16xi32>
      %or3A_806 = arith.ori %shift_right_logical3A_803, %and3A_805 : vector<16xi32>
      %swap3A_807 = arith.constant 7 : i32
      %swap3A_808 = arith.index_cast %swap3A_807 : i32 to index
      %swap3A_809 = arith.constant 16 : index
      %swap3A_810 = tpu.vector_load %arg11[%swap3A_808, %swap3A_809] {strides = array<i32>} : memref<8x64xi32, #tpu.memory_space<vmem>>, vector<1x16xi32>,
      %swap3A_811 = vector.shape_cast %swap3A_810 : vector<1x16xi32> to vector<16xi32>
      %swap3A_812 = vector.shape_cast %or3A_806 : vector<16xi32> to vector<1x16xi32>
      tpu.vector_store %arg11[%swap3A_808, %swap3A_809], %swap3A_812 {strides = array<i32>} : memref<8x64xi32, #tpu.memory_space<vmem>>, vector<1x16xi32>,
      %get3A_813 = arith.constant 7 : i32
      %get3A_814 = arith.index_cast %get3A_813 : i32 to index
      %get3A_815 = arith.constant 64 : index
      %get3A_816 = tpu.vector_load %arg10[%get3A_814, %get3A_815] {strides = array<i32>} : memref<8x128xf32, #tpu.memory_space<vmem>>, vector<1x16xf32>,
      %get3A_817 = vector.shape_cast %get3A_816 : vector<1x16xf32> to vector<16xf32>
      %bitcast_convert_type3A_818 = tpu.bitcast %get3A_817 : vector<16xf32> -> vector<16xi32>
      %get3A_819 = arith.constant 7 : i32
      %get3A_820 = arith.index_cast %get3A_819 : i32 to index
      %get3A_821 = arith.constant 80 : index
      %get3A_822 = tpu.vector_load %arg10[%get3A_820, %get3A_821] {strides = array<i32>} : memref<8x128xf32, #tpu.memory_space<vmem>>, vector<1x16xf32>,
      %get3A_823 = vector.shape_cast %get3A_822 : vector<1x16xf32> to vector<16xf32>
      %bitcast_convert_type3A_824 = tpu.bitcast %get3A_823 : vector<16xf32> -> vector<16xi32>
      %add3A_825 = arith.addi %bitcast_convert_type3A_818, %broadcast_in_dim3A_26 : vector<16xi32>
      %shift_right_logical3A_826 = arith.constant 16 : i32
      %shift_right_logical3A_827 = vector.broadcast %shift_right_logical3A_826 : i32 to vector<16xi32>
      %shift_right_logical3A_828 = arith.shrui %add3A_825, %shift_right_logical3A_827 : vector<16xi32>
      %add3A_829 = arith.addi %bitcast_convert_type3A_824, %broadcast_in_dim3A_26 : vector<16xi32>
      %and3A_830 = arith.andi %add3A_829, %broadcast_in_dim3A_28 : vector<16xi32>
      %or3A_831 = arith.ori %shift_right_logical3A_828, %and3A_830 : vector<16xi32>
      %swap3A_832 = arith.constant 7 : i32
      %swap3A_833 = arith.index_cast %swap3A_832 : i32 to index
      %swap3A_834 = arith.constant 32 : index
      %swap3A_835 = tpu.vector_load %arg11[%swap3A_833, %swap3A_834] {strides = array<i32>} : memref<8x64xi32, #tpu.memory_space<vmem>>, vector<1x16xi32>,
      %swap3A_836 = vector.shape_cast %swap3A_835 : vector<1x16xi32> to vector<16xi32>
      %swap3A_837 = vector.shape_cast %or3A_831 : vector<16xi32> to vector<1x16xi32>
      tpu.vector_store %arg11[%swap3A_833, %swap3A_834], %swap3A_837 {strides = array<i32>} : memref<8x64xi32, #tpu.memory_space<vmem>>, vector<1x16xi32>,
      %get3A_838 = arith.constant 7 : i32
      %get3A_839 = arith.index_cast %get3A_838 : i32 to index
      %get3A_840 = arith.constant 96 : index
      %get3A_841 = tpu.vector_load %arg10[%get3A_839, %get3A_840] {strides = array<i32>} : memref<8x128xf32, #tpu.memory_space<vmem>>, vector<1x16xf32>,
      %get3A_842 = vector.shape_cast %get3A_841 : vector<1x16xf32> to vector<16xf32>
      %bitcast_convert_type3A_843 = tpu.bitcast %get3A_842 : vector<16xf32> -> vector<16xi32>
      %get3A_844 = arith.constant 7 : i32
      %get3A_845 = arith.index_cast %get3A_844 : i32 to index
      %get3A_846 = arith.constant 112 : index
      %get3A_847 = tpu.vector_load %arg10[%get3A_845, %get3A_846] {strides = array<i32>} : memref<8x128xf32, #tpu.memory_space<vmem>>, vector<1x16xf32>,
      %get3A_848 = vector.shape_cast %get3A_847 : vector<1x16xf32> to vector<16xf32>
      %bitcast_convert_type3A_849 = tpu.bitcast %get3A_848 : vector<16xf32> -> vector<16xi32>
      %add3A_850 = arith.addi %bitcast_convert_type3A_843, %broadcast_in_dim3A_26 : vector<16xi32>
      %shift_right_logical3A_851 = arith.constant 16 : i32
      %shift_right_logical3A_852 = vector.broadcast %shift_right_logical3A_851 : i32 to vector<16xi32>
      %shift_right_logical3A_853 = arith.shrui %add3A_850, %shift_right_logical3A_852 : vector<16xi32>
      %add3A_854 = arith.addi %bitcast_convert_type3A_849, %broadcast_in_dim3A_26 : vector<16xi32>
      %and3A_855 = arith.andi %add3A_854, %broadcast_in_dim3A_28 : vector<16xi32>
      %or3A_856 = arith.ori %shift_right_logical3A_853, %and3A_855 : vector<16xi32>
      %swap3A_857 = arith.constant 7 : i32
      %swap3A_858 = arith.index_cast %swap3A_857 : i32 to index
      %swap3A_859 = arith.constant 48 : index
      %swap3A_860 = tpu.vector_load %arg11[%swap3A_858, %swap3A_859] {strides = array<i32>} : memref<8x64xi32, #tpu.memory_space<vmem>>, vector<1x16xi32>,
      %swap3A_861 = vector.shape_cast %swap3A_860 : vector<1x16xi32> to vector<16xi32>
      %swap3A_862 = vector.shape_cast %or3A_856 : vector<16xi32> to vector<1x16xi32>
      tpu.vector_store %arg11[%swap3A_858, %swap3A_859], %swap3A_862 {strides = array<i32>} : memref<8x64xi32, #tpu.memory_space<vmem>>, vector<1x16xi32>,
      "tpu.region"() ({
        %run_scoped3A = tpu.sem_alloc : memref<!tpu.dma_semaphore, #tpu.memory_space<semaphore_mem>>
        %dma_start3A = arith.constant 0 : i32
        %dma_start3A_863 = tpu.memref_slice %arg5[%multiple_of3A_67, %dma_start3A] : memref<20000x64xi32, #tpu.memory_space<hbm>> -> memref<8x64xi32, #tpu.memory_space<hbm>>
        %dma_start3A_864 = arith.constant 0 : i32
        %dma_start3A_865 = tpu.memref_slice %arg5[%multiple_of3A_67, %dma_start3A_864] : memref<20000x64xi32, #tpu.memory_space<hbm>> -> memref<8x64xi32, #tpu.memory_space<hbm>>
        tpu.enqueue_dma source(%arg11 : memref<8x64xi32, #tpu.memory_space<vmem>>) target(%dma_start3A_865 : memref<8x64xi32, #tpu.memory_space<hbm>>) target_semaphore(%run_scoped3A : memref<!tpu.dma_semaphore, #tpu.memory_space<semaphore_mem>>)
        %dma_wait3A = arith.constant 0 : i32
        %dma_wait3A_866 = tpu.memref_slice %arg5[%multiple_of3A_67, %dma_wait3A] : memref<20000x64xi32, #tpu.memory_space<hbm>> -> memref<8x64xi32, #tpu.memory_space<hbm>>
        %dma_wait3A_867 = arith.constant 0 : i32
        %dma_wait3A_868 = tpu.memref_slice %arg5[%multiple_of3A_67, %dma_wait3A_867] : memref<20000x64xi32, #tpu.memory_space<hbm>> -> memref<8x64xi32, #tpu.memory_space<hbm>>
        tpu.wait_dma2 semaphore(%run_scoped3A : memref<!tpu.dma_semaphore, #tpu.memory_space<semaphore_mem>>) src(%arg11 : memref<8x64xi32, #tpu.memory_space<vmem>>) dst(%dma_wait3A_868 : memref<8x64xi32, #tpu.memory_space<hbm>>)
        tpu.yield
      }) : () -> ()
    }
    %while3A_56 = arith.constant 1 : i32
    scf.for %while3A_57 = %while3A_54 to %while3A_50 step %while3A_56  : i32 {
      %mul3A_58 = arith.constant 8 : i32
      %mul3A_59 = arith.muli %while3A_57, %mul3A_58 : i32
      %add3A_60 = arith.addi %mul3A_2, %mul3A_59 : i32
      %multiple_of3A = tpu.assume_multiple %add3A_60, 8 : i32
      %mul3A_61 = arith.constant 10000 : i32
      %mul3A_62 = arith.muli %arg0, %mul3A_61 : i32
      %add3A_63 = arith.addi %mul3A_62, %mul3A_2 : i32
      %mul3A_64 = arith.constant 8 : i32
      %mul3A_65 = arith.muli %while3A_57, %mul3A_64 : i32
      %add3A_66 = arith.addi %add3A_63, %mul3A_65 : i32
      %multiple_of3A_67 = tpu.assume_multiple %add3A_66, 8 : i32
      "tpu.region"() ({
        %run_scoped3A = tpu.sem_alloc : memref<!tpu.dma_semaphore, #tpu.memory_space<semaphore_mem>>
        %dma_start3A = arith.constant 0 : i32
        %dma_start3A_863 = tpu.memref_slice %arg13[%multiple_of3A, %dma_start3A] : memref<10112x128xf32, #tpu.memory_space<vmem_shared>> -> memref<8x128xf32, #tpu.memory_space<vmem_shared>>
        %dma_start3A_864 = arith.constant 0 : i32
        %dma_start3A_865 = tpu.memref_slice %arg13[%multiple_of3A, %dma_start3A_864] : memref<10112x128xf32, #tpu.memory_space<vmem_shared>> -> memref<8x128xf32, #tpu.memory_space<vmem_shared>>
        tpu.enqueue_dma source(%dma_start3A_865 : memref<8x128xf32, #tpu.memory_space<vmem_shared>>) target(%arg10 : memref<8x128xf32, #tpu.memory_space<vmem>>) target_semaphore(%run_scoped3A : memref<!tpu.dma_semaphore, #tpu.memory_space<semaphore_mem>>)
        %dma_wait3A = arith.constant 0 : i32
        %dma_wait3A_866 = tpu.memref_slice %arg13[%multiple_of3A, %dma_wait3A] : memref<10112x128xf32, #tpu.memory_space<vmem_shared>> -> memref<8x128xf32, #tpu.memory_space<vmem_shared>>
        %dma_wait3A_867 = arith.constant 0 : i32
        %dma_wait3A_868 = tpu.memref_slice %arg13[%multiple_of3A, %dma_wait3A_867] : memref<10112x128xf32, #tpu.memory_space<vmem_shared>> -> memref<8x128xf32, #tpu.memory_space<vmem_shared>>
        tpu.wait_dma2 semaphore(%run_scoped3A : memref<!tpu.dma_semaphore, #tpu.memory_space<semaphore_mem>>) src(%dma_wait3A_868 : memref<8x128xf32, #tpu.memory_space<vmem_shared>>) dst(%arg10 : memref<8x128xf32, #tpu.memory_space<vmem>>)
        tpu.yield
      }) : () -> ()
      %get3A = arith.constant 0 : i32
      %get3A_68 = arith.index_cast %get3A : i32 to index
      %get3A_69 = arith.constant 0 : index
      %get3A_70 = tpu.vector_load %arg10[%get3A_68, %get3A_69] {strides = array<i32>} : memref<8x128xf32, #tpu.memory_space<vmem>>, vector<1x16xf32>,
      %get3A_71 = vector.shape_cast %get3A_70 : vector<1x16xf32> to vector<16xf32>
      %bitcast_convert_type3A = tpu.bitcast %get3A_71 : vector<16xf32> -> vector<16xi32>
      %get3A_72 = arith.constant 0 : i32
      %get3A_73 = arith.index_cast %get3A_72 : i32 to index
      %get3A_74 = arith.constant 16 : index
      %get3A_75 = tpu.vector_load %arg10[%get3A_73, %get3A_74] {strides = array<i32>} : memref<8x128xf32, #tpu.memory_space<vmem>>, vector<1x16xf32>,
      %get3A_76 = vector.shape_cast %get3A_75 : vector<1x16xf32> to vector<16xf32>
      %bitcast_convert_type3A_77 = tpu.bitcast %get3A_76 : vector<16xf32> -> vector<16xi32>
      %add3A_78 = arith.addi %bitcast_convert_type3A, %broadcast_in_dim3A_26 : vector<16xi32>
      %shift_right_logical3A = arith.constant 16 : i32
      %shift_right_logical3A_79 = vector.broadcast %shift_right_logical3A : i32 to vector<16xi32>
      %shift_right_logical3A_80 = arith.shrui %add3A_78, %shift_right_logical3A_79 : vector<16xi32>
      %add3A_81 = arith.addi %bitcast_convert_type3A_77, %broadcast_in_dim3A_26 : vector<16xi32>
      %and3A_82 = arith.andi %add3A_81, %broadcast_in_dim3A_28 : vector<16xi32>
      %or3A = arith.ori %shift_right_logical3A_80, %and3A_82 : vector<16xi32>
      %swap3A = arith.constant 0 : i32
      %swap3A_83 = arith.index_cast %swap3A : i32 to index
      %swap3A_84 = arith.constant 0 : index
      %swap3A_85 = tpu.vector_load %arg11[%swap3A_83, %swap3A_84] {strides = array<i32>} : memref<8x64xi32, #tpu.memory_space<vmem>>, vector<1x16xi32>,
      %swap3A_86 = vector.shape_cast %swap3A_85 : vector<1x16xi32> to vector<16xi32>
      %swap3A_87 = vector.shape_cast %or3A : vector<16xi32> to vector<1x16xi32>
      tpu.vector_store %arg11[%swap3A_83, %swap3A_84], %swap3A_87 {strides = array<i32>} : memref<8x64xi32, #tpu.memory_space<vmem>>, vector<1x16xi32>,
      %get3A_88 = arith.constant 0 : i32
      %get3A_89 = arith.index_cast %get3A_88 : i32 to index
      %get3A_90 = arith.constant 32 : index
      %get3A_91 = tpu.vector_load %arg10[%get3A_89, %get3A_90] {strides = array<i32>} : memref<8x128xf32, #tpu.memory_space<vmem>>, vector<1x16xf32>,
      %get3A_92 = vector.shape_cast %get3A_91 : vector<1x16xf32> to vector<16xf32>
      %bitcast_convert_type3A_93 = tpu.bitcast %get3A_92 : vector<16xf32> -> vector<16xi32>
      %get3A_94 = arith.constant 0 : i32
      %get3A_95 = arith.index_cast %get3A_94 : i32 to index
      %get3A_96 = arith.constant 48 : index
      %get3A_97 = tpu.vector_load %arg10[%get3A_95, %get3A_96] {strides = array<i32>} : memref<8x128xf32, #tpu.memory_space<vmem>>, vector<1x16xf32>,
      %get3A_98 = vector.shape_cast %get3A_97 : vector<1x16xf32> to vector<16xf32>
      %bitcast_convert_type3A_99 = tpu.bitcast %get3A_98 : vector<16xf32> -> vector<16xi32>
      %add3A_100 = arith.addi %bitcast_convert_type3A_93, %broadcast_in_dim3A_26 : vector<16xi32>
      %shift_right_logical3A_101 = arith.constant 16 : i32
      %shift_right_logical3A_102 = vector.broadcast %shift_right_logical3A_101 : i32 to vector<16xi32>
      %shift_right_logical3A_103 = arith.shrui %add3A_100, %shift_right_logical3A_102 : vector<16xi32>
      %add3A_104 = arith.addi %bitcast_convert_type3A_99, %broadcast_in_dim3A_26 : vector<16xi32>
      %and3A_105 = arith.andi %add3A_104, %broadcast_in_dim3A_28 : vector<16xi32>
      %or3A_106 = arith.ori %shift_right_logical3A_103, %and3A_105 : vector<16xi32>
      %swap3A_107 = arith.constant 0 : i32
      %swap3A_108 = arith.index_cast %swap3A_107 : i32 to index
      %swap3A_109 = arith.constant 16 : index
      %swap3A_110 = tpu.vector_load %arg11[%swap3A_108, %swap3A_109] {strides = array<i32>} : memref<8x64xi32, #tpu.memory_space<vmem>>, vector<1x16xi32>,
      %swap3A_111 = vector.shape_cast %swap3A_110 : vector<1x16xi32> to vector<16xi32>
      %swap3A_112 = vector.shape_cast %or3A_106 : vector<16xi32> to vector<1x16xi32>
      tpu.vector_store %arg11[%swap3A_108, %swap3A_109], %swap3A_112 {strides = array<i32>} : memref<8x64xi32, #tpu.memory_space<vmem>>, vector<1x16xi32>,
      %get3A_113 = arith.constant 0 : i32
      %get3A_114 = arith.index_cast %get3A_113 : i32 to index
      %get3A_115 = arith.constant 64 : index
      %get3A_116 = tpu.vector_load %arg10[%get3A_114, %get3A_115] {strides = array<i32>} : memref<8x128xf32, #tpu.memory_space<vmem>>, vector<1x16xf32>,
      %get3A_117 = vector.shape_cast %get3A_116 : vector<1x16xf32> to vector<16xf32>
      %bitcast_convert_type3A_118 = tpu.bitcast %get3A_117 : vector<16xf32> -> vector<16xi32>
      %get3A_119 = arith.constant 0 : i32
      %get3A_120 = arith.index_cast %get3A_119 : i32 to index
      %get3A_121 = arith.constant 80 : index
      %get3A_122 = tpu.vector_load %arg10[%get3A_120, %get3A_121] {strides = array<i32>} : memref<8x128xf32, #tpu.memory_space<vmem>>, vector<1x16xf32>,
      %get3A_123 = vector.shape_cast %get3A_122 : vector<1x16xf32> to vector<16xf32>
      %bitcast_convert_type3A_124 = tpu.bitcast %get3A_123 : vector<16xf32> -> vector<16xi32>
      %add3A_125 = arith.addi %bitcast_convert_type3A_118, %broadcast_in_dim3A_26 : vector<16xi32>
      %shift_right_logical3A_126 = arith.constant 16 : i32
      %shift_right_logical3A_127 = vector.broadcast %shift_right_logical3A_126 : i32 to vector<16xi32>
      %shift_right_logical3A_128 = arith.shrui %add3A_125, %shift_right_logical3A_127 : vector<16xi32>
      %add3A_129 = arith.addi %bitcast_convert_type3A_124, %broadcast_in_dim3A_26 : vector<16xi32>
      %and3A_130 = arith.andi %add3A_129, %broadcast_in_dim3A_28 : vector<16xi32>
      %or3A_131 = arith.ori %shift_right_logical3A_128, %and3A_130 : vector<16xi32>
      %swap3A_132 = arith.constant 0 : i32
      %swap3A_133 = arith.index_cast %swap3A_132 : i32 to index
      %swap3A_134 = arith.constant 32 : index
      %swap3A_135 = tpu.vector_load %arg11[%swap3A_133, %swap3A_134] {strides = array<i32>} : memref<8x64xi32, #tpu.memory_space<vmem>>, vector<1x16xi32>,
      %swap3A_136 = vector.shape_cast %swap3A_135 : vector<1x16xi32> to vector<16xi32>
      %swap3A_137 = vector.shape_cast %or3A_131 : vector<16xi32> to vector<1x16xi32>
      tpu.vector_store %arg11[%swap3A_133, %swap3A_134], %swap3A_137 {strides = array<i32>} : memref<8x64xi32, #tpu.memory_space<vmem>>, vector<1x16xi32>,
      %get3A_138 = arith.constant 0 : i32
      %get3A_139 = arith.index_cast %get3A_138 : i32 to index
      %get3A_140 = arith.constant 96 : index
      %get3A_141 = tpu.vector_load %arg10[%get3A_139, %get3A_140] {strides = array<i32>} : memref<8x128xf32, #tpu.memory_space<vmem>>, vector<1x16xf32>,
      %get3A_142 = vector.shape_cast %get3A_141 : vector<1x16xf32> to vector<16xf32>
      %bitcast_convert_type3A_143 = tpu.bitcast %get3A_142 : vector<16xf32> -> vector<16xi32>
      %get3A_144 = arith.constant 0 : i32
      %get3A_145 = arith.index_cast %get3A_144 : i32 to index
      %get3A_146 = arith.constant 112 : index
      %get3A_147 = tpu.vector_load %arg10[%get3A_145, %get3A_146] {strides = array<i32>} : memref<8x128xf32, #tpu.memory_space<vmem>>, vector<1x16xf32>,
      %get3A_148 = vector.shape_cast %get3A_147 : vector<1x16xf32> to vector<16xf32>
      %bitcast_convert_type3A_149 = tpu.bitcast %get3A_148 : vector<16xf32> -> vector<16xi32>
      %add3A_150 = arith.addi %bitcast_convert_type3A_143, %broadcast_in_dim3A_26 : vector<16xi32>
      %shift_right_logical3A_151 = arith.constant 16 : i32
      %shift_right_logical3A_152 = vector.broadcast %shift_right_logical3A_151 : i32 to vector<16xi32>
      %shift_right_logical3A_153 = arith.shrui %add3A_150, %shift_right_logical3A_152 : vector<16xi32>
      %add3A_154 = arith.addi %bitcast_convert_type3A_149, %broadcast_in_dim3A_26 : vector<16xi32>
      %and3A_155 = arith.andi %add3A_154, %broadcast_in_dim3A_28 : vector<16xi32>
      %or3A_156 = arith.ori %shift_right_logical3A_153, %and3A_155 : vector<16xi32>
      %swap3A_157 = arith.constant 0 : i32
      %swap3A_158 = arith.index_cast %swap3A_157 : i32 to index
      %swap3A_159 = arith.constant 48 : index
      %swap3A_160 = tpu.vector_load %arg11[%swap3A_158, %swap3A_159] {strides = array<i32>} : memref<8x64xi32, #tpu.memory_space<vmem>>, vector<1x16xi32>,
      %swap3A_161 = vector.shape_cast %swap3A_160 : vector<1x16xi32> to vector<16xi32>
      %swap3A_162 = vector.shape_cast %or3A_156 : vector<16xi32> to vector<1x16xi32>
      tpu.vector_store %arg11[%swap3A_158, %swap3A_159], %swap3A_162 {strides = array<i32>} : memref<8x64xi32, #tpu.memory_space<vmem>>, vector<1x16xi32>,
      %get3A_163 = arith.constant 1 : i32
      %get3A_164 = arith.index_cast %get3A_163 : i32 to index
      %get3A_165 = arith.constant 0 : index
      %get3A_166 = tpu.vector_load %arg10[%get3A_164, %get3A_165] {strides = array<i32>} : memref<8x128xf32, #tpu.memory_space<vmem>>, vector<1x16xf32>,
      %get3A_167 = vector.shape_cast %get3A_166 : vector<1x16xf32> to vector<16xf32>
      %bitcast_convert_type3A_168 = tpu.bitcast %get3A_167 : vector<16xf32> -> vector<16xi32>
      %get3A_169 = arith.constant 1 : i32
      %get3A_170 = arith.index_cast %get3A_169 : i32 to index
      %get3A_171 = arith.constant 16 : index
      %get3A_172 = tpu.vector_load %arg10[%get3A_170, %get3A_171] {strides = array<i32>} : memref<8x128xf32, #tpu.memory_space<vmem>>, vector<1x16xf32>,
      %get3A_173 = vector.shape_cast %get3A_172 : vector<1x16xf32> to vector<16xf32>
      %bitcast_convert_type3A_174 = tpu.bitcast %get3A_173 : vector<16xf32> -> vector<16xi32>
      %add3A_175 = arith.addi %bitcast_convert_type3A_168, %broadcast_in_dim3A_26 : vector<16xi32>
      %shift_right_logical3A_176 = arith.constant 16 : i32
      %shift_right_logical3A_177 = vector.broadcast %shift_right_logical3A_176 : i32 to vector<16xi32>
      %shift_right_logical3A_178 = arith.shrui %add3A_175, %shift_right_logical3A_177 : vector<16xi32>
      %add3A_179 = arith.addi %bitcast_convert_type3A_174, %broadcast_in_dim3A_26 : vector<16xi32>
      %and3A_180 = arith.andi %add3A_179, %broadcast_in_dim3A_28 : vector<16xi32>
      %or3A_181 = arith.ori %shift_right_logical3A_178, %and3A_180 : vector<16xi32>
      %swap3A_182 = arith.constant 1 : i32
      %swap3A_183 = arith.index_cast %swap3A_182 : i32 to index
      %swap3A_184 = arith.constant 0 : index
      %swap3A_185 = tpu.vector_load %arg11[%swap3A_183, %swap3A_184] {strides = array<i32>} : memref<8x64xi32, #tpu.memory_space<vmem>>, vector<1x16xi32>,
      %swap3A_186 = vector.shape_cast %swap3A_185 : vector<1x16xi32> to vector<16xi32>
      %swap3A_187 = vector.shape_cast %or3A_181 : vector<16xi32> to vector<1x16xi32>
      tpu.vector_store %arg11[%swap3A_183, %swap3A_184], %swap3A_187 {strides = array<i32>} : memref<8x64xi32, #tpu.memory_space<vmem>>, vector<1x16xi32>,
      %get3A_188 = arith.constant 1 : i32
      %get3A_189 = arith.index_cast %get3A_188 : i32 to index
      %get3A_190 = arith.constant 32 : index
      %get3A_191 = tpu.vector_load %arg10[%get3A_189, %get3A_190] {strides = array<i32>} : memref<8x128xf32, #tpu.memory_space<vmem>>, vector<1x16xf32>,
      %get3A_192 = vector.shape_cast %get3A_191 : vector<1x16xf32> to vector<16xf32>
      %bitcast_convert_type3A_193 = tpu.bitcast %get3A_192 : vector<16xf32> -> vector<16xi32>
      %get3A_194 = arith.constant 1 : i32
      %get3A_195 = arith.index_cast %get3A_194 : i32 to index
      %get3A_196 = arith.constant 48 : index
      %get3A_197 = tpu.vector_load %arg10[%get3A_195, %get3A_196] {strides = array<i32>} : memref<8x128xf32, #tpu.memory_space<vmem>>, vector<1x16xf32>,
      %get3A_198 = vector.shape_cast %get3A_197 : vector<1x16xf32> to vector<16xf32>
      %bitcast_convert_type3A_199 = tpu.bitcast %get3A_198 : vector<16xf32> -> vector<16xi32>
      %add3A_200 = arith.addi %bitcast_convert_type3A_193, %broadcast_in_dim3A_26 : vector<16xi32>
      %shift_right_logical3A_201 = arith.constant 16 : i32
      %shift_right_logical3A_202 = vector.broadcast %shift_right_logical3A_201 : i32 to vector<16xi32>
      %shift_right_logical3A_203 = arith.shrui %add3A_200, %shift_right_logical3A_202 : vector<16xi32>
      %add3A_204 = arith.addi %bitcast_convert_type3A_199, %broadcast_in_dim3A_26 : vector<16xi32>
      %and3A_205 = arith.andi %add3A_204, %broadcast_in_dim3A_28 : vector<16xi32>
      %or3A_206 = arith.ori %shift_right_logical3A_203, %and3A_205 : vector<16xi32>
      %swap3A_207 = arith.constant 1 : i32
      %swap3A_208 = arith.index_cast %swap3A_207 : i32 to index
      %swap3A_209 = arith.constant 16 : index
      %swap3A_210 = tpu.vector_load %arg11[%swap3A_208, %swap3A_209] {strides = array<i32>} : memref<8x64xi32, #tpu.memory_space<vmem>>, vector<1x16xi32>,
      %swap3A_211 = vector.shape_cast %swap3A_210 : vector<1x16xi32> to vector<16xi32>
      %swap3A_212 = vector.shape_cast %or3A_206 : vector<16xi32> to vector<1x16xi32>
      tpu.vector_store %arg11[%swap3A_208, %swap3A_209], %swap3A_212 {strides = array<i32>} : memref<8x64xi32, #tpu.memory_space<vmem>>, vector<1x16xi32>,
      %get3A_213 = arith.constant 1 : i32
      %get3A_214 = arith.index_cast %get3A_213 : i32 to index
      %get3A_215 = arith.constant 64 : index
      %get3A_216 = tpu.vector_load %arg10[%get3A_214, %get3A_215] {strides = array<i32>} : memref<8x128xf32, #tpu.memory_space<vmem>>, vector<1x16xf32>,
      %get3A_217 = vector.shape_cast %get3A_216 : vector<1x16xf32> to vector<16xf32>
      %bitcast_convert_type3A_218 = tpu.bitcast %get3A_217 : vector<16xf32> -> vector<16xi32>
      %get3A_219 = arith.constant 1 : i32
      %get3A_220 = arith.index_cast %get3A_219 : i32 to index
      %get3A_221 = arith.constant 80 : index
      %get3A_222 = tpu.vector_load %arg10[%get3A_220, %get3A_221] {strides = array<i32>} : memref<8x128xf32, #tpu.memory_space<vmem>>, vector<1x16xf32>,
      %get3A_223 = vector.shape_cast %get3A_222 : vector<1x16xf32> to vector<16xf32>
      %bitcast_convert_type3A_224 = tpu.bitcast %get3A_223 : vector<16xf32> -> vector<16xi32>
      %add3A_225 = arith.addi %bitcast_convert_type3A_218, %broadcast_in_dim3A_26 : vector<16xi32>
      %shift_right_logical3A_226 = arith.constant 16 : i32
      %shift_right_logical3A_227 = vector.broadcast %shift_right_logical3A_226 : i32 to vector<16xi32>
      %shift_right_logical3A_228 = arith.shrui %add3A_225, %shift_right_logical3A_227 : vector<16xi32>
      %add3A_229 = arith.addi %bitcast_convert_type3A_224, %broadcast_in_dim3A_26 : vector<16xi32>
      %and3A_230 = arith.andi %add3A_229, %broadcast_in_dim3A_28 : vector<16xi32>
      %or3A_231 = arith.ori %shift_right_logical3A_228, %and3A_230 : vector<16xi32>
      %swap3A_232 = arith.constant 1 : i32
      %swap3A_233 = arith.index_cast %swap3A_232 : i32 to index
      %swap3A_234 = arith.constant 32 : index
      %swap3A_235 = tpu.vector_load %arg11[%swap3A_233, %swap3A_234] {strides = array<i32>} : memref<8x64xi32, #tpu.memory_space<vmem>>, vector<1x16xi32>,
      %swap3A_236 = vector.shape_cast %swap3A_235 : vector<1x16xi32> to vector<16xi32>
      %swap3A_237 = vector.shape_cast %or3A_231 : vector<16xi32> to vector<1x16xi32>
      tpu.vector_store %arg11[%swap3A_233, %swap3A_234], %swap3A_237 {strides = array<i32>} : memref<8x64xi32, #tpu.memory_space<vmem>>, vector<1x16xi32>,
      %get3A_238 = arith.constant 1 : i32
      %get3A_239 = arith.index_cast %get3A_238 : i32 to index
      %get3A_240 = arith.constant 96 : index
      %get3A_241 = tpu.vector_load %arg10[%get3A_239, %get3A_240] {strides = array<i32>} : memref<8x128xf32, #tpu.memory_space<vmem>>, vector<1x16xf32>,
      %get3A_242 = vector.shape_cast %get3A_241 : vector<1x16xf32> to vector<16xf32>
      %bitcast_convert_type3A_243 = tpu.bitcast %get3A_242 : vector<16xf32> -> vector<16xi32>
      %get3A_244 = arith.constant 1 : i32
      %get3A_245 = arith.index_cast %get3A_244 : i32 to index
      %get3A_246 = arith.constant 112 : index
      %get3A_247 = tpu.vector_load %arg10[%get3A_245, %get3A_246] {strides = array<i32>} : memref<8x128xf32, #tpu.memory_space<vmem>>, vector<1x16xf32>,
      %get3A_248 = vector.shape_cast %get3A_247 : vector<1x16xf32> to vector<16xf32>
      %bitcast_convert_type3A_249 = tpu.bitcast %get3A_248 : vector<16xf32> -> vector<16xi32>
      %add3A_250 = arith.addi %bitcast_convert_type3A_243, %broadcast_in_dim3A_26 : vector<16xi32>
      %shift_right_logical3A_251 = arith.constant 16 : i32
      %shift_right_logical3A_252 = vector.broadcast %shift_right_logical3A_251 : i32 to vector<16xi32>
      %shift_right_logical3A_253 = arith.shrui %add3A_250, %shift_right_logical3A_252 : vector<16xi32>
      %add3A_254 = arith.addi %bitcast_convert_type3A_249, %broadcast_in_dim3A_26 : vector<16xi32>
      %and3A_255 = arith.andi %add3A_254, %broadcast_in_dim3A_28 : vector<16xi32>
      %or3A_256 = arith.ori %shift_right_logical3A_253, %and3A_255 : vector<16xi32>
      %swap3A_257 = arith.constant 1 : i32
      %swap3A_258 = arith.index_cast %swap3A_257 : i32 to index
      %swap3A_259 = arith.constant 48 : index
      %swap3A_260 = tpu.vector_load %arg11[%swap3A_258, %swap3A_259] {strides = array<i32>} : memref<8x64xi32, #tpu.memory_space<vmem>>, vector<1x16xi32>,
      %swap3A_261 = vector.shape_cast %swap3A_260 : vector<1x16xi32> to vector<16xi32>
      %swap3A_262 = vector.shape_cast %or3A_256 : vector<16xi32> to vector<1x16xi32>
      tpu.vector_store %arg11[%swap3A_258, %swap3A_259], %swap3A_262 {strides = array<i32>} : memref<8x64xi32, #tpu.memory_space<vmem>>, vector<1x16xi32>,
      %get3A_263 = arith.constant 2 : i32
      %get3A_264 = arith.index_cast %get3A_263 : i32 to index
      %get3A_265 = arith.constant 0 : index
      %get3A_266 = tpu.vector_load %arg10[%get3A_264, %get3A_265] {strides = array<i32>} : memref<8x128xf32, #tpu.memory_space<vmem>>, vector<1x16xf32>,
      %get3A_267 = vector.shape_cast %get3A_266 : vector<1x16xf32> to vector<16xf32>
      %bitcast_convert_type3A_268 = tpu.bitcast %get3A_267 : vector<16xf32> -> vector<16xi32>
      %get3A_269 = arith.constant 2 : i32
      %get3A_270 = arith.index_cast %get3A_269 : i32 to index
      %get3A_271 = arith.constant 16 : index
      %get3A_272 = tpu.vector_load %arg10[%get3A_270, %get3A_271] {strides = array<i32>} : memref<8x128xf32, #tpu.memory_space<vmem>>, vector<1x16xf32>,
      %get3A_273 = vector.shape_cast %get3A_272 : vector<1x16xf32> to vector<16xf32>
      %bitcast_convert_type3A_274 = tpu.bitcast %get3A_273 : vector<16xf32> -> vector<16xi32>
      %add3A_275 = arith.addi %bitcast_convert_type3A_268, %broadcast_in_dim3A_26 : vector<16xi32>
      %shift_right_logical3A_276 = arith.constant 16 : i32
      %shift_right_logical3A_277 = vector.broadcast %shift_right_logical3A_276 : i32 to vector<16xi32>
      %shift_right_logical3A_278 = arith.shrui %add3A_275, %shift_right_logical3A_277 : vector<16xi32>
      %add3A_279 = arith.addi %bitcast_convert_type3A_274, %broadcast_in_dim3A_26 : vector<16xi32>
      %and3A_280 = arith.andi %add3A_279, %broadcast_in_dim3A_28 : vector<16xi32>
      %or3A_281 = arith.ori %shift_right_logical3A_278, %and3A_280 : vector<16xi32>
      %swap3A_282 = arith.constant 2 : i32
      %swap3A_283 = arith.index_cast %swap3A_282 : i32 to index
      %swap3A_284 = arith.constant 0 : index
      %swap3A_285 = tpu.vector_load %arg11[%swap3A_283, %swap3A_284] {strides = array<i32>} : memref<8x64xi32, #tpu.memory_space<vmem>>, vector<1x16xi32>,
      %swap3A_286 = vector.shape_cast %swap3A_285 : vector<1x16xi32> to vector<16xi32>
      %swap3A_287 = vector.shape_cast %or3A_281 : vector<16xi32> to vector<1x16xi32>
      tpu.vector_store %arg11[%swap3A_283, %swap3A_284], %swap3A_287 {strides = array<i32>} : memref<8x64xi32, #tpu.memory_space<vmem>>, vector<1x16xi32>,
      %get3A_288 = arith.constant 2 : i32
      %get3A_289 = arith.index_cast %get3A_288 : i32 to index
      %get3A_290 = arith.constant 32 : index
      %get3A_291 = tpu.vector_load %arg10[%get3A_289, %get3A_290] {strides = array<i32>} : memref<8x128xf32, #tpu.memory_space<vmem>>, vector<1x16xf32>,
      %get3A_292 = vector.shape_cast %get3A_291 : vector<1x16xf32> to vector<16xf32>
      %bitcast_convert_type3A_293 = tpu.bitcast %get3A_292 : vector<16xf32> -> vector<16xi32>
      %get3A_294 = arith.constant 2 : i32
      %get3A_295 = arith.index_cast %get3A_294 : i32 to index
      %get3A_296 = arith.constant 48 : index
      %get3A_297 = tpu.vector_load %arg10[%get3A_295, %get3A_296] {strides = array<i32>} : memref<8x128xf32, #tpu.memory_space<vmem>>, vector<1x16xf32>,
      %get3A_298 = vector.shape_cast %get3A_297 : vector<1x16xf32> to vector<16xf32>
      %bitcast_convert_type3A_299 = tpu.bitcast %get3A_298 : vector<16xf32> -> vector<16xi32>
      %add3A_300 = arith.addi %bitcast_convert_type3A_293, %broadcast_in_dim3A_26 : vector<16xi32>
      %shift_right_logical3A_301 = arith.constant 16 : i32
      %shift_right_logical3A_302 = vector.broadcast %shift_right_logical3A_301 : i32 to vector<16xi32>
      %shift_right_logical3A_303 = arith.shrui %add3A_300, %shift_right_logical3A_302 : vector<16xi32>
      %add3A_304 = arith.addi %bitcast_convert_type3A_299, %broadcast_in_dim3A_26 : vector<16xi32>
      %and3A_305 = arith.andi %add3A_304, %broadcast_in_dim3A_28 : vector<16xi32>
      %or3A_306 = arith.ori %shift_right_logical3A_303, %and3A_305 : vector<16xi32>
      %swap3A_307 = arith.constant 2 : i32
      %swap3A_308 = arith.index_cast %swap3A_307 : i32 to index
      %swap3A_309 = arith.constant 16 : index
      %swap3A_310 = tpu.vector_load %arg11[%swap3A_308, %swap3A_309] {strides = array<i32>} : memref<8x64xi32, #tpu.memory_space<vmem>>, vector<1x16xi32>,
      %swap3A_311 = vector.shape_cast %swap3A_310 : vector<1x16xi32> to vector<16xi32>
      %swap3A_312 = vector.shape_cast %or3A_306 : vector<16xi32> to vector<1x16xi32>
      tpu.vector_store %arg11[%swap3A_308, %swap3A_309], %swap3A_312 {strides = array<i32>} : memref<8x64xi32, #tpu.memory_space<vmem>>, vector<1x16xi32>,
      %get3A_313 = arith.constant 2 : i32
      %get3A_314 = arith.index_cast %get3A_313 : i32 to index
      %get3A_315 = arith.constant 64 : index
      %get3A_316 = tpu.vector_load %arg10[%get3A_314, %get3A_315] {strides = array<i32>} : memref<8x128xf32, #tpu.memory_space<vmem>>, vector<1x16xf32>,
      %get3A_317 = vector.shape_cast %get3A_316 : vector<1x16xf32> to vector<16xf32>
      %bitcast_convert_type3A_318 = tpu.bitcast %get3A_317 : vector<16xf32> -> vector<16xi32>
      %get3A_319 = arith.constant 2 : i32
      %get3A_320 = arith.index_cast %get3A_319 : i32 to index
      %get3A_321 = arith.constant 80 : index
      %get3A_322 = tpu.vector_load %arg10[%get3A_320, %get3A_321] {strides = array<i32>} : memref<8x128xf32, #tpu.memory_space<vmem>>, vector<1x16xf32>,
      %get3A_323 = vector.shape_cast %get3A_322 : vector<1x16xf32> to vector<16xf32>
      %bitcast_convert_type3A_324 = tpu.bitcast %get3A_323 : vector<16xf32> -> vector<16xi32>
      %add3A_325 = arith.addi %bitcast_convert_type3A_318, %broadcast_in_dim3A_26 : vector<16xi32>
      %shift_right_logical3A_326 = arith.constant 16 : i32
      %shift_right_logical3A_327 = vector.broadcast %shift_right_logical3A_326 : i32 to vector<16xi32>
      %shift_right_logical3A_328 = arith.shrui %add3A_325, %shift_right_logical3A_327 : vector<16xi32>
      %add3A_329 = arith.addi %bitcast_convert_type3A_324, %broadcast_in_dim3A_26 : vector<16xi32>
      %and3A_330 = arith.andi %add3A_329, %broadcast_in_dim3A_28 : vector<16xi32>
      %or3A_331 = arith.ori %shift_right_logical3A_328, %and3A_330 : vector<16xi32>
      %swap3A_332 = arith.constant 2 : i32
      %swap3A_333 = arith.index_cast %swap3A_332 : i32 to index
      %swap3A_334 = arith.constant 32 : index
      %swap3A_335 = tpu.vector_load %arg11[%swap3A_333, %swap3A_334] {strides = array<i32>} : memref<8x64xi32, #tpu.memory_space<vmem>>, vector<1x16xi32>,
      %swap3A_336 = vector.shape_cast %swap3A_335 : vector<1x16xi32> to vector<16xi32>
      %swap3A_337 = vector.shape_cast %or3A_331 : vector<16xi32> to vector<1x16xi32>
      tpu.vector_store %arg11[%swap3A_333, %swap3A_334], %swap3A_337 {strides = array<i32>} : memref<8x64xi32, #tpu.memory_space<vmem>>, vector<1x16xi32>,
      %get3A_338 = arith.constant 2 : i32
      %get3A_339 = arith.index_cast %get3A_338 : i32 to index
      %get3A_340 = arith.constant 96 : index
      %get3A_341 = tpu.vector_load %arg10[%get3A_339, %get3A_340] {strides = array<i32>} : memref<8x128xf32, #tpu.memory_space<vmem>>, vector<1x16xf32>,
      %get3A_342 = vector.shape_cast %get3A_341 : vector<1x16xf32> to vector<16xf32>
      %bitcast_convert_type3A_343 = tpu.bitcast %get3A_342 : vector<16xf32> -> vector<16xi32>
      %get3A_344 = arith.constant 2 : i32
      %get3A_345 = arith.index_cast %get3A_344 : i32 to index
      %get3A_346 = arith.constant 112 : index
      %get3A_347 = tpu.vector_load %arg10[%get3A_345, %get3A_346] {strides = array<i32>} : memref<8x128xf32, #tpu.memory_space<vmem>>, vector<1x16xf32>,
      %get3A_348 = vector.shape_cast %get3A_347 : vector<1x16xf32> to vector<16xf32>
      %bitcast_convert_type3A_349 = tpu.bitcast %get3A_348 : vector<16xf32> -> vector<16xi32>
      %add3A_350 = arith.addi %bitcast_convert_type3A_343, %broadcast_in_dim3A_26 : vector<16xi32>
      %shift_right_logical3A_351 = arith.constant 16 : i32
      %shift_right_logical3A_352 = vector.broadcast %shift_right_logical3A_351 : i32 to vector<16xi32>
      %shift_right_logical3A_353 = arith.shrui %add3A_350, %shift_right_logical3A_352 : vector<16xi32>
      %add3A_354 = arith.addi %bitcast_convert_type3A_349, %broadcast_in_dim3A_26 : vector<16xi32>
      %and3A_355 = arith.andi %add3A_354, %broadcast_in_dim3A_28 : vector<16xi32>
      %or3A_356 = arith.ori %shift_right_logical3A_353, %and3A_355 : vector<16xi32>
      %swap3A_357 = arith.constant 2 : i32
      %swap3A_358 = arith.index_cast %swap3A_357 : i32 to index
      %swap3A_359 = arith.constant 48 : index
      %swap3A_360 = tpu.vector_load %arg11[%swap3A_358, %swap3A_359] {strides = array<i32>} : memref<8x64xi32, #tpu.memory_space<vmem>>, vector<1x16xi32>,
      %swap3A_361 = vector.shape_cast %swap3A_360 : vector<1x16xi32> to vector<16xi32>
      %swap3A_362 = vector.shape_cast %or3A_356 : vector<16xi32> to vector<1x16xi32>
      tpu.vector_store %arg11[%swap3A_358, %swap3A_359], %swap3A_362 {strides = array<i32>} : memref<8x64xi32, #tpu.memory_space<vmem>>, vector<1x16xi32>,
      %get3A_363 = arith.constant 3 : i32
      %get3A_364 = arith.index_cast %get3A_363 : i32 to index
      %get3A_365 = arith.constant 0 : index
      %get3A_366 = tpu.vector_load %arg10[%get3A_364, %get3A_365] {strides = array<i32>} : memref<8x128xf32, #tpu.memory_space<vmem>>, vector<1x16xf32>,
      %get3A_367 = vector.shape_cast %get3A_366 : vector<1x16xf32> to vector<16xf32>
      %bitcast_convert_type3A_368 = tpu.bitcast %get3A_367 : vector<16xf32> -> vector<16xi32>
      %get3A_369 = arith.constant 3 : i32
      %get3A_370 = arith.index_cast %get3A_369 : i32 to index
      %get3A_371 = arith.constant 16 : index
      %get3A_372 = tpu.vector_load %arg10[%get3A_370, %get3A_371] {strides = array<i32>} : memref<8x128xf32, #tpu.memory_space<vmem>>, vector<1x16xf32>,
      %get3A_373 = vector.shape_cast %get3A_372 : vector<1x16xf32> to vector<16xf32>
      %bitcast_convert_type3A_374 = tpu.bitcast %get3A_373 : vector<16xf32> -> vector<16xi32>
      %add3A_375 = arith.addi %bitcast_convert_type3A_368, %broadcast_in_dim3A_26 : vector<16xi32>
      %shift_right_logical3A_376 = arith.constant 16 : i32
      %shift_right_logical3A_377 = vector.broadcast %shift_right_logical3A_376 : i32 to vector<16xi32>
      %shift_right_logical3A_378 = arith.shrui %add3A_375, %shift_right_logical3A_377 : vector<16xi32>
      %add3A_379 = arith.addi %bitcast_convert_type3A_374, %broadcast_in_dim3A_26 : vector<16xi32>
      %and3A_380 = arith.andi %add3A_379, %broadcast_in_dim3A_28 : vector<16xi32>
      %or3A_381 = arith.ori %shift_right_logical3A_378, %and3A_380 : vector<16xi32>
      %swap3A_382 = arith.constant 3 : i32
      %swap3A_383 = arith.index_cast %swap3A_382 : i32 to index
      %swap3A_384 = arith.constant 0 : index
      %swap3A_385 = tpu.vector_load %arg11[%swap3A_383, %swap3A_384] {strides = array<i32>} : memref<8x64xi32, #tpu.memory_space<vmem>>, vector<1x16xi32>,
      %swap3A_386 = vector.shape_cast %swap3A_385 : vector<1x16xi32> to vector<16xi32>
      %swap3A_387 = vector.shape_cast %or3A_381 : vector<16xi32> to vector<1x16xi32>
      tpu.vector_store %arg11[%swap3A_383, %swap3A_384], %swap3A_387 {strides = array<i32>} : memref<8x64xi32, #tpu.memory_space<vmem>>, vector<1x16xi32>,
      %get3A_388 = arith.constant 3 : i32
      %get3A_389 = arith.index_cast %get3A_388 : i32 to index
      %get3A_390 = arith.constant 32 : index
      %get3A_391 = tpu.vector_load %arg10[%get3A_389, %get3A_390] {strides = array<i32>} : memref<8x128xf32, #tpu.memory_space<vmem>>, vector<1x16xf32>,
      %get3A_392 = vector.shape_cast %get3A_391 : vector<1x16xf32> to vector<16xf32>
      %bitcast_convert_type3A_393 = tpu.bitcast %get3A_392 : vector<16xf32> -> vector<16xi32>
      %get3A_394 = arith.constant 3 : i32
      %get3A_395 = arith.index_cast %get3A_394 : i32 to index
      %get3A_396 = arith.constant 48 : index
      %get3A_397 = tpu.vector_load %arg10[%get3A_395, %get3A_396] {strides = array<i32>} : memref<8x128xf32, #tpu.memory_space<vmem>>, vector<1x16xf32>,
      %get3A_398 = vector.shape_cast %get3A_397 : vector<1x16xf32> to vector<16xf32>
      %bitcast_convert_type3A_399 = tpu.bitcast %get3A_398 : vector<16xf32> -> vector<16xi32>
      %add3A_400 = arith.addi %bitcast_convert_type3A_393, %broadcast_in_dim3A_26 : vector<16xi32>
      %shift_right_logical3A_401 = arith.constant 16 : i32
      %shift_right_logical3A_402 = vector.broadcast %shift_right_logical3A_401 : i32 to vector<16xi32>
      %shift_right_logical3A_403 = arith.shrui %add3A_400, %shift_right_logical3A_402 : vector<16xi32>
      %add3A_404 = arith.addi %bitcast_convert_type3A_399, %broadcast_in_dim3A_26 : vector<16xi32>
      %and3A_405 = arith.andi %add3A_404, %broadcast_in_dim3A_28 : vector<16xi32>
      %or3A_406 = arith.ori %shift_right_logical3A_403, %and3A_405 : vector<16xi32>
      %swap3A_407 = arith.constant 3 : i32
      %swap3A_408 = arith.index_cast %swap3A_407 : i32 to index
      %swap3A_409 = arith.constant 16 : index
      %swap3A_410 = tpu.vector_load %arg11[%swap3A_408, %swap3A_409] {strides = array<i32>} : memref<8x64xi32, #tpu.memory_space<vmem>>, vector<1x16xi32>,
      %swap3A_411 = vector.shape_cast %swap3A_410 : vector<1x16xi32> to vector<16xi32>
      %swap3A_412 = vector.shape_cast %or3A_406 : vector<16xi32> to vector<1x16xi32>
      tpu.vector_store %arg11[%swap3A_408, %swap3A_409], %swap3A_412 {strides = array<i32>} : memref<8x64xi32, #tpu.memory_space<vmem>>, vector<1x16xi32>,
      %get3A_413 = arith.constant 3 : i32
      %get3A_414 = arith.index_cast %get3A_413 : i32 to index
      %get3A_415 = arith.constant 64 : index
      %get3A_416 = tpu.vector_load %arg10[%get3A_414, %get3A_415] {strides = array<i32>} : memref<8x128xf32, #tpu.memory_space<vmem>>, vector<1x16xf32>,
      %get3A_417 = vector.shape_cast %get3A_416 : vector<1x16xf32> to vector<16xf32>
      %bitcast_convert_type3A_418 = tpu.bitcast %get3A_417 : vector<16xf32> -> vector<16xi32>
      %get3A_419 = arith.constant 3 : i32
      %get3A_420 = arith.index_cast %get3A_419 : i32 to index
      %get3A_421 = arith.constant 80 : index
      %get3A_422 = tpu.vector_load %arg10[%get3A_420, %get3A_421] {strides = array<i32>} : memref<8x128xf32, #tpu.memory_space<vmem>>, vector<1x16xf32>,
      %get3A_423 = vector.shape_cast %get3A_422 : vector<1x16xf32> to vector<16xf32>
      %bitcast_convert_type3A_424 = tpu.bitcast %get3A_423 : vector<16xf32> -> vector<16xi32>
      %add3A_425 = arith.addi %bitcast_convert_type3A_418, %broadcast_in_dim3A_26 : vector<16xi32>
      %shift_right_logical3A_426 = arith.constant 16 : i32
      %shift_right_logical3A_427 = vector.broadcast %shift_right_logical3A_426 : i32 to vector<16xi32>
      %shift_right_logical3A_428 = arith.shrui %add3A_425, %shift_right_logical3A_427 : vector<16xi32>
      %add3A_429 = arith.addi %bitcast_convert_type3A_424, %broadcast_in_dim3A_26 : vector<16xi32>
      %and3A_430 = arith.andi %add3A_429, %broadcast_in_dim3A_28 : vector<16xi32>
      %or3A_431 = arith.ori %shift_right_logical3A_428, %and3A_430 : vector<16xi32>
      %swap3A_432 = arith.constant 3 : i32
      %swap3A_433 = arith.index_cast %swap3A_432 : i32 to index
      %swap3A_434 = arith.constant 32 : index
      %swap3A_435 = tpu.vector_load %arg11[%swap3A_433, %swap3A_434] {strides = array<i32>} : memref<8x64xi32, #tpu.memory_space<vmem>>, vector<1x16xi32>,
      %swap3A_436 = vector.shape_cast %swap3A_435 : vector<1x16xi32> to vector<16xi32>
      %swap3A_437 = vector.shape_cast %or3A_431 : vector<16xi32> to vector<1x16xi32>
      tpu.vector_store %arg11[%swap3A_433, %swap3A_434], %swap3A_437 {strides = array<i32>} : memref<8x64xi32, #tpu.memory_space<vmem>>, vector<1x16xi32>,
      %get3A_438 = arith.constant 3 : i32
      %get3A_439 = arith.index_cast %get3A_438 : i32 to index
      %get3A_440 = arith.constant 96 : index
      %get3A_441 = tpu.vector_load %arg10[%get3A_439, %get3A_440] {strides = array<i32>} : memref<8x128xf32, #tpu.memory_space<vmem>>, vector<1x16xf32>,
      %get3A_442 = vector.shape_cast %get3A_441 : vector<1x16xf32> to vector<16xf32>
      %bitcast_convert_type3A_443 = tpu.bitcast %get3A_442 : vector<16xf32> -> vector<16xi32>
      %get3A_444 = arith.constant 3 : i32
      %get3A_445 = arith.index_cast %get3A_444 : i32 to index
      %get3A_446 = arith.constant 112 : index
      %get3A_447 = tpu.vector_load %arg10[%get3A_445, %get3A_446] {strides = array<i32>} : memref<8x128xf32, #tpu.memory_space<vmem>>, vector<1x16xf32>,
      %get3A_448 = vector.shape_cast %get3A_447 : vector<1x16xf32> to vector<16xf32>
      %bitcast_convert_type3A_449 = tpu.bitcast %get3A_448 : vector<16xf32> -> vector<16xi32>
      %add3A_450 = arith.addi %bitcast_convert_type3A_443, %broadcast_in_dim3A_26 : vector<16xi32>
      %shift_right_logical3A_451 = arith.constant 16 : i32
      %shift_right_logical3A_452 = vector.broadcast %shift_right_logical3A_451 : i32 to vector<16xi32>
      %shift_right_logical3A_453 = arith.shrui %add3A_450, %shift_right_logical3A_452 : vector<16xi32>
      %add3A_454 = arith.addi %bitcast_convert_type3A_449, %broadcast_in_dim3A_26 : vector<16xi32>
      %and3A_455 = arith.andi %add3A_454, %broadcast_in_dim3A_28 : vector<16xi32>
      %or3A_456 = arith.ori %shift_right_logical3A_453, %and3A_455 : vector<16xi32>
      %swap3A_457 = arith.constant 3 : i32
      %swap3A_458 = arith.index_cast %swap3A_457 : i32 to index
      %swap3A_459 = arith.constant 48 : index
      %swap3A_460 = tpu.vector_load %arg11[%swap3A_458, %swap3A_459] {strides = array<i32>} : memref<8x64xi32, #tpu.memory_space<vmem>>, vector<1x16xi32>,
      %swap3A_461 = vector.shape_cast %swap3A_460 : vector<1x16xi32> to vector<16xi32>
      %swap3A_462 = vector.shape_cast %or3A_456 : vector<16xi32> to vector<1x16xi32>
      tpu.vector_store %arg11[%swap3A_458, %swap3A_459], %swap3A_462 {strides = array<i32>} : memref<8x64xi32, #tpu.memory_space<vmem>>, vector<1x16xi32>,
      %get3A_463 = arith.constant 4 : i32
      %get3A_464 = arith.index_cast %get3A_463 : i32 to index
      %get3A_465 = arith.constant 0 : index
      %get3A_466 = tpu.vector_load %arg10[%get3A_464, %get3A_465] {strides = array<i32>} : memref<8x128xf32, #tpu.memory_space<vmem>>, vector<1x16xf32>,
      %get3A_467 = vector.shape_cast %get3A_466 : vector<1x16xf32> to vector<16xf32>
      %bitcast_convert_type3A_468 = tpu.bitcast %get3A_467 : vector<16xf32> -> vector<16xi32>
      %get3A_469 = arith.constant 4 : i32
      %get3A_470 = arith.index_cast %get3A_469 : i32 to index
      %get3A_471 = arith.constant 16 : index
      %get3A_472 = tpu.vector_load %arg10[%get3A_470, %get3A_471] {strides = array<i32>} : memref<8x128xf32, #tpu.memory_space<vmem>>, vector<1x16xf32>,
      %get3A_473 = vector.shape_cast %get3A_472 : vector<1x16xf32> to vector<16xf32>
      %bitcast_convert_type3A_474 = tpu.bitcast %get3A_473 : vector<16xf32> -> vector<16xi32>
      %add3A_475 = arith.addi %bitcast_convert_type3A_468, %broadcast_in_dim3A_26 : vector<16xi32>
      %shift_right_logical3A_476 = arith.constant 16 : i32
      %shift_right_logical3A_477 = vector.broadcast %shift_right_logical3A_476 : i32 to vector<16xi32>
      %shift_right_logical3A_478 = arith.shrui %add3A_475, %shift_right_logical3A_477 : vector<16xi32>
      %add3A_479 = arith.addi %bitcast_convert_type3A_474, %broadcast_in_dim3A_26 : vector<16xi32>
      %and3A_480 = arith.andi %add3A_479, %broadcast_in_dim3A_28 : vector<16xi32>
      %or3A_481 = arith.ori %shift_right_logical3A_478, %and3A_480 : vector<16xi32>
      %swap3A_482 = arith.constant 4 : i32
      %swap3A_483 = arith.index_cast %swap3A_482 : i32 to index
      %swap3A_484 = arith.constant 0 : index
      %swap3A_485 = tpu.vector_load %arg11[%swap3A_483, %swap3A_484] {strides = array<i32>} : memref<8x64xi32, #tpu.memory_space<vmem>>, vector<1x16xi32>,
      %swap3A_486 = vector.shape_cast %swap3A_485 : vector<1x16xi32> to vector<16xi32>
      %swap3A_487 = vector.shape_cast %or3A_481 : vector<16xi32> to vector<1x16xi32>
      tpu.vector_store %arg11[%swap3A_483, %swap3A_484], %swap3A_487 {strides = array<i32>} : memref<8x64xi32, #tpu.memory_space<vmem>>, vector<1x16xi32>,
      %get3A_488 = arith.constant 4 : i32
      %get3A_489 = arith.index_cast %get3A_488 : i32 to index
      %get3A_490 = arith.constant 32 : index
      %get3A_491 = tpu.vector_load %arg10[%get3A_489, %get3A_490] {strides = array<i32>} : memref<8x128xf32, #tpu.memory_space<vmem>>, vector<1x16xf32>,
      %get3A_492 = vector.shape_cast %get3A_491 : vector<1x16xf32> to vector<16xf32>
      %bitcast_convert_type3A_493 = tpu.bitcast %get3A_492 : vector<16xf32> -> vector<16xi32>
      %get3A_494 = arith.constant 4 : i32
      %get3A_495 = arith.index_cast %get3A_494 : i32 to index
      %get3A_496 = arith.constant 48 : index
      %get3A_497 = tpu.vector_load %arg10[%get3A_495, %get3A_496] {strides = array<i32>} : memref<8x128xf32, #tpu.memory_space<vmem>>, vector<1x16xf32>,
      %get3A_498 = vector.shape_cast %get3A_497 : vector<1x16xf32> to vector<16xf32>
      %bitcast_convert_type3A_499 = tpu.bitcast %get3A_498 : vector<16xf32> -> vector<16xi32>
      %add3A_500 = arith.addi %bitcast_convert_type3A_493, %broadcast_in_dim3A_26 : vector<16xi32>
      %shift_right_logical3A_501 = arith.constant 16 : i32
      %shift_right_logical3A_502 = vector.broadcast %shift_right_logical3A_501 : i32 to vector<16xi32>
      %shift_right_logical3A_503 = arith.shrui %add3A_500, %shift_right_logical3A_502 : vector<16xi32>
      %add3A_504 = arith.addi %bitcast_convert_type3A_499, %broadcast_in_dim3A_26 : vector<16xi32>
      %and3A_505 = arith.andi %add3A_504, %broadcast_in_dim3A_28 : vector<16xi32>
      %or3A_506 = arith.ori %shift_right_logical3A_503, %and3A_505 : vector<16xi32>
      %swap3A_507 = arith.constant 4 : i32
      %swap3A_508 = arith.index_cast %swap3A_507 : i32 to index
      %swap3A_509 = arith.constant 16 : index
      %swap3A_510 = tpu.vector_load %arg11[%swap3A_508, %swap3A_509] {strides = array<i32>} : memref<8x64xi32, #tpu.memory_space<vmem>>, vector<1x16xi32>,
      %swap3A_511 = vector.shape_cast %swap3A_510 : vector<1x16xi32> to vector<16xi32>
      %swap3A_512 = vector.shape_cast %or3A_506 : vector<16xi32> to vector<1x16xi32>
      tpu.vector_store %arg11[%swap3A_508, %swap3A_509], %swap3A_512 {strides = array<i32>} : memref<8x64xi32, #tpu.memory_space<vmem>>, vector<1x16xi32>,
      %get3A_513 = arith.constant 4 : i32
      %get3A_514 = arith.index_cast %get3A_513 : i32 to index
      %get3A_515 = arith.constant 64 : index
      %get3A_516 = tpu.vector_load %arg10[%get3A_514, %get3A_515] {strides = array<i32>} : memref<8x128xf32, #tpu.memory_space<vmem>>, vector<1x16xf32>,
      %get3A_517 = vector.shape_cast %get3A_516 : vector<1x16xf32> to vector<16xf32>
      %bitcast_convert_type3A_518 = tpu.bitcast %get3A_517 : vector<16xf32> -> vector<16xi32>
      %get3A_519 = arith.constant 4 : i32
      %get3A_520 = arith.index_cast %get3A_519 : i32 to index
      %get3A_521 = arith.constant 80 : index
      %get3A_522 = tpu.vector_load %arg10[%get3A_520, %get3A_521] {strides = array<i32>} : memref<8x128xf32, #tpu.memory_space<vmem>>, vector<1x16xf32>,
      %get3A_523 = vector.shape_cast %get3A_522 : vector<1x16xf32> to vector<16xf32>
      %bitcast_convert_type3A_524 = tpu.bitcast %get3A_523 : vector<16xf32> -> vector<16xi32>
      %add3A_525 = arith.addi %bitcast_convert_type3A_518, %broadcast_in_dim3A_26 : vector<16xi32>
      %shift_right_logical3A_526 = arith.constant 16 : i32
      %shift_right_logical3A_527 = vector.broadcast %shift_right_logical3A_526 : i32 to vector<16xi32>
      %shift_right_logical3A_528 = arith.shrui %add3A_525, %shift_right_logical3A_527 : vector<16xi32>
      %add3A_529 = arith.addi %bitcast_convert_type3A_524, %broadcast_in_dim3A_26 : vector<16xi32>
      %and3A_530 = arith.andi %add3A_529, %broadcast_in_dim3A_28 : vector<16xi32>
      %or3A_531 = arith.ori %shift_right_logical3A_528, %and3A_530 : vector<16xi32>
      %swap3A_532 = arith.constant 4 : i32
      %swap3A_533 = arith.index_cast %swap3A_532 : i32 to index
      %swap3A_534 = arith.constant 32 : index
      %swap3A_535 = tpu.vector_load %arg11[%swap3A_533, %swap3A_534] {strides = array<i32>} : memref<8x64xi32, #tpu.memory_space<vmem>>, vector<1x16xi32>,
      %swap3A_536 = vector.shape_cast %swap3A_535 : vector<1x16xi32> to vector<16xi32>
      %swap3A_537 = vector.shape_cast %or3A_531 : vector<16xi32> to vector<1x16xi32>
      tpu.vector_store %arg11[%swap3A_533, %swap3A_534], %swap3A_537 {strides = array<i32>} : memref<8x64xi32, #tpu.memory_space<vmem>>, vector<1x16xi32>,
      %get3A_538 = arith.constant 4 : i32
      %get3A_539 = arith.index_cast %get3A_538 : i32 to index
      %get3A_540 = arith.constant 96 : index
      %get3A_541 = tpu.vector_load %arg10[%get3A_539, %get3A_540] {strides = array<i32>} : memref<8x128xf32, #tpu.memory_space<vmem>>, vector<1x16xf32>,
      %get3A_542 = vector.shape_cast %get3A_541 : vector<1x16xf32> to vector<16xf32>
      %bitcast_convert_type3A_543 = tpu.bitcast %get3A_542 : vector<16xf32> -> vector<16xi32>
      %get3A_544 = arith.constant 4 : i32
      %get3A_545 = arith.index_cast %get3A_544 : i32 to index
      %get3A_546 = arith.constant 112 : index
      %get3A_547 = tpu.vector_load %arg10[%get3A_545, %get3A_546] {strides = array<i32>} : memref<8x128xf32, #tpu.memory_space<vmem>>, vector<1x16xf32>,
      %get3A_548 = vector.shape_cast %get3A_547 : vector<1x16xf32> to vector<16xf32>
      %bitcast_convert_type3A_549 = tpu.bitcast %get3A_548 : vector<16xf32> -> vector<16xi32>
      %add3A_550 = arith.addi %bitcast_convert_type3A_543, %broadcast_in_dim3A_26 : vector<16xi32>
      %shift_right_logical3A_551 = arith.constant 16 : i32
      %shift_right_logical3A_552 = vector.broadcast %shift_right_logical3A_551 : i32 to vector<16xi32>
      %shift_right_logical3A_553 = arith.shrui %add3A_550, %shift_right_logical3A_552 : vector<16xi32>
      %add3A_554 = arith.addi %bitcast_convert_type3A_549, %broadcast_in_dim3A_26 : vector<16xi32>
      %and3A_555 = arith.andi %add3A_554, %broadcast_in_dim3A_28 : vector<16xi32>
      %or3A_556 = arith.ori %shift_right_logical3A_553, %and3A_555 : vector<16xi32>
      %swap3A_557 = arith.constant 4 : i32
      %swap3A_558 = arith.index_cast %swap3A_557 : i32 to index
      %swap3A_559 = arith.constant 48 : index
      %swap3A_560 = tpu.vector_load %arg11[%swap3A_558, %swap3A_559] {strides = array<i32>} : memref<8x64xi32, #tpu.memory_space<vmem>>, vector<1x16xi32>,
      %swap3A_561 = vector.shape_cast %swap3A_560 : vector<1x16xi32> to vector<16xi32>
      %swap3A_562 = vector.shape_cast %or3A_556 : vector<16xi32> to vector<1x16xi32>
      tpu.vector_store %arg11[%swap3A_558, %swap3A_559], %swap3A_562 {strides = array<i32>} : memref<8x64xi32, #tpu.memory_space<vmem>>, vector<1x16xi32>,
      %get3A_563 = arith.constant 5 : i32
      %get3A_564 = arith.index_cast %get3A_563 : i32 to index
      %get3A_565 = arith.constant 0 : index
      %get3A_566 = tpu.vector_load %arg10[%get3A_564, %get3A_565] {strides = array<i32>} : memref<8x128xf32, #tpu.memory_space<vmem>>, vector<1x16xf32>,
      %get3A_567 = vector.shape_cast %get3A_566 : vector<1x16xf32> to vector<16xf32>
      %bitcast_convert_type3A_568 = tpu.bitcast %get3A_567 : vector<16xf32> -> vector<16xi32>
      %get3A_569 = arith.constant 5 : i32
      %get3A_570 = arith.index_cast %get3A_569 : i32 to index
      %get3A_571 = arith.constant 16 : index
      %get3A_572 = tpu.vector_load %arg10[%get3A_570, %get3A_571] {strides = array<i32>} : memref<8x128xf32, #tpu.memory_space<vmem>>, vector<1x16xf32>,
      %get3A_573 = vector.shape_cast %get3A_572 : vector<1x16xf32> to vector<16xf32>
      %bitcast_convert_type3A_574 = tpu.bitcast %get3A_573 : vector<16xf32> -> vector<16xi32>
      %add3A_575 = arith.addi %bitcast_convert_type3A_568, %broadcast_in_dim3A_26 : vector<16xi32>
      %shift_right_logical3A_576 = arith.constant 16 : i32
      %shift_right_logical3A_577 = vector.broadcast %shift_right_logical3A_576 : i32 to vector<16xi32>
      %shift_right_logical3A_578 = arith.shrui %add3A_575, %shift_right_logical3A_577 : vector<16xi32>
      %add3A_579 = arith.addi %bitcast_convert_type3A_574, %broadcast_in_dim3A_26 : vector<16xi32>
      %and3A_580 = arith.andi %add3A_579, %broadcast_in_dim3A_28 : vector<16xi32>
      %or3A_581 = arith.ori %shift_right_logical3A_578, %and3A_580 : vector<16xi32>
      %swap3A_582 = arith.constant 5 : i32
      %swap3A_583 = arith.index_cast %swap3A_582 : i32 to index
      %swap3A_584 = arith.constant 0 : index
      %swap3A_585 = tpu.vector_load %arg11[%swap3A_583, %swap3A_584] {strides = array<i32>} : memref<8x64xi32, #tpu.memory_space<vmem>>, vector<1x16xi32>,
      %swap3A_586 = vector.shape_cast %swap3A_585 : vector<1x16xi32> to vector<16xi32>
      %swap3A_587 = vector.shape_cast %or3A_581 : vector<16xi32> to vector<1x16xi32>
      tpu.vector_store %arg11[%swap3A_583, %swap3A_584], %swap3A_587 {strides = array<i32>} : memref<8x64xi32, #tpu.memory_space<vmem>>, vector<1x16xi32>,
      %get3A_588 = arith.constant 5 : i32
      %get3A_589 = arith.index_cast %get3A_588 : i32 to index
      %get3A_590 = arith.constant 32 : index
      %get3A_591 = tpu.vector_load %arg10[%get3A_589, %get3A_590] {strides = array<i32>} : memref<8x128xf32, #tpu.memory_space<vmem>>, vector<1x16xf32>,
      %get3A_592 = vector.shape_cast %get3A_591 : vector<1x16xf32> to vector<16xf32>
      %bitcast_convert_type3A_593 = tpu.bitcast %get3A_592 : vector<16xf32> -> vector<16xi32>
      %get3A_594 = arith.constant 5 : i32
      %get3A_595 = arith.index_cast %get3A_594 : i32 to index
      %get3A_596 = arith.constant 48 : index
      %get3A_597 = tpu.vector_load %arg10[%get3A_595, %get3A_596] {strides = array<i32>} : memref<8x128xf32, #tpu.memory_space<vmem>>, vector<1x16xf32>,
      %get3A_598 = vector.shape_cast %get3A_597 : vector<1x16xf32> to vector<16xf32>
      %bitcast_convert_type3A_599 = tpu.bitcast %get3A_598 : vector<16xf32> -> vector<16xi32>
      %add3A_600 = arith.addi %bitcast_convert_type3A_593, %broadcast_in_dim3A_26 : vector<16xi32>
      %shift_right_logical3A_601 = arith.constant 16 : i32
      %shift_right_logical3A_602 = vector.broadcast %shift_right_logical3A_601 : i32 to vector<16xi32>
      %shift_right_logical3A_603 = arith.shrui %add3A_600, %shift_right_logical3A_602 : vector<16xi32>
      %add3A_604 = arith.addi %bitcast_convert_type3A_599, %broadcast_in_dim3A_26 : vector<16xi32>
      %and3A_605 = arith.andi %add3A_604, %broadcast_in_dim3A_28 : vector<16xi32>
      %or3A_606 = arith.ori %shift_right_logical3A_603, %and3A_605 : vector<16xi32>
      %swap3A_607 = arith.constant 5 : i32
      %swap3A_608 = arith.index_cast %swap3A_607 : i32 to index
      %swap3A_609 = arith.constant 16 : index
      %swap3A_610 = tpu.vector_load %arg11[%swap3A_608, %swap3A_609] {strides = array<i32>} : memref<8x64xi32, #tpu.memory_space<vmem>>, vector<1x16xi32>,
      %swap3A_611 = vector.shape_cast %swap3A_610 : vector<1x16xi32> to vector<16xi32>
      %swap3A_612 = vector.shape_cast %or3A_606 : vector<16xi32> to vector<1x16xi32>
      tpu.vector_store %arg11[%swap3A_608, %swap3A_609], %swap3A_612 {strides = array<i32>} : memref<8x64xi32, #tpu.memory_space<vmem>>, vector<1x16xi32>,
      %get3A_613 = arith.constant 5 : i32
      %get3A_614 = arith.index_cast %get3A_613 : i32 to index
      %get3A_615 = arith.constant 64 : index
      %get3A_616 = tpu.vector_load %arg10[%get3A_614, %get3A_615] {strides = array<i32>} : memref<8x128xf32, #tpu.memory_space<vmem>>, vector<1x16xf32>,
      %get3A_617 = vector.shape_cast %get3A_616 : vector<1x16xf32> to vector<16xf32>
      %bitcast_convert_type3A_618 = tpu.bitcast %get3A_617 : vector<16xf32> -> vector<16xi32>
      %get3A_619 = arith.constant 5 : i32
      %get3A_620 = arith.index_cast %get3A_619 : i32 to index
      %get3A_621 = arith.constant 80 : index
      %get3A_622 = tpu.vector_load %arg10[%get3A_620, %get3A_621] {strides = array<i32>} : memref<8x128xf32, #tpu.memory_space<vmem>>, vector<1x16xf32>,
      %get3A_623 = vector.shape_cast %get3A_622 : vector<1x16xf32> to vector<16xf32>
      %bitcast_convert_type3A_624 = tpu.bitcast %get3A_623 : vector<16xf32> -> vector<16xi32>
      %add3A_625 = arith.addi %bitcast_convert_type3A_618, %broadcast_in_dim3A_26 : vector<16xi32>
      %shift_right_logical3A_626 = arith.constant 16 : i32
      %shift_right_logical3A_627 = vector.broadcast %shift_right_logical3A_626 : i32 to vector<16xi32>
      %shift_right_logical3A_628 = arith.shrui %add3A_625, %shift_right_logical3A_627 : vector<16xi32>
      %add3A_629 = arith.addi %bitcast_convert_type3A_624, %broadcast_in_dim3A_26 : vector<16xi32>
      %and3A_630 = arith.andi %add3A_629, %broadcast_in_dim3A_28 : vector<16xi32>
      %or3A_631 = arith.ori %shift_right_logical3A_628, %and3A_630 : vector<16xi32>
      %swap3A_632 = arith.constant 5 : i32
      %swap3A_633 = arith.index_cast %swap3A_632 : i32 to index
      %swap3A_634 = arith.constant 32 : index
      %swap3A_635 = tpu.vector_load %arg11[%swap3A_633, %swap3A_634] {strides = array<i32>} : memref<8x64xi32, #tpu.memory_space<vmem>>, vector<1x16xi32>,
      %swap3A_636 = vector.shape_cast %swap3A_635 : vector<1x16xi32> to vector<16xi32>
      %swap3A_637 = vector.shape_cast %or3A_631 : vector<16xi32> to vector<1x16xi32>
      tpu.vector_store %arg11[%swap3A_633, %swap3A_634], %swap3A_637 {strides = array<i32>} : memref<8x64xi32, #tpu.memory_space<vmem>>, vector<1x16xi32>,
      %get3A_638 = arith.constant 5 : i32
      %get3A_639 = arith.index_cast %get3A_638 : i32 to index
      %get3A_640 = arith.constant 96 : index
      %get3A_641 = tpu.vector_load %arg10[%get3A_639, %get3A_640] {strides = array<i32>} : memref<8x128xf32, #tpu.memory_space<vmem>>, vector<1x16xf32>,
      %get3A_642 = vector.shape_cast %get3A_641 : vector<1x16xf32> to vector<16xf32>
      %bitcast_convert_type3A_643 = tpu.bitcast %get3A_642 : vector<16xf32> -> vector<16xi32>
      %get3A_644 = arith.constant 5 : i32
      %get3A_645 = arith.index_cast %get3A_644 : i32 to index
      %get3A_646 = arith.constant 112 : index
      %get3A_647 = tpu.vector_load %arg10[%get3A_645, %get3A_646] {strides = array<i32>} : memref<8x128xf32, #tpu.memory_space<vmem>>, vector<1x16xf32>,
      %get3A_648 = vector.shape_cast %get3A_647 : vector<1x16xf32> to vector<16xf32>
      %bitcast_convert_type3A_649 = tpu.bitcast %get3A_648 : vector<16xf32> -> vector<16xi32>
      %add3A_650 = arith.addi %bitcast_convert_type3A_643, %broadcast_in_dim3A_26 : vector<16xi32>
      %shift_right_logical3A_651 = arith.constant 16 : i32
      %shift_right_logical3A_652 = vector.broadcast %shift_right_logical3A_651 : i32 to vector<16xi32>
      %shift_right_logical3A_653 = arith.shrui %add3A_650, %shift_right_logical3A_652 : vector<16xi32>
      %add3A_654 = arith.addi %bitcast_convert_type3A_649, %broadcast_in_dim3A_26 : vector<16xi32>
      %and3A_655 = arith.andi %add3A_654, %broadcast_in_dim3A_28 : vector<16xi32>
      %or3A_656 = arith.ori %shift_right_logical3A_653, %and3A_655 : vector<16xi32>
      %swap3A_657 = arith.constant 5 : i32
      %swap3A_658 = arith.index_cast %swap3A_657 : i32 to index
      %swap3A_659 = arith.constant 48 : index
      %swap3A_660 = tpu.vector_load %arg11[%swap3A_658, %swap3A_659] {strides = array<i32>} : memref<8x64xi32, #tpu.memory_space<vmem>>, vector<1x16xi32>,
      %swap3A_661 = vector.shape_cast %swap3A_660 : vector<1x16xi32> to vector<16xi32>
      %swap3A_662 = vector.shape_cast %or3A_656 : vector<16xi32> to vector<1x16xi32>
      tpu.vector_store %arg11[%swap3A_658, %swap3A_659], %swap3A_662 {strides = array<i32>} : memref<8x64xi32, #tpu.memory_space<vmem>>, vector<1x16xi32>,
      %get3A_663 = arith.constant 6 : i32
      %get3A_664 = arith.index_cast %get3A_663 : i32 to index
      %get3A_665 = arith.constant 0 : index
      %get3A_666 = tpu.vector_load %arg10[%get3A_664, %get3A_665] {strides = array<i32>} : memref<8x128xf32, #tpu.memory_space<vmem>>, vector<1x16xf32>,
      %get3A_667 = vector.shape_cast %get3A_666 : vector<1x16xf32> to vector<16xf32>
      %bitcast_convert_type3A_668 = tpu.bitcast %get3A_667 : vector<16xf32> -> vector<16xi32>
      %get3A_669 = arith.constant 6 : i32
      %get3A_670 = arith.index_cast %get3A_669 : i32 to index
      %get3A_671 = arith.constant 16 : index
      %get3A_672 = tpu.vector_load %arg10[%get3A_670, %get3A_671] {strides = array<i32>} : memref<8x128xf32, #tpu.memory_space<vmem>>, vector<1x16xf32>,
      %get3A_673 = vector.shape_cast %get3A_672 : vector<1x16xf32> to vector<16xf32>
      %bitcast_convert_type3A_674 = tpu.bitcast %get3A_673 : vector<16xf32> -> vector<16xi32>
      %add3A_675 = arith.addi %bitcast_convert_type3A_668, %broadcast_in_dim3A_26 : vector<16xi32>
      %shift_right_logical3A_676 = arith.constant 16 : i32
      %shift_right_logical3A_677 = vector.broadcast %shift_right_logical3A_676 : i32 to vector<16xi32>
      %shift_right_logical3A_678 = arith.shrui %add3A_675, %shift_right_logical3A_677 : vector<16xi32>
      %add3A_679 = arith.addi %bitcast_convert_type3A_674, %broadcast_in_dim3A_26 : vector<16xi32>
      %and3A_680 = arith.andi %add3A_679, %broadcast_in_dim3A_28 : vector<16xi32>
      %or3A_681 = arith.ori %shift_right_logical3A_678, %and3A_680 : vector<16xi32>
      %swap3A_682 = arith.constant 6 : i32
      %swap3A_683 = arith.index_cast %swap3A_682 : i32 to index
      %swap3A_684 = arith.constant 0 : index
      %swap3A_685 = tpu.vector_load %arg11[%swap3A_683, %swap3A_684] {strides = array<i32>} : memref<8x64xi32, #tpu.memory_space<vmem>>, vector<1x16xi32>,
      %swap3A_686 = vector.shape_cast %swap3A_685 : vector<1x16xi32> to vector<16xi32>
      %swap3A_687 = vector.shape_cast %or3A_681 : vector<16xi32> to vector<1x16xi32>
      tpu.vector_store %arg11[%swap3A_683, %swap3A_684], %swap3A_687 {strides = array<i32>} : memref<8x64xi32, #tpu.memory_space<vmem>>, vector<1x16xi32>,
      %get3A_688 = arith.constant 6 : i32
      %get3A_689 = arith.index_cast %get3A_688 : i32 to index
      %get3A_690 = arith.constant 32 : index
      %get3A_691 = tpu.vector_load %arg10[%get3A_689, %get3A_690] {strides = array<i32>} : memref<8x128xf32, #tpu.memory_space<vmem>>, vector<1x16xf32>,
      %get3A_692 = vector.shape_cast %get3A_691 : vector<1x16xf32> to vector<16xf32>
      %bitcast_convert_type3A_693 = tpu.bitcast %get3A_692 : vector<16xf32> -> vector<16xi32>
      %get3A_694 = arith.constant 6 : i32
      %get3A_695 = arith.index_cast %get3A_694 : i32 to index
      %get3A_696 = arith.constant 48 : index
      %get3A_697 = tpu.vector_load %arg10[%get3A_695, %get3A_696] {strides = array<i32>} : memref<8x128xf32, #tpu.memory_space<vmem>>, vector<1x16xf32>,
      %get3A_698 = vector.shape_cast %get3A_697 : vector<1x16xf32> to vector<16xf32>
      %bitcast_convert_type3A_699 = tpu.bitcast %get3A_698 : vector<16xf32> -> vector<16xi32>
      %add3A_700 = arith.addi %bitcast_convert_type3A_693, %broadcast_in_dim3A_26 : vector<16xi32>
      %shift_right_logical3A_701 = arith.constant 16 : i32
      %shift_right_logical3A_702 = vector.broadcast %shift_right_logical3A_701 : i32 to vector<16xi32>
      %shift_right_logical3A_703 = arith.shrui %add3A_700, %shift_right_logical3A_702 : vector<16xi32>
      %add3A_704 = arith.addi %bitcast_convert_type3A_699, %broadcast_in_dim3A_26 : vector<16xi32>
      %and3A_705 = arith.andi %add3A_704, %broadcast_in_dim3A_28 : vector<16xi32>
      %or3A_706 = arith.ori %shift_right_logical3A_703, %and3A_705 : vector<16xi32>
      %swap3A_707 = arith.constant 6 : i32
      %swap3A_708 = arith.index_cast %swap3A_707 : i32 to index
      %swap3A_709 = arith.constant 16 : index
      %swap3A_710 = tpu.vector_load %arg11[%swap3A_708, %swap3A_709] {strides = array<i32>} : memref<8x64xi32, #tpu.memory_space<vmem>>, vector<1x16xi32>,
      %swap3A_711 = vector.shape_cast %swap3A_710 : vector<1x16xi32> to vector<16xi32>
      %swap3A_712 = vector.shape_cast %or3A_706 : vector<16xi32> to vector<1x16xi32>
      tpu.vector_store %arg11[%swap3A_708, %swap3A_709], %swap3A_712 {strides = array<i32>} : memref<8x64xi32, #tpu.memory_space<vmem>>, vector<1x16xi32>,
      %get3A_713 = arith.constant 6 : i32
      %get3A_714 = arith.index_cast %get3A_713 : i32 to index
      %get3A_715 = arith.constant 64 : index
      %get3A_716 = tpu.vector_load %arg10[%get3A_714, %get3A_715] {strides = array<i32>} : memref<8x128xf32, #tpu.memory_space<vmem>>, vector<1x16xf32>,
      %get3A_717 = vector.shape_cast %get3A_716 : vector<1x16xf32> to vector<16xf32>
      %bitcast_convert_type3A_718 = tpu.bitcast %get3A_717 : vector<16xf32> -> vector<16xi32>
      %get3A_719 = arith.constant 6 : i32
      %get3A_720 = arith.index_cast %get3A_719 : i32 to index
      %get3A_721 = arith.constant 80 : index
      %get3A_722 = tpu.vector_load %arg10[%get3A_720, %get3A_721] {strides = array<i32>} : memref<8x128xf32, #tpu.memory_space<vmem>>, vector<1x16xf32>,
      %get3A_723 = vector.shape_cast %get3A_722 : vector<1x16xf32> to vector<16xf32>
      %bitcast_convert_type3A_724 = tpu.bitcast %get3A_723 : vector<16xf32> -> vector<16xi32>
      %add3A_725 = arith.addi %bitcast_convert_type3A_718, %broadcast_in_dim3A_26 : vector<16xi32>
      %shift_right_logical3A_726 = arith.constant 16 : i32
      %shift_right_logical3A_727 = vector.broadcast %shift_right_logical3A_726 : i32 to vector<16xi32>
      %shift_right_logical3A_728 = arith.shrui %add3A_725, %shift_right_logical3A_727 : vector<16xi32>
      %add3A_729 = arith.addi %bitcast_convert_type3A_724, %broadcast_in_dim3A_26 : vector<16xi32>
      %and3A_730 = arith.andi %add3A_729, %broadcast_in_dim3A_28 : vector<16xi32>
      %or3A_731 = arith.ori %shift_right_logical3A_728, %and3A_730 : vector<16xi32>
      %swap3A_732 = arith.constant 6 : i32
      %swap3A_733 = arith.index_cast %swap3A_732 : i32 to index
      %swap3A_734 = arith.constant 32 : index
      %swap3A_735 = tpu.vector_load %arg11[%swap3A_733, %swap3A_734] {strides = array<i32>} : memref<8x64xi32, #tpu.memory_space<vmem>>, vector<1x16xi32>,
      %swap3A_736 = vector.shape_cast %swap3A_735 : vector<1x16xi32> to vector<16xi32>
      %swap3A_737 = vector.shape_cast %or3A_731 : vector<16xi32> to vector<1x16xi32>
      tpu.vector_store %arg11[%swap3A_733, %swap3A_734], %swap3A_737 {strides = array<i32>} : memref<8x64xi32, #tpu.memory_space<vmem>>, vector<1x16xi32>,
      %get3A_738 = arith.constant 6 : i32
      %get3A_739 = arith.index_cast %get3A_738 : i32 to index
      %get3A_740 = arith.constant 96 : index
      %get3A_741 = tpu.vector_load %arg10[%get3A_739, %get3A_740] {strides = array<i32>} : memref<8x128xf32, #tpu.memory_space<vmem>>, vector<1x16xf32>,
      %get3A_742 = vector.shape_cast %get3A_741 : vector<1x16xf32> to vector<16xf32>
      %bitcast_convert_type3A_743 = tpu.bitcast %get3A_742 : vector<16xf32> -> vector<16xi32>
      %get3A_744 = arith.constant 6 : i32
      %get3A_745 = arith.index_cast %get3A_744 : i32 to index
      %get3A_746 = arith.constant 112 : index
      %get3A_747 = tpu.vector_load %arg10[%get3A_745, %get3A_746] {strides = array<i32>} : memref<8x128xf32, #tpu.memory_space<vmem>>, vector<1x16xf32>,
      %get3A_748 = vector.shape_cast %get3A_747 : vector<1x16xf32> to vector<16xf32>
      %bitcast_convert_type3A_749 = tpu.bitcast %get3A_748 : vector<16xf32> -> vector<16xi32>
      %add3A_750 = arith.addi %bitcast_convert_type3A_743, %broadcast_in_dim3A_26 : vector<16xi32>
      %shift_right_logical3A_751 = arith.constant 16 : i32
      %shift_right_logical3A_752 = vector.broadcast %shift_right_logical3A_751 : i32 to vector<16xi32>
      %shift_right_logical3A_753 = arith.shrui %add3A_750, %shift_right_logical3A_752 : vector<16xi32>
      %add3A_754 = arith.addi %bitcast_convert_type3A_749, %broadcast_in_dim3A_26 : vector<16xi32>
      %and3A_755 = arith.andi %add3A_754, %broadcast_in_dim3A_28 : vector<16xi32>
      %or3A_756 = arith.ori %shift_right_logical3A_753, %and3A_755 : vector<16xi32>
      %swap3A_757 = arith.constant 6 : i32
      %swap3A_758 = arith.index_cast %swap3A_757 : i32 to index
      %swap3A_759 = arith.constant 48 : index
      %swap3A_760 = tpu.vector_load %arg11[%swap3A_758, %swap3A_759] {strides = array<i32>} : memref<8x64xi32, #tpu.memory_space<vmem>>, vector<1x16xi32>,
      %swap3A_761 = vector.shape_cast %swap3A_760 : vector<1x16xi32> to vector<16xi32>
      %swap3A_762 = vector.shape_cast %or3A_756 : vector<16xi32> to vector<1x16xi32>
      tpu.vector_store %arg11[%swap3A_758, %swap3A_759], %swap3A_762 {strides = array<i32>} : memref<8x64xi32, #tpu.memory_space<vmem>>, vector<1x16xi32>,
      %get3A_763 = arith.constant 7 : i32
      %get3A_764 = arith.index_cast %get3A_763 : i32 to index
      %get3A_765 = arith.constant 0 : index
      %get3A_766 = tpu.vector_load %arg10[%get3A_764, %get3A_765] {strides = array<i32>} : memref<8x128xf32, #tpu.memory_space<vmem>>, vector<1x16xf32>,
      %get3A_767 = vector.shape_cast %get3A_766 : vector<1x16xf32> to vector<16xf32>
      %bitcast_convert_type3A_768 = tpu.bitcast %get3A_767 : vector<16xf32> -> vector<16xi32>
      %get3A_769 = arith.constant 7 : i32
      %get3A_770 = arith.index_cast %get3A_769 : i32 to index
      %get3A_771 = arith.constant 16 : index
      %get3A_772 = tpu.vector_load %arg10[%get3A_770, %get3A_771] {strides = array<i32>} : memref<8x128xf32, #tpu.memory_space<vmem>>, vector<1x16xf32>,
      %get3A_773 = vector.shape_cast %get3A_772 : vector<1x16xf32> to vector<16xf32>
      %bitcast_convert_type3A_774 = tpu.bitcast %get3A_773 : vector<16xf32> -> vector<16xi32>
      %add3A_775 = arith.addi %bitcast_convert_type3A_768, %broadcast_in_dim3A_26 : vector<16xi32>
      %shift_right_logical3A_776 = arith.constant 16 : i32
      %shift_right_logical3A_777 = vector.broadcast %shift_right_logical3A_776 : i32 to vector<16xi32>
      %shift_right_logical3A_778 = arith.shrui %add3A_775, %shift_right_logical3A_777 : vector<16xi32>
      %add3A_779 = arith.addi %bitcast_convert_type3A_774, %broadcast_in_dim3A_26 : vector<16xi32>
      %and3A_780 = arith.andi %add3A_779, %broadcast_in_dim3A_28 : vector<16xi32>
      %or3A_781 = arith.ori %shift_right_logical3A_778, %and3A_780 : vector<16xi32>
      %swap3A_782 = arith.constant 7 : i32
      %swap3A_783 = arith.index_cast %swap3A_782 : i32 to index
      %swap3A_784 = arith.constant 0 : index
      %swap3A_785 = tpu.vector_load %arg11[%swap3A_783, %swap3A_784] {strides = array<i32>} : memref<8x64xi32, #tpu.memory_space<vmem>>, vector<1x16xi32>,
      %swap3A_786 = vector.shape_cast %swap3A_785 : vector<1x16xi32> to vector<16xi32>
      %swap3A_787 = vector.shape_cast %or3A_781 : vector<16xi32> to vector<1x16xi32>
      tpu.vector_store %arg11[%swap3A_783, %swap3A_784], %swap3A_787 {strides = array<i32>} : memref<8x64xi32, #tpu.memory_space<vmem>>, vector<1x16xi32>,
      %get3A_788 = arith.constant 7 : i32
      %get3A_789 = arith.index_cast %get3A_788 : i32 to index
      %get3A_790 = arith.constant 32 : index
      %get3A_791 = tpu.vector_load %arg10[%get3A_789, %get3A_790] {strides = array<i32>} : memref<8x128xf32, #tpu.memory_space<vmem>>, vector<1x16xf32>,
      %get3A_792 = vector.shape_cast %get3A_791 : vector<1x16xf32> to vector<16xf32>
      %bitcast_convert_type3A_793 = tpu.bitcast %get3A_792 : vector<16xf32> -> vector<16xi32>
      %get3A_794 = arith.constant 7 : i32
      %get3A_795 = arith.index_cast %get3A_794 : i32 to index
      %get3A_796 = arith.constant 48 : index
      %get3A_797 = tpu.vector_load %arg10[%get3A_795, %get3A_796] {strides = array<i32>} : memref<8x128xf32, #tpu.memory_space<vmem>>, vector<1x16xf32>,
      %get3A_798 = vector.shape_cast %get3A_797 : vector<1x16xf32> to vector<16xf32>
      %bitcast_convert_type3A_799 = tpu.bitcast %get3A_798 : vector<16xf32> -> vector<16xi32>
      %add3A_800 = arith.addi %bitcast_convert_type3A_793, %broadcast_in_dim3A_26 : vector<16xi32>
      %shift_right_logical3A_801 = arith.constant 16 : i32
      %shift_right_logical3A_802 = vector.broadcast %shift_right_logical3A_801 : i32 to vector<16xi32>
      %shift_right_logical3A_803 = arith.shrui %add3A_800, %shift_right_logical3A_802 : vector<16xi32>
      %add3A_804 = arith.addi %bitcast_convert_type3A_799, %broadcast_in_dim3A_26 : vector<16xi32>
      %and3A_805 = arith.andi %add3A_804, %broadcast_in_dim3A_28 : vector<16xi32>
      %or3A_806 = arith.ori %shift_right_logical3A_803, %and3A_805 : vector<16xi32>
      %swap3A_807 = arith.constant 7 : i32
      %swap3A_808 = arith.index_cast %swap3A_807 : i32 to index
      %swap3A_809 = arith.constant 16 : index
      %swap3A_810 = tpu.vector_load %arg11[%swap3A_808, %swap3A_809] {strides = array<i32>} : memref<8x64xi32, #tpu.memory_space<vmem>>, vector<1x16xi32>,
      %swap3A_811 = vector.shape_cast %swap3A_810 : vector<1x16xi32> to vector<16xi32>
      %swap3A_812 = vector.shape_cast %or3A_806 : vector<16xi32> to vector<1x16xi32>
      tpu.vector_store %arg11[%swap3A_808, %swap3A_809], %swap3A_812 {strides = array<i32>} : memref<8x64xi32, #tpu.memory_space<vmem>>, vector<1x16xi32>,
      %get3A_813 = arith.constant 7 : i32
      %get3A_814 = arith.index_cast %get3A_813 : i32 to index
      %get3A_815 = arith.constant 64 : index
      %get3A_816 = tpu.vector_load %arg10[%get3A_814, %get3A_815] {strides = array<i32>} : memref<8x128xf32, #tpu.memory_space<vmem>>, vector<1x16xf32>,
      %get3A_817 = vector.shape_cast %get3A_816 : vector<1x16xf32> to vector<16xf32>
      %bitcast_convert_type3A_818 = tpu.bitcast %get3A_817 : vector<16xf32> -> vector<16xi32>
      %get3A_819 = arith.constant 7 : i32
      %get3A_820 = arith.index_cast %get3A_819 : i32 to index
      %get3A_821 = arith.constant 80 : index
      %get3A_822 = tpu.vector_load %arg10[%get3A_820, %get3A_821] {strides = array<i32>} : memref<8x128xf32, #tpu.memory_space<vmem>>, vector<1x16xf32>,
      %get3A_823 = vector.shape_cast %get3A_822 : vector<1x16xf32> to vector<16xf32>
      %bitcast_convert_type3A_824 = tpu.bitcast %get3A_823 : vector<16xf32> -> vector<16xi32>
      %add3A_825 = arith.addi %bitcast_convert_type3A_818, %broadcast_in_dim3A_26 : vector<16xi32>
      %shift_right_logical3A_826 = arith.constant 16 : i32
      %shift_right_logical3A_827 = vector.broadcast %shift_right_logical3A_826 : i32 to vector<16xi32>
      %shift_right_logical3A_828 = arith.shrui %add3A_825, %shift_right_logical3A_827 : vector<16xi32>
      %add3A_829 = arith.addi %bitcast_convert_type3A_824, %broadcast_in_dim3A_26 : vector<16xi32>
      %and3A_830 = arith.andi %add3A_829, %broadcast_in_dim3A_28 : vector<16xi32>
      %or3A_831 = arith.ori %shift_right_logical3A_828, %and3A_830 : vector<16xi32>
      %swap3A_832 = arith.constant 7 : i32
      %swap3A_833 = arith.index_cast %swap3A_832 : i32 to index
      %swap3A_834 = arith.constant 32 : index
      %swap3A_835 = tpu.vector_load %arg11[%swap3A_833, %swap3A_834] {strides = array<i32>} : memref<8x64xi32, #tpu.memory_space<vmem>>, vector<1x16xi32>,
      %swap3A_836 = vector.shape_cast %swap3A_835 : vector<1x16xi32> to vector<16xi32>
      %swap3A_837 = vector.shape_cast %or3A_831 : vector<16xi32> to vector<1x16xi32>
      tpu.vector_store %arg11[%swap3A_833, %swap3A_834], %swap3A_837 {strides = array<i32>} : memref<8x64xi32, #tpu.memory_space<vmem>>, vector<1x16xi32>,
      %get3A_838 = arith.constant 7 : i32
      %get3A_839 = arith.index_cast %get3A_838 : i32 to index
      %get3A_840 = arith.constant 96 : index
      %get3A_841 = tpu.vector_load %arg10[%get3A_839, %get3A_840] {strides = array<i32>} : memref<8x128xf32, #tpu.memory_space<vmem>>, vector<1x16xf32>,
      %get3A_842 = vector.shape_cast %get3A_841 : vector<1x16xf32> to vector<16xf32>
      %bitcast_convert_type3A_843 = tpu.bitcast %get3A_842 : vector<16xf32> -> vector<16xi32>
      %get3A_844 = arith.constant 7 : i32
      %get3A_845 = arith.index_cast %get3A_844 : i32 to index
      %get3A_846 = arith.constant 112 : index
      %get3A_847 = tpu.vector_load %arg10[%get3A_845, %get3A_846] {strides = array<i32>} : memref<8x128xf32, #tpu.memory_space<vmem>>, vector<1x16xf32>,
      %get3A_848 = vector.shape_cast %get3A_847 : vector<1x16xf32> to vector<16xf32>
      %bitcast_convert_type3A_849 = tpu.bitcast %get3A_848 : vector<16xf32> -> vector<16xi32>
      %add3A_850 = arith.addi %bitcast_convert_type3A_843, %broadcast_in_dim3A_26 : vector<16xi32>
      %shift_right_logical3A_851 = arith.constant 16 : i32
      %shift_right_logical3A_852 = vector.broadcast %shift_right_logical3A_851 : i32 to vector<16xi32>
      %shift_right_logical3A_853 = arith.shrui %add3A_850, %shift_right_logical3A_852 : vector<16xi32>
      %add3A_854 = arith.addi %bitcast_convert_type3A_849, %broadcast_in_dim3A_26 : vector<16xi32>
      %and3A_855 = arith.andi %add3A_854, %broadcast_in_dim3A_28 : vector<16xi32>
      %or3A_856 = arith.ori %shift_right_logical3A_853, %and3A_855 : vector<16xi32>
      %swap3A_857 = arith.constant 7 : i32
      %swap3A_858 = arith.index_cast %swap3A_857 : i32 to index
      %swap3A_859 = arith.constant 48 : index
      %swap3A_860 = tpu.vector_load %arg11[%swap3A_858, %swap3A_859] {strides = array<i32>} : memref<8x64xi32, #tpu.memory_space<vmem>>, vector<1x16xi32>,
      %swap3A_861 = vector.shape_cast %swap3A_860 : vector<1x16xi32> to vector<16xi32>
      %swap3A_862 = vector.shape_cast %or3A_856 : vector<16xi32> to vector<1x16xi32>
      tpu.vector_store %arg11[%swap3A_858, %swap3A_859], %swap3A_862 {strides = array<i32>} : memref<8x64xi32, #tpu.memory_space<vmem>>, vector<1x16xi32>,
      "tpu.region"() ({
        %run_scoped3A = tpu.sem_alloc : memref<!tpu.dma_semaphore, #tpu.memory_space<semaphore_mem>>
        %dma_start3A = arith.constant 0 : i32
        %dma_start3A_863 = tpu.memref_slice %arg5[%multiple_of3A_67, %dma_start3A] : memref<20000x64xi32, #tpu.memory_space<hbm>> -> memref<8x64xi32, #tpu.memory_space<hbm>>
        %dma_start3A_864 = arith.constant 0 : i32
        %dma_start3A_865 = tpu.memref_slice %arg5[%multiple_of3A_67, %dma_start3A_864] : memref<20000x64xi32, #tpu.memory_space<hbm>> -> memref<8x64xi32, #tpu.memory_space<hbm>>
        tpu.enqueue_dma source(%arg11 : memref<8x64xi32, #tpu.memory_space<vmem>>) target(%dma_start3A_865 : memref<8x64xi32, #tpu.memory_space<hbm>>) target_semaphore(%run_scoped3A : memref<!tpu.dma_semaphore, #tpu.memory_space<semaphore_mem>>)
        %dma_wait3A = arith.constant 0 : i32
        %dma_wait3A_866 = tpu.memref_slice %arg5[%multiple_of3A_67, %dma_wait3A] : memref<20000x64xi32, #tpu.memory_space<hbm>> -> memref<8x64xi32, #tpu.memory_space<hbm>>
        %dma_wait3A_867 = arith.constant 0 : i32
        %dma_wait3A_868 = tpu.memref_slice %arg5[%multiple_of3A_67, %dma_wait3A_867] : memref<20000x64xi32, #tpu.memory_space<hbm>> -> memref<8x64xi32, #tpu.memory_space<hbm>>
        tpu.wait_dma2 semaphore(%run_scoped3A : memref<!tpu.dma_semaphore, #tpu.memory_space<semaphore_mem>>) src(%arg11 : memref<8x64xi32, #tpu.memory_space<vmem>>) dst(%dma_wait3A_868 : memref<8x64xi32, #tpu.memory_space<hbm>>)
        tpu.yield
      }) : () -> ()
    }
    return
  }
}

module attributes {stable_mosaic.version = 14 : i64} {
  func.func @_tc_scale_body(%arg0: memref<10000x128xf32, #tpu.memory_space<vmem>>, %arg1: memref<128x128xf32, #tpu.memory_space<vmem>>, %arg2: memref<20224x16xf32, #tpu.memory_space<vmem>>, %arg3: memref<20000x128xf32, #tpu.memory_space<vmem>>, %arg4: memref<10000x1xf32, #tpu.memory_space<vmem>>) attributes {dimension_semantics = [], scalar_prefetch = 0 : i64, scratch_operands = 0 : i64, tpu.core_type = #tpu.core_type<tc>} {
    %get3A = arith.constant 0 : index
    %get3A_0 = arith.constant 0 : index
    %get3A_1 = vector.load %arg2[%get3A, %get3A_0] : memref<20224x16xf32, #tpu.memory_space<vmem>>, vector<10000x1xf32>
    %get3A_2 = arith.constant 10112 : index
    %get3A_3 = arith.constant 0 : index
    %get3A_4 = vector.load %arg2[%get3A_2, %get3A_3] : memref<20224x16xf32, #tpu.memory_space<vmem>>, vector<10000x1xf32>
    %add3A = arith.addf %get3A_1, %get3A_4 : vector<10000x1xf32>
    %add3A_5 = arith.constant 1.000000e+00 : f32
    %add3A_6 = vector.broadcast %add3A_5 : f32 to vector<10000x1xf32>
    %add3A_7 = arith.addf %add3A, %add3A_6 : vector<10000x1xf32>
    %rsqrt3A = math.rsqrt %add3A_7 : vector<10000x1xf32>
    %get3A_8 = arith.constant 0 : index
    %get3A_9 = arith.constant 0 : index
    %get3A_10 = vector.load %arg0[%get3A_8, %get3A_9] : memref<10000x128xf32, #tpu.memory_space<vmem>>, vector<10000x128xf32>
    %get3A_11 = arith.constant 0 : index
    %get3A_12 = arith.constant 0 : index
    %get3A_13 = vector.load %arg1[%get3A_11, %get3A_12] : memref<128x128xf32, #tpu.memory_space<vmem>>, vector<128x128xf32>
    %dot_general3A = arith.constant dense<0.000000e+00> : vector<10000x128xf32>
    %dot_general3A_14 = tpu.matmul %get3A_10, %get3A_13, %dot_general3A {dimension_numbers = #tpu.dot_dimension_numbers<[1], [0], [0], [1], [0, 0, 1, 1], [], []>, transpose_lhs_hint = false} : vector<10000x128xf32>, vector<128x128xf32>, vector<10000x128xf32> -> vector<10000x128xf32>
    %mul3A = vector.broadcast %rsqrt3A : vector<10000x1xf32> to vector<10000x128xf32>
    %mul3A_15 = arith.mulf %dot_general3A_14, %mul3A : vector<10000x128xf32>
    %swap3A = arith.constant 0 : index
    %swap3A_16 = arith.constant 0 : index
    %swap3A_17 = vector.load %arg3[%swap3A, %swap3A_16] : memref<20000x128xf32, #tpu.memory_space<vmem>>, vector<10000x128xf32>
    tpu.vector_store %arg3[%swap3A, %swap3A_16], %mul3A_15 {strides = array<i32>} : memref<20000x128xf32, #tpu.memory_space<vmem>>, vector<10000x128xf32>,
    %swap3A_18 = arith.constant 0 : index
    %swap3A_19 = arith.constant 0 : index
    %swap3A_20 = vector.load %arg4[%swap3A_18, %swap3A_19] : memref<10000x1xf32, #tpu.memory_space<vmem>>, vector<10000x1xf32>
    tpu.vector_store %arg4[%swap3A_18, %swap3A_19], %rsqrt3A {strides = array<i32>} : memref<10000x1xf32, #tpu.memory_space<vmem>>, vector<10000x1xf32>,
    return
  }
}

module attributes {stable_mosaic.version = 14 : i64} {
  func.func @_tc_mid_body(%arg0: memref<20000x64xi32, #tpu.memory_space<vmem>>, %arg1: memref<10000x1xf32, #tpu.memory_space<vmem>>, %arg2: memref<1x128xf32, #tpu.memory_space<vmem>>, %arg3: memref<20000x128xf32, #tpu.memory_space<vmem>>) attributes {dimension_semantics = [], scalar_prefetch = 0 : i64, scratch_operands = 0 : i64, tpu.core_type = #tpu.core_type<tc>} {
    %get3A = arith.constant 0 : index
    %get3A_0 = arith.constant 0 : index
    %get3A_1 = vector.load %arg0[%get3A, %get3A_0] : memref<20000x64xi32, #tpu.memory_space<vmem>>, vector<10000x64xi32>
    %shift_left3A = arith.constant 16 : i32
    %shift_left3A_2 = vector.broadcast %shift_left3A : i32 to vector<10000x64xi32>
    %shift_left3A_3 = arith.shli %get3A_1, %shift_left3A_2 : vector<10000x64xi32>
    %bitcast_convert_type3A = tpu.bitcast %shift_left3A_3 : vector<10000x64xi32> -> vector<10000x64xf32>
    %and3A = arith.constant -65536 : i32
    %and3A_4 = vector.broadcast %and3A : i32 to vector<10000x64xi32>
    %and3A_5 = arith.andi %get3A_1, %and3A_4 : vector<10000x64xi32>
    %bitcast_convert_type3A_6 = tpu.bitcast %and3A_5 : vector<10000x64xi32> -> vector<10000x64xf32>
    %get3A_7 = arith.constant 10000 : index
    %get3A_8 = arith.constant 0 : index
    %get3A_9 = vector.load %arg0[%get3A_7, %get3A_8] : memref<20000x64xi32, #tpu.memory_space<vmem>>, vector<10000x64xi32>
    %shift_left3A_10 = arith.constant 16 : i32
    %shift_left3A_11 = vector.broadcast %shift_left3A_10 : i32 to vector<10000x64xi32>
    %shift_left3A_12 = arith.shli %get3A_9, %shift_left3A_11 : vector<10000x64xi32>
    %bitcast_convert_type3A_13 = tpu.bitcast %shift_left3A_12 : vector<10000x64xi32> -> vector<10000x64xf32>
    %and3A_14 = arith.constant -65536 : i32
    %and3A_15 = vector.broadcast %and3A_14 : i32 to vector<10000x64xi32>
    %and3A_16 = arith.andi %get3A_9, %and3A_15 : vector<10000x64xi32>
    %bitcast_convert_type3A_17 = tpu.bitcast %and3A_16 : vector<10000x64xi32> -> vector<10000x64xf32>
    %add3A = arith.addf %bitcast_convert_type3A, %bitcast_convert_type3A_13 : vector<10000x64xf32>
    %add3A_18 = arith.addf %bitcast_convert_type3A_6, %bitcast_convert_type3A_17 : vector<10000x64xf32>
    %concatenate3A = tpu.concatenate %add3A, %add3A_18 in 1 : vector<10000x64xf32>, vector<10000x64xf32> -> vector<10000x128xf32>
    %get3A_19 = arith.constant 0 : index
    %get3A_20 = arith.constant 0 : index
    %get3A_21 = vector.load %arg1[%get3A_19, %get3A_20] : memref<10000x1xf32, #tpu.memory_space<vmem>>, vector<10000x1xf32>
    %mul3A = vector.broadcast %get3A_21 : vector<10000x1xf32> to vector<10000x128xf32>
    %mul3A_22 = arith.mulf %concatenate3A, %mul3A : vector<10000x128xf32>
    %get3A_23 = arith.constant 0 : index
    %get3A_24 = arith.constant 0 : index
    %get3A_25 = vector.load %arg2[%get3A_23, %get3A_24] : memref<1x128xf32, #tpu.memory_space<vmem>>, vector<1x128xf32>
    %add3A_26 = vector.broadcast %get3A_25 : vector<1x128xf32> to vector<10000x128xf32>
    %add3A_27 = arith.addf %mul3A_22, %add3A_26 : vector<10000x128xf32>
    %max3A = arith.constant 0.000000e+00 : f32
    %max3A_28 = vector.broadcast %max3A : f32 to vector<10000x128xf32>
    %max3A_29 = arith.maximumf %add3A_27, %max3A_28 : vector<10000x128xf32>
    %mul3A_30 = vector.broadcast %get3A_21 : vector<10000x1xf32> to vector<10000x128xf32>
    %mul3A_31 = arith.mulf %max3A_29, %mul3A_30 : vector<10000x128xf32>
    %swap3A = arith.constant 0 : index
    %swap3A_32 = arith.constant 0 : index
    %swap3A_33 = vector.load %arg3[%swap3A, %swap3A_32] : memref<20000x128xf32, #tpu.memory_space<vmem>>, vector<10000x128xf32>
    tpu.vector_store %arg3[%swap3A, %swap3A_32], %mul3A_31 {strides = array<i32>} : memref<20000x128xf32, #tpu.memory_space<vmem>>, vector<10000x128xf32>,
    return
  }
}

module attributes {stable_mosaic.version = 14 : i64} {
  func.func @_tc_out_body(%arg0: memref<20000x64xi32, #tpu.memory_space<vmem>>, %arg1: memref<10000x1xf32, #tpu.memory_space<vmem>>, %arg2: memref<128x16xf32, #tpu.memory_space<vmem>>, %arg3: memref<1x16xf32, #tpu.memory_space<vmem>>, %arg4: memref<10000x16xf32, #tpu.memory_space<vmem>>) attributes {dimension_semantics = [], scalar_prefetch = 0 : i64, scratch_operands = 0 : i64, tpu.core_type = #tpu.core_type<tc>} {
    %get3A = arith.constant 0 : index
    %get3A_0 = arith.constant 0 : index
    %get3A_1 = vector.load %arg0[%get3A, %get3A_0] : memref<20000x64xi32, #tpu.memory_space<vmem>>, vector<10000x64xi32>
    %shift_left3A = arith.constant 16 : i32
    %shift_left3A_2 = vector.broadcast %shift_left3A : i32 to vector<10000x64xi32>
    %shift_left3A_3 = arith.shli %get3A_1, %shift_left3A_2 : vector<10000x64xi32>
    %bitcast_convert_type3A = tpu.bitcast %shift_left3A_3 : vector<10000x64xi32> -> vector<10000x64xf32>
    %and3A = arith.constant -65536 : i32
    %and3A_4 = vector.broadcast %and3A : i32 to vector<10000x64xi32>
    %and3A_5 = arith.andi %get3A_1, %and3A_4 : vector<10000x64xi32>
    %bitcast_convert_type3A_6 = tpu.bitcast %and3A_5 : vector<10000x64xi32> -> vector<10000x64xf32>
    %get3A_7 = arith.constant 10000 : index
    %get3A_8 = arith.constant 0 : index
    %get3A_9 = vector.load %arg0[%get3A_7, %get3A_8] : memref<20000x64xi32, #tpu.memory_space<vmem>>, vector<10000x64xi32>
    %shift_left3A_10 = arith.constant 16 : i32
    %shift_left3A_11 = vector.broadcast %shift_left3A_10 : i32 to vector<10000x64xi32>
    %shift_left3A_12 = arith.shli %get3A_9, %shift_left3A_11 : vector<10000x64xi32>
    %bitcast_convert_type3A_13 = tpu.bitcast %shift_left3A_12 : vector<10000x64xi32> -> vector<10000x64xf32>
    %and3A_14 = arith.constant -65536 : i32
    %and3A_15 = vector.broadcast %and3A_14 : i32 to vector<10000x64xi32>
    %and3A_16 = arith.andi %get3A_9, %and3A_15 : vector<10000x64xi32>
    %bitcast_convert_type3A_17 = tpu.bitcast %and3A_16 : vector<10000x64xi32> -> vector<10000x64xf32>
    %add3A = arith.addf %bitcast_convert_type3A, %bitcast_convert_type3A_13 : vector<10000x64xf32>
    %add3A_18 = arith.addf %bitcast_convert_type3A_6, %bitcast_convert_type3A_17 : vector<10000x64xf32>
    %concatenate3A = tpu.concatenate %add3A, %add3A_18 in 1 : vector<10000x64xf32>, vector<10000x64xf32> -> vector<10000x128xf32>
    %get3A_19 = arith.constant 0 : index
    %get3A_20 = arith.constant 0 : index
    %get3A_21 = vector.load %arg1[%get3A_19, %get3A_20] : memref<10000x1xf32, #tpu.memory_space<vmem>>, vector<10000x1xf32>
    %mul3A = vector.broadcast %get3A_21 : vector<10000x1xf32> to vector<10000x128xf32>
    %mul3A_22 = arith.mulf %concatenate3A, %mul3A : vector<10000x128xf32>
    %get3A_23 = arith.constant 0 : index
    %get3A_24 = arith.constant 0 : index
    %get3A_25 = vector.load %arg2[%get3A_23, %get3A_24] : memref<128x16xf32, #tpu.memory_space<vmem>>, vector<128x16xf32>
    %dot_general3A = arith.constant dense<0.000000e+00> : vector<10000x16xf32>
    %dot_general3A_26 = tpu.matmul %mul3A_22, %get3A_25, %dot_general3A {dimension_numbers = #tpu.dot_dimension_numbers<[1], [0], [0], [1], [0, 0, 1, 1], [], []>, transpose_lhs_hint = false} : vector<10000x128xf32>, vector<128x16xf32>, vector<10000x16xf32> -> vector<10000x16xf32>
    %get3A_27 = arith.constant 0 : index
    %get3A_28 = arith.constant 0 : index
    %get3A_29 = vector.load %arg3[%get3A_27, %get3A_28] : memref<1x16xf32, #tpu.memory_space<vmem>>, vector<1x16xf32>
    %add3A_30 = vector.broadcast %get3A_29 : vector<1x16xf32> to vector<10000x16xf32>
    %add3A_31 = arith.addf %dot_general3A_26, %add3A_30 : vector<10000x16xf32>
    %swap3A = arith.constant 0 : index
    %swap3A_32 = arith.constant 0 : index
    %swap3A_33 = vector.load %arg4[%swap3A, %swap3A_32] : memref<10000x16xf32, #tpu.memory_space<vmem>>, vector<10000x16xf32>
    tpu.vector_store %arg4[%swap3A, %swap3A_32], %add3A_31 {strides = array<i32>} : memref<10000x16xf32, #tpu.memory_space<vmem>>, vector<10000x16xf32>,
    return
  }
}

</mosaic_0001>

<sc_bundles>
// kernel: kernel.11.cloned.1.call-start
scs
__scs_entry_jumppad:
0x0: {  	(pc) =	sbr.rel $0x88, $3  }
0x1: {  	(tag) =	ssettag $0x0;
	lr =	simm.s32 $0x1  }
0x2: {  	[smem:$0x3F9B] =	sst lr;
	_ =	strace $0xD0000000  }
0x3: {  	_ = 	snop  }
0x4: {  	_ = 	snop  }
0x5: {  	_ = 	snop  }
0x6: {  	_ = 	snop  }
0x7: {  	_ = 	snop  }
__scs_overlays_trampoline_lowered:
0x8: {  	[smem:$0x3FAA] =	sst s0  }
0x9: {  	[smem:$0x3FAB] =	sst s1  }
0xa: {  	[smem:$0x3FAC] =	sst s2  }
0xb: {  	[smem:$0x3FAD] =	sst s3  }
0xc: {  	[smem:$0x3FAE] =	sst s4  }
0xd: {  	[smem:$0x3FAF] =	sst s5  }
0xe: {  	[smem:$0x3FB0] =	sst s6  }
0xf: {  	[smem:$0x3FB1] =	sst s7  }
0x10: {  	[smem:$0x3FB2] =	sst s8  }
0x11: {  	[smem:$0x3FB3] =	sst s9;
	s0 =	simm.s32 @!p0 $0x0  }
0x12: {  	s1 =	sld [smem:$0x3F99];
	s0 =	simm.s32 @p0 $0x1  }
0x13: {  	[smem:$0x3FB4] =	sst s0;
	s0 =	simm.s32 @!p1 $0x0  }
0x14: {  	s2 =	sld [smem:$0x3F98];
	s0 =	simm.s32 @p1 $0x1  }
0x15: {  	[smem:$0x3FB5] =	sst s0;
	s0 =	simm.s32 @!p2 $0x0  }
0x16: {  	s3 =	sld [smem:$0x3FDB];
	s0 =	simm.s32 @p2 $0x1  }
0x17: {  	s4 =	simm.s32 $0x1BF5;
	[smem:$0x3FB7] =	sst s0  }
0x18: {  	s0 =	sld [smem:$0x3F9A];
	_ =	swait.ge [sflag:s4], $0x0  }
0x19: {  	s7 =	sld [smem:$0x3F9B]  }
0x1a: {  	s8 =	sadd.s32 $0xFFFFE003, lr  }
0x1b: {  	s9 =	sadd.s32 $0xFFFFFEF7, lr;
	s5 =	simm.s32 $0xFFFFFFFF;
	p2 =	slt.u32 s8, $0xFFFFF086  }
0x1c: {  	p1 =	slt.u32 s9, $0xF7A;
	s5 =	simm.s32 @!p2 $0x0  }
0x1d: {  	s5 =	simm.s32 @p1 $0x1;
	p0 =	seq.s32 s7, s2  }
0x1e: {  	s7 =	smul.u32 @!p0 $0xF7A, s2;
	p2 =	seq.s32 @!p0 s5, $0x0  }
0x1f: {  	s9 =	smul.u32 $0xF7A, s1;
	s8 =	simm.s32 @!p0 $0x1BF5;
	p2 =	por !p2, p0  }
0x20: {  	[sflag:s8] =	ssyncset.s32 @!p0 $0xFFFFF086;
	s6 =	sadd.s32 @!p0 s3, s7;
	s7 =	simm.s32 @!p0 $0x108  }
0x21: {  	s3 =	sadd.s32 s3, s9;
	s6 =	sadd.s32 @!p0 $0x88, s6;
	s7 =	simm.s32 @p2 $0x1082  }
0x22: {  	[simem:s7], [sflag:s8] =	dma.local @!p0 [hbm:s6], $0xF7A  }
0x23: {  	s9 =	sor.u32 $0xD0000000, s2;
	s6 =	simm.s32 $0x108;
	_ =	swait.ge @!p0 [sflag:s8], $0x0  }
0x24: {  	s3 =	sadd.s32 $0x88, s3;
	s6 =	simm.s32 @!p1 $0x1082;
	[sflag:s4] =	ssyncset.s32 $0xFFFFF086  }
0x25: {  	[simem:s6], [sflag:s4] =	dma.local [hbm:s3], $0xF7A  }
0x26: {  	[smem:$0x3F9B] =	sst s1;
	(tag) =	ssettag s2;
	_ =	strace s9  }
0x27: {  	s1 =	sld [smem:$0x3FAB]  }
0x28: {  	s2 =	sld [smem:$0x3FAC]  }
0x29: {  	s4 =	sld [smem:$0x3FAE]  }
0x2a: {  	p0 =	seq.s32 s5, $0x0;
	s5 =	sld [smem:$0x3FAF]  }
0x2b: {  	s6 =	sld [smem:$0x3FB0]  }
0x2c: {  	s7 =	sld [smem:$0x3FB1]  }
0x2d: {  	s3 =	simm.s32 $0x108;
	s8 =	sld [smem:$0x3FB2]  }
0x2e: {  	s3 =	simm.s32 @!p0 $0x1082;
	s9 =	sld [smem:$0x3FB3]  }
0x2f: {  	lr =	sadd.s32 s0, s3;
	s0 =	sld [smem:$0x3FAA]  }
0x30: {  	s3 =	sld [smem:$0x3FAD]  }
0x31: {  	[smem:$0x3FB6] =	sst s10  }
0x32: {  	s10 =	sld [smem:$0x3FB4];
	_ =	sdelay $0x3  }
0x33: {  	p0 =	seq.s32 s10, $0x1;
	s10 =	sld [smem:$0x3FB6];
	_ =	sdelay $0x3  }
0x34: {  	[smem:$0x3FB6] =	sst s10  }
0x35: {  	s10 =	sld [smem:$0x3FB5];
	_ =	sdelay $0x3  }
0x36: {  	p1 =	seq.s32 s10, $0x1;
	s10 =	sld [smem:$0x3FB6];
	_ =	sdelay $0x3  }
0x37: {  	[smem:$0x3FB6] =	sst s10  }
0x38: {  	s10 =	sld [smem:$0x3FB7]  }
0x39: {  	_ = 	snop;
	(pc) =	sbr.ind lr, $3  }
0x3a: {  	_ = 	snop  }
0x3b: {  	_ = 	snop  }
0x3c: {  	p2 =	seq.s32 s10, $0x1;
	s10 =	sld [smem:$0x3FB6]  }
0x3d: {  	_ =	shalt  }
0x3e: {  	_ =	shalt  }
0x3f: {  	_ =	shalt  }
0x40: {  	_ =	shalt  }
0x41: {  	_ =	shalt  }
0x42: {  	_ =	shalt  }
0x43: {  	_ =	shalt  }
0x44: {  	_ =	shalt  }
0x45: {  	_ =	shalt  }
0x46: {  	_ =	shalt  }
0x47: {  	_ =	shalt  }
0x48: {  	_ =	shalt  }
0x49: {  	_ =	shalt  }
0x4a: {  	_ =	shalt  }
0x4b: {  	_ =	shalt  }
0x4c: {  	_ =	shalt  }
0x4d: {  	_ =	shalt  }
0x4e: {  	_ =	shalt  }
0x4f: {  	_ =	shalt  }
0x50: {  	_ =	shalt  }
0x51: {  	_ =	shalt  }
0x52: {  	_ =	shalt  }
0x53: {  	_ =	shalt  }
0x54: {  	_ =	shalt  }
0x55: {  	_ =	shalt  }
0x56: {  	_ =	shalt  }
0x57: {  	_ =	shalt  }
0x58: {  	_ =	shalt  }
0x59: {  	_ =	shalt  }
0x5a: {  	_ =	shalt  }
0x5b: {  	_ =	shalt  }
0x5c: {  	_ =	shalt  }
0x5d: {  	_ =	shalt  }
0x5e: {  	_ =	shalt  }
0x5f: {  	_ =	shalt  }
0x60: {  	_ =	shalt  }
0x61: {  	_ =	shalt  }
0x62: {  	_ =	shalt  }
0x63: {  	_ =	shalt  }
0x64: {  	_ =	shalt  }
0x65: {  	_ =	shalt  }
0x66: {  	_ =	shalt  }
0x67: {  	_ =	shalt  }
0x68: {  	_ =	shalt  }
0x69: {  	_ =	shalt  }
0x6a: {  	_ =	shalt  }
0x6b: {  	_ =	shalt  }
0x6c: {  	_ =	shalt  }
0x6d: {  	_ =	shalt  }
0x6e: {  	_ =	shalt  }
0x6f: {  	_ =	shalt  }
0x70: {  	_ =	shalt  }
0x71: {  	_ =	shalt  }
0x72: {  	_ =	shalt  }
0x73: {  	_ =	shalt  }
0x74: {  	_ =	shalt  }
0x75: {  	_ =	shalt  }
0x76: {  	_ =	shalt  }
0x77: {  	_ =	shalt  }
0x78: {  	_ =	shalt  }
0x79: {  	_ =	shalt  }
0x7a: {  	_ =	shalt  }
0x7b: {  	_ =	shalt  }
0x7c: {  	_ =	shalt  }
0x7d: {  	_ =	shalt  }
0x7e: {  	_ =	shalt  }
0x7f: {  	_ =	shalt  }
0x80: {  	_ =	shalt  }
0x81: {  	_ =	shalt  }
0x82: {  	_ =	shalt  }
0x83: {  	_ =	shalt  }
0x84: {  	_ =	shalt  }
0x85: {  	_ =	shalt  }
0x86: {  	_ =	shalt  }
0x87: {  	_ =	shalt  }
.Lfunc_end0:
.L_simem_size_0:
called_computation.1_lowered:
.L_overlay_start_0:
0x88: {  	s2 =	sld [smem:$0x3FD9]  }
0x89: {  	s3 =	sld [smem:$0x3FFE];
	_ =	sdelay $0x1  }
0x8a: {  	s1 =	srdreg.scid  }
0x8b: {  	s0 =	sand.u32 $0x1, s1  }
0x8c: {  	s16 =	sshll.u32 s0, $0xA;
	s2 =	sadd.s32 s3, s2  }
0x8d: {  	s2 =	sadd.s32 s2, s16  }
0x8e: {  	[smem:$0x3FC2] =	sst s2  }
0x8f: {  	_ = 	snop  }
0x90: {  	(tm) =	ssettm $0x1  }
0x91: {  	s17 =	sld [smem:$0x3FFB];
	_ =	sdelay $0x3  }
0x92: {  	_ =	strace s17  }
0x93: {  	s2 =	sld [smem:$0x3FFC];
	_ =	sdelay $0x3  }
0x94: {  	_ =	strace s2  }
0x95: {  	s2 =	sld [smem:$0x3FFD];
	_ =	sdelay $0x3  }
0x96: {  	_ =	strace s2  }
0x97: {  	_ =	strace $0x8FFFFFFF  }
0x98: {  	s18 =	sld [smem:$0x3FDB];
	_ =	sdelay $0x1  }
0x99: {  	s19 =	simm.s32 $_scs_section_size  }
0x9a: {  	s4 =	simm.s32 $_size__tile_overlayer_lowered;
	s5 =	simm.s32 $_tile_overlayer_lowered  }
0x9b: {  	s22 =	simm.s32 $0x1BFF;
	s21 =	sshll.u32 s5, $0x1;
	s2 =	sadd.s32 s19, s18  }
0x9c: {  	s6 =	simm.s32 $0x0;
	s20 =	sshll.u32 s4, $0x1;
	s4 =	sadd.s32 s21, s2  }
0x9d: {  	[timem:s6], [sflag:s22] =	dma.local [hbm:s4], s20  }
0x9e: {  	_ =	swait.ge [sflag:s22], s20  }
0x9f: {  	s3 =	ssub.s32 $0x0, s20;
	[sflag:s22] =	ssyncset.done $0x0  }
0xa0: {  	[sflag:s22] =	ssyncadd.s32 s3;
	_ =	sdelay $0x1  }
0xa1: {  	s23 =	simm.s32 $0x1B8B  }
0xa2: {  	_ =	swait.ge [sflag:s23], $0x1  }
0xa3: {  	[sflag:s23] =	ssyncset.done $0x0  }
0xa4: {  	s25 =	simm.s32 $0x1B8E;
	s24 =	sld [smem:$0x3FFE];
	[sflag:s23] =	ssyncadd.s32 $0xFFFFFFFF  }
0xa5: {  	s26 =	simm.s32 $execute0_lowered;
	[smem:$0x3FD2] =	sst s25  }
0xa6: {  	s4 =	sshll.u32 s26, $0x1;
	_ =	strace $0x80000049;
	[dreg:$0x1] =	wrdreg $0xFFFFFFFF  }
0xa7: {  	s28 =	simm.s32 $_size_execute0_lowered;
	s2 =	sadd.s32 s2, s4;
	[dreg:$0x0] =	wrdreg $0x0  }
0xa8: {  	s4 =	sshll.u32 s28, $0x1;
	[dreg:$0x2] =	wrdreg s2  }
0xa9: {  	[dreg:$0x3] =	wrdreg s4  }
0xaa: {  	[dreg:$0x4] =	wrdreg $0xC0  }
0xab: {  	_ =	task [dreg:s6], $0x5FFFF  }
0xac: {  	[dreg:$0x1] =	wrdreg $0xFFFFFFFF  }
0xad: {  	[dreg:$0x0] =	wrdreg $0x60  }
0xae: {  	[dreg:$0x2] =	wrdreg s24  }
0xaf: {  	[dreg:$0x3] =	wrdreg $0xA4000  }
0xb0: {  	[dreg:$0x4] =	wrdreg $0x9  }
0xb1: {  	_ =	task.clear_ibuf [dreg:s6], $0x5FFFF;
	_ =	strace $0x90000049  }
0xb2: {  	s29 =	simm.s32 $0x9;
	_ =	strace $0x8000004B  }
0xb3: {  	_ =	swait.ge [sflag:s29], $0x1  }
0xb4: {  	[sflag:s29] =	ssyncadd.s32 $0xFFFFFFFF  }
0xb5: {  	_ =	strace $0x9000004B  }
0xb6: {  	_ =	sfence  }
0xb7: {  	s30 =	sld [smem:$0x0];
	_ =	sdelay $0x2  }
0xb8: {  	s31 =	sshll.u32 s1, $0xD;
	s1 =	sshrl.u32 s1, $0x2  }
0xb9: {  	s3 =	sand.u32 $0x4000, s31;
	s1 =	sadd.s32 s1, s30  }
0xba: {  	s0 =	sor.u32 s3, s0;
	s1 =	sshll.u32 s1, $0x11  }
0xbb: {  	s0 =	sor.u32 s1, s0  }
0xbc: {  	s0 =	sadd.s32 $0x8F2B, s0  }
0xbd: {  	[sflag:s0] =	ssyncadd.remote.s32 $0x1  }
0xbe: {  	_ =	sfence.sel $0xFFFF  }
0xbf: {  	[dreg:$0x0] =	wrdreg $0xFFFFFFFF;
	(pc) =	sbr.abs _section_cstart, $3  }
0xc0: {  	[dreg:$0x1] =	wrdreg $0xFFFFFFFF  }
0xc1: {  	_ =	task.clear_ibuf [dreg:s6], $0x2FFFF;
	_ =	strace $0x9FFFFFFF  }
0xc2: {  	(tm) =	ssettm $0x7FFFFFFF  }
0xc3: {  	_ =	shalt  }
tec
execute0_lowered:
.L_overlay_start_1:
0x0: {  	(tag) =	ssettag $0x1  }
0x1: {  	s1 =	srdreg.scid;
	s5 =	rddreg [dreg:$0x0]  }
0x2: {  	s0 =	stileid.u32;
	s2 =	rddreg [dreg:$0x1];
	s3 =	simm.s32 $0x0  }
0x3: {  	s13 =	simm.s32 $0x2C00;
	s14 =	simm.s32 $0x80;
	s15 =	simm.s32 $0x5800  }
0x4: {  	s16 =	simm.s32 $0x1;
	s17 =	simm.s32 $0x9C00;
	s18 =	simm.s32 $0xA000  }
0x5: {  	s19 =	simm.s32 $0x0;
	s6 =	sand.u32 $0x1, s1;
	s9 =	smul.u32 $0x4F000, s0  }
0x6: {  	s28 =	sshll.u32 s0, $0x1;
	s1 =	rddreg [dreg:$0x2];
	s10 =	smul.u32 $0x278, s0  }
0x7: {  	[smem:$0x7FF] =	sst s3;
	s31 =	smul.u32 $0x2780, s0;
	s4 =	sor.u32 s6, s28  }
0x8: {  	_ =	strace $0x8000004A;
	s8 =	smul.u32 $0x27100, s6;
	s6 =	ssub.s32 $0x2, s6  }
0x9: {  	s4 =	smul.u32 $0x580, s4;
	s29 =	sshrl.u32 s6, $0x1;
	s30 =	sshrl.u32 s9, $0x2  }
0xa: {  	s10 =	ssub.s32 $0x2710, s10;
	s8 =	sadd.s32 s8, s5;
	s11 =	ssub.s32 s6, s29  }
0xb: {  	s10 =	smin.u32 s10, $0x278;
	s7 =	sadd.s32 s4, s5;
	s4 =	sadd.s32 $0x1C00, s5  }
0xc: {  	s5 =	sadd.s32 s30, s2;
	s12 =	sadd.s32 s31, s8;
	s8 =	sshrl.u32 s10, $0x3  }
0xd: {  	s9 =	smax.u32 s11, $0x1;
	s11 =	simm.s32 $0x9800;
	s6 =	sadd.s32 $0x65C00, s7  }
0xe: {  	v0 =	vimm.f32 $0.0e+00;
	s7 =	sadd.s32 $0x5AC00, s7;
	s10 =	sadd.s32 $0x70C00, s12;
	s12 =	simm.s32 $0x2  }
.LBB2_1:
0xf: {  	[tilespmem:$0x9800] =	vst v0  }
0x10: {  	[tilespmem:$0x9810] =	vst v0  }
0x11: {  	[tilespmem:$0x9820] =	vst v0  }
0x12: {  	[tilespmem:$0x9830] =	vst v0  }
0x13: {  	[tilespmem:$0x9840] =	vst v0  }
0x14: {  	[tilespmem:$0x9850] =	vst v0  }
0x15: {  	[tilespmem:$0x9860] =	vst v0  }
0x16: {  	[tilespmem:$0x9870] =	vst v0  }
0x17: {  	[tilespmem:$0x9880] =	vst v0  }
0x18: {  	[tilespmem:$0x9890] =	vst v0  }
0x19: {  	[tilespmem:$0x98A0] =	vst v0  }
0x1a: {  	[tilespmem:$0x98B0] =	vst v0  }
0x1b: {  	[tilespmem:$0x98C0] =	vst v0  }
0x1c: {  	[tilespmem:$0x98D0] =	vst v0  }
0x1d: {  	[tilespmem:$0x98E0] =	vst v0  }
0x1e: {  	[tilespmem:$0x98F0] =	vst v0  }
0x1f: {  	[tilespmem:$0x9900] =	vst v0  }
0x20: {  	[tilespmem:$0x9910] =	vst v0  }
0x21: {  	[tilespmem:$0x9920] =	vst v0  }
0x22: {  	[tilespmem:$0x9930] =	vst v0  }
0x23: {  	[tilespmem:$0x9940] =	vst v0  }
0x24: {  	[tilespmem:$0x9950] =	vst v0  }
0x25: {  	[tilespmem:$0x9960] =	vst v0  }
0x26: {  	[tilespmem:$0x9970] =	vst v0  }
0x27: {  	[tilespmem:$0x9980] =	vst v0  }
0x28: {  	[tilespmem:$0x9990] =	vst v0  }
0x29: {  	[tilespmem:$0x99A0] =	vst v0  }
0x2a: {  	[tilespmem:$0x99B0] =	vst v0  }
0x2b: {  	[tilespmem:$0x99C0] =	vst v0  }
0x2c: {  	[tilespmem:$0x99D0] =	vst v0  }
0x2d: {  	[tilespmem:$0x99E0] =	vst v0  }
0x2e: {  	[tilespmem:$0x99F0] =	vst v0  }
0x2f: {  	[tilespmem:$0x9A00] =	vst v0  }
0x30: {  	[tilespmem:$0x9A10] =	vst v0  }
0x31: {  	[tilespmem:$0x9A20] =	vst v0  }
0x32: {  	[tilespmem:$0x9A30] =	vst v0  }
0x33: {  	[tilespmem:$0x9A40] =	vst v0  }
0x34: {  	[tilespmem:$0x9A50] =	vst v0  }
0x35: {  	[tilespmem:$0x9A60] =	vst v0  }
0x36: {  	[tilespmem:$0x9A70] =	vst v0  }
0x37: {  	[tilespmem:$0x9A80] =	vst v0  }
0x38: {  	[tilespmem:$0x9A90] =	vst v0  }
0x39: {  	[tilespmem:$0x9AA0] =	vst v0  }
0x3a: {  	[tilespmem:$0x9AB0] =	vst v0  }
0x3b: {  	[tilespmem:$0x9AC0] =	vst v0  }
0x3c: {  	[tilespmem:$0x9AD0] =	vst v0  }
0x3d: {  	[tilespmem:$0x9AE0] =	vst v0  }
0x3e: {  	[tilespmem:$0x9AF0] =	vst v0  }
0x3f: {  	[tilespmem:$0x9B00] =	vst v0  }
0x40: {  	[tilespmem:$0x9B10] =	vst v0  }
0x41: {  	[tilespmem:$0x9B20] =	vst v0  }
0x42: {  	[tilespmem:$0x9B30] =	vst v0  }
0x43: {  	[tilespmem:$0x9B40] =	vst v0  }
0x44: {  	[tilespmem:$0x9B50] =	vst v0  }
0x45: {  	[tilespmem:$0x9B60] =	vst v0  }
0x46: {  	[tilespmem:$0x9B70] =	vst v0  }
0x47: {  	[tilespmem:$0x9B80] =	vst v0  }
0x48: {  	[tilespmem:$0x9B90] =	vst v0  }
0x49: {  	[tilespmem:$0x9BA0] =	vst v0  }
0x4a: {  	[tilespmem:$0x9BB0] =	vst v0  }
0x4b: {  	[tilespmem:$0x9BC0] =	vst v0  }
0x4c: {  	[tilespmem:$0x9BD0] =	vst v0  }
0x4d: {  	[tilespmem:$0x9BE0] =	vst v0  }
0x4e: {  	[tilespmem:$0x9BF0] =	vst v0;
	s20 =	sadd.s32 $0x0, s5  }
0x4f: {  	[spmem:s20] =	stream.linear.scatter [tilespmem:s11], [sflag:$0x2], $0x400, $0x38;
	[tilespmem:$0x1E000] =	vst v63  }
0x50: {  	s20 =	simm.s32 $0x1000;
	_ =	swait.ge [sflag:s12], $0x400  }
.LBB2_2:
0x51: {  	s21 =	sshra.s32 s20, $0x2;
	[sflag:s12] =	ssyncset.done $0x0;
	p0 =	sne.s32 s20, $0x4E000  }
.Ltmp0:
0x52: {  	s21 =	sadd.s32 s21, s5;
	[sflag:s12] =	ssyncadd.s32 $0xFFFFFC00;
	(pc) =	sbr.rel @p0 .LBB2_2-.Ltmp0, $3  }
0x53: {  	[spmem:s21] =	stream.linear.scatter [tilespmem:s11], [sflag:$0x2], $0x400, $0x38;
	[tilespmem:$0x1E000] =	vst v63  }
0x54: {  	s20 =	sadd.s32 $0x1000, s20;
	_ =	sdelay $0x1  }
0x55: {  	_ =	swait.ge [sflag:s12], $0x400  }
0x56: {  	[sflag:s12] =	ssyncset.done $0x0  }
0x57: {  	s20 =	simm.s32 $0x0;
	[sflag:s12] =	ssyncadd.s32 $0xFFFFFC00  }
0x58: {  	[tilespmem:s20], [sflag:$0x2] =	stream.linear.gather [hbm4b:s6+s20], $0x2880, $0x38;
	[tilespmem:$0x1E000] =	vst v63  }
0x59: {  	_ =	swait.ge [sflag:s12], $0x2880  }
0x5a: {  	[sflag:s12] =	ssyncset.done $0x0  }
0x5b: {  	[sflag:s12] =	ssyncadd.s32 $0xFFFFD780  }
0x5c: {  	[tilespmem:s13], [sflag:$0x2] =	stream.linear.gather [hbm4b:s7+s20], $0x2880, $0x38;
	[tilespmem:$0x1E000] =	vst v63  }
0x5d: {  	_ =	swait.ge [sflag:s12], $0x2880  }
0x5e: {  	[sflag:s12] =	ssyncset.done $0x0  }
0x5f: {  	[sflag:s12] =	ssyncadd.s32 $0xFFFFD780  }
0x60: {  	[bflag:$0x0] =	sbarrier.arrive $0xFFFF  }
0x61: {  	_ =	sdelay $0x7ff  }
0x62: {  	_ =	sdelay $0x7ff  }
0x63: {  	_ =	sdelay $0x5ad  }
0x64: {  	s30 =	simm.s32 $0x0;
	[bflag:$0x0] =	sbarrier.arrive $0xFFFF  }
0x65: {  	[tilespmem:s15], [sflag:$0x1] =	stream.indirect.gather [hbm4b:s4+s14], $0x80, s30, s14, $0xb8;
	[tilespmem:$0x1E000] =	vst v63  }
0x66: {  	_ =	swait.ge [sflag:s16], $0x4000  }
0x67: {  	[sflag:s16] =	ssyncset.done $0x0  }
0x68: {  	s31 =	simm.s32 $0x2C00;
	[sflag:s16] =	ssyncadd.s32 $0xFFFFC000  }
0x69: {  	[spmem:s2] =	stream.indirect.scatter.add.f32 [tilespmem:s15], [sflag:$0x2], $0x80, s31, s14, $0xb8;
	[tilespmem:$0x1E000] =	vst v63  }
0x6a: {  	_ =	swait.ge [sflag:s12], $0x4000  }
0x6b: {  	s21 =	simm.s32 $0x400;
	s20 =	simm.s32 $0x200;
	[sflag:s12] =	ssyncset.done $0x0  }
.LBB2_4:
0x6c: {  	s22 =	sshra.s32 s20, $0x2  }
0x6d: {  	[sflag:s12] =	ssyncadd.s32 $0xFFFFC000;
	s20 =	smov.u32 s21;
	s23 =	sadd.s32 $0x200, s21  }
0x6e: {  	[tilespmem:s15], [sflag:$0x1] =	stream.indirect.gather [hbm4b:s4+s14], $0x80, s22, s14, $0xb8;
	[tilespmem:$0x1E000] =	vst v63  }
0x6f: {  	p0 =	sne.s32 s21, $0xA000;
	_ =	swait.ge [sflag:s16], $0x4000  }
.Ltmp1:
0x70: {  	[sflag:s16] =	ssyncset.done $0x0;
	(pc) =	sbr.rel @p0 .LBB2_4-.Ltmp1, $4  }
0x71: {  	s21 =	sadd.s32 $0x2C00, s22;
	[sflag:s16] =	ssyncadd.s32 $0xFFFFC000  }
0x72: {  	[spmem:s2] =	stream.indirect.scatter.add.f32 [tilespmem:s15], [sflag:$0x2], $0x80, s21, s14, $0xb8;
	[tilespmem:$0x1E000] =	vst v63  }
0x73: {  	_ =	swait.ge [sflag:s12], $0x4000  }
0x74: {  	s21 =	smov.u32 s23;
	[sflag:s12] =	ssyncset.done $0x0  }
0x75: {  	s20 =	sshra.s32 s20, $0x2;
	[sflag:s12] =	ssyncadd.s32 $0xFFFFC000  }
0x76: {  	[tilespmem:s15], [sflag:$0x1] =	stream.indirect.gather [hbm4b:s4+s14], $0x80, s20, s14, $0xb8;
	[tilespmem:$0x1E000] =	vst v63  }
0x77: {  	_ =	swait.ge [sflag:s16], $0x4000  }
0x78: {  	[sflag:s16] =	ssyncset.done $0x0  }
0x79: {  	s20 =	sadd.s32 $0x2C00, s20;
	[sflag:s16] =	ssyncadd.s32 $0xFFFFC000  }
0x7a: {  	[spmem:s2] =	stream.indirect.scatter.add.f32 [tilespmem:s15], [sflag:$0x2], $0x80, s20, s14, $0xb8;
	[tilespmem:$0x1E000] =	vst v63  }
0x7b: {  	_ =	swait.ge [sflag:s12], $0x4000  }
0x7c: {  	[sflag:s12] =	ssyncset.done $0x0  }
0x7d: {  	[sflag:s12] =	ssyncadd.s32 $0xFFFFC000  }
0x7e: {  	[bflag:$0x0] =	sbarrier.arrive $0xFFFF  }
0x7f: {  	_ =	sdelay $0x7ff  }
0x80: {  	_ =	sdelay $0x7ff  }
0x81: {  	s21 =	smov.u32 s10;
	_ =	sdelay $0x5ad  }
0x82: {  	s22 =	smov.u32 s8;
	s20 =	smov.u32 s5;
	[bflag:$0x0] =	sbarrier.arrive $0xFFFF  }
.LBB2_6:
0x83: {  	[tilespmem:s17], [sflag:$0x2] =	stream.linear.gather [spmem:s20], $0x400, $0x38;
	[tilespmem:$0x1E000] =	vst v63  }
0x84: {  	_ =	swait.ge [sflag:s12], $0x400  }
0x85: {  	[sflag:s12] =	ssyncset.done $0x0  }
0x86: {  	[sflag:s12] =	ssyncadd.s32 $0xFFFFFC00  }
0x87: {  	v1 =	vld [tilespmem:$0x9C00]  }
0x88: {  	v2 =	vld [tilespmem:$0x9C10]  }
0x89: {  	v3 =	vld [tilespmem:$0x9C20]  }
0x8a: {  	v4 =	vld [tilespmem:$0x9C30]  }
0x8b: {  	v6 =	vld [tilespmem:$0x9C50]  }
0x8c: {  	v7 =	vld [tilespmem:$0x9C60]  }
0x8d: {  	v8 =	vld [tilespmem:$0x9C70]  }
0x8e: {  	v9 =	vld [tilespmem:$0x9C80]  }
0x8f: {  	v10 =	vld [tilespmem:$0x9C90]  }
0x90: {  	v11 =	vld [tilespmem:$0x9CA0]  }
0x91: {  	v12 =	vld [tilespmem:$0x9CB0]  }
0x92: {  	v13 =	vld [tilespmem:$0x9CC0]  }
0x93: {  	v14 =	vld [tilespmem:$0x9CD0]  }
0x94: {  	v15 =	vld [tilespmem:$0x9CE0]  }
0x95: {  	v16 =	vld [tilespmem:$0x9CF0]  }
0x96: {  	v17 =	vld [tilespmem:$0x9D00]  }
0x97: {  	v18 =	vld [tilespmem:$0x9D10]  }
0x98: {  	v19 =	vld [tilespmem:$0x9D20]  }
0x99: {  	v37 =	vld [tilespmem:$0x9D40]  }
0x9a: {  	v20 =	vld [tilespmem:$0x9D50]  }
0x9b: {  	v40 =	vld [tilespmem:$0x9D60]  }
0x9c: {  	v21 =	vld [tilespmem:$0x9D70]  }
0x9d: {  	v46 =	vld [tilespmem:$0x9D90]  }
0x9e: {  	v22 =	vld [tilespmem:$0x9DA0]  }
0x9f: {  	v49 =	vld [tilespmem:$0x9DB0];
	v1 =	vadd.s32 $0x8000, v1;
	v2 =	vadd.s32 $0x8000, v2;
	v3 =	vadd.s32 $0x8000, v3  }
0xa0: {  	v23 =	vld [tilespmem:$0x9DC0];
	v4 =	vadd.s32 $0x8000, v4;
	v36 =	vadd.s32 $0x8000, v6;
	v7 =	vadd.s32 $0x8000, v7  }
0xa1: {  	v52 =	vld [tilespmem:$0x9DD0];
	v39 =	vadd.s32 $0x8000, v8;
	v9 =	vadd.s32 $0x8000, v9;
	v10 =	vadd.s32 $0x8000, v10  }
0xa2: {  	v55 =	vld [tilespmem:$0x9DE0];
	v44 =	vadd.s32 $0x8000, v11;
	v45 =	vadd.s32 $0x8000, v12;
	v13 =	vadd.s32 $0x8000, v13  }
0xa3: {  	v27 =	vld [tilespmem:$0x9E60];
	v48 =	vadd.s32 $0x8000, v14;
	v15 =	vadd.s32 $0x8000, v15;
	v16 =	vadd.s32 $0x8000, v16  }
0xa4: {  	v53 =	vadd.s32 $0x8000, v17;
	v54 =	vadd.s32 $0x8000, v18;
	v19 =	vadd.s32 $0x8000, v19  }
0xa5: {  	v6 =	vadd.s32 $0x8000, v37;
	v20 =	vadd.s32 $0x8000, v20;
	v8 =	vadd.s32 $0x8000, v40  }
0xa6: {  	v60 =	vadd.s32 $0x8000, v21;
	v12 =	vadd.s32 $0x8000, v46;
	v22 =	vadd.s32 $0x8000, v22  }
0xa7: {  	v43 =	vld [tilespmem:$0x9D80];
	v14 =	vadd.s32 $0x8000, v49;
	v29 =	vadd.s32 $0x8000, v23;
	v30 =	vadd.s32 $0x8000, v52  }
0xa8: {  	v25 =	vld [tilespmem:$0x9E10];
	v33 =	vadd.s32 $0x8000, v55;
	v52 =	vadd.s32 $0x8000, v27;
	v1 =	vshrl.u32 v1, $0x10  }
0xa9: {  	v59 =	vld [tilespmem:$0x9E20];
	v2 =	vand.u32 $0xFFFF0000, v2;
	v38 =	vshrl.u32 v7, $0x10;
	v7 =	vand.u32 $0xFFFF0000, v39  }
0xaa: {  	v61 =	vld [tilespmem:$0x9E30];
	v41 =	vshrl.u32 v9, $0x10;
	v42 =	vand.u32 $0xFFFF0000, v10;
	v9 =	vshrl.u32 v44, $0x10  }
0xab: {  	v28 =	vld [tilespmem:$0x9E70];
	v11 =	vand.u32 $0xFFFF0000, v45;
	v47 =	vshrl.u32 v13, $0x10;
	v13 =	vand.u32 $0xFFFF0000, v48  }
0xac: {  	v34 =	vld [tilespmem:$0x9E90];
	v50 =	vshrl.u32 v15, $0x10;
	v51 =	vand.u32 $0xFFFF0000, v16;
	v15 =	vshrl.u32 v53, $0x10  }
0xad: {  	v35 =	vld [tilespmem:$0x9D30];
	v17 =	vand.u32 $0xFFFF0000, v54;
	v56 =	vshrl.u32 v19, $0x10;
	v6 =	vshrl.u32 v6, $0x10  }
0xae: {  	v24 =	vld [tilespmem:$0x9DF0];
	v58 =	vand.u32 $0xFFFF0000, v20;
	v8 =	vshrl.u32 v8, $0x10;
	v10 =	vadd.s32 $0x8000, v43  }
0xaf: {  	v26 =	vld [tilespmem:$0x9E40];
	v12 =	vand.u32 $0xFFFF0000, v12;
	v63 =	vshrl.u32 v22, $0x10;
	v14 =	vand.u32 $0xFFFF0000, v14  }
0xb0: {  	v62 =	vld [tilespmem:$0x9E50];
	v32 =	vand.u32 $0xFFFF0000, v30;
	v39 =	vadd.s32 $0x8000, v25;
	v44 =	vadd.s32 $0x8000, v59  }
0xb1: {  	v31 =	vld [tilespmem:$0x9E80];
	v45 =	vadd.s32 $0x8000, v61;
	v53 =	vadd.s32 $0x8000, v28;
	v61 =	vadd.s32 $0x8000, v34  }
0xb2: {  	v5 =	vld [tilespmem:$0x9C40];
	v1 =	vor.u32 v1, v2;
	v2 =	vshrl.u32 v3, $0x10;
	v3 =	vand.u32 $0xFFFF0000, v4  }
0xb3: {  	v9 =	vor.u32 v9, v11;
	v11 =	vor.u32 v47, v13;
	v13 =	vor.u32 v50, v51  }
0xb4: {  	v15 =	vor.u32 v15, v17;
	v4 =	vadd.s32 $0x8000, v35;
	v6 =	vor.u32 v6, v58  }
0xb5: {  	v17 =	vand.u32 $0xFFFF0000, v60;
	v10 =	vshrl.u32 v10, $0x10;
	v35 =	vadd.s32 $0x8000, v24  }
0xb6: {  	v57 =	vld [tilespmem:$0x9E00];
	v47 =	vadd.s32 $0x8000, v26;
	v50 =	vadd.s32 $0x8000, v62;
	v60 =	vadd.s32 $0x8000, v31;
	[tilespmem:$0xA000] =	vst v1  }
0xb7: {  	v40 =	vld [tilespmem:$0x9EB0];
	v2 =	vor.u32 v2, v3;
	v3 =	vadd.s32 $0x8000, v5;
	v5 =	vand.u32 $0xFFFF0000, v36;
	[tilespmem:$0xA090] =	vst v9  }
0xb8: {  	v46 =	vld [tilespmem:$0x9ED0];
	v4 =	vand.u32 $0xFFFF0000, v4;
	v8 =	vor.u32 v8, v17;
	v10 =	vor.u32 v10, v12;
	[tilespmem:$0xA0A0] =	vst v11  }
0xb9: {  	v43 =	vld [tilespmem:$0x9EC0];
	v1 =	vor.u32 v63, v14;
	v37 =	vand.u32 $0xFFFF0000, v35;
	v9 =	vand.u32 $0xFFFF0000, v45;
	[tilespmem:$0xA0B0] =	vst v13  }
0xba: {  	v48 =	vld [tilespmem:$0x9EE0];
	v49 =	vshrl.u32 v47, $0x10;
	[tilespmem:$0xA100] =	vst v15;
	v11 =	vand.u32 $0xFFFF0000, v50;
	v63 =	vshrl.u32 v60, $0x10  }
0xbb: {  	v54 =	vld [tilespmem:$0x9F00];
	[tilespmem:$0xA120] =	vst v6;
	v17 =	vand.u32 $0xFFFF0000, v61;
	v3 =	vshrl.u32 v3, $0x10;
	v4 =	vor.u32 v56, v4  }
0xbc: {  	v22 =	vld [tilespmem:$0x9F30];
	[tilespmem:$0xA010] =	vst v2;
	v2 =	vshrl.u32 v29, $0x10;
	v55 =	vor.u32 v49, v11;
	v56 =	vshrl.u32 v52, $0x10  }
0xbd: {  	v51 =	vld [tilespmem:$0x9EF0];
	[tilespmem:$0xA130] =	vst v8;
	v8 =	vor.u32 v63, v17;
	v3 =	vor.u32 v3, v5;
	v5 =	vor.u32 v38, v7  }
0xbe: {  	v58 =	vld [tilespmem:$0x9F10];
	[tilespmem:$0xA180] =	vst v10;
	v7 =	vor.u32 v41, v42;
	v2 =	vor.u32 v2, v32;
	v38 =	vadd.s32 $0x8000, v57  }
0xbf: {  	v62 =	vld [tilespmem:$0x9F20];
	[tilespmem:$0xA190] =	vst v1;
	v42 =	vand.u32 $0xFFFF0000, v39;
	v57 =	vand.u32 $0xFFFF0000, v53;
	v25 =	vadd.s32 $0x8000, v40  }
0xc0: {  	v26 =	vld [tilespmem:$0x9F40];
	v28 =	vadd.s32 $0x8000, v46;
	[tilespmem:$0xA020] =	vst v3;
	v3 =	vshrl.u32 v33, $0x10;
	v41 =	vshrl.u32 v38, $0x10  }
0xc1: {  	v31 =	vld [tilespmem:$0x9F60];
	[tilespmem:$0xA080] =	vst v7;
	v7 =	vshrl.u32 v44, $0x10;
	v59 =	vor.u32 v56, v57;
	v1 =	vand.u32 $0xFFFF0000, v25  }
0xc2: {  	v36 =	vld [tilespmem:$0x9EA0];
	[tilespmem:$0xA110] =	vst v4;
	v27 =	vadd.s32 $0x8000, v43;
	v30 =	vand.u32 $0xFFFF0000, v28;
	v35 =	vadd.s32 $0x8000, v54  }
0xc3: {  	v45 =	vld [tilespmem:$0x9FB0];
	[tilespmem:$0xA030] =	vst v5;
	v14 =	vadd.s32 $0x8000, v22;
	v3 =	vor.u32 v3, v37;
	v5 =	vor.u32 v41, v42  }
0xc4: {  	v29 =	vld [tilespmem:$0x9F50];
	[tilespmem:$0xA1A0] =	vst v2;
	v7 =	vor.u32 v7, v9;
	v2 =	vshrl.u32 v27, $0x10;
	v32 =	vadd.s32 $0x8000, v51  }
0xc5: {  	v39 =	vld [tilespmem:$0x9F90];
	[tilespmem:$0xA220] =	vst v55;
	v37 =	vshrl.u32 v35, $0x10;
	v38 =	vadd.s32 $0x8000, v58;
	v41 =	vadd.s32 $0x8000, v62  }
0xc6: {  	[tilespmem:$0xA280] =	vst v8;
	v53 =	vld [tilespmem:$0x9FE0];
	v44 =	vand.u32 $0xFFFF0000, v14;
	v46 =	vadd.s32 $0x8000, v26;
	v50 =	vadd.s32 $0x8000, v31  }
0xc7: {  	v55 =	vld [tilespmem:$0x9FF0];
	v18 =	vadd.s32 $0x8000, v36;
	[tilespmem:$0xA1B0] =	vst v3;
	v2 =	vor.u32 v2, v30;
	v3 =	vadd.s32 $0x8000, v48  }
0xc8: {  	v33 =	vld [tilespmem:$0x9F70];
	[tilespmem:$0xA230] =	vst v59;
	v34 =	vand.u32 $0xFFFF0000, v32;
	v40 =	vand.u32 $0xFFFF0000, v38;
	v43 =	vshrl.u32 v41, $0x10  }
0xc9: {  	v42 =	vld [tilespmem:$0x9FA0];
	[tilespmem:$0xA200] =	vst v5;
	v58 =	vadd.s32 $0x8000, v45;
	v24 =	vshrl.u32 v18, $0x10;
	v3 =	vshrl.u32 v3, $0x10  }
0xca: {  	v36 =	vld [tilespmem:$0x9F80];
	[tilespmem:$0xA210] =	vst v7;
	v4 =	vor.u32 v37, v40;
	v5 =	vor.u32 v43, v44;
	v47 =	vadd.s32 $0x8000, v29  }
0xcb: {  	v51 =	vld [tilespmem:$0x9FD0];
	[tilespmem:$0xA2A0] =	vst v2;
	v2 =	vshrl.u32 v50, $0x10;
	v59 =	vand.u32 $0xFFFF0000, v58;
	v1 =	vor.u32 v24, v1  }
0xcc: {  	v48 =	vld [tilespmem:$0x9FC0];
	v3 =	vor.u32 v3, v34;
	v49 =	vand.u32 $0xFFFF0000, v47;
	v9 =	vadd.s32 $0x8000, v39;
	[tilespmem:$0xA300] =	vst v4  }
0xcd: {  	v62 =	vadd.s32 $0x8000, v53;
	v63 =	vadd.s32 $0x8000, v55;
	[tilespmem:$0xA290] =	vst v1;
	v1 =	vshrl.u32 v46, $0x10  }
0xce: {  	[tilespmem:$0xA310] =	vst v5;
	v52 =	vadd.s32 $0x8000, v33;
	v56 =	vand.u32 $0xFFFF0000, v9;
	v1 =	vor.u32 v1, v49  }
0xcf: {  	[tilespmem:$0xA2B0] =	vst v3;
	v3 =	vand.u32 $0xFFFF0000, v52;
	v57 =	vadd.s32 $0x8000, v42;
	v54 =	vadd.s32 $0x8000, v36  }
0xd0: {  	v61 =	vadd.s32 $0x8000, v51;
	v2 =	vor.u32 v2, v3;
	[tilespmem:$0xA320] =	vst v1;
	v3 =	vshrl.u32 v54, $0x10  }
0xd1: {  	v1 =	vshrl.u32 v57, $0x10;
	v60 =	vadd.s32 $0x8000, v48;
	[tilespmem:$0xA330] =	vst v2;
	v3 =	vor.u32 v3, v56  }
0xd2: {  	v1 =	vor.u32 v1, v59;
	v2 =	vshrl.u32 v60, $0x10;
	[tilespmem:$0xA380] =	vst v3;
	v3 =	vand.u32 $0xFFFF0000, v61  }
0xd3: {  	[tilespmem:$0xA390] =	vst v1;
	v1 =	vor.u32 v2, v3;
	v2 =	vshrl.u32 v62, $0x10;
	v3 =	vand.u32 $0xFFFF0000, v63  }
0xd4: {  	p0 =	sne.s32 s22, $0x1;
	[tilespmem:$0xA3A0] =	vst v1;
	v1 =	vor.u32 v2, v3  }
.Ltmp2:
0xd5: {  	[tilespmem:$0xA3B0] =	vst v1;
	(pc) =	sbr.rel @p0 .LBB2_6-.Ltmp2, $4  }
0xd6: {  	[hbm4b:s21+s3] =	stream.linear.scatter [tilespmem:s18], [sflag:$0x2], $0x400, $0x38;
	[tilespmem:$0x1E000] =	vst v63  }
0xd7: {  	_ =	swait.ge [sflag:s12], $0x400  }
0xd8: {  	s20 =	sadd.s32 $0x400, s20;
	[sflag:s12] =	ssyncset.done $0x0  }
0xd9: {  	s22 =	sadd.s32 $0xFFFFFFFF, s22;
	s21 =	sadd.s32 $0x80, s21;
	[sflag:s12] =	ssyncadd.s32 $0xFFFFFC00  }
0xda: {  	s19 =	sadd.s32 $0x1, s19  }
0xdb: {  	p0 =	sne.s32 s19, s9  }
.Ltmp3:
0xdc: {  	_ = 	snop;
	(pc) =	sbr.rel @p0 .LBB2_1-.Ltmp3, $1  }
0xdd: {  	_ =	sdelay $0x3  }
0xde: {  	_ =	sfence.sel $0x180000  }
0xdf: {  	[bflag:$0x0] =	sbarrier.arrive $0xFFFF  }
0xe0: {  	p0 =	sne.s32 s0, $0x0;
	_ =	strace $0x9000004A  }
0xe1: {  	s0 =	sadd.s32 @!p0 $0x100000, s1;
	[bflag:$0x2] =	sbarrier.arrive $0xFFFF  }
0xe2: {  	[sflag:s0] =	ssyncadd.tile.s32 @!p0 $0x1;
	_ =	shalt  }
.Lfunc_end2:
_tile_overlayer_lowered:
.L_overlay_start_2:
0xe3: {  	(tag) =	ssettag $0x2  }
0xe4: {  	s0 =	rddreg [dreg:$0x0];
	s2 =	stileid.u32  }
0xe5: {  	s1 =	rddreg [dreg:$0x1];
	p0 =	sne.s32 s2, $0x0  }
0xe6: {  	s3 =	rddreg [dreg:$0x2];
	[bflag:$0x3] =	sbarrier.arrive $0xFFFF;
	s2 =	simm.s32 @!p0 $0x1C02  }
0xe7: {  	[timem:s3], [sflag:s2] =	dma.local @!p0 [hbm:s0], s1  }
0xe8: {  	s0 =	simm.s32 @!p0 $0x2  }
0xe9: {  	_ =	swait.ge @!p0 [sflag:s0], s1  }
0xea: {  	s1 =	ssub.s32 @!p0 $0x0, s1;
	[sflag:s0] =	ssyncset.done @!p0 $0x0  }
0xeb: {  	[sflag:s0] =	ssyncadd.s32 @!p0 s1  }
0xec: {  	[bflag:$0x3] =	sbarrier.arrive $0xFFFF  }
0xed: {  	_ =	shalt  }

// kernel: kernel.14.cloned.1.call-start
scs
__scs_entry_jumppad:
0x0: {  	(pc) =	sbr.rel $0x88, $3  }
0x1: {  	(tag) =	ssettag $0x0;
	lr =	simm.s32 $0x1  }
0x2: {  	[smem:$0x3F9B] =	sst lr;
	_ =	strace $0xD0000000  }
0x3: {  	_ = 	snop  }
0x4: {  	_ = 	snop  }
0x5: {  	_ = 	snop  }
0x6: {  	_ = 	snop  }
0x7: {  	_ = 	snop  }
__scs_overlays_trampoline_lowered:
0x8: {  	[smem:$0x3FAA] =	sst s0  }
0x9: {  	[smem:$0x3FAB] =	sst s1  }
0xa: {  	[smem:$0x3FAC] =	sst s2  }
0xb: {  	[smem:$0x3FAD] =	sst s3  }
0xc: {  	[smem:$0x3FAE] =	sst s4  }
0xd: {  	[smem:$0x3FAF] =	sst s5  }
0xe: {  	[smem:$0x3FB0] =	sst s6  }
0xf: {  	[smem:$0x3FB1] =	sst s7  }
0x10: {  	[smem:$0x3FB2] =	sst s8  }
0x11: {  	[smem:$0x3FB3] =	sst s9;
	s0 =	simm.s32 @!p0 $0x0  }
0x12: {  	s1 =	sld [smem:$0x3F99];
	s0 =	simm.s32 @p0 $0x1  }
0x13: {  	[smem:$0x3FB4] =	sst s0;
	s0 =	simm.s32 @!p1 $0x0  }
0x14: {  	s2 =	sld [smem:$0x3F98];
	s0 =	simm.s32 @p1 $0x1  }
0x15: {  	[smem:$0x3FB5] =	sst s0;
	s0 =	simm.s32 @!p2 $0x0  }
0x16: {  	s3 =	sld [smem:$0x3FDB];
	s0 =	simm.s32 @p2 $0x1  }
0x17: {  	s4 =	simm.s32 $0x1BF5;
	[smem:$0x3FB7] =	sst s0  }
0x18: {  	s0 =	sld [smem:$0x3F9A];
	_ =	swait.ge [sflag:s4], $0x0  }
0x19: {  	s7 =	sld [smem:$0x3F9B]  }
0x1a: {  	s8 =	sadd.s32 $0xFFFFE003, lr  }
0x1b: {  	s9 =	sadd.s32 $0xFFFFFEF7, lr;
	s5 =	simm.s32 $0xFFFFFFFF;
	p2 =	slt.u32 s8, $0xFFFFF086  }
0x1c: {  	p1 =	slt.u32 s9, $0xF7A;
	s5 =	simm.s32 @!p2 $0x0  }
0x1d: {  	s5 =	simm.s32 @p1 $0x1;
	p0 =	seq.s32 s7, s2  }
0x1e: {  	s7 =	smul.u32 @!p0 $0xF7A, s2;
	p2 =	seq.s32 @!p0 s5, $0x0  }
0x1f: {  	s9 =	smul.u32 $0xF7A, s1;
	s8 =	simm.s32 @!p0 $0x1BF5;
	p2 =	por !p2, p0  }
0x20: {  	[sflag:s8] =	ssyncset.s32 @!p0 $0xFFFFF086;
	s6 =	sadd.s32 @!p0 s3, s7;
	s7 =	simm.s32 @!p0 $0x108  }
0x21: {  	s3 =	sadd.s32 s3, s9;
	s6 =	sadd.s32 @!p0 $0x88, s6;
	s7 =	simm.s32 @p2 $0x1082  }
0x22: {  	[simem:s7], [sflag:s8] =	dma.local @!p0 [hbm:s6], $0xF7A  }
0x23: {  	s9 =	sor.u32 $0xD0000000, s2;
	s6 =	simm.s32 $0x108;
	_ =	swait.ge @!p0 [sflag:s8], $0x0  }
0x24: {  	s3 =	sadd.s32 $0x88, s3;
	s6 =	simm.s32 @!p1 $0x1082;
	[sflag:s4] =	ssyncset.s32 $0xFFFFF086  }
0x25: {  	[simem:s6], [sflag:s4] =	dma.local [hbm:s3], $0xF7A  }
0x26: {  	[smem:$0x3F9B] =	sst s1;
	(tag) =	ssettag s2;
	_ =	strace s9  }
0x27: {  	s1 =	sld [smem:$0x3FAB]  }
0x28: {  	s2 =	sld [smem:$0x3FAC]  }
0x29: {  	s4 =	sld [smem:$0x3FAE]  }
0x2a: {  	p0 =	seq.s32 s5, $0x0;
	s5 =	sld [smem:$0x3FAF]  }
0x2b: {  	s6 =	sld [smem:$0x3FB0]  }
0x2c: {  	s7 =	sld [smem:$0x3FB1]  }
0x2d: {  	s3 =	simm.s32 $0x108;
	s8 =	sld [smem:$0x3FB2]  }
0x2e: {  	s3 =	simm.s32 @!p0 $0x1082;
	s9 =	sld [smem:$0x3FB3]  }
0x2f: {  	lr =	sadd.s32 s0, s3;
	s0 =	sld [smem:$0x3FAA]  }
0x30: {  	s3 =	sld [smem:$0x3FAD]  }
0x31: {  	[smem:$0x3FB6] =	sst s10  }
0x32: {  	s10 =	sld [smem:$0x3FB4];
	_ =	sdelay $0x3  }
0x33: {  	p0 =	seq.s32 s10, $0x1;
	s10 =	sld [smem:$0x3FB6];
	_ =	sdelay $0x3  }
0x34: {  	[smem:$0x3FB6] =	sst s10  }
0x35: {  	s10 =	sld [smem:$0x3FB5];
	_ =	sdelay $0x3  }
0x36: {  	p1 =	seq.s32 s10, $0x1;
	s10 =	sld [smem:$0x3FB6];
	_ =	sdelay $0x3  }
0x37: {  	[smem:$0x3FB6] =	sst s10  }
0x38: {  	s10 =	sld [smem:$0x3FB7]  }
0x39: {  	_ = 	snop;
	(pc) =	sbr.ind lr, $3  }
0x3a: {  	_ = 	snop  }
0x3b: {  	_ = 	snop  }
0x3c: {  	p2 =	seq.s32 s10, $0x1;
	s10 =	sld [smem:$0x3FB6]  }
0x3d: {  	_ =	shalt  }
0x3e: {  	_ =	shalt  }
0x3f: {  	_ =	shalt  }
0x40: {  	_ =	shalt  }
0x41: {  	_ =	shalt  }
0x42: {  	_ =	shalt  }
0x43: {  	_ =	shalt  }
0x44: {  	_ =	shalt  }
0x45: {  	_ =	shalt  }
0x46: {  	_ =	shalt  }
0x47: {  	_ =	shalt  }
0x48: {  	_ =	shalt  }
0x49: {  	_ =	shalt  }
0x4a: {  	_ =	shalt  }
0x4b: {  	_ =	shalt  }
0x4c: {  	_ =	shalt  }
0x4d: {  	_ =	shalt  }
0x4e: {  	_ =	shalt  }
0x4f: {  	_ =	shalt  }
0x50: {  	_ =	shalt  }
0x51: {  	_ =	shalt  }
0x52: {  	_ =	shalt  }
0x53: {  	_ =	shalt  }
0x54: {  	_ =	shalt  }
0x55: {  	_ =	shalt  }
0x56: {  	_ =	shalt  }
0x57: {  	_ =	shalt  }
0x58: {  	_ =	shalt  }
0x59: {  	_ =	shalt  }
0x5a: {  	_ =	shalt  }
0x5b: {  	_ =	shalt  }
0x5c: {  	_ =	shalt  }
0x5d: {  	_ =	shalt  }
0x5e: {  	_ =	shalt  }
0x5f: {  	_ =	shalt  }
0x60: {  	_ =	shalt  }
0x61: {  	_ =	shalt  }
0x62: {  	_ =	shalt  }
0x63: {  	_ =	shalt  }
0x64: {  	_ =	shalt  }
0x65: {  	_ =	shalt  }
0x66: {  	_ =	shalt  }
0x67: {  	_ =	shalt  }
0x68: {  	_ =	shalt  }
0x69: {  	_ =	shalt  }
0x6a: {  	_ =	shalt  }
0x6b: {  	_ =	shalt  }
0x6c: {  	_ =	shalt  }
0x6d: {  	_ =	shalt  }
0x6e: {  	_ =	shalt  }
0x6f: {  	_ =	shalt  }
0x70: {  	_ =	shalt  }
0x71: {  	_ =	shalt  }
0x72: {  	_ =	shalt  }
0x73: {  	_ =	shalt  }
0x74: {  	_ =	shalt  }
0x75: {  	_ =	shalt  }
0x76: {  	_ =	shalt  }
0x77: {  	_ =	shalt  }
0x78: {  	_ =	shalt  }
0x79: {  	_ =	shalt  }
0x7a: {  	_ =	shalt  }
0x7b: {  	_ =	shalt  }
0x7c: {  	_ =	shalt  }
0x7d: {  	_ =	shalt  }
0x7e: {  	_ =	shalt  }
0x7f: {  	_ =	shalt  }
0x80: {  	_ =	shalt  }
0x81: {  	_ =	shalt  }
0x82: {  	_ =	shalt  }
0x83: {  	_ =	shalt  }
0x84: {  	_ =	shalt  }
0x85: {  	_ =	shalt  }
0x86: {  	_ =	shalt  }
0x87: {  	_ =	shalt  }
.Lfunc_end0:
.L_simem_size_0:
called_computation.2_lowered:
.L_overlay_start_0:
0x88: {  	s2 =	sld [smem:$0x3FD9]  }
0x89: {  	s3 =	sld [smem:$0x3FFE];
	_ =	sdelay $0x1  }
0x8a: {  	s1 =	srdreg.scid  }
0x8b: {  	s0 =	sand.u32 $0x1, s1  }
0x8c: {  	s16 =	sshll.u32 s0, $0xA;
	s2 =	sadd.s32 s3, s2  }
0x8d: {  	s2 =	sadd.s32 s2, s16  }
0x8e: {  	[smem:$0x3FC2] =	sst s2  }
0x8f: {  	_ = 	snop  }
0x90: {  	(tm) =	ssettm $0x1  }
0x91: {  	s17 =	sld [smem:$0x3FFB];
	_ =	sdelay $0x3  }
0x92: {  	_ =	strace s17  }
0x93: {  	s2 =	sld [smem:$0x3FFC];
	_ =	sdelay $0x3  }
0x94: {  	_ =	strace s2  }
0x95: {  	s2 =	sld [smem:$0x3FFD];
	_ =	sdelay $0x3  }
0x96: {  	_ =	strace s2  }
0x97: {  	_ =	strace $0x8FFFFFFF  }
0x98: {  	s18 =	sld [smem:$0x3FDB];
	_ =	sdelay $0x1  }
0x99: {  	s19 =	simm.s32 $_scs_section_size  }
0x9a: {  	s4 =	simm.s32 $_size__tile_overlayer_lowered;
	s5 =	simm.s32 $_tile_overlayer_lowered  }
0x9b: {  	s22 =	simm.s32 $0x1BFF;
	s21 =	sshll.u32 s5, $0x1;
	s2 =	sadd.s32 s19, s18  }
0x9c: {  	s6 =	simm.s32 $0x0;
	s20 =	sshll.u32 s4, $0x1;
	s4 =	sadd.s32 s21, s2  }
0x9d: {  	[timem:s6], [sflag:s22] =	dma.local [hbm:s4], s20  }
0x9e: {  	_ =	swait.ge [sflag:s22], s20  }
0x9f: {  	s3 =	ssub.s32 $0x0, s20;
	[sflag:s22] =	ssyncset.done $0x0  }
0xa0: {  	[sflag:s22] =	ssyncadd.s32 s3;
	_ =	sdelay $0x1  }
0xa1: {  	s23 =	simm.s32 $0x1B8B  }
0xa2: {  	_ =	swait.ge [sflag:s23], $0x1  }
0xa3: {  	[sflag:s23] =	ssyncset.done $0x0  }
0xa4: {  	s25 =	simm.s32 $0x1B8E;
	s24 =	sld [smem:$0x3FFE];
	[sflag:s23] =	ssyncadd.s32 $0xFFFFFFFF  }
0xa5: {  	s26 =	simm.s32 $execute0_lowered;
	[smem:$0x3FD2] =	sst s25  }
0xa6: {  	s4 =	sshll.u32 s26, $0x1;
	_ =	strace $0x8000004C;
	[dreg:$0x1] =	wrdreg $0xFFFFFFFF  }
0xa7: {  	s28 =	simm.s32 $_size_execute0_lowered;
	s2 =	sadd.s32 s2, s4;
	[dreg:$0x0] =	wrdreg $0x0  }
0xa8: {  	s4 =	sshll.u32 s28, $0x1;
	[dreg:$0x2] =	wrdreg s2  }
0xa9: {  	[dreg:$0x3] =	wrdreg s4  }
0xaa: {  	[dreg:$0x4] =	wrdreg $0xC0  }
0xab: {  	_ =	task [dreg:s6], $0x5FFFF  }
0xac: {  	[dreg:$0x1] =	wrdreg $0xFFFFFFFF  }
0xad: {  	[dreg:$0x0] =	wrdreg $0x60  }
0xae: {  	[dreg:$0x2] =	wrdreg s24  }
0xaf: {  	[dreg:$0x3] =	wrdreg $0xA4000  }
0xb0: {  	[dreg:$0x4] =	wrdreg $0x9  }
0xb1: {  	_ =	task.clear_ibuf [dreg:s6], $0x5FFFF;
	_ =	strace $0x9000004C  }
0xb2: {  	s29 =	simm.s32 $0x9;
	_ =	strace $0x8000004E  }
0xb3: {  	_ =	swait.ge [sflag:s29], $0x1  }
0xb4: {  	[sflag:s29] =	ssyncadd.s32 $0xFFFFFFFF  }
0xb5: {  	_ =	strace $0x9000004E  }
0xb6: {  	_ =	sfence  }
0xb7: {  	s30 =	sld [smem:$0x0];
	_ =	sdelay $0x2  }
0xb8: {  	s31 =	sshll.u32 s1, $0xD;
	s1 =	sshrl.u32 s1, $0x2  }
0xb9: {  	s3 =	sand.u32 $0x4000, s31;
	s1 =	sadd.s32 s1, s30  }
0xba: {  	s0 =	sor.u32 s3, s0;
	s1 =	sshll.u32 s1, $0x11  }
0xbb: {  	s0 =	sor.u32 s1, s0  }
0xbc: {  	s0 =	sadd.s32 $0x8F2B, s0  }
0xbd: {  	[sflag:s0] =	ssyncadd.remote.s32 $0x1  }
0xbe: {  	_ =	sfence.sel $0xFFFF  }
0xbf: {  	[dreg:$0x0] =	wrdreg $0xFFFFFFFF;
	(pc) =	sbr.abs _section_cstart, $3  }
0xc0: {  	[dreg:$0x1] =	wrdreg $0xFFFFFFFF  }
0xc1: {  	_ =	task.clear_ibuf [dreg:s6], $0x2FFFF;
	_ =	strace $0x9FFFFFFF  }
0xc2: {  	(tm) =	ssettm $0x7FFFFFFF  }
0xc3: {  	_ =	shalt  }
tec
execute0_lowered:
.L_overlay_start_1:
0x0: {  	(tag) =	ssettag $0x1  }
0x1: {  	s1 =	srdreg.scid;
	s5 =	rddreg [dreg:$0x0]  }
0x2: {  	s0 =	stileid.u32;
	s2 =	rddreg [dreg:$0x1];
	s3 =	simm.s32 $0x0  }
0x3: {  	s13 =	simm.s32 $0x2C00;
	s14 =	simm.s32 $0x80;
	s15 =	simm.s32 $0x5800  }
0x4: {  	s16 =	simm.s32 $0x1;
	s17 =	simm.s32 $0x9C00;
	s18 =	simm.s32 $0xA000  }
0x5: {  	s19 =	simm.s32 $0x0;
	s6 =	sand.u32 $0x1, s1;
	s9 =	smul.u32 $0x4F000, s0  }
0x6: {  	s28 =	sshll.u32 s0, $0x1;
	s1 =	rddreg [dreg:$0x2];
	s10 =	smul.u32 $0x278, s0  }
0x7: {  	[smem:$0x7FF] =	sst s3;
	s31 =	smul.u32 $0x2780, s0;
	s4 =	sor.u32 s6, s28  }
0x8: {  	_ =	strace $0x8000004D;
	s8 =	smul.u32 $0x27100, s6;
	s6 =	ssub.s32 $0x2, s6  }
0x9: {  	s4 =	smul.u32 $0x580, s4;
	s29 =	sshrl.u32 s6, $0x1;
	s30 =	sshrl.u32 s9, $0x2  }
0xa: {  	s10 =	ssub.s32 $0x2710, s10;
	s8 =	sadd.s32 s8, s5;
	s11 =	ssub.s32 s6, s29  }
0xb: {  	s10 =	smin.u32 s10, $0x278;
	s7 =	sadd.s32 s4, s5;
	s4 =	sadd.s32 $0x1C00, s5  }
0xc: {  	s5 =	sadd.s32 s30, s2;
	s12 =	sadd.s32 s31, s8;
	s8 =	sshrl.u32 s10, $0x3  }
0xd: {  	s9 =	smax.u32 s11, $0x1;
	s11 =	simm.s32 $0x9800;
	s6 =	sadd.s32 $0x65C00, s7  }
0xe: {  	v0 =	vimm.f32 $0.0e+00;
	s7 =	sadd.s32 $0x5AC00, s7;
	s10 =	sadd.s32 $0x70C00, s12;
	s12 =	simm.s32 $0x2  }
.LBB2_1:
0xf: {  	[tilespmem:$0x9800] =	vst v0  }
0x10: {  	[tilespmem:$0x9810] =	vst v0  }
0x11: {  	[tilespmem:$0x9820] =	vst v0  }
0x12: {  	[tilespmem:$0x9830] =	vst v0  }
0x13: {  	[tilespmem:$0x9840] =	vst v0  }
0x14: {  	[tilespmem:$0x9850] =	vst v0  }
0x15: {  	[tilespmem:$0x9860] =	vst v0  }
0x16: {  	[tilespmem:$0x9870] =	vst v0  }
0x17: {  	[tilespmem:$0x9880] =	vst v0  }
0x18: {  	[tilespmem:$0x9890] =	vst v0  }
0x19: {  	[tilespmem:$0x98A0] =	vst v0  }
0x1a: {  	[tilespmem:$0x98B0] =	vst v0  }
0x1b: {  	[tilespmem:$0x98C0] =	vst v0  }
0x1c: {  	[tilespmem:$0x98D0] =	vst v0  }
0x1d: {  	[tilespmem:$0x98E0] =	vst v0  }
0x1e: {  	[tilespmem:$0x98F0] =	vst v0  }
0x1f: {  	[tilespmem:$0x9900] =	vst v0  }
0x20: {  	[tilespmem:$0x9910] =	vst v0  }
0x21: {  	[tilespmem:$0x9920] =	vst v0  }
0x22: {  	[tilespmem:$0x9930] =	vst v0  }
0x23: {  	[tilespmem:$0x9940] =	vst v0  }
0x24: {  	[tilespmem:$0x9950] =	vst v0  }
0x25: {  	[tilespmem:$0x9960] =	vst v0  }
0x26: {  	[tilespmem:$0x9970] =	vst v0  }
0x27: {  	[tilespmem:$0x9980] =	vst v0  }
0x28: {  	[tilespmem:$0x9990] =	vst v0  }
0x29: {  	[tilespmem:$0x99A0] =	vst v0  }
0x2a: {  	[tilespmem:$0x99B0] =	vst v0  }
0x2b: {  	[tilespmem:$0x99C0] =	vst v0  }
0x2c: {  	[tilespmem:$0x99D0] =	vst v0  }
0x2d: {  	[tilespmem:$0x99E0] =	vst v0  }
0x2e: {  	[tilespmem:$0x99F0] =	vst v0  }
0x2f: {  	[tilespmem:$0x9A00] =	vst v0  }
0x30: {  	[tilespmem:$0x9A10] =	vst v0  }
0x31: {  	[tilespmem:$0x9A20] =	vst v0  }
0x32: {  	[tilespmem:$0x9A30] =	vst v0  }
0x33: {  	[tilespmem:$0x9A40] =	vst v0  }
0x34: {  	[tilespmem:$0x9A50] =	vst v0  }
0x35: {  	[tilespmem:$0x9A60] =	vst v0  }
0x36: {  	[tilespmem:$0x9A70] =	vst v0  }
0x37: {  	[tilespmem:$0x9A80] =	vst v0  }
0x38: {  	[tilespmem:$0x9A90] =	vst v0  }
0x39: {  	[tilespmem:$0x9AA0] =	vst v0  }
0x3a: {  	[tilespmem:$0x9AB0] =	vst v0  }
0x3b: {  	[tilespmem:$0x9AC0] =	vst v0  }
0x3c: {  	[tilespmem:$0x9AD0] =	vst v0  }
0x3d: {  	[tilespmem:$0x9AE0] =	vst v0  }
0x3e: {  	[tilespmem:$0x9AF0] =	vst v0  }
0x3f: {  	[tilespmem:$0x9B00] =	vst v0  }
0x40: {  	[tilespmem:$0x9B10] =	vst v0  }
0x41: {  	[tilespmem:$0x9B20] =	vst v0  }
0x42: {  	[tilespmem:$0x9B30] =	vst v0  }
0x43: {  	[tilespmem:$0x9B40] =	vst v0  }
0x44: {  	[tilespmem:$0x9B50] =	vst v0  }
0x45: {  	[tilespmem:$0x9B60] =	vst v0  }
0x46: {  	[tilespmem:$0x9B70] =	vst v0  }
0x47: {  	[tilespmem:$0x9B80] =	vst v0  }
0x48: {  	[tilespmem:$0x9B90] =	vst v0  }
0x49: {  	[tilespmem:$0x9BA0] =	vst v0  }
0x4a: {  	[tilespmem:$0x9BB0] =	vst v0  }
0x4b: {  	[tilespmem:$0x9BC0] =	vst v0  }
0x4c: {  	[tilespmem:$0x9BD0] =	vst v0  }
0x4d: {  	[tilespmem:$0x9BE0] =	vst v0  }
0x4e: {  	[tilespmem:$0x9BF0] =	vst v0;
	s20 =	sadd.s32 $0x0, s5  }
0x4f: {  	[spmem:s20] =	stream.linear.scatter [tilespmem:s11], [sflag:$0x2], $0x400, $0x38;
	[tilespmem:$0x1E000] =	vst v63  }
0x50: {  	s20 =	simm.s32 $0x1000;
	_ =	swait.ge [sflag:s12], $0x400  }
.LBB2_2:
0x51: {  	s21 =	sshra.s32 s20, $0x2;
	[sflag:s12] =	ssyncset.done $0x0;
	p0 =	sne.s32 s20, $0x4E000  }
.Ltmp0:
0x52: {  	s21 =	sadd.s32 s21, s5;
	[sflag:s12] =	ssyncadd.s32 $0xFFFFFC00;
	(pc) =	sbr.rel @p0 .LBB2_2-.Ltmp0, $3  }
0x53: {  	[spmem:s21] =	stream.linear.scatter [tilespmem:s11], [sflag:$0x2], $0x400, $0x38;
	[tilespmem:$0x1E000] =	vst v63  }
0x54: {  	s20 =	sadd.s32 $0x1000, s20;
	_ =	sdelay $0x1  }
0x55: {  	_ =	swait.ge [sflag:s12], $0x400  }
0x56: {  	[sflag:s12] =	ssyncset.done $0x0  }
0x57: {  	s20 =	simm.s32 $0x0;
	[sflag:s12] =	ssyncadd.s32 $0xFFFFFC00  }
0x58: {  	[tilespmem:s20], [sflag:$0x2] =	stream.linear.gather [hbm4b:s6+s20], $0x2880, $0x38;
	[tilespmem:$0x1E000] =	vst v63  }
0x59: {  	_ =	swait.ge [sflag:s12], $0x2880  }
0x5a: {  	[sflag:s12] =	ssyncset.done $0x0  }
0x5b: {  	[sflag:s12] =	ssyncadd.s32 $0xFFFFD780  }
0x5c: {  	[tilespmem:s13], [sflag:$0x2] =	stream.linear.gather [hbm4b:s7+s20], $0x2880, $0x38;
	[tilespmem:$0x1E000] =	vst v63  }
0x5d: {  	_ =	swait.ge [sflag:s12], $0x2880  }
0x5e: {  	[sflag:s12] =	ssyncset.done $0x0  }
0x5f: {  	[sflag:s12] =	ssyncadd.s32 $0xFFFFD780  }
0x60: {  	[bflag:$0x0] =	sbarrier.arrive $0xFFFF  }
0x61: {  	_ =	sdelay $0x7ff  }
0x62: {  	_ =	sdelay $0x7ff  }
0x63: {  	_ =	sdelay $0x5ad  }
0x64: {  	s30 =	simm.s32 $0x0;
	[bflag:$0x0] =	sbarrier.arrive $0xFFFF  }
0x65: {  	[tilespmem:s15], [sflag:$0x1] =	stream.indirect.gather [hbm4b:s4+s14], $0x80, s30, s14, $0xb8;
	[tilespmem:$0x1E000] =	vst v63  }
0x66: {  	_ =	swait.ge [sflag:s16], $0x4000  }
0x67: {  	[sflag:s16] =	ssyncset.done $0x0  }
0x68: {  	s31 =	simm.s32 $0x2C00;
	[sflag:s16] =	ssyncadd.s32 $0xFFFFC000  }
0x69: {  	[spmem:s2] =	stream.indirect.scatter.add.f32 [tilespmem:s15], [sflag:$0x2], $0x80, s31, s14, $0xb8;
	[tilespmem:$0x1E000] =	vst v63  }
0x6a: {  	_ =	swait.ge [sflag:s12], $0x4000  }
0x6b: {  	s21 =	simm.s32 $0x400;
	s20 =	simm.s32 $0x200;
	[sflag:s12] =	ssyncset.done $0x0  }
.LBB2_4:
0x6c: {  	s22 =	sshra.s32 s20, $0x2  }
0x6d: {  	[sflag:s12] =	ssyncadd.s32 $0xFFFFC000;
	s20 =	smov.u32 s21;
	s23 =	sadd.s32 $0x200, s21  }
0x6e: {  	[tilespmem:s15], [sflag:$0x1] =	stream.indirect.gather [hbm4b:s4+s14], $0x80, s22, s14, $0xb8;
	[tilespmem:$0x1E000] =	vst v63  }
0x6f: {  	p0 =	sne.s32 s21, $0xA000;
	_ =	swait.ge [sflag:s16], $0x4000  }
.Ltmp1:
0x70: {  	[sflag:s16] =	ssyncset.done $0x0;
	(pc) =	sbr.rel @p0 .LBB2_4-.Ltmp1, $4  }
0x71: {  	s21 =	sadd.s32 $0x2C00, s22;
	[sflag:s16] =	ssyncadd.s32 $0xFFFFC000  }
0x72: {  	[spmem:s2] =	stream.indirect.scatter.add.f32 [tilespmem:s15], [sflag:$0x2], $0x80, s21, s14, $0xb8;
	[tilespmem:$0x1E000] =	vst v63  }
0x73: {  	_ =	swait.ge [sflag:s12], $0x4000  }
0x74: {  	s21 =	smov.u32 s23;
	[sflag:s12] =	ssyncset.done $0x0  }
0x75: {  	s20 =	sshra.s32 s20, $0x2;
	[sflag:s12] =	ssyncadd.s32 $0xFFFFC000  }
0x76: {  	[tilespmem:s15], [sflag:$0x1] =	stream.indirect.gather [hbm4b:s4+s14], $0x80, s20, s14, $0xb8;
	[tilespmem:$0x1E000] =	vst v63  }
0x77: {  	_ =	swait.ge [sflag:s16], $0x4000  }
0x78: {  	[sflag:s16] =	ssyncset.done $0x0  }
0x79: {  	s20 =	sadd.s32 $0x2C00, s20;
	[sflag:s16] =	ssyncadd.s32 $0xFFFFC000  }
0x7a: {  	[spmem:s2] =	stream.indirect.scatter.add.f32 [tilespmem:s15], [sflag:$0x2], $0x80, s20, s14, $0xb8;
	[tilespmem:$0x1E000] =	vst v63  }
0x7b: {  	_ =	swait.ge [sflag:s12], $0x4000  }
0x7c: {  	[sflag:s12] =	ssyncset.done $0x0  }
0x7d: {  	[sflag:s12] =	ssyncadd.s32 $0xFFFFC000  }
0x7e: {  	[bflag:$0x0] =	sbarrier.arrive $0xFFFF  }
0x7f: {  	_ =	sdelay $0x7ff  }
0x80: {  	_ =	sdelay $0x7ff  }
0x81: {  	s21 =	smov.u32 s10;
	_ =	sdelay $0x5ad  }
0x82: {  	s22 =	smov.u32 s8;
	s20 =	smov.u32 s5;
	[bflag:$0x0] =	sbarrier.arrive $0xFFFF  }
.LBB2_6:
0x83: {  	[tilespmem:s17], [sflag:$0x2] =	stream.linear.gather [spmem:s20], $0x400, $0x38;
	[tilespmem:$0x1E000] =	vst v63  }
0x84: {  	_ =	swait.ge [sflag:s12], $0x400  }
0x85: {  	[sflag:s12] =	ssyncset.done $0x0  }
0x86: {  	[sflag:s12] =	ssyncadd.s32 $0xFFFFFC00  }
0x87: {  	v1 =	vld [tilespmem:$0x9C00]  }
0x88: {  	v2 =	vld [tilespmem:$0x9C10]  }
0x89: {  	v3 =	vld [tilespmem:$0x9C20]  }
0x8a: {  	v4 =	vld [tilespmem:$0x9C30]  }
0x8b: {  	v6 =	vld [tilespmem:$0x9C50]  }
0x8c: {  	v7 =	vld [tilespmem:$0x9C60]  }
0x8d: {  	v8 =	vld [tilespmem:$0x9C70]  }
0x8e: {  	v9 =	vld [tilespmem:$0x9C80]  }
0x8f: {  	v10 =	vld [tilespmem:$0x9C90]  }
0x90: {  	v11 =	vld [tilespmem:$0x9CA0]  }
0x91: {  	v12 =	vld [tilespmem:$0x9CB0]  }
0x92: {  	v13 =	vld [tilespmem:$0x9CC0]  }
0x93: {  	v14 =	vld [tilespmem:$0x9CD0]  }
0x94: {  	v15 =	vld [tilespmem:$0x9CE0]  }
0x95: {  	v16 =	vld [tilespmem:$0x9CF0]  }
0x96: {  	v17 =	vld [tilespmem:$0x9D00]  }
0x97: {  	v18 =	vld [tilespmem:$0x9D10]  }
0x98: {  	v19 =	vld [tilespmem:$0x9D20]  }
0x99: {  	v37 =	vld [tilespmem:$0x9D40]  }
0x9a: {  	v20 =	vld [tilespmem:$0x9D50]  }
0x9b: {  	v40 =	vld [tilespmem:$0x9D60]  }
0x9c: {  	v21 =	vld [tilespmem:$0x9D70]  }
0x9d: {  	v46 =	vld [tilespmem:$0x9D90]  }
0x9e: {  	v22 =	vld [tilespmem:$0x9DA0]  }
0x9f: {  	v49 =	vld [tilespmem:$0x9DB0];
	v1 =	vadd.s32 $0x8000, v1;
	v2 =	vadd.s32 $0x8000, v2;
	v3 =	vadd.s32 $0x8000, v3  }
0xa0: {  	v23 =	vld [tilespmem:$0x9DC0];
	v4 =	vadd.s32 $0x8000, v4;
	v36 =	vadd.s32 $0x8000, v6;
	v7 =	vadd.s32 $0x8000, v7  }
0xa1: {  	v52 =	vld [tilespmem:$0x9DD0];
	v39 =	vadd.s32 $0x8000, v8;
	v9 =	vadd.s32 $0x8000, v9;
	v10 =	vadd.s32 $0x8000, v10  }
0xa2: {  	v55 =	vld [tilespmem:$0x9DE0];
	v44 =	vadd.s32 $0x8000, v11;
	v45 =	vadd.s32 $0x8000, v12;
	v13 =	vadd.s32 $0x8000, v13  }
0xa3: {  	v27 =	vld [tilespmem:$0x9E60];
	v48 =	vadd.s32 $0x8000, v14;
	v15 =	vadd.s32 $0x8000, v15;
	v16 =	vadd.s32 $0x8000, v16  }
0xa4: {  	v53 =	vadd.s32 $0x8000, v17;
	v54 =	vadd.s32 $0x8000, v18;
	v19 =	vadd.s32 $0x8000, v19  }
0xa5: {  	v6 =	vadd.s32 $0x8000, v37;
	v20 =	vadd.s32 $0x8000, v20;
	v8 =	vadd.s32 $0x8000, v40  }
0xa6: {  	v60 =	vadd.s32 $0x8000, v21;
	v12 =	vadd.s32 $0x8000, v46;
	v22 =	vadd.s32 $0x8000, v22  }
0xa7: {  	v43 =	vld [tilespmem:$0x9D80];
	v14 =	vadd.s32 $0x8000, v49;
	v29 =	vadd.s32 $0x8000, v23;
	v30 =	vadd.s32 $0x8000, v52  }
0xa8: {  	v25 =	vld [tilespmem:$0x9E10];
	v33 =	vadd.s32 $0x8000, v55;
	v52 =	vadd.s32 $0x8000, v27;
	v1 =	vshrl.u32 v1, $0x10  }
0xa9: {  	v59 =	vld [tilespmem:$0x9E20];
	v2 =	vand.u32 $0xFFFF0000, v2;
	v38 =	vshrl.u32 v7, $0x10;
	v7 =	vand.u32 $0xFFFF0000, v39  }
0xaa: {  	v61 =	vld [tilespmem:$0x9E30];
	v41 =	vshrl.u32 v9, $0x10;
	v42 =	vand.u32 $0xFFFF0000, v10;
	v9 =	vshrl.u32 v44, $0x10  }
0xab: {  	v28 =	vld [tilespmem:$0x9E70];
	v11 =	vand.u32 $0xFFFF0000, v45;
	v47 =	vshrl.u32 v13, $0x10;
	v13 =	vand.u32 $0xFFFF0000, v48  }
0xac: {  	v34 =	vld [tilespmem:$0x9E90];
	v50 =	vshrl.u32 v15, $0x10;
	v51 =	vand.u32 $0xFFFF0000, v16;
	v15 =	vshrl.u32 v53, $0x10  }
0xad: {  	v35 =	vld [tilespmem:$0x9D30];
	v17 =	vand.u32 $0xFFFF0000, v54;
	v56 =	vshrl.u32 v19, $0x10;
	v6 =	vshrl.u32 v6, $0x10  }
0xae: {  	v24 =	vld [tilespmem:$0x9DF0];
	v58 =	vand.u32 $0xFFFF0000, v20;
	v8 =	vshrl.u32 v8, $0x10;
	v10 =	vadd.s32 $0x8000, v43  }
0xaf: {  	v26 =	vld [tilespmem:$0x9E40];
	v12 =	vand.u32 $0xFFFF0000, v12;
	v63 =	vshrl.u32 v22, $0x10;
	v14 =	vand.u32 $0xFFFF0000, v14  }
0xb0: {  	v62 =	vld [tilespmem:$0x9E50];
	v32 =	vand.u32 $0xFFFF0000, v30;
	v39 =	vadd.s32 $0x8000, v25;
	v44 =	vadd.s32 $0x8000, v59  }
0xb1: {  	v31 =	vld [tilespmem:$0x9E80];
	v45 =	vadd.s32 $0x8000, v61;
	v53 =	vadd.s32 $0x8000, v28;
	v61 =	vadd.s32 $0x8000, v34  }
0xb2: {  	v5 =	vld [tilespmem:$0x9C40];
	v1 =	vor.u32 v1, v2;
	v2 =	vshrl.u32 v3, $0x10;
	v3 =	vand.u32 $0xFFFF0000, v4  }
0xb3: {  	v9 =	vor.u32 v9, v11;
	v11 =	vor.u32 v47, v13;
	v13 =	vor.u32 v50, v51  }
0xb4: {  	v15 =	vor.u32 v15, v17;
	v4 =	vadd.s32 $0x8000, v35;
	v6 =	vor.u32 v6, v58  }
0xb5: {  	v17 =	vand.u32 $0xFFFF0000, v60;
	v10 =	vshrl.u32 v10, $0x10;
	v35 =	vadd.s32 $0x8000, v24  }
0xb6: {  	v57 =	vld [tilespmem:$0x9E00];
	v47 =	vadd.s32 $0x8000, v26;
	v50 =	vadd.s32 $0x8000, v62;
	v60 =	vadd.s32 $0x8000, v31;
	[tilespmem:$0xA000] =	vst v1  }
0xb7: {  	v40 =	vld [tilespmem:$0x9EB0];
	v2 =	vor.u32 v2, v3;
	v3 =	vadd.s32 $0x8000, v5;
	v5 =	vand.u32 $0xFFFF0000, v36;
	[tilespmem:$0xA090] =	vst v9  }
0xb8: {  	v46 =	vld [tilespmem:$0x9ED0];
	v4 =	vand.u32 $0xFFFF0000, v4;
	v8 =	vor.u32 v8, v17;
	v10 =	vor.u32 v10, v12;
	[tilespmem:$0xA0A0] =	vst v11  }
0xb9: {  	v43 =	vld [tilespmem:$0x9EC0];
	v1 =	vor.u32 v63, v14;
	v37 =	vand.u32 $0xFFFF0000, v35;
	v9 =	vand.u32 $0xFFFF0000, v45;
	[tilespmem:$0xA0B0] =	vst v13  }
0xba: {  	v48 =	vld [tilespmem:$0x9EE0];
	v49 =	vshrl.u32 v47, $0x10;
	[tilespmem:$0xA100] =	vst v15;
	v11 =	vand.u32 $0xFFFF0000, v50;
	v63 =	vshrl.u32 v60, $0x10  }
0xbb: {  	v54 =	vld [tilespmem:$0x9F00];
	[tilespmem:$0xA120] =	vst v6;
	v17 =	vand.u32 $0xFFFF0000, v61;
	v3 =	vshrl.u32 v3, $0x10;
	v4 =	vor.u32 v56, v4  }
0xbc: {  	v22 =	vld [tilespmem:$0x9F30];
	[tilespmem:$0xA010] =	vst v2;
	v2 =	vshrl.u32 v29, $0x10;
	v55 =	vor.u32 v49, v11;
	v56 =	vshrl.u32 v52, $0x10  }
0xbd: {  	v51 =	vld [tilespmem:$0x9EF0];
	[tilespmem:$0xA130] =	vst v8;
	v8 =	vor.u32 v63, v17;
	v3 =	vor.u32 v3, v5;
	v5 =	vor.u32 v38, v7  }
0xbe: {  	v58 =	vld [tilespmem:$0x9F10];
	[tilespmem:$0xA180] =	vst v10;
	v7 =	vor.u32 v41, v42;
	v2 =	vor.u32 v2, v32;
	v38 =	vadd.s32 $0x8000, v57  }
0xbf: {  	v62 =	vld [tilespmem:$0x9F20];
	[tilespmem:$0xA190] =	vst v1;
	v42 =	vand.u32 $0xFFFF0000, v39;
	v57 =	vand.u32 $0xFFFF0000, v53;
	v25 =	vadd.s32 $0x8000, v40  }
0xc0: {  	v26 =	vld [tilespmem:$0x9F40];
	v28 =	vadd.s32 $0x8000, v46;
	[tilespmem:$0xA020] =	vst v3;
	v3 =	vshrl.u32 v33, $0x10;
	v41 =	vshrl.u32 v38, $0x10  }
0xc1: {  	v31 =	vld [tilespmem:$0x9F60];
	[tilespmem:$0xA080] =	vst v7;
	v7 =	vshrl.u32 v44, $0x10;
	v59 =	vor.u32 v56, v57;
	v1 =	vand.u32 $0xFFFF0000, v25  }
0xc2: {  	v36 =	vld [tilespmem:$0x9EA0];
	[tilespmem:$0xA110] =	vst v4;
	v27 =	vadd.s32 $0x8000, v43;
	v30 =	vand.u32 $0xFFFF0000, v28;
	v35 =	vadd.s32 $0x8000, v54  }
0xc3: {  	v45 =	vld [tilespmem:$0x9FB0];
	[tilespmem:$0xA030] =	vst v5;
	v14 =	vadd.s32 $0x8000, v22;
	v3 =	vor.u32 v3, v37;
	v5 =	vor.u32 v41, v42  }
0xc4: {  	v29 =	vld [tilespmem:$0x9F50];
	[tilespmem:$0xA1A0] =	vst v2;
	v7 =	vor.u32 v7, v9;
	v2 =	vshrl.u32 v27, $0x10;
	v32 =	vadd.s32 $0x8000, v51  }
0xc5: {  	v39 =	vld [tilespmem:$0x9F90];
	[tilespmem:$0xA220] =	vst v55;
	v37 =	vshrl.u32 v35, $0x10;
	v38 =	vadd.s32 $0x8000, v58;
	v41 =	vadd.s32 $0x8000, v62  }
0xc6: {  	[tilespmem:$0xA280] =	vst v8;
	v53 =	vld [tilespmem:$0x9FE0];
	v44 =	vand.u32 $0xFFFF0000, v14;
	v46 =	vadd.s32 $0x8000, v26;
	v50 =	vadd.s32 $0x8000, v31  }
0xc7: {  	v55 =	vld [tilespmem:$0x9FF0];
	v18 =	vadd.s32 $0x8000, v36;
	[tilespmem:$0xA1B0] =	vst v3;
	v2 =	vor.u32 v2, v30;
	v3 =	vadd.s32 $0x8000, v48  }
0xc8: {  	v33 =	vld [tilespmem:$0x9F70];
	[tilespmem:$0xA230] =	vst v59;
	v34 =	vand.u32 $0xFFFF0000, v32;
	v40 =	vand.u32 $0xFFFF0000, v38;
	v43 =	vshrl.u32 v41, $0x10  }
0xc9: {  	v42 =	vld [tilespmem:$0x9FA0];
	[tilespmem:$0xA200] =	vst v5;
	v58 =	vadd.s32 $0x8000, v45;
	v24 =	vshrl.u32 v18, $0x10;
	v3 =	vshrl.u32 v3, $0x10  }
0xca: {  	v36 =	vld [tilespmem:$0x9F80];
	[tilespmem:$0xA210] =	vst v7;
	v4 =	vor.u32 v37, v40;
	v5 =	vor.u32 v43, v44;
	v47 =	vadd.s32 $0x8000, v29  }
0xcb: {  	v51 =	vld [tilespmem:$0x9FD0];
	[tilespmem:$0xA2A0] =	vst v2;
	v2 =	vshrl.u32 v50, $0x10;
	v59 =	vand.u32 $0xFFFF0000, v58;
	v1 =	vor.u32 v24, v1  }
0xcc: {  	v48 =	vld [tilespmem:$0x9FC0];
	v3 =	vor.u32 v3, v34;
	v49 =	vand.u32 $0xFFFF0000, v47;
	v9 =	vadd.s32 $0x8000, v39;
	[tilespmem:$0xA300] =	vst v4  }
0xcd: {  	v62 =	vadd.s32 $0x8000, v53;
	v63 =	vadd.s32 $0x8000, v55;
	[tilespmem:$0xA290] =	vst v1;
	v1 =	vshrl.u32 v46, $0x10  }
0xce: {  	[tilespmem:$0xA310] =	vst v5;
	v52 =	vadd.s32 $0x8000, v33;
	v56 =	vand.u32 $0xFFFF0000, v9;
	v1 =	vor.u32 v1, v49  }
0xcf: {  	[tilespmem:$0xA2B0] =	vst v3;
	v3 =	vand.u32 $0xFFFF0000, v52;
	v57 =	vadd.s32 $0x8000, v42;
	v54 =	vadd.s32 $0x8000, v36  }
0xd0: {  	v61 =	vadd.s32 $0x8000, v51;
	v2 =	vor.u32 v2, v3;
	[tilespmem:$0xA320] =	vst v1;
	v3 =	vshrl.u32 v54, $0x10  }
0xd1: {  	v1 =	vshrl.u32 v57, $0x10;
	v60 =	vadd.s32 $0x8000, v48;
	[tilespmem:$0xA330] =	vst v2;
	v3 =	vor.u32 v3, v56  }
0xd2: {  	v1 =	vor.u32 v1, v59;
	v2 =	vshrl.u32 v60, $0x10;
	[tilespmem:$0xA380] =	vst v3;
	v3 =	vand.u32 $0xFFFF0000, v61  }
0xd3: {  	[tilespmem:$0xA390] =	vst v1;
	v1 =	vor.u32 v2, v3;
	v2 =	vshrl.u32 v62, $0x10;
	v3 =	vand.u32 $0xFFFF0000, v63  }
0xd4: {  	p0 =	sne.s32 s22, $0x1;
	[tilespmem:$0xA3A0] =	vst v1;
	v1 =	vor.u32 v2, v3  }
.Ltmp2:
0xd5: {  	[tilespmem:$0xA3B0] =	vst v1;
	(pc) =	sbr.rel @p0 .LBB2_6-.Ltmp2, $4  }
0xd6: {  	[hbm4b:s21+s3] =	stream.linear.scatter [tilespmem:s18], [sflag:$0x2], $0x400, $0x38;
	[tilespmem:$0x1E000] =	vst v63  }
0xd7: {  	_ =	swait.ge [sflag:s12], $0x400  }
0xd8: {  	s20 =	sadd.s32 $0x400, s20;
	[sflag:s12] =	ssyncset.done $0x0  }
0xd9: {  	s22 =	sadd.s32 $0xFFFFFFFF, s22;
	s21 =	sadd.s32 $0x80, s21;
	[sflag:s12] =	ssyncadd.s32 $0xFFFFFC00  }
0xda: {  	s19 =	sadd.s32 $0x1, s19  }
0xdb: {  	p0 =	sne.s32 s19, s9  }
.Ltmp3:
0xdc: {  	_ = 	snop;
	(pc) =	sbr.rel @p0 .LBB2_1-.Ltmp3, $1  }
0xdd: {  	_ =	sdelay $0x3  }
0xde: {  	_ =	sfence.sel $0x180000  }
0xdf: {  	[bflag:$0x0] =	sbarrier.arrive $0xFFFF  }
0xe0: {  	p0 =	sne.s32 s0, $0x0;
	_ =	strace $0x9000004D  }
0xe1: {  	s0 =	sadd.s32 @!p0 $0x100000, s1;
	[bflag:$0x2] =	sbarrier.arrive $0xFFFF  }
0xe2: {  	[sflag:s0] =	ssyncadd.tile.s32 @!p0 $0x1;
	_ =	shalt  }
.Lfunc_end2:
_tile_overlayer_lowered:
.L_overlay_start_2:
0xe3: {  	(tag) =	ssettag $0x2  }
0xe4: {  	s0 =	rddreg [dreg:$0x0];
	s2 =	stileid.u32  }
0xe5: {  	s1 =	rddreg [dreg:$0x1];
	p0 =	sne.s32 s2, $0x0  }
0xe6: {  	s3 =	rddreg [dreg:$0x2];
	[bflag:$0x3] =	sbarrier.arrive $0xFFFF;
	s2 =	simm.s32 @!p0 $0x1C02  }
0xe7: {  	[timem:s3], [sflag:s2] =	dma.local @!p0 [hbm:s0], s1  }
0xe8: {  	s0 =	simm.s32 @!p0 $0x2  }
0xe9: {  	_ =	swait.ge @!p0 [sflag:s0], s1  }
0xea: {  	s1 =	ssub.s32 @!p0 $0x0, s1;
	[sflag:s0] =	ssyncset.done @!p0 $0x0  }
0xeb: {  	[sflag:s0] =	ssyncadd.s32 @!p0 s1  }
0xec: {  	[bflag:$0x3] =	sbarrier.arrive $0xFFFF  }
0xed: {  	_ =	shalt  }

// kernel: kernel.8.cloned.1.call-start
scs
__scs_entry_jumppad:
0x0: {  	(pc) =	sbr.rel $0x88, $3  }
0x1: {  	(tag) =	ssettag $0x0;
	lr =	simm.s32 $0x1  }
0x2: {  	[smem:$0x3F9B] =	sst lr;
	_ =	strace $0xD0000000  }
0x3: {  	_ = 	snop  }
0x4: {  	_ = 	snop  }
0x5: {  	_ = 	snop  }
0x6: {  	_ = 	snop  }
0x7: {  	_ = 	snop  }
__scs_overlays_trampoline_lowered:
0x8: {  	[smem:$0x3FAA] =	sst s0  }
0x9: {  	[smem:$0x3FAB] =	sst s1  }
0xa: {  	[smem:$0x3FAC] =	sst s2  }
0xb: {  	[smem:$0x3FAD] =	sst s3  }
0xc: {  	[smem:$0x3FAE] =	sst s4  }
0xd: {  	[smem:$0x3FAF] =	sst s5  }
0xe: {  	[smem:$0x3FB0] =	sst s6  }
0xf: {  	[smem:$0x3FB1] =	sst s7  }
0x10: {  	[smem:$0x3FB2] =	sst s8  }
0x11: {  	[smem:$0x3FB3] =	sst s9;
	s0 =	simm.s32 @!p0 $0x0  }
0x12: {  	s1 =	sld [smem:$0x3F99];
	s0 =	simm.s32 @p0 $0x1  }
0x13: {  	[smem:$0x3FB4] =	sst s0;
	s0 =	simm.s32 @!p1 $0x0  }
0x14: {  	s2 =	sld [smem:$0x3F98];
	s0 =	simm.s32 @p1 $0x1  }
0x15: {  	[smem:$0x3FB5] =	sst s0;
	s0 =	simm.s32 @!p2 $0x0  }
0x16: {  	s3 =	sld [smem:$0x3FDB];
	s0 =	simm.s32 @p2 $0x1  }
0x17: {  	s4 =	simm.s32 $0x1BF5;
	[smem:$0x3FB7] =	sst s0  }
0x18: {  	s0 =	sld [smem:$0x3F9A];
	_ =	swait.ge [sflag:s4], $0x0  }
0x19: {  	s7 =	sld [smem:$0x3F9B]  }
0x1a: {  	s8 =	sadd.s32 $0xFFFFE003, lr  }
0x1b: {  	s9 =	sadd.s32 $0xFFFFFEF7, lr;
	s5 =	simm.s32 $0xFFFFFFFF;
	p2 =	slt.u32 s8, $0xFFFFF086  }
0x1c: {  	p1 =	slt.u32 s9, $0xF7A;
	s5 =	simm.s32 @!p2 $0x0  }
0x1d: {  	s5 =	simm.s32 @p1 $0x1;
	p0 =	seq.s32 s7, s2  }
0x1e: {  	s7 =	smul.u32 @!p0 $0xF7A, s2;
	p2 =	seq.s32 @!p0 s5, $0x0  }
0x1f: {  	s9 =	smul.u32 $0xF7A, s1;
	s8 =	simm.s32 @!p0 $0x1BF5;
	p2 =	por !p2, p0  }
0x20: {  	[sflag:s8] =	ssyncset.s32 @!p0 $0xFFFFF086;
	s6 =	sadd.s32 @!p0 s3, s7;
	s7 =	simm.s32 @!p0 $0x108  }
0x21: {  	s3 =	sadd.s32 s3, s9;
	s6 =	sadd.s32 @!p0 $0x88, s6;
	s7 =	simm.s32 @p2 $0x1082  }
0x22: {  	[simem:s7], [sflag:s8] =	dma.local @!p0 [hbm:s6], $0xF7A  }
0x23: {  	s9 =	sor.u32 $0xD0000000, s2;
	s6 =	simm.s32 $0x108;
	_ =	swait.ge @!p0 [sflag:s8], $0x0  }
0x24: {  	s3 =	sadd.s32 $0x88, s3;
	s6 =	simm.s32 @!p1 $0x1082;
	[sflag:s4] =	ssyncset.s32 $0xFFFFF086  }
0x25: {  	[simem:s6], [sflag:s4] =	dma.local [hbm:s3], $0xF7A  }
0x26: {  	[smem:$0x3F9B] =	sst s1;
	(tag) =	ssettag s2;
	_ =	strace s9  }
0x27: {  	s1 =	sld [smem:$0x3FAB]  }
0x28: {  	s2 =	sld [smem:$0x3FAC]  }
0x29: {  	s4 =	sld [smem:$0x3FAE]  }
0x2a: {  	p0 =	seq.s32 s5, $0x0;
	s5 =	sld [smem:$0x3FAF]  }
0x2b: {  	s6 =	sld [smem:$0x3FB0]  }
0x2c: {  	s7 =	sld [smem:$0x3FB1]  }
0x2d: {  	s3 =	simm.s32 $0x108;
	s8 =	sld [smem:$0x3FB2]  }
0x2e: {  	s3 =	simm.s32 @!p0 $0x1082;
	s9 =	sld [smem:$0x3FB3]  }
0x2f: {  	lr =	sadd.s32 s0, s3;
	s0 =	sld [smem:$0x3FAA]  }
0x30: {  	s3 =	sld [smem:$0x3FAD]  }
0x31: {  	[smem:$0x3FB6] =	sst s10  }
0x32: {  	s10 =	sld [smem:$0x3FB4];
	_ =	sdelay $0x3  }
0x33: {  	p0 =	seq.s32 s10, $0x1;
	s10 =	sld [smem:$0x3FB6];
	_ =	sdelay $0x3  }
0x34: {  	[smem:$0x3FB6] =	sst s10  }
0x35: {  	s10 =	sld [smem:$0x3FB5];
	_ =	sdelay $0x3  }
0x36: {  	p1 =	seq.s32 s10, $0x1;
	s10 =	sld [smem:$0x3FB6];
	_ =	sdelay $0x3  }
0x37: {  	[smem:$0x3FB6] =	sst s10  }
0x38: {  	s10 =	sld [smem:$0x3FB7]  }
0x39: {  	_ = 	snop;
	(pc) =	sbr.ind lr, $3  }
0x3a: {  	_ = 	snop  }
0x3b: {  	_ = 	snop  }
0x3c: {  	p2 =	seq.s32 s10, $0x1;
	s10 =	sld [smem:$0x3FB6]  }
0x3d: {  	_ =	shalt  }
0x3e: {  	_ =	shalt  }
0x3f: {  	_ =	shalt  }
0x40: {  	_ =	shalt  }
0x41: {  	_ =	shalt  }
0x42: {  	_ =	shalt  }
0x43: {  	_ =	shalt  }
0x44: {  	_ =	shalt  }
0x45: {  	_ =	shalt  }
0x46: {  	_ =	shalt  }
0x47: {  	_ =	shalt  }
0x48: {  	_ =	shalt  }
0x49: {  	_ =	shalt  }
0x4a: {  	_ =	shalt  }
0x4b: {  	_ =	shalt  }
0x4c: {  	_ =	shalt  }
0x4d: {  	_ =	shalt  }
0x4e: {  	_ =	shalt  }
0x4f: {  	_ =	shalt  }
0x50: {  	_ =	shalt  }
0x51: {  	_ =	shalt  }
0x52: {  	_ =	shalt  }
0x53: {  	_ =	shalt  }
0x54: {  	_ =	shalt  }
0x55: {  	_ =	shalt  }
0x56: {  	_ =	shalt  }
0x57: {  	_ =	shalt  }
0x58: {  	_ =	shalt  }
0x59: {  	_ =	shalt  }
0x5a: {  	_ =	shalt  }
0x5b: {  	_ =	shalt  }
0x5c: {  	_ =	shalt  }
0x5d: {  	_ =	shalt  }
0x5e: {  	_ =	shalt  }
0x5f: {  	_ =	shalt  }
0x60: {  	_ =	shalt  }
0x61: {  	_ =	shalt  }
0x62: {  	_ =	shalt  }
0x63: {  	_ =	shalt  }
0x64: {  	_ =	shalt  }
0x65: {  	_ =	shalt  }
0x66: {  	_ =	shalt  }
0x67: {  	_ =	shalt  }
0x68: {  	_ =	shalt  }
0x69: {  	_ =	shalt  }
0x6a: {  	_ =	shalt  }
0x6b: {  	_ =	shalt  }
0x6c: {  	_ =	shalt  }
0x6d: {  	_ =	shalt  }
0x6e: {  	_ =	shalt  }
0x6f: {  	_ =	shalt  }
0x70: {  	_ =	shalt  }
0x71: {  	_ =	shalt  }
0x72: {  	_ =	shalt  }
0x73: {  	_ =	shalt  }
0x74: {  	_ =	shalt  }
0x75: {  	_ =	shalt  }
0x76: {  	_ =	shalt  }
0x77: {  	_ =	shalt  }
0x78: {  	_ =	shalt  }
0x79: {  	_ =	shalt  }
0x7a: {  	_ =	shalt  }
0x7b: {  	_ =	shalt  }
0x7c: {  	_ =	shalt  }
0x7d: {  	_ =	shalt  }
0x7e: {  	_ =	shalt  }
0x7f: {  	_ =	shalt  }
0x80: {  	_ =	shalt  }
0x81: {  	_ =	shalt  }
0x82: {  	_ =	shalt  }
0x83: {  	_ =	shalt  }
0x84: {  	_ =	shalt  }
0x85: {  	_ =	shalt  }
0x86: {  	_ =	shalt  }
0x87: {  	_ =	shalt  }
.Lfunc_end0:
.L_simem_size_0:
called_computation_lowered:
.L_overlay_start_0:
0x88: {  	s2 =	sld [smem:$0x3FD9]  }
0x89: {  	s3 =	sld [smem:$0x3FFE];
	_ =	sdelay $0x1  }
0x8a: {  	s1 =	srdreg.scid  }
0x8b: {  	s0 =	sand.u32 $0x1, s1  }
0x8c: {  	s16 =	sshll.u32 s0, $0xA;
	s2 =	sadd.s32 s3, s2  }
0x8d: {  	s2 =	sadd.s32 s2, s16  }
0x8e: {  	[smem:$0x3FC2] =	sst s2  }
0x8f: {  	_ = 	snop  }
0x90: {  	(tm) =	ssettm $0x1  }
0x91: {  	s17 =	sld [smem:$0x3FFB];
	_ =	sdelay $0x3  }
0x92: {  	_ =	strace s17  }
0x93: {  	s2 =	sld [smem:$0x3FFC];
	_ =	sdelay $0x3  }
0x94: {  	_ =	strace s2  }
0x95: {  	s2 =	sld [smem:$0x3FFD];
	_ =	sdelay $0x3  }
0x96: {  	_ =	strace s2  }
0x97: {  	_ =	strace $0x8FFFFFFF  }
0x98: {  	s18 =	sld [smem:$0x3FDB];
	_ =	sdelay $0x1  }
0x99: {  	s19 =	simm.s32 $_scs_section_size  }
0x9a: {  	s4 =	simm.s32 $_size__tile_overlayer_lowered;
	s5 =	simm.s32 $_tile_overlayer_lowered  }
0x9b: {  	s22 =	simm.s32 $0x1BFF;
	s21 =	sshll.u32 s5, $0x1;
	s2 =	sadd.s32 s19, s18  }
0x9c: {  	s6 =	simm.s32 $0x0;
	s20 =	sshll.u32 s4, $0x1;
	s4 =	sadd.s32 s21, s2  }
0x9d: {  	[timem:s6], [sflag:s22] =	dma.local [hbm:s4], s20  }
0x9e: {  	_ =	swait.ge [sflag:s22], s20  }
0x9f: {  	s3 =	ssub.s32 $0x0, s20;
	[sflag:s22] =	ssyncset.done $0x0  }
0xa0: {  	[sflag:s22] =	ssyncadd.s32 s3;
	_ =	sdelay $0x1  }
0xa1: {  	s23 =	simm.s32 $0x1B8B  }
0xa2: {  	_ =	swait.ge [sflag:s23], $0x1  }
0xa3: {  	[sflag:s23] =	ssyncset.done $0x0  }
0xa4: {  	s25 =	simm.s32 $0x1B8E;
	s24 =	sld [smem:$0x3FFE];
	[sflag:s23] =	ssyncadd.s32 $0xFFFFFFFF  }
0xa5: {  	s26 =	simm.s32 $execute0_lowered;
	[smem:$0x3FD2] =	sst s25  }
0xa6: {  	s4 =	sshll.u32 s26, $0x1;
	_ =	strace $0x80000046;
	[dreg:$0x1] =	wrdreg $0xFFFFFFFF  }
0xa7: {  	s28 =	simm.s32 $_size_execute0_lowered;
	s2 =	sadd.s32 s2, s4;
	[dreg:$0x0] =	wrdreg $0x0  }
0xa8: {  	s4 =	sshll.u32 s28, $0x1;
	[dreg:$0x2] =	wrdreg s2  }
0xa9: {  	[dreg:$0x3] =	wrdreg s4  }
0xaa: {  	[dreg:$0x4] =	wrdreg $0xC0  }
0xab: {  	_ =	task [dreg:s6], $0x5FFFF  }
0xac: {  	[dreg:$0x1] =	wrdreg $0xFFFFFFFF  }
0xad: {  	[dreg:$0x0] =	wrdreg $0x60  }
0xae: {  	[dreg:$0x2] =	wrdreg s24  }
0xaf: {  	[dreg:$0x3] =	wrdreg $0x70000  }
0xb0: {  	[dreg:$0x4] =	wrdreg $0x9  }
0xb1: {  	_ =	task.clear_ibuf [dreg:s6], $0x5FFFF;
	_ =	strace $0x90000046  }
0xb2: {  	s29 =	simm.s32 $0x9;
	_ =	strace $0x80000048  }
0xb3: {  	_ =	swait.ge [sflag:s29], $0x1  }
0xb4: {  	[sflag:s29] =	ssyncadd.s32 $0xFFFFFFFF  }
0xb5: {  	_ =	strace $0x90000048  }
0xb6: {  	_ =	sfence  }
0xb7: {  	s30 =	sld [smem:$0x0];
	_ =	sdelay $0x2  }
0xb8: {  	s31 =	sshll.u32 s1, $0xD;
	s1 =	sshrl.u32 s1, $0x2  }
0xb9: {  	s3 =	sand.u32 $0x4000, s31;
	s1 =	sadd.s32 s1, s30  }
0xba: {  	s0 =	sor.u32 s3, s0;
	s1 =	sshll.u32 s1, $0x11  }
0xbb: {  	s0 =	sor.u32 s1, s0  }
0xbc: {  	s0 =	sadd.s32 $0x8F2B, s0  }
0xbd: {  	[sflag:s0] =	ssyncadd.remote.s32 $0x1  }
0xbe: {  	_ =	sfence.sel $0xFFFF  }
0xbf: {  	[dreg:$0x0] =	wrdreg $0xFFFFFFFF;
	(pc) =	sbr.abs _section_cstart, $3  }
0xc0: {  	[dreg:$0x1] =	wrdreg $0xFFFFFFFF  }
0xc1: {  	_ =	task.clear_ibuf [dreg:s6], $0x2FFFF;
	_ =	strace $0x9FFFFFFF  }
0xc2: {  	(tm) =	ssettm $0x7FFFFFFF  }
0xc3: {  	_ =	shalt  }
tec
execute0_lowered:
.L_overlay_start_1:
0x0: {  	(tag) =	ssettag $0x1  }
0x1: {  	s1 =	srdreg.scid;
	s4 =	rddreg [dreg:$0x0]  }
0x2: {  	s0 =	stileid.u32;
	s2 =	rddreg [dreg:$0x1];
	s3 =	simm.s32 $0x0  }
0x3: {  	s11 =	simm.s32 $0x2800;
	s12 =	simm.s32 $0x6C00;
	s13 =	simm.s32 $0x0  }
0x4: {  	s5 =	sand.u32 $0x1, s1;
	s1 =	rddreg [dreg:$0x2];
	s8 =	smul.u32 $0x4F000, s0  }
0x5: {  	s30 =	sshll.u32 s0, $0x1;
	[smem:$0x7FF] =	sst s3;
	s9 =	smul.u32 $0x2780, s0  }
0x6: {  	s6 =	sor.u32 s5, s30;
	s7 =	smul.u32 $0x27800, s5;
	s5 =	ssub.s32 $0x2, s5  }
0x7: {  	_ =	strace $0x80000047;
	s6 =	smul.u32 $0x500, s6;
	s31 =	sshrl.u32 s5, $0x1  }
0x8: {  	s8 =	sshrl.u32 s8, $0x2;
	s7 =	sadd.s32 s7, s4;
	s10 =	ssub.s32 s5, s31  }
0x9: {  	s6 =	sadd.s32 s6, s4;
	s4 =	sadd.s32 s8, s2;
	s7 =	sadd.s32 s9, s7  }
0xa: {  	s8 =	simm.s32 $0x6800;
	s9 =	simm.s32 $0x1;
	s5 =	sadd.s32 $0x1C00, s6  }
0xb: {  	v0 =	vimm.f32 $1.000000000e+00;
	v1 =	vimm.f32 $0.0e+00;
	s6 =	smax.u32 s10, $0x1;
	s7 =	sadd.s32 $0xBC00, s7;
	s10 =	simm.s32 $0x80  }
.LBB2_1:
0xc: {  	s14 =	simm.s32 $0x0;
	s15 =	simm.s32 $0x200  }
.LBB2_2:
0xd: {  	p0 =	sne.s32 s15, $0xFE00;
	[tilespmem:s14+$0x2870] =	vst v0  }
0xe: {  	[tilespmem:s14+$0x2800] =	vst v0  }
0xf: {  	[tilespmem:s14+$0x2810] =	vst v0  }
.Ltmp0:
0x10: {  	[tilespmem:s14+$0x2820] =	vst v0;
	(pc) =	sbr.rel @p0 .LBB2_2-.Ltmp0, $4  }
0x11: {  	[tilespmem:s14+$0x2830] =	vst v0  }
0x12: {  	[tilespmem:s14+$0x2840] =	vst v0  }
0x13: {  	[tilespmem:s14+$0x2850] =	vst v0  }
0x14: {  	[tilespmem:s14+$0x2860] =	vst v0;
	s14 =	sshra.s32 s15, $0x2;
	s15 =	sadd.s32 $0x200, s15  }
0x15: {  	[tilespmem:s14+$0x2870] =	vst v0  }
0x16: {  	[tilespmem:s14+$0x2800] =	vst v0  }
0x17: {  	[tilespmem:s14+$0x2810] =	vst v0  }
0x18: {  	[tilespmem:s14+$0x2820] =	vst v0  }
0x19: {  	[tilespmem:s14+$0x2830] =	vst v0  }
0x1a: {  	[tilespmem:s14+$0x2840] =	vst v0  }
0x1b: {  	[tilespmem:s14+$0x2850] =	vst v0  }
0x1c: {  	[tilespmem:s14+$0x2860] =	vst v0  }
0x1d: {  	[tilespmem:$0x6800] =	vst v1  }
0x1e: {  	[tilespmem:$0x6810] =	vst v1  }
0x1f: {  	[tilespmem:$0x6820] =	vst v1  }
0x20: {  	[tilespmem:$0x6830] =	vst v1  }
0x21: {  	[tilespmem:$0x6840] =	vst v1  }
0x22: {  	[tilespmem:$0x6850] =	vst v1  }
0x23: {  	[tilespmem:$0x6860] =	vst v1  }
0x24: {  	[tilespmem:$0x6870] =	vst v1  }
0x25: {  	[tilespmem:$0x6880] =	vst v1  }
0x26: {  	[tilespmem:$0x6890] =	vst v1  }
0x27: {  	[tilespmem:$0x68A0] =	vst v1  }
0x28: {  	[tilespmem:$0x68B0] =	vst v1  }
0x29: {  	[tilespmem:$0x68C0] =	vst v1  }
0x2a: {  	[tilespmem:$0x68D0] =	vst v1  }
0x2b: {  	[tilespmem:$0x68E0] =	vst v1  }
0x2c: {  	[tilespmem:$0x68F0] =	vst v1  }
0x2d: {  	[tilespmem:$0x6900] =	vst v1  }
0x2e: {  	[tilespmem:$0x6910] =	vst v1  }
0x2f: {  	[tilespmem:$0x6920] =	vst v1  }
0x30: {  	[tilespmem:$0x6930] =	vst v1  }
0x31: {  	[tilespmem:$0x6940] =	vst v1  }
0x32: {  	[tilespmem:$0x6950] =	vst v1  }
0x33: {  	[tilespmem:$0x6960] =	vst v1  }
0x34: {  	[tilespmem:$0x6970] =	vst v1  }
0x35: {  	[tilespmem:$0x6980] =	vst v1  }
0x36: {  	[tilespmem:$0x6990] =	vst v1  }
0x37: {  	[tilespmem:$0x69A0] =	vst v1  }
0x38: {  	[tilespmem:$0x69B0] =	vst v1  }
0x39: {  	[tilespmem:$0x69C0] =	vst v1  }
0x3a: {  	[tilespmem:$0x69D0] =	vst v1  }
0x3b: {  	[tilespmem:$0x69E0] =	vst v1  }
0x3c: {  	[tilespmem:$0x69F0] =	vst v1  }
0x3d: {  	[tilespmem:$0x6A00] =	vst v1  }
0x3e: {  	[tilespmem:$0x6A10] =	vst v1  }
0x3f: {  	[tilespmem:$0x6A20] =	vst v1  }
0x40: {  	[tilespmem:$0x6A30] =	vst v1  }
0x41: {  	[tilespmem:$0x6A40] =	vst v1  }
0x42: {  	[tilespmem:$0x6A50] =	vst v1  }
0x43: {  	[tilespmem:$0x6A60] =	vst v1  }
0x44: {  	[tilespmem:$0x6A70] =	vst v1  }
0x45: {  	[tilespmem:$0x6A80] =	vst v1  }
0x46: {  	[tilespmem:$0x6A90] =	vst v1  }
0x47: {  	[tilespmem:$0x6AA0] =	vst v1  }
0x48: {  	[tilespmem:$0x6AB0] =	vst v1  }
0x49: {  	[tilespmem:$0x6AC0] =	vst v1  }
0x4a: {  	[tilespmem:$0x6AD0] =	vst v1  }
0x4b: {  	[tilespmem:$0x6AE0] =	vst v1  }
0x4c: {  	[tilespmem:$0x6AF0] =	vst v1  }
0x4d: {  	[tilespmem:$0x6B00] =	vst v1  }
0x4e: {  	[tilespmem:$0x6B10] =	vst v1  }
0x4f: {  	[tilespmem:$0x6B20] =	vst v1  }
0x50: {  	[tilespmem:$0x6B30] =	vst v1  }
0x51: {  	[tilespmem:$0x6B40] =	vst v1  }
0x52: {  	[tilespmem:$0x6B50] =	vst v1  }
0x53: {  	[tilespmem:$0x6B60] =	vst v1  }
0x54: {  	[tilespmem:$0x6B70] =	vst v1  }
0x55: {  	[tilespmem:$0x6B80] =	vst v1  }
0x56: {  	[tilespmem:$0x6B90] =	vst v1  }
0x57: {  	[tilespmem:$0x6BA0] =	vst v1  }
0x58: {  	[tilespmem:$0x6BB0] =	vst v1  }
0x59: {  	[tilespmem:$0x6BC0] =	vst v1  }
0x5a: {  	[tilespmem:$0x6BD0] =	vst v1  }
0x5b: {  	[tilespmem:$0x6BE0] =	vst v1  }
0x5c: {  	s31 =	sadd.s32 $0x0, s4;
	[tilespmem:$0x6BF0] =	vst v1  }
0x5d: {  	[spmem:s31] =	stream.linear.scatter [tilespmem:s8], [sflag:$0x1], $0x400, $0x38;
	[tilespmem:$0x1AC00] =	vst v63  }
0x5e: {  	s14 =	simm.s32 $0x1000;
	_ =	swait.ge [sflag:s9], $0x400  }
.LBB2_4:
0x5f: {  	s15 =	sshra.s32 s14, $0x2;
	[sflag:s9] =	ssyncset.done $0x0;
	p0 =	sne.s32 s14, $0x4E000  }
.Ltmp1:
0x60: {  	s15 =	sadd.s32 s15, s4;
	[sflag:s9] =	ssyncadd.s32 $0xFFFFFC00;
	(pc) =	sbr.rel @p0 .LBB2_4-.Ltmp1, $3  }
0x61: {  	[spmem:s15] =	stream.linear.scatter [tilespmem:s8], [sflag:$0x1], $0x400, $0x38;
	[tilespmem:$0x1AC00] =	vst v63  }
0x62: {  	s14 =	sadd.s32 $0x1000, s14;
	_ =	sdelay $0x1  }
0x63: {  	_ =	swait.ge [sflag:s9], $0x400  }
0x64: {  	[sflag:s9] =	ssyncset.done $0x0  }
0x65: {  	s14 =	simm.s32 $0x0;
	[sflag:s9] =	ssyncadd.s32 $0xFFFFFC00  }
0x66: {  	[tilespmem:s14], [sflag:$0x1] =	stream.linear.gather [hbm4b:s5+s14], $0x2780, $0x38;
	[tilespmem:$0x1AC00] =	vst v63  }
0x67: {  	_ =	swait.ge [sflag:s9], $0x2780  }
0x68: {  	[sflag:s9] =	ssyncset.done $0x0  }
0x69: {  	[sflag:s9] =	ssyncadd.s32 $0xFFFFD880  }
0x6a: {  	[bflag:$0x0] =	sbarrier.arrive $0xFFFF  }
0x6b: {  	_ =	sdelay $0x7ff  }
0x6c: {  	_ =	sdelay $0x7ff  }
0x6d: {  	_ =	sdelay $0x5ad  }
0x6e: {  	s31 =	simm.s32 $0x0;
	[bflag:$0x0] =	sbarrier.arrive $0xFFFF  }
0x6f: {  	[spmem:s2] =	stream.indirect.scatter.add.f32 [tilespmem:s11], [sflag:$0x1], $0x80, s31, s10, $0xb8;
	[tilespmem:$0x1AC00] =	vst v63  }
0x70: {  	_ =	swait.ge [sflag:s9], $0x4000  }
0x71: {  	s14 =	simm.s32 $0x200;
	[sflag:s9] =	ssyncset.done $0x0  }
.LBB2_6:
0x72: {  	s15 =	sshra.s32 s14, $0x2;
	[sflag:s9] =	ssyncadd.s32 $0xFFFFC000;
	p0 =	sne.s32 s14, $0x9C00  }
0x73: {  	[spmem:s2] =	stream.indirect.scatter.add.f32 [tilespmem:s11], [sflag:$0x1], $0x80, s15, s10, $0xb8;
	[tilespmem:$0x1AC00] =	vst v63  }
.Ltmp2:
0x74: {  	_ = 	snop;
	(pc) =	sbr.rel @p0 .LBB2_6-.Ltmp2, $4  }
0x75: {  	_ = 	snop  }
0x76: {  	s14 =	sadd.s32 $0x200, s14  }
0x77: {  	_ =	swait.ge [sflag:s9], $0x4000  }
0x78: {  	[sflag:s9] =	ssyncset.done $0x0  }
0x79: {  	[sflag:s9] =	ssyncadd.s32 $0xFFFFC000  }
0x7a: {  	[bflag:$0x0] =	sbarrier.arrive $0xFFFF  }
0x7b: {  	_ =	sdelay $0x7ff  }
0x7c: {  	_ =	sdelay $0x7ff  }
0x7d: {  	_ =	sdelay $0x5ad  }
0x7e: {  	[bflag:$0x0] =	sbarrier.arrive $0xFFFF  }
0x7f: {  	[tilespmem:s8], [sflag:$0x1] =	stream.linear.gather [spmem:s4], $0x400, $0x38;
	[tilespmem:$0x1AC00] =	vst v63  }
0x80: {  	_ =	swait.ge [sflag:s9], $0x400  }
0x81: {  	[sflag:s9] =	ssyncset.done $0x0  }
0x82: {  	[sflag:s9] =	ssyncadd.s32 $0xFFFFFC00  }
0x83: {  	v2 =	vld [tilespmem:$0x6B80]  }
0x84: {  	v4 =	vld [tilespmem:$0x6A80]  }
0x85: {  	v5 =	vld [tilespmem:$0x6B00]  }
0x86: {  	v6 =	vld [tilespmem:$0x6980];
	_ =	sdelay $0x1  }
0x87: {  	v3 =	vld [tilespmem:$0x6800];
	[tilespmem:$0x6F80] =	vst v2  }
0x88: {  	v2 =	vld [tilespmem:$0x6A00];
	[tilespmem:$0x6E80] =	vst v4  }
0x89: {  	v4 =	vld [tilespmem:$0x6900];
	[tilespmem:$0x6F00] =	vst v5  }
0x8a: {  	s14 =	simm.s32 $0x0;
	s15 =	simm.s32 $0x80;
	s16 =	smov.u32 s4;
	v5 =	vld [tilespmem:$0x6880];
	[tilespmem:$0x6D80] =	vst v6  }
.LBB2_8:
0x8b: {  	p0 =	sne.s32 s15, $0x2700  }
0x8c: {  	[tilespmem:$0x6C00] =	vst v3;
	s16 =	sadd.s32 $0x400, s16;
	s17 =	smov.u32 s15;
	s15 =	sadd.s32 $0x80, s15  }
0x8d: {  	[tilespmem:$0x6E00] =	vst v2  }
0x8e: {  	s18 =	sadd.s32 s14, s7;
	s14 =	smov.u32 s17;
	[tilespmem:$0x6D00] =	vst v4  }
0x8f: {  	[tilespmem:$0x6C80] =	vst v5  }
0x90: {  	[hbm4b:s18+s3] =	stream.linear.scatter [tilespmem:s12], [sflag:$0x1], $0x400, $0x38;
	[tilespmem:$0x1AC00] =	vst v63  }
0x91: {  	_ =	swait.ge [sflag:s9], $0x400  }
0x92: {  	[sflag:s9] =	ssyncset.done $0x0  }
0x93: {  	[sflag:s9] =	ssyncadd.s32 $0xFFFFFC00  }
0x94: {  	[tilespmem:s8], [sflag:$0x1] =	stream.linear.gather [spmem:s16], $0x400, $0x38;
	[tilespmem:$0x1AC00] =	vst v63  }
0x95: {  	_ =	swait.ge [sflag:s9], $0x400  }
0x96: {  	[sflag:s9] =	ssyncset.done $0x0  }
0x97: {  	[sflag:s9] =	ssyncadd.s32 $0xFFFFFC00  }
0x98: {  	v4 =	vld [tilespmem:$0x6B80]  }
0x99: {  	v5 =	vld [tilespmem:$0x6A80]  }
0x9a: {  	v6 =	vld [tilespmem:$0x6B00]  }
0x9b: {  	v7 =	vld [tilespmem:$0x6980]  }
.Ltmp3:
0x9c: {  	v3 =	vld [tilespmem:$0x6800];
	(pc) =	sbr.rel @p0 .LBB2_8-.Ltmp3, $4  }
0x9d: {  	v2 =	vld [tilespmem:$0x6A00];
	[tilespmem:$0x6F80] =	vst v4  }
0x9e: {  	v4 =	vld [tilespmem:$0x6900];
	[tilespmem:$0x6E80] =	vst v5  }
0x9f: {  	v5 =	vld [tilespmem:$0x6880];
	[tilespmem:$0x6F00] =	vst v6  }
0xa0: {  	[tilespmem:$0x6D80] =	vst v7  }
0xa1: {  	[tilespmem:$0x6C00] =	vst v3  }
0xa2: {  	s13 =	sadd.s32 $0x1, s13;
	[tilespmem:$0x6E00] =	vst v2  }
0xa3: {  	p0 =	sne.s32 s13, s6;
	[tilespmem:$0x6D00] =	vst v4  }
.Ltmp4:
0xa4: {  	s14 =	sadd.s32 s14, s7;
	[tilespmem:$0x6C80] =	vst v5;
	(pc) =	sbr.rel @p0 .LBB2_1-.Ltmp4, $4  }
0xa5: {  	[hbm4b:s14+s3] =	stream.linear.scatter [tilespmem:s12], [sflag:$0x1], $0x400, $0x38;
	[tilespmem:$0x1AC00] =	vst v63  }
0xa6: {  	_ =	swait.ge [sflag:s9], $0x400  }
0xa7: {  	[sflag:s9] =	ssyncset.done $0x0  }
0xa8: {  	[sflag:s9] =	ssyncadd.s32 $0xFFFFFC00  }
0xa9: {  	_ =	sfence.sel $0x180000  }
0xaa: {  	[bflag:$0x0] =	sbarrier.arrive $0xFFFF  }
0xab: {  	p0 =	sne.s32 s0, $0x0;
	_ =	strace $0x90000047  }
0xac: {  	s0 =	sadd.s32 @!p0 $0x100000, s1;
	[bflag:$0x2] =	sbarrier.arrive $0xFFFF  }
0xad: {  	[sflag:s0] =	ssyncadd.tile.s32 @!p0 $0x1;
	_ =	shalt  }
.Lfunc_end2:
_tile_overlayer_lowered:
.L_overlay_start_2:
0xae: {  	(tag) =	ssettag $0x2  }
0xaf: {  	s0 =	rddreg [dreg:$0x0];
	s2 =	stileid.u32  }
0xb0: {  	s1 =	rddreg [dreg:$0x1];
	p0 =	sne.s32 s2, $0x0  }
0xb1: {  	s3 =	rddreg [dreg:$0x2];
	[bflag:$0x3] =	sbarrier.arrive $0xFFFF;
	s2 =	simm.s32 @!p0 $0x1C01  }
0xb2: {  	[timem:s3], [sflag:s2] =	dma.local @!p0 [hbm:s0], s1  }
0xb3: {  	s0 =	simm.s32 @!p0 $0x1  }
0xb4: {  	_ =	swait.ge @!p0 [sflag:s0], s1  }
0xb5: {  	s1 =	ssub.s32 @!p0 $0x0, s1;
	[sflag:s0] =	ssyncset.done @!p0 $0x0  }
0xb6: {  	[sflag:s0] =	ssyncadd.s32 @!p0 s1  }
0xb7: {  	[bflag:$0x3] =	sbarrier.arrive $0xFFFF  }
0xb8: {  	_ =	shalt  }

</sc_bundles>
